<compile_context>
chip_gen: v7x
topology: tpu7x:2x2x1
jax: 0.10.2.dev20260603
libtpu: 0.0.44.dev20260713+nightly
codegen_flags: <defaults>
</compile_context>

<pallas_src>
import jax
import jax.numpy as jnp
from jax import lax
from jax.experimental import pallas as pl
from jax.experimental.pallas import tpu as pltpu
from jax.experimental.pallas import tpu_sc as plsc

END = 2
BATCH = 32
BEAM = 5
VOCAB = 100000
L = 16
NC, NS = 2, 16
BODY = 99968
SEGW = 512
CHUNK = 19968
NCHUNK = 5
SEGS_PER_CHUNK = CHUNK // SEGW
SHORT_OFF = NCHUNK * CHUNK
NSEG = 196
LAST_WIN = BODY - SEGW
NEG_INF = float("-inf")
BIG = 2**31 - 1

FETCH_PLAN = tuple((t * CHUNK, CHUNK) for t in range(NCHUNK)) + ((SHORT_OFF, 128),)


def _merge5(V, P, x, pos):
    for j in range(5):
        m = x > V[j]
        nv = jnp.where(m, x, V[j])
        np_ = jnp.where(m, pos, P[j])
        x = jnp.where(m, V[j], x)
        pos = jnp.where(m, P[j], pos)
        V[j], P[j] = nv, np_
    return V, P


def _argmax5(V, P):
    rv, rp = V[0], P[0]
    for j in range(1, 5):
        m = V[j] > rv
        rv = jnp.where(m, V[j], rv)
        rp = jnp.where(m, P[j], rp)
    v = jnp.max(rv)
    p = jnp.min(jnp.where(rv == v, rp, BIG))
    return v, p


def _sc_body(clp_hbm, aux_hbm,
             out_hbm,
             buf0, buf1, buf2, union_v, aux_vm, idx_vm,
             cand_vals, cand_idx, o_all,
             sem0, sem1, sem2, gsem, osem):
    w = lax.axis_index("s") * NC + lax.axis_index("c")
    lane = lax.iota(jnp.int32, L)
    minf = jnp.full((L,), NEG_INF, jnp.float32)
    zero_i = jnp.zeros((L,), jnp.int32)

    bufs = (buf0, buf1, buf2)
    sems = (sem0, sem1, sem2)

    def fetch(t, idx_slot):
        off, width = FETCH_PLAN[t]
        return pltpu.make_async_copy(
            clp_hbm.at[idx_slot, pl.ds(off, width)],
            bufs[t % 3].at[pl.ds(0, 1), pl.ds(0, width)],
            sems[t % 3])


    g0 = w * BEAM
    idx_vm[...] = jnp.full((L,), g0, jnp.int32)
    for t in range(3):
        fetch(t, idx_vm.at[pl.ds(0, 1)]).start()

    def row_body(r, _):
        g = w * BEAM + r
        cur_off = (r % 2) * 8
        nxt_off = 8 - cur_off
        idx_cur = idx_vm.at[pl.ds(cur_off, 1)]
        idx_nxt = idx_vm.at[pl.ds(nxt_off, 1)]
        idx_vm[...] = jnp.where(lane == nxt_off, g + 1, g)
        pltpu.sync_copy(aux_hbm.at[g], aux_vm)

        carry = (minf,) * 5 + (zero_i,) * 5
        for t in range(NCHUNK):
            fetch(t, idx_cur).wait()
            cur = bufs[t % 3]

            def seg_body(s, kc, cur=cur, base=t * SEGS_PER_CHUNK):
                V = list(kc[0:5])
                P = list(kc[5:10])
                acc = cur[0, pl.ds(s * SEGW, L)]
                for j in range(1, SEGW // L):
                    acc = jnp.maximum(acc, cur[0, pl.ds(s * SEGW + j * L, L)])
                pos = (base + s) * L + lane
                V, P = _merge5(V, P, acc, pos)
                return tuple(V) + tuple(P)
            carry = lax.fori_loop(0, SEGS_PER_CHUNK, seg_body, carry)

            if t + 3 <= NCHUNK:
                fetch(t + 3, idx_cur).start()
            else:
                @pl.when(r < BEAM - 1)
                def _():
                    fetch(t + 3 - 6, idx_nxt).start()

        fetch(5, idx_cur).wait()
        V = list(carry[0:5])
        P = list(carry[5:10])
        acc = bufs[2][0, pl.ds(0, L)]
        for j in range(1, 128 // L):
            acc = jnp.maximum(acc, bufs[2][0, pl.ds(j * L, L)])
        V, P = _merge5(V, P, acc, (NSEG - 1) * L + lane)

        @pl.when(r < BEAM - 1)
        def _():
            fetch(2, idx_nxt).start()

        found = []
        for _k in range(5):
            _, p = _argmax5(V, P)
            parent = p >> 4
            found.append(parent)
            for j in range(5):
                V[j] = jnp.where((P[j] >> 4) == parent, NEG_INF, V[j])

        offs = []
        for k in range(5):
            o = found[k] * SEGW
            o = jnp.where(o > LAST_WIN, LAST_WIN, o)
            offs.append(pl.multiple_of(o, 128))
        for k in range(5):
            pltpu.make_async_copy(
                clp_hbm.at[idx_cur, pl.ds(offs[k], SEGW)],
                union_v.at[pl.ds(0, 1), pl.ds(k * SEGW, SEGW)], gsem).start()
        for k in range(5):
            pltpu.make_async_copy(
                clp_hbm.at[idx_cur, pl.ds(offs[k], SEGW)],
                union_v.at[pl.ds(0, 1), pl.ds(k * SEGW, SEGW)], gsem).wait()

        V = [minf] * 5
        P = [zero_i] * 5
        for k in range(5):
            def win_body(i, kc, k=k, o=offs[k]):
                Vw = list(kc[0:5])
                Pw = list(kc[5:10])
                x = union_v[0, pl.ds(k * SEGW + i * L, L)]
                gid = o + i * L + lane
                Vw, Pw = _merge5(Vw, Pw, x, gid)
                return tuple(Vw) + tuple(Pw)
            kc = lax.fori_loop(0, SEGW // L, win_body, tuple(V) + tuple(P))
            V = list(kc[0:5])
            P = list(kc[5:10])
        V, P = _merge5(V, P, aux_vm[pl.ds(0, L)], BODY + lane)
        V, P = _merge5(V, P, aux_vm[pl.ds(L, L)], BODY + L + lane)

        cv = minf
        ci = zero_i
        for k in range(5):
            v, p = _argmax5(V, P)
            for j in range(5):
                V[j] = jnp.where(P[j] == p, NEG_INF, V[j])
            cv = jnp.where(lane == k, v, cv)
            ci = jnp.where(lane == k, p, ci)

        meta = aux_vm[pl.ds(2 * L, L)]
        llp_r = jnp.max(jnp.where(lane == 0, meta, NEG_INF))
        pred_r = jnp.max(jnp.where(lane == 1, meta, NEG_INF))
        ended = pred_r == jnp.float32(END)
        end_vals = jnp.where(lane == 0, jnp.float32(0.0), minf)
        end_idx = jnp.where(lane == 0, 2,
                            jnp.where(lane == 1, 0,
                                      jnp.where(lane == 2, 1, lane)))
        cv = jnp.where(ended, end_vals, cv) + llp_r
        ci = jnp.where(ended, end_idx, ci)
        cand_vals[pl.ds(r * L, L)] = cv
        cand_idx[pl.ds(r * L, L)] = ci
        return 0

    lax.fori_loop(0, BEAM, row_body, 0)

    V = [jnp.full((L,), NEG_INF, jnp.float32) for _ in range(5)]
    P = [jnp.zeros((L,), jnp.int32) for _ in range(5)]
    for r in range(BEAM):
        x = cand_vals[pl.ds(r * L, L)]
        pos = r * L + lane
        V, P = _merge5(V, P, x, pos)

    ov = jnp.full((L,), NEG_INF, jnp.float32)
    oc = jnp.zeros((L,), jnp.int32)
    ob = jnp.zeros((L,), jnp.int32)
    for k in range(5):
        v, p = _argmax5(V, P)
        for j in range(5):
            V[j] = jnp.where(P[j] == p, NEG_INF, V[j])
        cls_vec = plsc.load_gather(cand_idx, [jnp.full((L,), p, jnp.int32)])
        ov = jnp.where(lane == k, v, ov)
        oc = jnp.where(lane == k, cls_vec, oc)
        ob = jnp.where(lane == k, p >> 4, ob)

    o_all[pl.ds(0, L)] = oc
    o_all[pl.ds(L, L)] = plsc.bitcast(ov, jnp.int32)
    o_all[pl.ds(2 * L, L)] = ob
    pltpu.make_async_copy(o_all, out_hbm.at[w], osem).start()
    pltpu.make_async_copy(o_all, out_hbm.at[w], osem).wait()


@jax.jit
def kernel(class_log_probs, last_log_probs, last_predictions):
    llp_flat = last_log_probs.reshape(-1)
    lp_f = last_predictions.astype(jnp.float32)
    aux = jnp.concatenate(
        [class_log_probs[:, BODY:], llp_flat[:, None], lp_f[:, None],
         jnp.zeros((BATCH * BEAM, L - 2), jnp.float32)], axis=1)

    mesh = plsc.VectorSubcoreMesh(core_axis_name="c", subcore_axis_name="s",
                                  num_cores=NC, num_subcores=NS)
    sc_call = pl.kernel(
        _sc_body,
        out_type=[
            jax.ShapeDtypeStruct((BATCH, 3 * L), jnp.int32),
        ],
        mesh=mesh,
        compiler_params=pltpu.CompilerParams(needs_layout_passes=False),
        scratch_types=[
            pltpu.VMEM((1, CHUNK), jnp.float32),
            pltpu.VMEM((1, CHUNK), jnp.float32),
            pltpu.VMEM((1, CHUNK), jnp.float32),
            pltpu.VMEM((1, 5 * SEGW), jnp.float32),
            pltpu.VMEM((3 * L,), jnp.float32),
            pltpu.VMEM((L,), jnp.int32),
            pltpu.VMEM((BEAM * L,), jnp.float32),
            pltpu.VMEM((BEAM * L,), jnp.int32),
            pltpu.VMEM((3 * L,), jnp.int32),
            pltpu.SemaphoreType.DMA,
            pltpu.SemaphoreType.DMA,
            pltpu.SemaphoreType.DMA,
            pltpu.SemaphoreType.DMA,
            pltpu.SemaphoreType.DMA,
        ],
    )
    [out] = sc_call(class_log_probs, aux)
    preds = out[:, :BEAM]
    vals = lax.bitcast_convert_type(out[:, L:L + BEAM], jnp.float32)
    bp = out[:, 2 * L:2 * L + BEAM]
    return (preds, vals, bp)

# --- scband reference (transcript-rebuilt; emitter-appended) ---
"""Pipeline reference for scband-caption-model-65781719105871 (READ-ONLY COPY).

The authoritative reference and input builder live on the scoring server;
editing this copy changes nothing except your own understanding.
"""

import jax, jax.numpy as jnp
import numpy as np

END_INDEX = 2
BEAM_SIZE = 5
PER_NODE_BEAM_SIZE = 5  # CaptionModel's AutoRegressiveBeamSearch sets per_node_beam_size = beam_size
BATCH = 32
VOCAB = 100000


def setup_inputs(seed: int = 0) -> dict:
    key = jax.random.key(seed)
    k1, k2, k3 = jax.random.split(key, 3)
    class_log_probs = jax.random.normal(k1, (BATCH * BEAM_SIZE, VOCAB), dtype=jnp.float32)
    # make them look like log-softmax outputs
    class_log_probs = jax.nn.log_softmax(class_log_probs, axis=-1)
    last_log_probs = jax.random.normal(k2, (BATCH, BEAM_SIZE), dtype=jnp.float32)
    last_predictions = jax.random.randint(k3, (BATCH * BEAM_SIZE,), 0, VOCAB, dtype=jnp.int64 if jax.config.jax_enable_x64 else jnp.int32).astype(jnp.int32)
    return {
        "class_log_probs": class_log_probs,
        "last_log_probs": last_log_probs,
        "last_predictions": last_predictions,
    }


def reference(class_log_probs, last_log_probs, last_predictions):
    """One inner step of AutoRegressiveBeamSearch.search (the top-k masking core).

    class_log_probs: [batch*beam, vocab] log-probs from the step function
    last_log_probs:  [batch, beam] cumulative beam scores
    last_predictions:[batch*beam] last emitted token per beam
    """
    batch, beam = last_log_probs.shape
    group = batch * beam
    num_classes = class_log_probs.shape[1]
    per_node = PER_NODE_BEAM_SIZE

    # log_probs_after_end: -inf everywhere except 0.0 at end_index
    log_probs_after_end = jnp.full((group, num_classes), -jnp.inf, dtype=class_log_probs.dtype)
    log_probs_after_end = log_probs_after_end.at[:, END_INDEX].set(0.0)

    # mask out beams that already ended
    ended = (last_predictions == END_INDEX)[:, None]  # [group, 1]
    cleaned_log_probs = jnp.where(ended, log_probs_after_end, class_log_probs)

    # per-node top-k over the vocabulary
    top_log_probs, predicted_classes = jax.lax.top_k(cleaned_log_probs, per_node)  # [group, per_node]

    # add running beam scores
    expanded_last = jnp.broadcast_to(
        last_log_probs.reshape(group, 1), (group, per_node)
    )
    summed_top_log_probs = top_log_probs + expanded_last

    reshaped_summed = summed_top_log_probs.reshape(batch, beam * per_node)
    reshaped_predicted_classes = predicted_classes.reshape(batch, beam * per_node)

    # restrict back down to beam_size candidates per batch element
    restricted_beam_log_probs, restricted_beam_indices = jax.lax.top_k(reshaped_summed, beam)
    restricted_predicted_classes = jnp.take_along_axis(
        reshaped_predicted_classes, restricted_beam_indices, axis=1
    )
    backpointer = restricted_beam_indices // per_node

    return (restricted_predicted_classes, restricted_beam_log_probs, backpointer)

if __name__ == "__main__":
    import jax
    _d = setup_inputs()
    print(jax.jit(kernel)(*tuple(_d.values())))

</pallas_src>

<mosaic_0001>
#map = affine_map<(d0, d1) -> (0, 0)>
module attributes {stable_mosaic.version = 14 : i64} {
  func.func @_sc_body(%arg0: i32, %arg1: i32, %arg2: memref<160x100000xf32, #tpu.memory_space<hbm>>, %arg3: memref<160x48xf32, #tpu.memory_space<hbm>>, %arg4: memref<32x48xi32, #tpu.memory_space<hbm>>, %arg5: memref<1x19968xf32, #tpu.memory_space<vmem>>, %arg6: memref<1x19968xf32, #tpu.memory_space<vmem>>, %arg7: memref<1x19968xf32, #tpu.memory_space<vmem>>, %arg8: memref<1x2560xf32, #tpu.memory_space<vmem>>, %arg9: memref<48xf32, #tpu.memory_space<vmem>>, %arg10: memref<16xi32, #tpu.memory_space<vmem>>, %arg11: memref<80xf32, #tpu.memory_space<vmem>>, %arg12: memref<80xi32, #tpu.memory_space<vmem>>, %arg13: memref<48xi32, #tpu.memory_space<vmem>>, %arg14: memref<!tpu.dma_semaphore, #tpu.memory_space<semaphore_mem>>, %arg15: memref<!tpu.dma_semaphore, #tpu.memory_space<semaphore_mem>>, %arg16: memref<!tpu.dma_semaphore, #tpu.memory_space<semaphore_mem>>, %arg17: memref<!tpu.dma_semaphore, #tpu.memory_space<semaphore_mem>>, %arg18: memref<!tpu.dma_semaphore, #tpu.memory_space<semaphore_mem>>) attributes {dimension_semantics = [#tpu.dimension_semantics<core_parallel>, #tpu.dimension_semantics<subcore_parallel>], iteration_bounds = array<i64: 2, 16>, scalar_prefetch = 0 : i64, scratch_operands = 14 : i64, tpu.core_type = #tpu.core_type<sc_vector_subcore>, window_params = [{transform_indices = #map}, {transform_indices = #map}, {transform_indices = #map}]} {
    %mul3A = arith.constant 2 : i32
    %mul3A_0 = arith.muli %arg1, %mul3A : i32
    %add3A = arith.addi %mul3A_0, %arg0 : i32
    %iota3A = tpu.iota {dimensions = array<i32: 0>} : vector<16xi32>
    %broadcast_in_dim3A = arith.constant 0xFF800000 : f32
    %broadcast_in_dim3A_1 = vector.broadcast %broadcast_in_dim3A : f32 to vector<16xf32>
    %broadcast_in_dim3A_2 = arith.constant 0 : i32
    %broadcast_in_dim3A_3 = vector.broadcast %broadcast_in_dim3A_2 : i32 to vector<16xi32>
    %mul3A_4 = arith.constant 5 : i32
    %mul3A_5 = arith.muli %add3A, %mul3A_4 : i32
    %broadcast_in_dim3A_6 = vector.broadcast %mul3A_5 : i32 to vector<16xi32>
    %swap3A = arith.constant 0 : index
    %swap3A_7 = tpu.vector_load %arg10[%swap3A] {strides = array<i32>} : memref<16xi32, #tpu.memory_space<vmem>>, vector<16xi32>,
    tpu.vector_store %arg10[%swap3A], %broadcast_in_dim3A_6 {strides = array<i32>} : memref<16xi32, #tpu.memory_space<vmem>>, vector<16xi32>,
    %dma_start3A = arith.constant 0 : i32
    %dma_start3A_8 = arith.constant 0 : i32
    %dma_start3A_9 = tpu.memref_slice %arg5[%dma_start3A, %dma_start3A_8] : memref<1x19968xf32, #tpu.memory_space<vmem>> -> memref<1x19968xf32, #tpu.memory_space<vmem>>
    %dma_start3A_10 = arith.constant 0 : i32
    %dma_start3A_11 = tpu.memref_slice %arg10[%dma_start3A_10] : memref<16xi32, #tpu.memory_space<vmem>> -> memref<1xi32, #tpu.memory_space<vmem>>
    %dma_start3A_12 = arith.constant 0 : i32
    %dma_start3A_13 = arith.constant 0 : i32
    %dma_start3A_14 = tpu.memref_slice %arg2[%dma_start3A_12, %dma_start3A_13] : memref<160x100000xf32, #tpu.memory_space<hbm>> -> memref<160x19968xf32, #tpu.memory_space<hbm>>
    tpu.enqueue_indirect_dma source(%dma_start3A_14 : memref<160x19968xf32, #tpu.memory_space<hbm>>) target(%dma_start3A_9 : memref<1x19968xf32, #tpu.memory_space<vmem>>) offsets(%dma_start3A_11 : memref<1xi32, #tpu.memory_space<vmem>>) semaphore(%arg14 : memref<!tpu.dma_semaphore, #tpu.memory_space<semaphore_mem>>)
    %dma_start3A_15 = arith.constant 0 : i32
    %dma_start3A_16 = arith.constant 0 : i32
    %dma_start3A_17 = tpu.memref_slice %arg6[%dma_start3A_15, %dma_start3A_16] : memref<1x19968xf32, #tpu.memory_space<vmem>> -> memref<1x19968xf32, #tpu.memory_space<vmem>>
    %dma_start3A_18 = arith.constant 0 : i32
    %dma_start3A_19 = tpu.memref_slice %arg10[%dma_start3A_18] : memref<16xi32, #tpu.memory_space<vmem>> -> memref<1xi32, #tpu.memory_space<vmem>>
    %dma_start3A_20 = arith.constant 0 : i32
    %dma_start3A_21 = arith.constant 19968 : i32
    %dma_start3A_22 = tpu.memref_slice %arg2[%dma_start3A_20, %dma_start3A_21] : memref<160x100000xf32, #tpu.memory_space<hbm>> -> memref<160x19968xf32, #tpu.memory_space<hbm>>
    tpu.enqueue_indirect_dma source(%dma_start3A_22 : memref<160x19968xf32, #tpu.memory_space<hbm>>) target(%dma_start3A_17 : memref<1x19968xf32, #tpu.memory_space<vmem>>) offsets(%dma_start3A_19 : memref<1xi32, #tpu.memory_space<vmem>>) semaphore(%arg15 : memref<!tpu.dma_semaphore, #tpu.memory_space<semaphore_mem>>)
    %dma_start3A_23 = arith.constant 0 : i32
    %dma_start3A_24 = arith.constant 0 : i32
    %dma_start3A_25 = tpu.memref_slice %arg7[%dma_start3A_23, %dma_start3A_24] : memref<1x19968xf32, #tpu.memory_space<vmem>> -> memref<1x19968xf32, #tpu.memory_space<vmem>>
    %dma_start3A_26 = arith.constant 0 : i32
    %dma_start3A_27 = tpu.memref_slice %arg10[%dma_start3A_26] : memref<16xi32, #tpu.memory_space<vmem>> -> memref<1xi32, #tpu.memory_space<vmem>>
    %dma_start3A_28 = arith.constant 0 : i32
    %dma_start3A_29 = arith.constant 39936 : i32
    %dma_start3A_30 = tpu.memref_slice %arg2[%dma_start3A_28, %dma_start3A_29] : memref<160x100000xf32, #tpu.memory_space<hbm>> -> memref<160x19968xf32, #tpu.memory_space<hbm>>
    tpu.enqueue_indirect_dma source(%dma_start3A_30 : memref<160x19968xf32, #tpu.memory_space<hbm>>) target(%dma_start3A_25 : memref<1x19968xf32, #tpu.memory_space<vmem>>) offsets(%dma_start3A_27 : memref<1xi32, #tpu.memory_space<vmem>>) semaphore(%arg16 : memref<!tpu.dma_semaphore, #tpu.memory_space<semaphore_mem>>)
    %scan3A = arith.constant 0 : i32
    %scan3A_31 = arith.constant 0 : i32
    %scan3A_32 = arith.constant 5 : i32
    %scan3A_33 = arith.addi %scan3A_31, %scan3A_32 : i32
    %scan3A_34 = arith.constant 1 : i32
    %scan3A_35 = scf.for %scan3A_581 = %scan3A_31 to %scan3A_33 step %scan3A_34 iter_args(%scan3A_582 = %scan3A) -> (i32)  : i32 {
      %mul3A_583 = arith.constant 5 : i32
      %mul3A_584 = arith.muli %add3A, %mul3A_583 : i32
      %add3A_585 = arith.addi %mul3A_584, %scan3A_581 : i32
      %jit3A_586 = arith.constant 2 : i32
      %eq3A_587 = arith.constant 0 : i32
      %eq3A_588 = arith.cmpi eq, %jit3A_586, %eq3A_587 : i32
      %jit3A_589 = arith.constant 1 : i32
      %select_n3A_590 = arith.select %eq3A_588, %jit3A_589, %jit3A_586 : i32
      %rem3A = arith.remsi %scan3A_581, %select_n3A_590 : i32
      %ne3A = arith.constant 0 : i32
      %ne3A_591 = arith.cmpi ne, %rem3A, %ne3A : i32
      %lt3A = arith.constant 0 : i32
      %lt3A_592 = arith.cmpi slt, %rem3A, %lt3A : i32
      %lt3A_593 = arith.constant 0 : i32
      %lt3A_594 = arith.cmpi slt, %select_n3A_590, %lt3A_593 : i32
      %ne3A_595 = arith.xori %lt3A_592, %lt3A_594 : i1
      %and3A = arith.andi %ne3A_595, %ne3A_591 : i1
      %add3A_596 = arith.addi %rem3A, %select_n3A_590 : i32
      %select_n3A_597 = arith.select %and3A, %add3A_596, %rem3A : i32
      %mul3A_598 = arith.constant 8 : i32
      %mul3A_599 = arith.muli %select_n3A_597, %mul3A_598 : i32
      %sub3A = arith.constant 8 : i32
      %sub3A_600 = arith.subi %sub3A, %mul3A_599 : i32
      %eq3A_601 = vector.broadcast %sub3A_600 : i32 to vector<16xi32>
      %eq3A_602 = arith.cmpi eq, %iota3A, %eq3A_601 : vector<16xi32>
      %add3A_603 = arith.constant 1 : i32
      %add3A_604 = arith.addi %add3A_585, %add3A_603 : i32
      %broadcast_in_dim3A_605 = vector.broadcast %add3A_604 : i32 to vector<16xi32>
      %broadcast_in_dim3A_606 = vector.broadcast %add3A_585 : i32 to vector<16xi32>
      %select_n3A_607 = arith.select %eq3A_602, %broadcast_in_dim3A_605, %broadcast_in_dim3A_606 : vector<16xi1>, vector<16xi32>
      %swap3A_608 = arith.constant 0 : index
      %swap3A_609 = tpu.vector_load %arg10[%swap3A_608] {strides = array<i32>} : memref<16xi32, #tpu.memory_space<vmem>>, vector<16xi32>,
      tpu.vector_store %arg10[%swap3A_608], %select_n3A_607 {strides = array<i32>} : memref<16xi32, #tpu.memory_space<vmem>>, vector<16xi32>,
      "tpu.region"() ({
        %run_scoped3A = tpu.sem_alloc : memref<!tpu.dma_semaphore, #tpu.memory_space<semaphore_mem>>
        %dma_start3A_1702 = arith.constant 0 : i32
        %dma_start3A_1703 = tpu.memref_slice %arg3[%add3A_585, %dma_start3A_1702] : memref<160x48xf32, #tpu.memory_space<hbm>> -> memref<1x48xf32, #tpu.memory_space<hbm>>
        %dma_start3A_1704 = tpu.memref_squeeze %dma_start3A_1703 : memref<1x48xf32, #tpu.memory_space<hbm>> -> memref<48xf32, #tpu.memory_space<hbm>>
        %dma_start3A_1705 = arith.constant 0 : i32
        %dma_start3A_1706 = tpu.memref_slice %arg3[%add3A_585, %dma_start3A_1705] : memref<160x48xf32, #tpu.memory_space<hbm>> -> memref<1x48xf32, #tpu.memory_space<hbm>>
        %dma_start3A_1707 = tpu.memref_squeeze %dma_start3A_1706 : memref<1x48xf32, #tpu.memory_space<hbm>> -> memref<48xf32, #tpu.memory_space<hbm>>
        tpu.enqueue_dma source(%dma_start3A_1707 : memref<48xf32, #tpu.memory_space<hbm>>) target(%arg9 : memref<48xf32, #tpu.memory_space<vmem>>) target_semaphore(%run_scoped3A : memref<!tpu.dma_semaphore, #tpu.memory_space<semaphore_mem>>)
        %dma_wait3A_1708 = arith.constant 0 : i32
        %dma_wait3A_1709 = tpu.memref_slice %arg3[%add3A_585, %dma_wait3A_1708] : memref<160x48xf32, #tpu.memory_space<hbm>> -> memref<1x48xf32, #tpu.memory_space<hbm>>
        %dma_wait3A_1710 = tpu.memref_squeeze %dma_wait3A_1709 : memref<1x48xf32, #tpu.memory_space<hbm>> -> memref<48xf32, #tpu.memory_space<hbm>>
        %dma_wait3A_1711 = arith.constant 0 : i32
        %dma_wait3A_1712 = tpu.memref_slice %arg3[%add3A_585, %dma_wait3A_1711] : memref<160x48xf32, #tpu.memory_space<hbm>> -> memref<1x48xf32, #tpu.memory_space<hbm>>
        %dma_wait3A_1713 = tpu.memref_squeeze %dma_wait3A_1712 : memref<1x48xf32, #tpu.memory_space<hbm>> -> memref<48xf32, #tpu.memory_space<hbm>>
        tpu.wait_dma2 semaphore(%run_scoped3A : memref<!tpu.dma_semaphore, #tpu.memory_space<semaphore_mem>>) src(%dma_wait3A_1713 : memref<48xf32, #tpu.memory_space<hbm>>) dst(%arg9 : memref<48xf32, #tpu.memory_space<vmem>>)
        tpu.yield
      }) : () -> ()
      %dma_wait3A_610 = arith.constant 0 : i32
      %dma_wait3A_611 = arith.constant 0 : i32
      %dma_wait3A_612 = tpu.memref_slice %arg5[%dma_wait3A_610, %dma_wait3A_611] : memref<1x19968xf32, #tpu.memory_space<vmem>> -> memref<1x19968xf32, #tpu.memory_space<vmem>>
      %dma_wait3A_613 = tpu.memref_slice %arg10[%mul3A_599] : memref<16xi32, #tpu.memory_space<vmem>> -> memref<1xi32, #tpu.memory_space<vmem>>
      %dma_wait3A_614 = arith.constant 0 : i32
      %dma_wait3A_615 = arith.constant 0 : i32
      %dma_wait3A_616 = tpu.memref_slice %arg2[%dma_wait3A_614, %dma_wait3A_615] : memref<160x100000xf32, #tpu.memory_space<hbm>> -> memref<160x19968xf32, #tpu.memory_space<hbm>>
      tpu.wait_indirect_dma semaphore(%arg14 : memref<!tpu.dma_semaphore, #tpu.memory_space<semaphore_mem>>) src(%dma_wait3A_616 : memref<160x19968xf32, #tpu.memory_space<hbm>>) dst(%dma_wait3A_612 : memref<1x19968xf32, #tpu.memory_space<vmem>>)
      %scan3A_617 = arith.constant 0 : i32
      %scan3A_618 = arith.constant 39 : i32
      %scan3A_619 = arith.addi %scan3A_617, %scan3A_618 : i32
      %scan3A_620 = arith.constant 1 : i32
      %scan3A_621:10 = scf.for %scan3A_1702 = %scan3A_617 to %scan3A_619 step %scan3A_620 iter_args(%scan3A_1703 = %broadcast_in_dim3A_1, %scan3A_1704 = %broadcast_in_dim3A_1, %scan3A_1705 = %broadcast_in_dim3A_1, %scan3A_1706 = %broadcast_in_dim3A_1, %scan3A_1707 = %broadcast_in_dim3A_1, %scan3A_1708 = %broadcast_in_dim3A_3, %scan3A_1709 = %broadcast_in_dim3A_3, %scan3A_1710 = %broadcast_in_dim3A_3, %scan3A_1711 = %broadcast_in_dim3A_3, %scan3A_1712 = %broadcast_in_dim3A_3) -> (vector<16xf32>, vector<16xf32>, vector<16xf32>, vector<16xf32>, vector<16xf32>, vector<16xi32>, vector<16xi32>, vector<16xi32>, vector<16xi32>, vector<16xi32>)  : i32 {
        %mul3A_1713 = arith.constant 512 : i32
        %mul3A_1714 = arith.muli %scan3A_1702, %mul3A_1713 : i32
        %get3A_1715 = arith.constant 0 : i32
        %get3A_1716 = arith.index_cast %get3A_1715 : i32 to index
        %get3A_1717 = arith.index_cast %mul3A_1714 : i32 to index
        %get3A_1718 = tpu.vector_load %arg5[%get3A_1716, %get3A_1717] {strides = array<i32>} : memref<1x19968xf32, #tpu.memory_space<vmem>>, vector<16xf32>,
        %mul3A_1719 = arith.constant 512 : i32
        %mul3A_1720 = arith.muli %scan3A_1702, %mul3A_1719 : i32
        %add3A_1721 = arith.constant 16 : i32
        %add3A_1722 = arith.addi %mul3A_1720, %add3A_1721 : i32
        %get3A_1723 = arith.constant 0 : i32
        %get3A_1724 = arith.index_cast %get3A_1723 : i32 to index
        %get3A_1725 = arith.index_cast %add3A_1722 : i32 to index
        %get3A_1726 = tpu.vector_load %arg5[%get3A_1724, %get3A_1725] {strides = array<i32>} : memref<1x19968xf32, #tpu.memory_space<vmem>>, vector<16xf32>,
        %max3A_1727 = arith.maximumf %get3A_1718, %get3A_1726 : vector<16xf32>
        %mul3A_1728 = arith.constant 512 : i32
        %mul3A_1729 = arith.muli %scan3A_1702, %mul3A_1728 : i32
        %add3A_1730 = arith.constant 32 : i32
        %add3A_1731 = arith.addi %mul3A_1729, %add3A_1730 : i32
        %get3A_1732 = arith.constant 0 : i32
        %get3A_1733 = arith.index_cast %get3A_1732 : i32 to index
        %get3A_1734 = arith.index_cast %add3A_1731 : i32 to index
        %get3A_1735 = tpu.vector_load %arg5[%get3A_1733, %get3A_1734] {strides = array<i32>} : memref<1x19968xf32, #tpu.memory_space<vmem>>, vector<16xf32>,
        %max3A_1736 = arith.maximumf %max3A_1727, %get3A_1735 : vector<16xf32>
        %mul3A_1737 = arith.constant 512 : i32
        %mul3A_1738 = arith.muli %scan3A_1702, %mul3A_1737 : i32
        %add3A_1739 = arith.constant 48 : i32
        %add3A_1740 = arith.addi %mul3A_1738, %add3A_1739 : i32
        %get3A_1741 = arith.constant 0 : i32
        %get3A_1742 = arith.index_cast %get3A_1741 : i32 to index
        %get3A_1743 = arith.index_cast %add3A_1740 : i32 to index
        %get3A_1744 = tpu.vector_load %arg5[%get3A_1742, %get3A_1743] {strides = array<i32>} : memref<1x19968xf32, #tpu.memory_space<vmem>>, vector<16xf32>,
        %max3A_1745 = arith.maximumf %max3A_1736, %get3A_1744 : vector<16xf32>
        %mul3A_1746 = arith.constant 512 : i32
        %mul3A_1747 = arith.muli %scan3A_1702, %mul3A_1746 : i32
        %add3A_1748 = arith.constant 64 : i32
        %add3A_1749 = arith.addi %mul3A_1747, %add3A_1748 : i32
        %get3A_1750 = arith.constant 0 : i32
        %get3A_1751 = arith.index_cast %get3A_1750 : i32 to index
        %get3A_1752 = arith.index_cast %add3A_1749 : i32 to index
        %get3A_1753 = tpu.vector_load %arg5[%get3A_1751, %get3A_1752] {strides = array<i32>} : memref<1x19968xf32, #tpu.memory_space<vmem>>, vector<16xf32>,
        %max3A_1754 = arith.maximumf %max3A_1745, %get3A_1753 : vector<16xf32>
        %mul3A_1755 = arith.constant 512 : i32
        %mul3A_1756 = arith.muli %scan3A_1702, %mul3A_1755 : i32
        %add3A_1757 = arith.constant 80 : i32
        %add3A_1758 = arith.addi %mul3A_1756, %add3A_1757 : i32
        %get3A_1759 = arith.constant 0 : i32
        %get3A_1760 = arith.index_cast %get3A_1759 : i32 to index
        %get3A_1761 = arith.index_cast %add3A_1758 : i32 to index
        %get3A_1762 = tpu.vector_load %arg5[%get3A_1760, %get3A_1761] {strides = array<i32>} : memref<1x19968xf32, #tpu.memory_space<vmem>>, vector<16xf32>,
        %max3A_1763 = arith.maximumf %max3A_1754, %get3A_1762 : vector<16xf32>
        %mul3A_1764 = arith.constant 512 : i32
        %mul3A_1765 = arith.muli %scan3A_1702, %mul3A_1764 : i32
        %add3A_1766 = arith.constant 96 : i32
        %add3A_1767 = arith.addi %mul3A_1765, %add3A_1766 : i32
        %get3A_1768 = arith.constant 0 : i32
        %get3A_1769 = arith.index_cast %get3A_1768 : i32 to index
        %get3A_1770 = arith.index_cast %add3A_1767 : i32 to index
        %get3A_1771 = tpu.vector_load %arg5[%get3A_1769, %get3A_1770] {strides = array<i32>} : memref<1x19968xf32, #tpu.memory_space<vmem>>, vector<16xf32>,
        %max3A_1772 = arith.maximumf %max3A_1763, %get3A_1771 : vector<16xf32>
        %mul3A_1773 = arith.constant 512 : i32
        %mul3A_1774 = arith.muli %scan3A_1702, %mul3A_1773 : i32
        %add3A_1775 = arith.constant 112 : i32
        %add3A_1776 = arith.addi %mul3A_1774, %add3A_1775 : i32
        %get3A_1777 = arith.constant 0 : i32
        %get3A_1778 = arith.index_cast %get3A_1777 : i32 to index
        %get3A_1779 = arith.index_cast %add3A_1776 : i32 to index
        %get3A_1780 = tpu.vector_load %arg5[%get3A_1778, %get3A_1779] {strides = array<i32>} : memref<1x19968xf32, #tpu.memory_space<vmem>>, vector<16xf32>,
        %max3A_1781 = arith.maximumf %max3A_1772, %get3A_1780 : vector<16xf32>
        %mul3A_1782 = arith.constant 512 : i32
        %mul3A_1783 = arith.muli %scan3A_1702, %mul3A_1782 : i32
        %add3A_1784 = arith.constant 128 : i32
        %add3A_1785 = arith.addi %mul3A_1783, %add3A_1784 : i32
        %get3A_1786 = arith.constant 0 : i32
        %get3A_1787 = arith.index_cast %get3A_1786 : i32 to index
        %get3A_1788 = arith.index_cast %add3A_1785 : i32 to index
        %get3A_1789 = tpu.vector_load %arg5[%get3A_1787, %get3A_1788] {strides = array<i32>} : memref<1x19968xf32, #tpu.memory_space<vmem>>, vector<16xf32>,
        %max3A_1790 = arith.maximumf %max3A_1781, %get3A_1789 : vector<16xf32>
        %mul3A_1791 = arith.constant 512 : i32
        %mul3A_1792 = arith.muli %scan3A_1702, %mul3A_1791 : i32
        %add3A_1793 = arith.constant 144 : i32
        %add3A_1794 = arith.addi %mul3A_1792, %add3A_1793 : i32
        %get3A_1795 = arith.constant 0 : i32
        %get3A_1796 = arith.index_cast %get3A_1795 : i32 to index
        %get3A_1797 = arith.index_cast %add3A_1794 : i32 to index
        %get3A_1798 = tpu.vector_load %arg5[%get3A_1796, %get3A_1797] {strides = array<i32>} : memref<1x19968xf32, #tpu.memory_space<vmem>>, vector<16xf32>,
        %max3A_1799 = arith.maximumf %max3A_1790, %get3A_1798 : vector<16xf32>
        %mul3A_1800 = arith.constant 512 : i32
        %mul3A_1801 = arith.muli %scan3A_1702, %mul3A_1800 : i32
        %add3A_1802 = arith.constant 160 : i32
        %add3A_1803 = arith.addi %mul3A_1801, %add3A_1802 : i32
        %get3A_1804 = arith.constant 0 : i32
        %get3A_1805 = arith.index_cast %get3A_1804 : i32 to index
        %get3A_1806 = arith.index_cast %add3A_1803 : i32 to index
        %get3A_1807 = tpu.vector_load %arg5[%get3A_1805, %get3A_1806] {strides = array<i32>} : memref<1x19968xf32, #tpu.memory_space<vmem>>, vector<16xf32>,
        %max3A_1808 = arith.maximumf %max3A_1799, %get3A_1807 : vector<16xf32>
        %mul3A_1809 = arith.constant 512 : i32
        %mul3A_1810 = arith.muli %scan3A_1702, %mul3A_1809 : i32
        %add3A_1811 = arith.constant 176 : i32
        %add3A_1812 = arith.addi %mul3A_1810, %add3A_1811 : i32
        %get3A_1813 = arith.constant 0 : i32
        %get3A_1814 = arith.index_cast %get3A_1813 : i32 to index
        %get3A_1815 = arith.index_cast %add3A_1812 : i32 to index
        %get3A_1816 = tpu.vector_load %arg5[%get3A_1814, %get3A_1815] {strides = array<i32>} : memref<1x19968xf32, #tpu.memory_space<vmem>>, vector<16xf32>,
        %max3A_1817 = arith.maximumf %max3A_1808, %get3A_1816 : vector<16xf32>
        %mul3A_1818 = arith.constant 512 : i32
        %mul3A_1819 = arith.muli %scan3A_1702, %mul3A_1818 : i32
        %add3A_1820 = arith.constant 192 : i32
        %add3A_1821 = arith.addi %mul3A_1819, %add3A_1820 : i32
        %get3A_1822 = arith.constant 0 : i32
        %get3A_1823 = arith.index_cast %get3A_1822 : i32 to index
        %get3A_1824 = arith.index_cast %add3A_1821 : i32 to index
        %get3A_1825 = tpu.vector_load %arg5[%get3A_1823, %get3A_1824] {strides = array<i32>} : memref<1x19968xf32, #tpu.memory_space<vmem>>, vector<16xf32>,
        %max3A_1826 = arith.maximumf %max3A_1817, %get3A_1825 : vector<16xf32>
        %mul3A_1827 = arith.constant 512 : i32
        %mul3A_1828 = arith.muli %scan3A_1702, %mul3A_1827 : i32
        %add3A_1829 = arith.constant 208 : i32
        %add3A_1830 = arith.addi %mul3A_1828, %add3A_1829 : i32
        %get3A_1831 = arith.constant 0 : i32
        %get3A_1832 = arith.index_cast %get3A_1831 : i32 to index
        %get3A_1833 = arith.index_cast %add3A_1830 : i32 to index
        %get3A_1834 = tpu.vector_load %arg5[%get3A_1832, %get3A_1833] {strides = array<i32>} : memref<1x19968xf32, #tpu.memory_space<vmem>>, vector<16xf32>,
        %max3A_1835 = arith.maximumf %max3A_1826, %get3A_1834 : vector<16xf32>
        %mul3A_1836 = arith.constant 512 : i32
        %mul3A_1837 = arith.muli %scan3A_1702, %mul3A_1836 : i32
        %add3A_1838 = arith.constant 224 : i32
        %add3A_1839 = arith.addi %mul3A_1837, %add3A_1838 : i32
        %get3A_1840 = arith.constant 0 : i32
        %get3A_1841 = arith.index_cast %get3A_1840 : i32 to index
        %get3A_1842 = arith.index_cast %add3A_1839 : i32 to index
        %get3A_1843 = tpu.vector_load %arg5[%get3A_1841, %get3A_1842] {strides = array<i32>} : memref<1x19968xf32, #tpu.memory_space<vmem>>, vector<16xf32>,
        %max3A_1844 = arith.maximumf %max3A_1835, %get3A_1843 : vector<16xf32>
        %mul3A_1845 = arith.constant 512 : i32
        %mul3A_1846 = arith.muli %scan3A_1702, %mul3A_1845 : i32
        %add3A_1847 = arith.constant 240 : i32
        %add3A_1848 = arith.addi %mul3A_1846, %add3A_1847 : i32
        %get3A_1849 = arith.constant 0 : i32
        %get3A_1850 = arith.index_cast %get3A_1849 : i32 to index
        %get3A_1851 = arith.index_cast %add3A_1848 : i32 to index
        %get3A_1852 = tpu.vector_load %arg5[%get3A_1850, %get3A_1851] {strides = array<i32>} : memref<1x19968xf32, #tpu.memory_space<vmem>>, vector<16xf32>,
        %max3A_1853 = arith.maximumf %max3A_1844, %get3A_1852 : vector<16xf32>
        %mul3A_1854 = arith.constant 512 : i32
        %mul3A_1855 = arith.muli %scan3A_1702, %mul3A_1854 : i32
        %add3A_1856 = arith.constant 256 : i32
        %add3A_1857 = arith.addi %mul3A_1855, %add3A_1856 : i32
        %get3A_1858 = arith.constant 0 : i32
        %get3A_1859 = arith.index_cast %get3A_1858 : i32 to index
        %get3A_1860 = arith.index_cast %add3A_1857 : i32 to index
        %get3A_1861 = tpu.vector_load %arg5[%get3A_1859, %get3A_1860] {strides = array<i32>} : memref<1x19968xf32, #tpu.memory_space<vmem>>, vector<16xf32>,
        %max3A_1862 = arith.maximumf %max3A_1853, %get3A_1861 : vector<16xf32>
        %mul3A_1863 = arith.constant 512 : i32
        %mul3A_1864 = arith.muli %scan3A_1702, %mul3A_1863 : i32
        %add3A_1865 = arith.constant 272 : i32
        %add3A_1866 = arith.addi %mul3A_1864, %add3A_1865 : i32
        %get3A_1867 = arith.constant 0 : i32
        %get3A_1868 = arith.index_cast %get3A_1867 : i32 to index
        %get3A_1869 = arith.index_cast %add3A_1866 : i32 to index
        %get3A_1870 = tpu.vector_load %arg5[%get3A_1868, %get3A_1869] {strides = array<i32>} : memref<1x19968xf32, #tpu.memory_space<vmem>>, vector<16xf32>,
        %max3A_1871 = arith.maximumf %max3A_1862, %get3A_1870 : vector<16xf32>
        %mul3A_1872 = arith.constant 512 : i32
        %mul3A_1873 = arith.muli %scan3A_1702, %mul3A_1872 : i32
        %add3A_1874 = arith.constant 288 : i32
        %add3A_1875 = arith.addi %mul3A_1873, %add3A_1874 : i32
        %get3A_1876 = arith.constant 0 : i32
        %get3A_1877 = arith.index_cast %get3A_1876 : i32 to index
        %get3A_1878 = arith.index_cast %add3A_1875 : i32 to index
        %get3A_1879 = tpu.vector_load %arg5[%get3A_1877, %get3A_1878] {strides = array<i32>} : memref<1x19968xf32, #tpu.memory_space<vmem>>, vector<16xf32>,
        %max3A_1880 = arith.maximumf %max3A_1871, %get3A_1879 : vector<16xf32>
        %mul3A_1881 = arith.constant 512 : i32
        %mul3A_1882 = arith.muli %scan3A_1702, %mul3A_1881 : i32
        %add3A_1883 = arith.constant 304 : i32
        %add3A_1884 = arith.addi %mul3A_1882, %add3A_1883 : i32
        %get3A_1885 = arith.constant 0 : i32
        %get3A_1886 = arith.index_cast %get3A_1885 : i32 to index
        %get3A_1887 = arith.index_cast %add3A_1884 : i32 to index
        %get3A_1888 = tpu.vector_load %arg5[%get3A_1886, %get3A_1887] {strides = array<i32>} : memref<1x19968xf32, #tpu.memory_space<vmem>>, vector<16xf32>,
        %max3A_1889 = arith.maximumf %max3A_1880, %get3A_1888 : vector<16xf32>
        %mul3A_1890 = arith.constant 512 : i32
        %mul3A_1891 = arith.muli %scan3A_1702, %mul3A_1890 : i32
        %add3A_1892 = arith.constant 320 : i32
        %add3A_1893 = arith.addi %mul3A_1891, %add3A_1892 : i32
        %get3A_1894 = arith.constant 0 : i32
        %get3A_1895 = arith.index_cast %get3A_1894 : i32 to index
        %get3A_1896 = arith.index_cast %add3A_1893 : i32 to index
        %get3A_1897 = tpu.vector_load %arg5[%get3A_1895, %get3A_1896] {strides = array<i32>} : memref<1x19968xf32, #tpu.memory_space<vmem>>, vector<16xf32>,
        %max3A_1898 = arith.maximumf %max3A_1889, %get3A_1897 : vector<16xf32>
        %mul3A_1899 = arith.constant 512 : i32
        %mul3A_1900 = arith.muli %scan3A_1702, %mul3A_1899 : i32
        %add3A_1901 = arith.constant 336 : i32
        %add3A_1902 = arith.addi %mul3A_1900, %add3A_1901 : i32
        %get3A_1903 = arith.constant 0 : i32
        %get3A_1904 = arith.index_cast %get3A_1903 : i32 to index
        %get3A_1905 = arith.index_cast %add3A_1902 : i32 to index
        %get3A_1906 = tpu.vector_load %arg5[%get3A_1904, %get3A_1905] {strides = array<i32>} : memref<1x19968xf32, #tpu.memory_space<vmem>>, vector<16xf32>,
        %max3A_1907 = arith.maximumf %max3A_1898, %get3A_1906 : vector<16xf32>
        %mul3A_1908 = arith.constant 512 : i32
        %mul3A_1909 = arith.muli %scan3A_1702, %mul3A_1908 : i32
        %add3A_1910 = arith.constant 352 : i32
        %add3A_1911 = arith.addi %mul3A_1909, %add3A_1910 : i32
        %get3A_1912 = arith.constant 0 : i32
        %get3A_1913 = arith.index_cast %get3A_1912 : i32 to index
        %get3A_1914 = arith.index_cast %add3A_1911 : i32 to index
        %get3A_1915 = tpu.vector_load %arg5[%get3A_1913, %get3A_1914] {strides = array<i32>} : memref<1x19968xf32, #tpu.memory_space<vmem>>, vector<16xf32>,
        %max3A_1916 = arith.maximumf %max3A_1907, %get3A_1915 : vector<16xf32>
        %mul3A_1917 = arith.constant 512 : i32
        %mul3A_1918 = arith.muli %scan3A_1702, %mul3A_1917 : i32
        %add3A_1919 = arith.constant 368 : i32
        %add3A_1920 = arith.addi %mul3A_1918, %add3A_1919 : i32
        %get3A_1921 = arith.constant 0 : i32
        %get3A_1922 = arith.index_cast %get3A_1921 : i32 to index
        %get3A_1923 = arith.index_cast %add3A_1920 : i32 to index
        %get3A_1924 = tpu.vector_load %arg5[%get3A_1922, %get3A_1923] {strides = array<i32>} : memref<1x19968xf32, #tpu.memory_space<vmem>>, vector<16xf32>,
        %max3A_1925 = arith.maximumf %max3A_1916, %get3A_1924 : vector<16xf32>
        %mul3A_1926 = arith.constant 512 : i32
        %mul3A_1927 = arith.muli %scan3A_1702, %mul3A_1926 : i32
        %add3A_1928 = arith.constant 384 : i32
        %add3A_1929 = arith.addi %mul3A_1927, %add3A_1928 : i32
        %get3A_1930 = arith.constant 0 : i32
        %get3A_1931 = arith.index_cast %get3A_1930 : i32 to index
        %get3A_1932 = arith.index_cast %add3A_1929 : i32 to index
        %get3A_1933 = tpu.vector_load %arg5[%get3A_1931, %get3A_1932] {strides = array<i32>} : memref<1x19968xf32, #tpu.memory_space<vmem>>, vector<16xf32>,
        %max3A_1934 = arith.maximumf %max3A_1925, %get3A_1933 : vector<16xf32>
        %mul3A_1935 = arith.constant 512 : i32
        %mul3A_1936 = arith.muli %scan3A_1702, %mul3A_1935 : i32
        %add3A_1937 = arith.constant 400 : i32
        %add3A_1938 = arith.addi %mul3A_1936, %add3A_1937 : i32
        %get3A_1939 = arith.constant 0 : i32
        %get3A_1940 = arith.index_cast %get3A_1939 : i32 to index
        %get3A_1941 = arith.index_cast %add3A_1938 : i32 to index
        %get3A_1942 = tpu.vector_load %arg5[%get3A_1940, %get3A_1941] {strides = array<i32>} : memref<1x19968xf32, #tpu.memory_space<vmem>>, vector<16xf32>,
        %max3A_1943 = arith.maximumf %max3A_1934, %get3A_1942 : vector<16xf32>
        %mul3A_1944 = arith.constant 512 : i32
        %mul3A_1945 = arith.muli %scan3A_1702, %mul3A_1944 : i32
        %add3A_1946 = arith.constant 416 : i32
        %add3A_1947 = arith.addi %mul3A_1945, %add3A_1946 : i32
        %get3A_1948 = arith.constant 0 : i32
        %get3A_1949 = arith.index_cast %get3A_1948 : i32 to index
        %get3A_1950 = arith.index_cast %add3A_1947 : i32 to index
        %get3A_1951 = tpu.vector_load %arg5[%get3A_1949, %get3A_1950] {strides = array<i32>} : memref<1x19968xf32, #tpu.memory_space<vmem>>, vector<16xf32>,
        %max3A_1952 = arith.maximumf %max3A_1943, %get3A_1951 : vector<16xf32>
        %mul3A_1953 = arith.constant 512 : i32
        %mul3A_1954 = arith.muli %scan3A_1702, %mul3A_1953 : i32
        %add3A_1955 = arith.constant 432 : i32
        %add3A_1956 = arith.addi %mul3A_1954, %add3A_1955 : i32
        %get3A_1957 = arith.constant 0 : i32
        %get3A_1958 = arith.index_cast %get3A_1957 : i32 to index
        %get3A_1959 = arith.index_cast %add3A_1956 : i32 to index
        %get3A_1960 = tpu.vector_load %arg5[%get3A_1958, %get3A_1959] {strides = array<i32>} : memref<1x19968xf32, #tpu.memory_space<vmem>>, vector<16xf32>,
        %max3A_1961 = arith.maximumf %max3A_1952, %get3A_1960 : vector<16xf32>
        %mul3A_1962 = arith.constant 512 : i32
        %mul3A_1963 = arith.muli %scan3A_1702, %mul3A_1962 : i32
        %add3A_1964 = arith.constant 448 : i32
        %add3A_1965 = arith.addi %mul3A_1963, %add3A_1964 : i32
        %get3A_1966 = arith.constant 0 : i32
        %get3A_1967 = arith.index_cast %get3A_1966 : i32 to index
        %get3A_1968 = arith.index_cast %add3A_1965 : i32 to index
        %get3A_1969 = tpu.vector_load %arg5[%get3A_1967, %get3A_1968] {strides = array<i32>} : memref<1x19968xf32, #tpu.memory_space<vmem>>, vector<16xf32>,
        %max3A_1970 = arith.maximumf %max3A_1961, %get3A_1969 : vector<16xf32>
        %mul3A_1971 = arith.constant 512 : i32
        %mul3A_1972 = arith.muli %scan3A_1702, %mul3A_1971 : i32
        %add3A_1973 = arith.constant 464 : i32
        %add3A_1974 = arith.addi %mul3A_1972, %add3A_1973 : i32
        %get3A_1975 = arith.constant 0 : i32
        %get3A_1976 = arith.index_cast %get3A_1975 : i32 to index
        %get3A_1977 = arith.index_cast %add3A_1974 : i32 to index
        %get3A_1978 = tpu.vector_load %arg5[%get3A_1976, %get3A_1977] {strides = array<i32>} : memref<1x19968xf32, #tpu.memory_space<vmem>>, vector<16xf32>,
        %max3A_1979 = arith.maximumf %max3A_1970, %get3A_1978 : vector<16xf32>
        %mul3A_1980 = arith.constant 512 : i32
        %mul3A_1981 = arith.muli %scan3A_1702, %mul3A_1980 : i32
        %add3A_1982 = arith.constant 480 : i32
        %add3A_1983 = arith.addi %mul3A_1981, %add3A_1982 : i32
        %get3A_1984 = arith.constant 0 : i32
        %get3A_1985 = arith.index_cast %get3A_1984 : i32 to index
        %get3A_1986 = arith.index_cast %add3A_1983 : i32 to index
        %get3A_1987 = tpu.vector_load %arg5[%get3A_1985, %get3A_1986] {strides = array<i32>} : memref<1x19968xf32, #tpu.memory_space<vmem>>, vector<16xf32>,
        %max3A_1988 = arith.maximumf %max3A_1979, %get3A_1987 : vector<16xf32>
        %mul3A_1989 = arith.constant 512 : i32
        %mul3A_1990 = arith.muli %scan3A_1702, %mul3A_1989 : i32
        %add3A_1991 = arith.constant 496 : i32
        %add3A_1992 = arith.addi %mul3A_1990, %add3A_1991 : i32
        %get3A_1993 = arith.constant 0 : i32
        %get3A_1994 = arith.index_cast %get3A_1993 : i32 to index
        %get3A_1995 = arith.index_cast %add3A_1992 : i32 to index
        %get3A_1996 = tpu.vector_load %arg5[%get3A_1994, %get3A_1995] {strides = array<i32>} : memref<1x19968xf32, #tpu.memory_space<vmem>>, vector<16xf32>,
        %max3A_1997 = arith.maximumf %max3A_1988, %get3A_1996 : vector<16xf32>
        %add3A_1998 = arith.constant 0 : i32
        %add3A_1999 = arith.addi %add3A_1998, %scan3A_1702 : i32
        %mul3A_2000 = arith.constant 16 : i32
        %mul3A_2001 = arith.muli %add3A_1999, %mul3A_2000 : i32
        %add3A_2002 = vector.broadcast %mul3A_2001 : i32 to vector<16xi32>
        %add3A_2003 = arith.addi %add3A_2002, %iota3A : vector<16xi32>
        %gt3A_2004 = arith.cmpf ogt, %max3A_1997, %scan3A_1703 : vector<16xf32>
        %select_n3A_2005 = arith.select %gt3A_2004, %max3A_1997, %scan3A_1703 : vector<16xi1>, vector<16xf32>
        %select_n3A_2006 = arith.select %gt3A_2004, %add3A_2003, %scan3A_1708 : vector<16xi1>, vector<16xi32>
        %select_n3A_2007 = arith.select %gt3A_2004, %scan3A_1703, %max3A_1997 : vector<16xi1>, vector<16xf32>
        %select_n3A_2008 = arith.select %gt3A_2004, %scan3A_1708, %add3A_2003 : vector<16xi1>, vector<16xi32>
        %gt3A_2009 = arith.cmpf ogt, %select_n3A_2007, %scan3A_1704 : vector<16xf32>
        %select_n3A_2010 = arith.select %gt3A_2009, %select_n3A_2007, %scan3A_1704 : vector<16xi1>, vector<16xf32>
        %select_n3A_2011 = arith.select %gt3A_2009, %select_n3A_2008, %scan3A_1709 : vector<16xi1>, vector<16xi32>
        %select_n3A_2012 = arith.select %gt3A_2009, %scan3A_1704, %select_n3A_2007 : vector<16xi1>, vector<16xf32>
        %select_n3A_2013 = arith.select %gt3A_2009, %scan3A_1709, %select_n3A_2008 : vector<16xi1>, vector<16xi32>
        %gt3A_2014 = arith.cmpf ogt, %select_n3A_2012, %scan3A_1705 : vector<16xf32>
        %select_n3A_2015 = arith.select %gt3A_2014, %select_n3A_2012, %scan3A_1705 : vector<16xi1>, vector<16xf32>
        %select_n3A_2016 = arith.select %gt3A_2014, %select_n3A_2013, %scan3A_1710 : vector<16xi1>, vector<16xi32>
        %select_n3A_2017 = arith.select %gt3A_2014, %scan3A_1705, %select_n3A_2012 : vector<16xi1>, vector<16xf32>
        %select_n3A_2018 = arith.select %gt3A_2014, %scan3A_1710, %select_n3A_2013 : vector<16xi1>, vector<16xi32>
        %gt3A_2019 = arith.cmpf ogt, %select_n3A_2017, %scan3A_1706 : vector<16xf32>
        %select_n3A_2020 = arith.select %gt3A_2019, %select_n3A_2017, %scan3A_1706 : vector<16xi1>, vector<16xf32>
        %select_n3A_2021 = arith.select %gt3A_2019, %select_n3A_2018, %scan3A_1711 : vector<16xi1>, vector<16xi32>
        %select_n3A_2022 = arith.select %gt3A_2019, %scan3A_1706, %select_n3A_2017 : vector<16xi1>, vector<16xf32>
        %select_n3A_2023 = arith.select %gt3A_2019, %scan3A_1711, %select_n3A_2018 : vector<16xi1>, vector<16xi32>
        %gt3A_2024 = arith.cmpf ogt, %select_n3A_2022, %scan3A_1707 : vector<16xf32>
        %select_n3A_2025 = arith.select %gt3A_2024, %select_n3A_2022, %scan3A_1707 : vector<16xi1>, vector<16xf32>
        %select_n3A_2026 = arith.select %gt3A_2024, %select_n3A_2023, %scan3A_1712 : vector<16xi1>, vector<16xi32>
        %select_n3A_2027 = arith.select %gt3A_2024, %scan3A_1707, %select_n3A_2022 : vector<16xi1>, vector<16xf32>
        %select_n3A_2028 = arith.select %gt3A_2024, %scan3A_1712, %select_n3A_2023 : vector<16xi1>, vector<16xi32>
        scf.yield %select_n3A_2005, %select_n3A_2010, %select_n3A_2015, %select_n3A_2020, %select_n3A_2025, %select_n3A_2006, %select_n3A_2011, %select_n3A_2016, %select_n3A_2021, %select_n3A_2026 : vector<16xf32>, vector<16xf32>, vector<16xf32>, vector<16xf32>, vector<16xf32>, vector<16xi32>, vector<16xi32>, vector<16xi32>, vector<16xi32>, vector<16xi32>
      }
      %scan3A_622 = arith.constant 39 : i32
      %dma_start3A_623 = arith.constant 0 : i32
      %dma_start3A_624 = arith.constant 0 : i32
      %dma_start3A_625 = tpu.memref_slice %arg5[%dma_start3A_623, %dma_start3A_624] : memref<1x19968xf32, #tpu.memory_space<vmem>> -> memref<1x19968xf32, #tpu.memory_space<vmem>>
      %dma_start3A_626 = tpu.memref_slice %arg10[%mul3A_599] : memref<16xi32, #tpu.memory_space<vmem>> -> memref<1xi32, #tpu.memory_space<vmem>>
      %dma_start3A_627 = arith.constant 0 : i32
      %dma_start3A_628 = arith.constant 59904 : i32
      %dma_start3A_629 = tpu.memref_slice %arg2[%dma_start3A_627, %dma_start3A_628] : memref<160x100000xf32, #tpu.memory_space<hbm>> -> memref<160x19968xf32, #tpu.memory_space<hbm>>
      tpu.enqueue_indirect_dma source(%dma_start3A_629 : memref<160x19968xf32, #tpu.memory_space<hbm>>) target(%dma_start3A_625 : memref<1x19968xf32, #tpu.memory_space<vmem>>) offsets(%dma_start3A_626 : memref<1xi32, #tpu.memory_space<vmem>>) semaphore(%arg14 : memref<!tpu.dma_semaphore, #tpu.memory_space<semaphore_mem>>)
      %dma_wait3A_630 = arith.constant 0 : i32
      %dma_wait3A_631 = arith.constant 0 : i32
      %dma_wait3A_632 = tpu.memref_slice %arg6[%dma_wait3A_630, %dma_wait3A_631] : memref<1x19968xf32, #tpu.memory_space<vmem>> -> memref<1x19968xf32, #tpu.memory_space<vmem>>
      %dma_wait3A_633 = tpu.memref_slice %arg10[%mul3A_599] : memref<16xi32, #tpu.memory_space<vmem>> -> memref<1xi32, #tpu.memory_space<vmem>>
      %dma_wait3A_634 = arith.constant 0 : i32
      %dma_wait3A_635 = arith.constant 19968 : i32
      %dma_wait3A_636 = tpu.memref_slice %arg2[%dma_wait3A_634, %dma_wait3A_635] : memref<160x100000xf32, #tpu.memory_space<hbm>> -> memref<160x19968xf32, #tpu.memory_space<hbm>>
      tpu.wait_indirect_dma semaphore(%arg15 : memref<!tpu.dma_semaphore, #tpu.memory_space<semaphore_mem>>) src(%dma_wait3A_636 : memref<160x19968xf32, #tpu.memory_space<hbm>>) dst(%dma_wait3A_632 : memref<1x19968xf32, #tpu.memory_space<vmem>>)
      %scan3A_637 = arith.constant 0 : i32
      %scan3A_638 = arith.constant 39 : i32
      %scan3A_639 = arith.addi %scan3A_637, %scan3A_638 : i32
      %scan3A_640 = arith.constant 1 : i32
      %scan3A_641:10 = scf.for %scan3A_1702 = %scan3A_637 to %scan3A_639 step %scan3A_640 iter_args(%scan3A_1703 = %scan3A_621#0, %scan3A_1704 = %scan3A_621#1, %scan3A_1705 = %scan3A_621#2, %scan3A_1706 = %scan3A_621#3, %scan3A_1707 = %scan3A_621#4, %scan3A_1708 = %scan3A_621#5, %scan3A_1709 = %scan3A_621#6, %scan3A_1710 = %scan3A_621#7, %scan3A_1711 = %scan3A_621#8, %scan3A_1712 = %scan3A_621#9) -> (vector<16xf32>, vector<16xf32>, vector<16xf32>, vector<16xf32>, vector<16xf32>, vector<16xi32>, vector<16xi32>, vector<16xi32>, vector<16xi32>, vector<16xi32>)  : i32 {
        %mul3A_1713 = arith.constant 512 : i32
        %mul3A_1714 = arith.muli %scan3A_1702, %mul3A_1713 : i32
        %get3A_1715 = arith.constant 0 : i32
        %get3A_1716 = arith.index_cast %get3A_1715 : i32 to index
        %get3A_1717 = arith.index_cast %mul3A_1714 : i32 to index
        %get3A_1718 = tpu.vector_load %arg6[%get3A_1716, %get3A_1717] {strides = array<i32>} : memref<1x19968xf32, #tpu.memory_space<vmem>>, vector<16xf32>,
        %mul3A_1719 = arith.constant 512 : i32
        %mul3A_1720 = arith.muli %scan3A_1702, %mul3A_1719 : i32
        %add3A_1721 = arith.constant 16 : i32
        %add3A_1722 = arith.addi %mul3A_1720, %add3A_1721 : i32
        %get3A_1723 = arith.constant 0 : i32
        %get3A_1724 = arith.index_cast %get3A_1723 : i32 to index
        %get3A_1725 = arith.index_cast %add3A_1722 : i32 to index
        %get3A_1726 = tpu.vector_load %arg6[%get3A_1724, %get3A_1725] {strides = array<i32>} : memref<1x19968xf32, #tpu.memory_space<vmem>>, vector<16xf32>,
        %max3A_1727 = arith.maximumf %get3A_1718, %get3A_1726 : vector<16xf32>
        %mul3A_1728 = arith.constant 512 : i32
        %mul3A_1729 = arith.muli %scan3A_1702, %mul3A_1728 : i32
        %add3A_1730 = arith.constant 32 : i32
        %add3A_1731 = arith.addi %mul3A_1729, %add3A_1730 : i32
        %get3A_1732 = arith.constant 0 : i32
        %get3A_1733 = arith.index_cast %get3A_1732 : i32 to index
        %get3A_1734 = arith.index_cast %add3A_1731 : i32 to index
        %get3A_1735 = tpu.vector_load %arg6[%get3A_1733, %get3A_1734] {strides = array<i32>} : memref<1x19968xf32, #tpu.memory_space<vmem>>, vector<16xf32>,
        %max3A_1736 = arith.maximumf %max3A_1727, %get3A_1735 : vector<16xf32>
        %mul3A_1737 = arith.constant 512 : i32
        %mul3A_1738 = arith.muli %scan3A_1702, %mul3A_1737 : i32
        %add3A_1739 = arith.constant 48 : i32
        %add3A_1740 = arith.addi %mul3A_1738, %add3A_1739 : i32
        %get3A_1741 = arith.constant 0 : i32
        %get3A_1742 = arith.index_cast %get3A_1741 : i32 to index
        %get3A_1743 = arith.index_cast %add3A_1740 : i32 to index
        %get3A_1744 = tpu.vector_load %arg6[%get3A_1742, %get3A_1743] {strides = array<i32>} : memref<1x19968xf32, #tpu.memory_space<vmem>>, vector<16xf32>,
        %max3A_1745 = arith.maximumf %max3A_1736, %get3A_1744 : vector<16xf32>
        %mul3A_1746 = arith.constant 512 : i32
        %mul3A_1747 = arith.muli %scan3A_1702, %mul3A_1746 : i32
        %add3A_1748 = arith.constant 64 : i32
        %add3A_1749 = arith.addi %mul3A_1747, %add3A_1748 : i32
        %get3A_1750 = arith.constant 0 : i32
        %get3A_1751 = arith.index_cast %get3A_1750 : i32 to index
        %get3A_1752 = arith.index_cast %add3A_1749 : i32 to index
        %get3A_1753 = tpu.vector_load %arg6[%get3A_1751, %get3A_1752] {strides = array<i32>} : memref<1x19968xf32, #tpu.memory_space<vmem>>, vector<16xf32>,
        %max3A_1754 = arith.maximumf %max3A_1745, %get3A_1753 : vector<16xf32>
        %mul3A_1755 = arith.constant 512 : i32
        %mul3A_1756 = arith.muli %scan3A_1702, %mul3A_1755 : i32
        %add3A_1757 = arith.constant 80 : i32
        %add3A_1758 = arith.addi %mul3A_1756, %add3A_1757 : i32
        %get3A_1759 = arith.constant 0 : i32
        %get3A_1760 = arith.index_cast %get3A_1759 : i32 to index
        %get3A_1761 = arith.index_cast %add3A_1758 : i32 to index
        %get3A_1762 = tpu.vector_load %arg6[%get3A_1760, %get3A_1761] {strides = array<i32>} : memref<1x19968xf32, #tpu.memory_space<vmem>>, vector<16xf32>,
        %max3A_1763 = arith.maximumf %max3A_1754, %get3A_1762 : vector<16xf32>
        %mul3A_1764 = arith.constant 512 : i32
        %mul3A_1765 = arith.muli %scan3A_1702, %mul3A_1764 : i32
        %add3A_1766 = arith.constant 96 : i32
        %add3A_1767 = arith.addi %mul3A_1765, %add3A_1766 : i32
        %get3A_1768 = arith.constant 0 : i32
        %get3A_1769 = arith.index_cast %get3A_1768 : i32 to index
        %get3A_1770 = arith.index_cast %add3A_1767 : i32 to index
        %get3A_1771 = tpu.vector_load %arg6[%get3A_1769, %get3A_1770] {strides = array<i32>} : memref<1x19968xf32, #tpu.memory_space<vmem>>, vector<16xf32>,
        %max3A_1772 = arith.maximumf %max3A_1763, %get3A_1771 : vector<16xf32>
        %mul3A_1773 = arith.constant 512 : i32
        %mul3A_1774 = arith.muli %scan3A_1702, %mul3A_1773 : i32
        %add3A_1775 = arith.constant 112 : i32
        %add3A_1776 = arith.addi %mul3A_1774, %add3A_1775 : i32
        %get3A_1777 = arith.constant 0 : i32
        %get3A_1778 = arith.index_cast %get3A_1777 : i32 to index
        %get3A_1779 = arith.index_cast %add3A_1776 : i32 to index
        %get3A_1780 = tpu.vector_load %arg6[%get3A_1778, %get3A_1779] {strides = array<i32>} : memref<1x19968xf32, #tpu.memory_space<vmem>>, vector<16xf32>,
        %max3A_1781 = arith.maximumf %max3A_1772, %get3A_1780 : vector<16xf32>
        %mul3A_1782 = arith.constant 512 : i32
        %mul3A_1783 = arith.muli %scan3A_1702, %mul3A_1782 : i32
        %add3A_1784 = arith.constant 128 : i32
        %add3A_1785 = arith.addi %mul3A_1783, %add3A_1784 : i32
        %get3A_1786 = arith.constant 0 : i32
        %get3A_1787 = arith.index_cast %get3A_1786 : i32 to index
        %get3A_1788 = arith.index_cast %add3A_1785 : i32 to index
        %get3A_1789 = tpu.vector_load %arg6[%get3A_1787, %get3A_1788] {strides = array<i32>} : memref<1x19968xf32, #tpu.memory_space<vmem>>, vector<16xf32>,
        %max3A_1790 = arith.maximumf %max3A_1781, %get3A_1789 : vector<16xf32>
        %mul3A_1791 = arith.constant 512 : i32
        %mul3A_1792 = arith.muli %scan3A_1702, %mul3A_1791 : i32
        %add3A_1793 = arith.constant 144 : i32
        %add3A_1794 = arith.addi %mul3A_1792, %add3A_1793 : i32
        %get3A_1795 = arith.constant 0 : i32
        %get3A_1796 = arith.index_cast %get3A_1795 : i32 to index
        %get3A_1797 = arith.index_cast %add3A_1794 : i32 to index
        %get3A_1798 = tpu.vector_load %arg6[%get3A_1796, %get3A_1797] {strides = array<i32>} : memref<1x19968xf32, #tpu.memory_space<vmem>>, vector<16xf32>,
        %max3A_1799 = arith.maximumf %max3A_1790, %get3A_1798 : vector<16xf32>
        %mul3A_1800 = arith.constant 512 : i32
        %mul3A_1801 = arith.muli %scan3A_1702, %mul3A_1800 : i32
        %add3A_1802 = arith.constant 160 : i32
        %add3A_1803 = arith.addi %mul3A_1801, %add3A_1802 : i32
        %get3A_1804 = arith.constant 0 : i32
        %get3A_1805 = arith.index_cast %get3A_1804 : i32 to index
        %get3A_1806 = arith.index_cast %add3A_1803 : i32 to index
        %get3A_1807 = tpu.vector_load %arg6[%get3A_1805, %get3A_1806] {strides = array<i32>} : memref<1x19968xf32, #tpu.memory_space<vmem>>, vector<16xf32>,
        %max3A_1808 = arith.maximumf %max3A_1799, %get3A_1807 : vector<16xf32>
        %mul3A_1809 = arith.constant 512 : i32
        %mul3A_1810 = arith.muli %scan3A_1702, %mul3A_1809 : i32
        %add3A_1811 = arith.constant 176 : i32
        %add3A_1812 = arith.addi %mul3A_1810, %add3A_1811 : i32
        %get3A_1813 = arith.constant 0 : i32
        %get3A_1814 = arith.index_cast %get3A_1813 : i32 to index
        %get3A_1815 = arith.index_cast %add3A_1812 : i32 to index
        %get3A_1816 = tpu.vector_load %arg6[%get3A_1814, %get3A_1815] {strides = array<i32>} : memref<1x19968xf32, #tpu.memory_space<vmem>>, vector<16xf32>,
        %max3A_1817 = arith.maximumf %max3A_1808, %get3A_1816 : vector<16xf32>
        %mul3A_1818 = arith.constant 512 : i32
        %mul3A_1819 = arith.muli %scan3A_1702, %mul3A_1818 : i32
        %add3A_1820 = arith.constant 192 : i32
        %add3A_1821 = arith.addi %mul3A_1819, %add3A_1820 : i32
        %get3A_1822 = arith.constant 0 : i32
        %get3A_1823 = arith.index_cast %get3A_1822 : i32 to index
        %get3A_1824 = arith.index_cast %add3A_1821 : i32 to index
        %get3A_1825 = tpu.vector_load %arg6[%get3A_1823, %get3A_1824] {strides = array<i32>} : memref<1x19968xf32, #tpu.memory_space<vmem>>, vector<16xf32>,
        %max3A_1826 = arith.maximumf %max3A_1817, %get3A_1825 : vector<16xf32>
        %mul3A_1827 = arith.constant 512 : i32
        %mul3A_1828 = arith.muli %scan3A_1702, %mul3A_1827 : i32
        %add3A_1829 = arith.constant 208 : i32
        %add3A_1830 = arith.addi %mul3A_1828, %add3A_1829 : i32
        %get3A_1831 = arith.constant 0 : i32
        %get3A_1832 = arith.index_cast %get3A_1831 : i32 to index
        %get3A_1833 = arith.index_cast %add3A_1830 : i32 to index
        %get3A_1834 = tpu.vector_load %arg6[%get3A_1832, %get3A_1833] {strides = array<i32>} : memref<1x19968xf32, #tpu.memory_space<vmem>>, vector<16xf32>,
        %max3A_1835 = arith.maximumf %max3A_1826, %get3A_1834 : vector<16xf32>
        %mul3A_1836 = arith.constant 512 : i32
        %mul3A_1837 = arith.muli %scan3A_1702, %mul3A_1836 : i32
        %add3A_1838 = arith.constant 224 : i32
        %add3A_1839 = arith.addi %mul3A_1837, %add3A_1838 : i32
        %get3A_1840 = arith.constant 0 : i32
        %get3A_1841 = arith.index_cast %get3A_1840 : i32 to index
        %get3A_1842 = arith.index_cast %add3A_1839 : i32 to index
        %get3A_1843 = tpu.vector_load %arg6[%get3A_1841, %get3A_1842] {strides = array<i32>} : memref<1x19968xf32, #tpu.memory_space<vmem>>, vector<16xf32>,
        %max3A_1844 = arith.maximumf %max3A_1835, %get3A_1843 : vector<16xf32>
        %mul3A_1845 = arith.constant 512 : i32
        %mul3A_1846 = arith.muli %scan3A_1702, %mul3A_1845 : i32
        %add3A_1847 = arith.constant 240 : i32
        %add3A_1848 = arith.addi %mul3A_1846, %add3A_1847 : i32
        %get3A_1849 = arith.constant 0 : i32
        %get3A_1850 = arith.index_cast %get3A_1849 : i32 to index
        %get3A_1851 = arith.index_cast %add3A_1848 : i32 to index
        %get3A_1852 = tpu.vector_load %arg6[%get3A_1850, %get3A_1851] {strides = array<i32>} : memref<1x19968xf32, #tpu.memory_space<vmem>>, vector<16xf32>,
        %max3A_1853 = arith.maximumf %max3A_1844, %get3A_1852 : vector<16xf32>
        %mul3A_1854 = arith.constant 512 : i32
        %mul3A_1855 = arith.muli %scan3A_1702, %mul3A_1854 : i32
        %add3A_1856 = arith.constant 256 : i32
        %add3A_1857 = arith.addi %mul3A_1855, %add3A_1856 : i32
        %get3A_1858 = arith.constant 0 : i32
        %get3A_1859 = arith.index_cast %get3A_1858 : i32 to index
        %get3A_1860 = arith.index_cast %add3A_1857 : i32 to index
        %get3A_1861 = tpu.vector_load %arg6[%get3A_1859, %get3A_1860] {strides = array<i32>} : memref<1x19968xf32, #tpu.memory_space<vmem>>, vector<16xf32>,
        %max3A_1862 = arith.maximumf %max3A_1853, %get3A_1861 : vector<16xf32>
        %mul3A_1863 = arith.constant 512 : i32
        %mul3A_1864 = arith.muli %scan3A_1702, %mul3A_1863 : i32
        %add3A_1865 = arith.constant 272 : i32
        %add3A_1866 = arith.addi %mul3A_1864, %add3A_1865 : i32
        %get3A_1867 = arith.constant 0 : i32
        %get3A_1868 = arith.index_cast %get3A_1867 : i32 to index
        %get3A_1869 = arith.index_cast %add3A_1866 : i32 to index
        %get3A_1870 = tpu.vector_load %arg6[%get3A_1868, %get3A_1869] {strides = array<i32>} : memref<1x19968xf32, #tpu.memory_space<vmem>>, vector<16xf32>,
        %max3A_1871 = arith.maximumf %max3A_1862, %get3A_1870 : vector<16xf32>
        %mul3A_1872 = arith.constant 512 : i32
        %mul3A_1873 = arith.muli %scan3A_1702, %mul3A_1872 : i32
        %add3A_1874 = arith.constant 288 : i32
        %add3A_1875 = arith.addi %mul3A_1873, %add3A_1874 : i32
        %get3A_1876 = arith.constant 0 : i32
        %get3A_1877 = arith.index_cast %get3A_1876 : i32 to index
        %get3A_1878 = arith.index_cast %add3A_1875 : i32 to index
        %get3A_1879 = tpu.vector_load %arg6[%get3A_1877, %get3A_1878] {strides = array<i32>} : memref<1x19968xf32, #tpu.memory_space<vmem>>, vector<16xf32>,
        %max3A_1880 = arith.maximumf %max3A_1871, %get3A_1879 : vector<16xf32>
        %mul3A_1881 = arith.constant 512 : i32
        %mul3A_1882 = arith.muli %scan3A_1702, %mul3A_1881 : i32
        %add3A_1883 = arith.constant 304 : i32
        %add3A_1884 = arith.addi %mul3A_1882, %add3A_1883 : i32
        %get3A_1885 = arith.constant 0 : i32
        %get3A_1886 = arith.index_cast %get3A_1885 : i32 to index
        %get3A_1887 = arith.index_cast %add3A_1884 : i32 to index
        %get3A_1888 = tpu.vector_load %arg6[%get3A_1886, %get3A_1887] {strides = array<i32>} : memref<1x19968xf32, #tpu.memory_space<vmem>>, vector<16xf32>,
        %max3A_1889 = arith.maximumf %max3A_1880, %get3A_1888 : vector<16xf32>
        %mul3A_1890 = arith.constant 512 : i32
        %mul3A_1891 = arith.muli %scan3A_1702, %mul3A_1890 : i32
        %add3A_1892 = arith.constant 320 : i32
        %add3A_1893 = arith.addi %mul3A_1891, %add3A_1892 : i32
        %get3A_1894 = arith.constant 0 : i32
        %get3A_1895 = arith.index_cast %get3A_1894 : i32 to index
        %get3A_1896 = arith.index_cast %add3A_1893 : i32 to index
        %get3A_1897 = tpu.vector_load %arg6[%get3A_1895, %get3A_1896] {strides = array<i32>} : memref<1x19968xf32, #tpu.memory_space<vmem>>, vector<16xf32>,
        %max3A_1898 = arith.maximumf %max3A_1889, %get3A_1897 : vector<16xf32>
        %mul3A_1899 = arith.constant 512 : i32
        %mul3A_1900 = arith.muli %scan3A_1702, %mul3A_1899 : i32
        %add3A_1901 = arith.constant 336 : i32
        %add3A_1902 = arith.addi %mul3A_1900, %add3A_1901 : i32
        %get3A_1903 = arith.constant 0 : i32
        %get3A_1904 = arith.index_cast %get3A_1903 : i32 to index
        %get3A_1905 = arith.index_cast %add3A_1902 : i32 to index
        %get3A_1906 = tpu.vector_load %arg6[%get3A_1904, %get3A_1905] {strides = array<i32>} : memref<1x19968xf32, #tpu.memory_space<vmem>>, vector<16xf32>,
        %max3A_1907 = arith.maximumf %max3A_1898, %get3A_1906 : vector<16xf32>
        %mul3A_1908 = arith.constant 512 : i32
        %mul3A_1909 = arith.muli %scan3A_1702, %mul3A_1908 : i32
        %add3A_1910 = arith.constant 352 : i32
        %add3A_1911 = arith.addi %mul3A_1909, %add3A_1910 : i32
        %get3A_1912 = arith.constant 0 : i32
        %get3A_1913 = arith.index_cast %get3A_1912 : i32 to index
        %get3A_1914 = arith.index_cast %add3A_1911 : i32 to index
        %get3A_1915 = tpu.vector_load %arg6[%get3A_1913, %get3A_1914] {strides = array<i32>} : memref<1x19968xf32, #tpu.memory_space<vmem>>, vector<16xf32>,
        %max3A_1916 = arith.maximumf %max3A_1907, %get3A_1915 : vector<16xf32>
        %mul3A_1917 = arith.constant 512 : i32
        %mul3A_1918 = arith.muli %scan3A_1702, %mul3A_1917 : i32
        %add3A_1919 = arith.constant 368 : i32
        %add3A_1920 = arith.addi %mul3A_1918, %add3A_1919 : i32
        %get3A_1921 = arith.constant 0 : i32
        %get3A_1922 = arith.index_cast %get3A_1921 : i32 to index
        %get3A_1923 = arith.index_cast %add3A_1920 : i32 to index
        %get3A_1924 = tpu.vector_load %arg6[%get3A_1922, %get3A_1923] {strides = array<i32>} : memref<1x19968xf32, #tpu.memory_space<vmem>>, vector<16xf32>,
        %max3A_1925 = arith.maximumf %max3A_1916, %get3A_1924 : vector<16xf32>
        %mul3A_1926 = arith.constant 512 : i32
        %mul3A_1927 = arith.muli %scan3A_1702, %mul3A_1926 : i32
        %add3A_1928 = arith.constant 384 : i32
        %add3A_1929 = arith.addi %mul3A_1927, %add3A_1928 : i32
        %get3A_1930 = arith.constant 0 : i32
        %get3A_1931 = arith.index_cast %get3A_1930 : i32 to index
        %get3A_1932 = arith.index_cast %add3A_1929 : i32 to index
        %get3A_1933 = tpu.vector_load %arg6[%get3A_1931, %get3A_1932] {strides = array<i32>} : memref<1x19968xf32, #tpu.memory_space<vmem>>, vector<16xf32>,
        %max3A_1934 = arith.maximumf %max3A_1925, %get3A_1933 : vector<16xf32>
        %mul3A_1935 = arith.constant 512 : i32
        %mul3A_1936 = arith.muli %scan3A_1702, %mul3A_1935 : i32
        %add3A_1937 = arith.constant 400 : i32
        %add3A_1938 = arith.addi %mul3A_1936, %add3A_1937 : i32
        %get3A_1939 = arith.constant 0 : i32
        %get3A_1940 = arith.index_cast %get3A_1939 : i32 to index
        %get3A_1941 = arith.index_cast %add3A_1938 : i32 to index
        %get3A_1942 = tpu.vector_load %arg6[%get3A_1940, %get3A_1941] {strides = array<i32>} : memref<1x19968xf32, #tpu.memory_space<vmem>>, vector<16xf32>,
        %max3A_1943 = arith.maximumf %max3A_1934, %get3A_1942 : vector<16xf32>
        %mul3A_1944 = arith.constant 512 : i32
        %mul3A_1945 = arith.muli %scan3A_1702, %mul3A_1944 : i32
        %add3A_1946 = arith.constant 416 : i32
        %add3A_1947 = arith.addi %mul3A_1945, %add3A_1946 : i32
        %get3A_1948 = arith.constant 0 : i32
        %get3A_1949 = arith.index_cast %get3A_1948 : i32 to index
        %get3A_1950 = arith.index_cast %add3A_1947 : i32 to index
        %get3A_1951 = tpu.vector_load %arg6[%get3A_1949, %get3A_1950] {strides = array<i32>} : memref<1x19968xf32, #tpu.memory_space<vmem>>, vector<16xf32>,
        %max3A_1952 = arith.maximumf %max3A_1943, %get3A_1951 : vector<16xf32>
        %mul3A_1953 = arith.constant 512 : i32
        %mul3A_1954 = arith.muli %scan3A_1702, %mul3A_1953 : i32
        %add3A_1955 = arith.constant 432 : i32
        %add3A_1956 = arith.addi %mul3A_1954, %add3A_1955 : i32
        %get3A_1957 = arith.constant 0 : i32
        %get3A_1958 = arith.index_cast %get3A_1957 : i32 to index
        %get3A_1959 = arith.index_cast %add3A_1956 : i32 to index
        %get3A_1960 = tpu.vector_load %arg6[%get3A_1958, %get3A_1959] {strides = array<i32>} : memref<1x19968xf32, #tpu.memory_space<vmem>>, vector<16xf32>,
        %max3A_1961 = arith.maximumf %max3A_1952, %get3A_1960 : vector<16xf32>
        %mul3A_1962 = arith.constant 512 : i32
        %mul3A_1963 = arith.muli %scan3A_1702, %mul3A_1962 : i32
        %add3A_1964 = arith.constant 448 : i32
        %add3A_1965 = arith.addi %mul3A_1963, %add3A_1964 : i32
        %get3A_1966 = arith.constant 0 : i32
        %get3A_1967 = arith.index_cast %get3A_1966 : i32 to index
        %get3A_1968 = arith.index_cast %add3A_1965 : i32 to index
        %get3A_1969 = tpu.vector_load %arg6[%get3A_1967, %get3A_1968] {strides = array<i32>} : memref<1x19968xf32, #tpu.memory_space<vmem>>, vector<16xf32>,
        %max3A_1970 = arith.maximumf %max3A_1961, %get3A_1969 : vector<16xf32>
        %mul3A_1971 = arith.constant 512 : i32
        %mul3A_1972 = arith.muli %scan3A_1702, %mul3A_1971 : i32
        %add3A_1973 = arith.constant 464 : i32
        %add3A_1974 = arith.addi %mul3A_1972, %add3A_1973 : i32
        %get3A_1975 = arith.constant 0 : i32
        %get3A_1976 = arith.index_cast %get3A_1975 : i32 to index
        %get3A_1977 = arith.index_cast %add3A_1974 : i32 to index
        %get3A_1978 = tpu.vector_load %arg6[%get3A_1976, %get3A_1977] {strides = array<i32>} : memref<1x19968xf32, #tpu.memory_space<vmem>>, vector<16xf32>,
        %max3A_1979 = arith.maximumf %max3A_1970, %get3A_1978 : vector<16xf32>
        %mul3A_1980 = arith.constant 512 : i32
        %mul3A_1981 = arith.muli %scan3A_1702, %mul3A_1980 : i32
        %add3A_1982 = arith.constant 480 : i32
        %add3A_1983 = arith.addi %mul3A_1981, %add3A_1982 : i32
        %get3A_1984 = arith.constant 0 : i32
        %get3A_1985 = arith.index_cast %get3A_1984 : i32 to index
        %get3A_1986 = arith.index_cast %add3A_1983 : i32 to index
        %get3A_1987 = tpu.vector_load %arg6[%get3A_1985, %get3A_1986] {strides = array<i32>} : memref<1x19968xf32, #tpu.memory_space<vmem>>, vector<16xf32>,
        %max3A_1988 = arith.maximumf %max3A_1979, %get3A_1987 : vector<16xf32>
        %mul3A_1989 = arith.constant 512 : i32
        %mul3A_1990 = arith.muli %scan3A_1702, %mul3A_1989 : i32
        %add3A_1991 = arith.constant 496 : i32
        %add3A_1992 = arith.addi %mul3A_1990, %add3A_1991 : i32
        %get3A_1993 = arith.constant 0 : i32
        %get3A_1994 = arith.index_cast %get3A_1993 : i32 to index
        %get3A_1995 = arith.index_cast %add3A_1992 : i32 to index
        %get3A_1996 = tpu.vector_load %arg6[%get3A_1994, %get3A_1995] {strides = array<i32>} : memref<1x19968xf32, #tpu.memory_space<vmem>>, vector<16xf32>,
        %max3A_1997 = arith.maximumf %max3A_1988, %get3A_1996 : vector<16xf32>
        %add3A_1998 = arith.constant 39 : i32
        %add3A_1999 = arith.addi %add3A_1998, %scan3A_1702 : i32
        %mul3A_2000 = arith.constant 16 : i32
        %mul3A_2001 = arith.muli %add3A_1999, %mul3A_2000 : i32
        %add3A_2002 = vector.broadcast %mul3A_2001 : i32 to vector<16xi32>
        %add3A_2003 = arith.addi %add3A_2002, %iota3A : vector<16xi32>
        %gt3A_2004 = arith.cmpf ogt, %max3A_1997, %scan3A_1703 : vector<16xf32>
        %select_n3A_2005 = arith.select %gt3A_2004, %max3A_1997, %scan3A_1703 : vector<16xi1>, vector<16xf32>
        %select_n3A_2006 = arith.select %gt3A_2004, %add3A_2003, %scan3A_1708 : vector<16xi1>, vector<16xi32>
        %select_n3A_2007 = arith.select %gt3A_2004, %scan3A_1703, %max3A_1997 : vector<16xi1>, vector<16xf32>
        %select_n3A_2008 = arith.select %gt3A_2004, %scan3A_1708, %add3A_2003 : vector<16xi1>, vector<16xi32>
        %gt3A_2009 = arith.cmpf ogt, %select_n3A_2007, %scan3A_1704 : vector<16xf32>
        %select_n3A_2010 = arith.select %gt3A_2009, %select_n3A_2007, %scan3A_1704 : vector<16xi1>, vector<16xf32>
        %select_n3A_2011 = arith.select %gt3A_2009, %select_n3A_2008, %scan3A_1709 : vector<16xi1>, vector<16xi32>
        %select_n3A_2012 = arith.select %gt3A_2009, %scan3A_1704, %select_n3A_2007 : vector<16xi1>, vector<16xf32>
        %select_n3A_2013 = arith.select %gt3A_2009, %scan3A_1709, %select_n3A_2008 : vector<16xi1>, vector<16xi32>
        %gt3A_2014 = arith.cmpf ogt, %select_n3A_2012, %scan3A_1705 : vector<16xf32>
        %select_n3A_2015 = arith.select %gt3A_2014, %select_n3A_2012, %scan3A_1705 : vector<16xi1>, vector<16xf32>
        %select_n3A_2016 = arith.select %gt3A_2014, %select_n3A_2013, %scan3A_1710 : vector<16xi1>, vector<16xi32>
        %select_n3A_2017 = arith.select %gt3A_2014, %scan3A_1705, %select_n3A_2012 : vector<16xi1>, vector<16xf32>
        %select_n3A_2018 = arith.select %gt3A_2014, %scan3A_1710, %select_n3A_2013 : vector<16xi1>, vector<16xi32>
        %gt3A_2019 = arith.cmpf ogt, %select_n3A_2017, %scan3A_1706 : vector<16xf32>
        %select_n3A_2020 = arith.select %gt3A_2019, %select_n3A_2017, %scan3A_1706 : vector<16xi1>, vector<16xf32>
        %select_n3A_2021 = arith.select %gt3A_2019, %select_n3A_2018, %scan3A_1711 : vector<16xi1>, vector<16xi32>
        %select_n3A_2022 = arith.select %gt3A_2019, %scan3A_1706, %select_n3A_2017 : vector<16xi1>, vector<16xf32>
        %select_n3A_2023 = arith.select %gt3A_2019, %scan3A_1711, %select_n3A_2018 : vector<16xi1>, vector<16xi32>
        %gt3A_2024 = arith.cmpf ogt, %select_n3A_2022, %scan3A_1707 : vector<16xf32>
        %select_n3A_2025 = arith.select %gt3A_2024, %select_n3A_2022, %scan3A_1707 : vector<16xi1>, vector<16xf32>
        %select_n3A_2026 = arith.select %gt3A_2024, %select_n3A_2023, %scan3A_1712 : vector<16xi1>, vector<16xi32>
        %select_n3A_2027 = arith.select %gt3A_2024, %scan3A_1707, %select_n3A_2022 : vector<16xi1>, vector<16xf32>
        %select_n3A_2028 = arith.select %gt3A_2024, %scan3A_1712, %select_n3A_2023 : vector<16xi1>, vector<16xi32>
        scf.yield %select_n3A_2005, %select_n3A_2010, %select_n3A_2015, %select_n3A_2020, %select_n3A_2025, %select_n3A_2006, %select_n3A_2011, %select_n3A_2016, %select_n3A_2021, %select_n3A_2026 : vector<16xf32>, vector<16xf32>, vector<16xf32>, vector<16xf32>, vector<16xf32>, vector<16xi32>, vector<16xi32>, vector<16xi32>, vector<16xi32>, vector<16xi32>
      }
      %scan3A_642 = arith.constant 39 : i32
      %dma_start3A_643 = arith.constant 0 : i32
      %dma_start3A_644 = arith.constant 0 : i32
      %dma_start3A_645 = tpu.memref_slice %arg6[%dma_start3A_643, %dma_start3A_644] : memref<1x19968xf32, #tpu.memory_space<vmem>> -> memref<1x19968xf32, #tpu.memory_space<vmem>>
      %dma_start3A_646 = tpu.memref_slice %arg10[%mul3A_599] : memref<16xi32, #tpu.memory_space<vmem>> -> memref<1xi32, #tpu.memory_space<vmem>>
      %dma_start3A_647 = arith.constant 0 : i32
      %dma_start3A_648 = arith.constant 79872 : i32
      %dma_start3A_649 = tpu.memref_slice %arg2[%dma_start3A_647, %dma_start3A_648] : memref<160x100000xf32, #tpu.memory_space<hbm>> -> memref<160x19968xf32, #tpu.memory_space<hbm>>
      tpu.enqueue_indirect_dma source(%dma_start3A_649 : memref<160x19968xf32, #tpu.memory_space<hbm>>) target(%dma_start3A_645 : memref<1x19968xf32, #tpu.memory_space<vmem>>) offsets(%dma_start3A_646 : memref<1xi32, #tpu.memory_space<vmem>>) semaphore(%arg15 : memref<!tpu.dma_semaphore, #tpu.memory_space<semaphore_mem>>)
      %dma_wait3A_650 = arith.constant 0 : i32
      %dma_wait3A_651 = arith.constant 0 : i32
      %dma_wait3A_652 = tpu.memref_slice %arg7[%dma_wait3A_650, %dma_wait3A_651] : memref<1x19968xf32, #tpu.memory_space<vmem>> -> memref<1x19968xf32, #tpu.memory_space<vmem>>
      %dma_wait3A_653 = tpu.memref_slice %arg10[%mul3A_599] : memref<16xi32, #tpu.memory_space<vmem>> -> memref<1xi32, #tpu.memory_space<vmem>>
      %dma_wait3A_654 = arith.constant 0 : i32
      %dma_wait3A_655 = arith.constant 39936 : i32
      %dma_wait3A_656 = tpu.memref_slice %arg2[%dma_wait3A_654, %dma_wait3A_655] : memref<160x100000xf32, #tpu.memory_space<hbm>> -> memref<160x19968xf32, #tpu.memory_space<hbm>>
      tpu.wait_indirect_dma semaphore(%arg16 : memref<!tpu.dma_semaphore, #tpu.memory_space<semaphore_mem>>) src(%dma_wait3A_656 : memref<160x19968xf32, #tpu.memory_space<hbm>>) dst(%dma_wait3A_652 : memref<1x19968xf32, #tpu.memory_space<vmem>>)
      %scan3A_657 = arith.constant 0 : i32
      %scan3A_658 = arith.constant 39 : i32
      %scan3A_659 = arith.addi %scan3A_657, %scan3A_658 : i32
      %scan3A_660 = arith.constant 1 : i32
      %scan3A_661:10 = scf.for %scan3A_1702 = %scan3A_657 to %scan3A_659 step %scan3A_660 iter_args(%scan3A_1703 = %scan3A_641#0, %scan3A_1704 = %scan3A_641#1, %scan3A_1705 = %scan3A_641#2, %scan3A_1706 = %scan3A_641#3, %scan3A_1707 = %scan3A_641#4, %scan3A_1708 = %scan3A_641#5, %scan3A_1709 = %scan3A_641#6, %scan3A_1710 = %scan3A_641#7, %scan3A_1711 = %scan3A_641#8, %scan3A_1712 = %scan3A_641#9) -> (vector<16xf32>, vector<16xf32>, vector<16xf32>, vector<16xf32>, vector<16xf32>, vector<16xi32>, vector<16xi32>, vector<16xi32>, vector<16xi32>, vector<16xi32>)  : i32 {
        %mul3A_1713 = arith.constant 512 : i32
        %mul3A_1714 = arith.muli %scan3A_1702, %mul3A_1713 : i32
        %get3A_1715 = arith.constant 0 : i32
        %get3A_1716 = arith.index_cast %get3A_1715 : i32 to index
        %get3A_1717 = arith.index_cast %mul3A_1714 : i32 to index
        %get3A_1718 = tpu.vector_load %arg7[%get3A_1716, %get3A_1717] {strides = array<i32>} : memref<1x19968xf32, #tpu.memory_space<vmem>>, vector<16xf32>,
        %mul3A_1719 = arith.constant 512 : i32
        %mul3A_1720 = arith.muli %scan3A_1702, %mul3A_1719 : i32
        %add3A_1721 = arith.constant 16 : i32
        %add3A_1722 = arith.addi %mul3A_1720, %add3A_1721 : i32
        %get3A_1723 = arith.constant 0 : i32
        %get3A_1724 = arith.index_cast %get3A_1723 : i32 to index
        %get3A_1725 = arith.index_cast %add3A_1722 : i32 to index
        %get3A_1726 = tpu.vector_load %arg7[%get3A_1724, %get3A_1725] {strides = array<i32>} : memref<1x19968xf32, #tpu.memory_space<vmem>>, vector<16xf32>,
        %max3A_1727 = arith.maximumf %get3A_1718, %get3A_1726 : vector<16xf32>
        %mul3A_1728 = arith.constant 512 : i32
        %mul3A_1729 = arith.muli %scan3A_1702, %mul3A_1728 : i32
        %add3A_1730 = arith.constant 32 : i32
        %add3A_1731 = arith.addi %mul3A_1729, %add3A_1730 : i32
        %get3A_1732 = arith.constant 0 : i32
        %get3A_1733 = arith.index_cast %get3A_1732 : i32 to index
        %get3A_1734 = arith.index_cast %add3A_1731 : i32 to index
        %get3A_1735 = tpu.vector_load %arg7[%get3A_1733, %get3A_1734] {strides = array<i32>} : memref<1x19968xf32, #tpu.memory_space<vmem>>, vector<16xf32>,
        %max3A_1736 = arith.maximumf %max3A_1727, %get3A_1735 : vector<16xf32>
        %mul3A_1737 = arith.constant 512 : i32
        %mul3A_1738 = arith.muli %scan3A_1702, %mul3A_1737 : i32
        %add3A_1739 = arith.constant 48 : i32
        %add3A_1740 = arith.addi %mul3A_1738, %add3A_1739 : i32
        %get3A_1741 = arith.constant 0 : i32
        %get3A_1742 = arith.index_cast %get3A_1741 : i32 to index
        %get3A_1743 = arith.index_cast %add3A_1740 : i32 to index
        %get3A_1744 = tpu.vector_load %arg7[%get3A_1742, %get3A_1743] {strides = array<i32>} : memref<1x19968xf32, #tpu.memory_space<vmem>>, vector<16xf32>,
        %max3A_1745 = arith.maximumf %max3A_1736, %get3A_1744 : vector<16xf32>
        %mul3A_1746 = arith.constant 512 : i32
        %mul3A_1747 = arith.muli %scan3A_1702, %mul3A_1746 : i32
        %add3A_1748 = arith.constant 64 : i32
        %add3A_1749 = arith.addi %mul3A_1747, %add3A_1748 : i32
        %get3A_1750 = arith.constant 0 : i32
        %get3A_1751 = arith.index_cast %get3A_1750 : i32 to index
        %get3A_1752 = arith.index_cast %add3A_1749 : i32 to index
        %get3A_1753 = tpu.vector_load %arg7[%get3A_1751, %get3A_1752] {strides = array<i32>} : memref<1x19968xf32, #tpu.memory_space<vmem>>, vector<16xf32>,
        %max3A_1754 = arith.maximumf %max3A_1745, %get3A_1753 : vector<16xf32>
        %mul3A_1755 = arith.constant 512 : i32
        %mul3A_1756 = arith.muli %scan3A_1702, %mul3A_1755 : i32
        %add3A_1757 = arith.constant 80 : i32
        %add3A_1758 = arith.addi %mul3A_1756, %add3A_1757 : i32
        %get3A_1759 = arith.constant 0 : i32
        %get3A_1760 = arith.index_cast %get3A_1759 : i32 to index
        %get3A_1761 = arith.index_cast %add3A_1758 : i32 to index
        %get3A_1762 = tpu.vector_load %arg7[%get3A_1760, %get3A_1761] {strides = array<i32>} : memref<1x19968xf32, #tpu.memory_space<vmem>>, vector<16xf32>,
        %max3A_1763 = arith.maximumf %max3A_1754, %get3A_1762 : vector<16xf32>
        %mul3A_1764 = arith.constant 512 : i32
        %mul3A_1765 = arith.muli %scan3A_1702, %mul3A_1764 : i32
        %add3A_1766 = arith.constant 96 : i32
        %add3A_1767 = arith.addi %mul3A_1765, %add3A_1766 : i32
        %get3A_1768 = arith.constant 0 : i32
        %get3A_1769 = arith.index_cast %get3A_1768 : i32 to index
        %get3A_1770 = arith.index_cast %add3A_1767 : i32 to index
        %get3A_1771 = tpu.vector_load %arg7[%get3A_1769, %get3A_1770] {strides = array<i32>} : memref<1x19968xf32, #tpu.memory_space<vmem>>, vector<16xf32>,
        %max3A_1772 = arith.maximumf %max3A_1763, %get3A_1771 : vector<16xf32>
        %mul3A_1773 = arith.constant 512 : i32
        %mul3A_1774 = arith.muli %scan3A_1702, %mul3A_1773 : i32
        %add3A_1775 = arith.constant 112 : i32
        %add3A_1776 = arith.addi %mul3A_1774, %add3A_1775 : i32
        %get3A_1777 = arith.constant 0 : i32
        %get3A_1778 = arith.index_cast %get3A_1777 : i32 to index
        %get3A_1779 = arith.index_cast %add3A_1776 : i32 to index
        %get3A_1780 = tpu.vector_load %arg7[%get3A_1778, %get3A_1779] {strides = array<i32>} : memref<1x19968xf32, #tpu.memory_space<vmem>>, vector<16xf32>,
        %max3A_1781 = arith.maximumf %max3A_1772, %get3A_1780 : vector<16xf32>
        %mul3A_1782 = arith.constant 512 : i32
        %mul3A_1783 = arith.muli %scan3A_1702, %mul3A_1782 : i32
        %add3A_1784 = arith.constant 128 : i32
        %add3A_1785 = arith.addi %mul3A_1783, %add3A_1784 : i32
        %get3A_1786 = arith.constant 0 : i32
        %get3A_1787 = arith.index_cast %get3A_1786 : i32 to index
        %get3A_1788 = arith.index_cast %add3A_1785 : i32 to index
        %get3A_1789 = tpu.vector_load %arg7[%get3A_1787, %get3A_1788] {strides = array<i32>} : memref<1x19968xf32, #tpu.memory_space<vmem>>, vector<16xf32>,
        %max3A_1790 = arith.maximumf %max3A_1781, %get3A_1789 : vector<16xf32>
        %mul3A_1791 = arith.constant 512 : i32
        %mul3A_1792 = arith.muli %scan3A_1702, %mul3A_1791 : i32
        %add3A_1793 = arith.constant 144 : i32
        %add3A_1794 = arith.addi %mul3A_1792, %add3A_1793 : i32
        %get3A_1795 = arith.constant 0 : i32
        %get3A_1796 = arith.index_cast %get3A_1795 : i32 to index
        %get3A_1797 = arith.index_cast %add3A_1794 : i32 to index
        %get3A_1798 = tpu.vector_load %arg7[%get3A_1796, %get3A_1797] {strides = array<i32>} : memref<1x19968xf32, #tpu.memory_space<vmem>>, vector<16xf32>,
        %max3A_1799 = arith.maximumf %max3A_1790, %get3A_1798 : vector<16xf32>
        %mul3A_1800 = arith.constant 512 : i32
        %mul3A_1801 = arith.muli %scan3A_1702, %mul3A_1800 : i32
        %add3A_1802 = arith.constant 160 : i32
        %add3A_1803 = arith.addi %mul3A_1801, %add3A_1802 : i32
        %get3A_1804 = arith.constant 0 : i32
        %get3A_1805 = arith.index_cast %get3A_1804 : i32 to index
        %get3A_1806 = arith.index_cast %add3A_1803 : i32 to index
        %get3A_1807 = tpu.vector_load %arg7[%get3A_1805, %get3A_1806] {strides = array<i32>} : memref<1x19968xf32, #tpu.memory_space<vmem>>, vector<16xf32>,
        %max3A_1808 = arith.maximumf %max3A_1799, %get3A_1807 : vector<16xf32>
        %mul3A_1809 = arith.constant 512 : i32
        %mul3A_1810 = arith.muli %scan3A_1702, %mul3A_1809 : i32
        %add3A_1811 = arith.constant 176 : i32
        %add3A_1812 = arith.addi %mul3A_1810, %add3A_1811 : i32
        %get3A_1813 = arith.constant 0 : i32
        %get3A_1814 = arith.index_cast %get3A_1813 : i32 to index
        %get3A_1815 = arith.index_cast %add3A_1812 : i32 to index
        %get3A_1816 = tpu.vector_load %arg7[%get3A_1814, %get3A_1815] {strides = array<i32>} : memref<1x19968xf32, #tpu.memory_space<vmem>>, vector<16xf32>,
        %max3A_1817 = arith.maximumf %max3A_1808, %get3A_1816 : vector<16xf32>
        %mul3A_1818 = arith.constant 512 : i32
        %mul3A_1819 = arith.muli %scan3A_1702, %mul3A_1818 : i32
        %add3A_1820 = arith.constant 192 : i32
        %add3A_1821 = arith.addi %mul3A_1819, %add3A_1820 : i32
        %get3A_1822 = arith.constant 0 : i32
        %get3A_1823 = arith.index_cast %get3A_1822 : i32 to index
        %get3A_1824 = arith.index_cast %add3A_1821 : i32 to index
        %get3A_1825 = tpu.vector_load %arg7[%get3A_1823, %get3A_1824] {strides = array<i32>} : memref<1x19968xf32, #tpu.memory_space<vmem>>, vector<16xf32>,
        %max3A_1826 = arith.maximumf %max3A_1817, %get3A_1825 : vector<16xf32>
        %mul3A_1827 = arith.constant 512 : i32
        %mul3A_1828 = arith.muli %scan3A_1702, %mul3A_1827 : i32
        %add3A_1829 = arith.constant 208 : i32
        %add3A_1830 = arith.addi %mul3A_1828, %add3A_1829 : i32
        %get3A_1831 = arith.constant 0 : i32
        %get3A_1832 = arith.index_cast %get3A_1831 : i32 to index
        %get3A_1833 = arith.index_cast %add3A_1830 : i32 to index
        %get3A_1834 = tpu.vector_load %arg7[%get3A_1832, %get3A_1833] {strides = array<i32>} : memref<1x19968xf32, #tpu.memory_space<vmem>>, vector<16xf32>,
        %max3A_1835 = arith.maximumf %max3A_1826, %get3A_1834 : vector<16xf32>
        %mul3A_1836 = arith.constant 512 : i32
        %mul3A_1837 = arith.muli %scan3A_1702, %mul3A_1836 : i32
        %add3A_1838 = arith.constant 224 : i32
        %add3A_1839 = arith.addi %mul3A_1837, %add3A_1838 : i32
        %get3A_1840 = arith.constant 0 : i32
        %get3A_1841 = arith.index_cast %get3A_1840 : i32 to index
        %get3A_1842 = arith.index_cast %add3A_1839 : i32 to index
        %get3A_1843 = tpu.vector_load %arg7[%get3A_1841, %get3A_1842] {strides = array<i32>} : memref<1x19968xf32, #tpu.memory_space<vmem>>, vector<16xf32>,
        %max3A_1844 = arith.maximumf %max3A_1835, %get3A_1843 : vector<16xf32>
        %mul3A_1845 = arith.constant 512 : i32
        %mul3A_1846 = arith.muli %scan3A_1702, %mul3A_1845 : i32
        %add3A_1847 = arith.constant 240 : i32
        %add3A_1848 = arith.addi %mul3A_1846, %add3A_1847 : i32
        %get3A_1849 = arith.constant 0 : i32
        %get3A_1850 = arith.index_cast %get3A_1849 : i32 to index
        %get3A_1851 = arith.index_cast %add3A_1848 : i32 to index
        %get3A_1852 = tpu.vector_load %arg7[%get3A_1850, %get3A_1851] {strides = array<i32>} : memref<1x19968xf32, #tpu.memory_space<vmem>>, vector<16xf32>,
        %max3A_1853 = arith.maximumf %max3A_1844, %get3A_1852 : vector<16xf32>
        %mul3A_1854 = arith.constant 512 : i32
        %mul3A_1855 = arith.muli %scan3A_1702, %mul3A_1854 : i32
        %add3A_1856 = arith.constant 256 : i32
        %add3A_1857 = arith.addi %mul3A_1855, %add3A_1856 : i32
        %get3A_1858 = arith.constant 0 : i32
        %get3A_1859 = arith.index_cast %get3A_1858 : i32 to index
        %get3A_1860 = arith.index_cast %add3A_1857 : i32 to index
        %get3A_1861 = tpu.vector_load %arg7[%get3A_1859, %get3A_1860] {strides = array<i32>} : memref<1x19968xf32, #tpu.memory_space<vmem>>, vector<16xf32>,
        %max3A_1862 = arith.maximumf %max3A_1853, %get3A_1861 : vector<16xf32>
        %mul3A_1863 = arith.constant 512 : i32
        %mul3A_1864 = arith.muli %scan3A_1702, %mul3A_1863 : i32
        %add3A_1865 = arith.constant 272 : i32
        %add3A_1866 = arith.addi %mul3A_1864, %add3A_1865 : i32
        %get3A_1867 = arith.constant 0 : i32
        %get3A_1868 = arith.index_cast %get3A_1867 : i32 to index
        %get3A_1869 = arith.index_cast %add3A_1866 : i32 to index
        %get3A_1870 = tpu.vector_load %arg7[%get3A_1868, %get3A_1869] {strides = array<i32>} : memref<1x19968xf32, #tpu.memory_space<vmem>>, vector<16xf32>,
        %max3A_1871 = arith.maximumf %max3A_1862, %get3A_1870 : vector<16xf32>
        %mul3A_1872 = arith.constant 512 : i32
        %mul3A_1873 = arith.muli %scan3A_1702, %mul3A_1872 : i32
        %add3A_1874 = arith.constant 288 : i32
        %add3A_1875 = arith.addi %mul3A_1873, %add3A_1874 : i32
        %get3A_1876 = arith.constant 0 : i32
        %get3A_1877 = arith.index_cast %get3A_1876 : i32 to index
        %get3A_1878 = arith.index_cast %add3A_1875 : i32 to index
        %get3A_1879 = tpu.vector_load %arg7[%get3A_1877, %get3A_1878] {strides = array<i32>} : memref<1x19968xf32, #tpu.memory_space<vmem>>, vector<16xf32>,
        %max3A_1880 = arith.maximumf %max3A_1871, %get3A_1879 : vector<16xf32>
        %mul3A_1881 = arith.constant 512 : i32
        %mul3A_1882 = arith.muli %scan3A_1702, %mul3A_1881 : i32
        %add3A_1883 = arith.constant 304 : i32
        %add3A_1884 = arith.addi %mul3A_1882, %add3A_1883 : i32
        %get3A_1885 = arith.constant 0 : i32
        %get3A_1886 = arith.index_cast %get3A_1885 : i32 to index
        %get3A_1887 = arith.index_cast %add3A_1884 : i32 to index
        %get3A_1888 = tpu.vector_load %arg7[%get3A_1886, %get3A_1887] {strides = array<i32>} : memref<1x19968xf32, #tpu.memory_space<vmem>>, vector<16xf32>,
        %max3A_1889 = arith.maximumf %max3A_1880, %get3A_1888 : vector<16xf32>
        %mul3A_1890 = arith.constant 512 : i32
        %mul3A_1891 = arith.muli %scan3A_1702, %mul3A_1890 : i32
        %add3A_1892 = arith.constant 320 : i32
        %add3A_1893 = arith.addi %mul3A_1891, %add3A_1892 : i32
        %get3A_1894 = arith.constant 0 : i32
        %get3A_1895 = arith.index_cast %get3A_1894 : i32 to index
        %get3A_1896 = arith.index_cast %add3A_1893 : i32 to index
        %get3A_1897 = tpu.vector_load %arg7[%get3A_1895, %get3A_1896] {strides = array<i32>} : memref<1x19968xf32, #tpu.memory_space<vmem>>, vector<16xf32>,
        %max3A_1898 = arith.maximumf %max3A_1889, %get3A_1897 : vector<16xf32>
        %mul3A_1899 = arith.constant 512 : i32
        %mul3A_1900 = arith.muli %scan3A_1702, %mul3A_1899 : i32
        %add3A_1901 = arith.constant 336 : i32
        %add3A_1902 = arith.addi %mul3A_1900, %add3A_1901 : i32
        %get3A_1903 = arith.constant 0 : i32
        %get3A_1904 = arith.index_cast %get3A_1903 : i32 to index
        %get3A_1905 = arith.index_cast %add3A_1902 : i32 to index
        %get3A_1906 = tpu.vector_load %arg7[%get3A_1904, %get3A_1905] {strides = array<i32>} : memref<1x19968xf32, #tpu.memory_space<vmem>>, vector<16xf32>,
        %max3A_1907 = arith.maximumf %max3A_1898, %get3A_1906 : vector<16xf32>
        %mul3A_1908 = arith.constant 512 : i32
        %mul3A_1909 = arith.muli %scan3A_1702, %mul3A_1908 : i32
        %add3A_1910 = arith.constant 352 : i32
        %add3A_1911 = arith.addi %mul3A_1909, %add3A_1910 : i32
        %get3A_1912 = arith.constant 0 : i32
        %get3A_1913 = arith.index_cast %get3A_1912 : i32 to index
        %get3A_1914 = arith.index_cast %add3A_1911 : i32 to index
        %get3A_1915 = tpu.vector_load %arg7[%get3A_1913, %get3A_1914] {strides = array<i32>} : memref<1x19968xf32, #tpu.memory_space<vmem>>, vector<16xf32>,
        %max3A_1916 = arith.maximumf %max3A_1907, %get3A_1915 : vector<16xf32>
        %mul3A_1917 = arith.constant 512 : i32
        %mul3A_1918 = arith.muli %scan3A_1702, %mul3A_1917 : i32
        %add3A_1919 = arith.constant 368 : i32
        %add3A_1920 = arith.addi %mul3A_1918, %add3A_1919 : i32
        %get3A_1921 = arith.constant 0 : i32
        %get3A_1922 = arith.index_cast %get3A_1921 : i32 to index
        %get3A_1923 = arith.index_cast %add3A_1920 : i32 to index
        %get3A_1924 = tpu.vector_load %arg7[%get3A_1922, %get3A_1923] {strides = array<i32>} : memref<1x19968xf32, #tpu.memory_space<vmem>>, vector<16xf32>,
        %max3A_1925 = arith.maximumf %max3A_1916, %get3A_1924 : vector<16xf32>
        %mul3A_1926 = arith.constant 512 : i32
        %mul3A_1927 = arith.muli %scan3A_1702, %mul3A_1926 : i32
        %add3A_1928 = arith.constant 384 : i32
        %add3A_1929 = arith.addi %mul3A_1927, %add3A_1928 : i32
        %get3A_1930 = arith.constant 0 : i32
        %get3A_1931 = arith.index_cast %get3A_1930 : i32 to index
        %get3A_1932 = arith.index_cast %add3A_1929 : i32 to index
        %get3A_1933 = tpu.vector_load %arg7[%get3A_1931, %get3A_1932] {strides = array<i32>} : memref<1x19968xf32, #tpu.memory_space<vmem>>, vector<16xf32>,
        %max3A_1934 = arith.maximumf %max3A_1925, %get3A_1933 : vector<16xf32>
        %mul3A_1935 = arith.constant 512 : i32
        %mul3A_1936 = arith.muli %scan3A_1702, %mul3A_1935 : i32
        %add3A_1937 = arith.constant 400 : i32
        %add3A_1938 = arith.addi %mul3A_1936, %add3A_1937 : i32
        %get3A_1939 = arith.constant 0 : i32
        %get3A_1940 = arith.index_cast %get3A_1939 : i32 to index
        %get3A_1941 = arith.index_cast %add3A_1938 : i32 to index
        %get3A_1942 = tpu.vector_load %arg7[%get3A_1940, %get3A_1941] {strides = array<i32>} : memref<1x19968xf32, #tpu.memory_space<vmem>>, vector<16xf32>,
        %max3A_1943 = arith.maximumf %max3A_1934, %get3A_1942 : vector<16xf32>
        %mul3A_1944 = arith.constant 512 : i32
        %mul3A_1945 = arith.muli %scan3A_1702, %mul3A_1944 : i32
        %add3A_1946 = arith.constant 416 : i32
        %add3A_1947 = arith.addi %mul3A_1945, %add3A_1946 : i32
        %get3A_1948 = arith.constant 0 : i32
        %get3A_1949 = arith.index_cast %get3A_1948 : i32 to index
        %get3A_1950 = arith.index_cast %add3A_1947 : i32 to index
        %get3A_1951 = tpu.vector_load %arg7[%get3A_1949, %get3A_1950] {strides = array<i32>} : memref<1x19968xf32, #tpu.memory_space<vmem>>, vector<16xf32>,
        %max3A_1952 = arith.maximumf %max3A_1943, %get3A_1951 : vector<16xf32>
        %mul3A_1953 = arith.constant 512 : i32
        %mul3A_1954 = arith.muli %scan3A_1702, %mul3A_1953 : i32
        %add3A_1955 = arith.constant 432 : i32
        %add3A_1956 = arith.addi %mul3A_1954, %add3A_1955 : i32
        %get3A_1957 = arith.constant 0 : i32
        %get3A_1958 = arith.index_cast %get3A_1957 : i32 to index
        %get3A_1959 = arith.index_cast %add3A_1956 : i32 to index
        %get3A_1960 = tpu.vector_load %arg7[%get3A_1958, %get3A_1959] {strides = array<i32>} : memref<1x19968xf32, #tpu.memory_space<vmem>>, vector<16xf32>,
        %max3A_1961 = arith.maximumf %max3A_1952, %get3A_1960 : vector<16xf32>
        %mul3A_1962 = arith.constant 512 : i32
        %mul3A_1963 = arith.muli %scan3A_1702, %mul3A_1962 : i32
        %add3A_1964 = arith.constant 448 : i32
        %add3A_1965 = arith.addi %mul3A_1963, %add3A_1964 : i32
        %get3A_1966 = arith.constant 0 : i32
        %get3A_1967 = arith.index_cast %get3A_1966 : i32 to index
        %get3A_1968 = arith.index_cast %add3A_1965 : i32 to index
        %get3A_1969 = tpu.vector_load %arg7[%get3A_1967, %get3A_1968] {strides = array<i32>} : memref<1x19968xf32, #tpu.memory_space<vmem>>, vector<16xf32>,
        %max3A_1970 = arith.maximumf %max3A_1961, %get3A_1969 : vector<16xf32>
        %mul3A_1971 = arith.constant 512 : i32
        %mul3A_1972 = arith.muli %scan3A_1702, %mul3A_1971 : i32
        %add3A_1973 = arith.constant 464 : i32
        %add3A_1974 = arith.addi %mul3A_1972, %add3A_1973 : i32
        %get3A_1975 = arith.constant 0 : i32
        %get3A_1976 = arith.index_cast %get3A_1975 : i32 to index
        %get3A_1977 = arith.index_cast %add3A_1974 : i32 to index
        %get3A_1978 = tpu.vector_load %arg7[%get3A_1976, %get3A_1977] {strides = array<i32>} : memref<1x19968xf32, #tpu.memory_space<vmem>>, vector<16xf32>,
        %max3A_1979 = arith.maximumf %max3A_1970, %get3A_1978 : vector<16xf32>
        %mul3A_1980 = arith.constant 512 : i32
        %mul3A_1981 = arith.muli %scan3A_1702, %mul3A_1980 : i32
        %add3A_1982 = arith.constant 480 : i32
        %add3A_1983 = arith.addi %mul3A_1981, %add3A_1982 : i32
        %get3A_1984 = arith.constant 0 : i32
        %get3A_1985 = arith.index_cast %get3A_1984 : i32 to index
        %get3A_1986 = arith.index_cast %add3A_1983 : i32 to index
        %get3A_1987 = tpu.vector_load %arg7[%get3A_1985, %get3A_1986] {strides = array<i32>} : memref<1x19968xf32, #tpu.memory_space<vmem>>, vector<16xf32>,
        %max3A_1988 = arith.maximumf %max3A_1979, %get3A_1987 : vector<16xf32>
        %mul3A_1989 = arith.constant 512 : i32
        %mul3A_1990 = arith.muli %scan3A_1702, %mul3A_1989 : i32
        %add3A_1991 = arith.constant 496 : i32
        %add3A_1992 = arith.addi %mul3A_1990, %add3A_1991 : i32
        %get3A_1993 = arith.constant 0 : i32
        %get3A_1994 = arith.index_cast %get3A_1993 : i32 to index
        %get3A_1995 = arith.index_cast %add3A_1992 : i32 to index
        %get3A_1996 = tpu.vector_load %arg7[%get3A_1994, %get3A_1995] {strides = array<i32>} : memref<1x19968xf32, #tpu.memory_space<vmem>>, vector<16xf32>,
        %max3A_1997 = arith.maximumf %max3A_1988, %get3A_1996 : vector<16xf32>
        %add3A_1998 = arith.constant 78 : i32
        %add3A_1999 = arith.addi %add3A_1998, %scan3A_1702 : i32
        %mul3A_2000 = arith.constant 16 : i32
        %mul3A_2001 = arith.muli %add3A_1999, %mul3A_2000 : i32
        %add3A_2002 = vector.broadcast %mul3A_2001 : i32 to vector<16xi32>
        %add3A_2003 = arith.addi %add3A_2002, %iota3A : vector<16xi32>
        %gt3A_2004 = arith.cmpf ogt, %max3A_1997, %scan3A_1703 : vector<16xf32>
        %select_n3A_2005 = arith.select %gt3A_2004, %max3A_1997, %scan3A_1703 : vector<16xi1>, vector<16xf32>
        %select_n3A_2006 = arith.select %gt3A_2004, %add3A_2003, %scan3A_1708 : vector<16xi1>, vector<16xi32>
        %select_n3A_2007 = arith.select %gt3A_2004, %scan3A_1703, %max3A_1997 : vector<16xi1>, vector<16xf32>
        %select_n3A_2008 = arith.select %gt3A_2004, %scan3A_1708, %add3A_2003 : vector<16xi1>, vector<16xi32>
        %gt3A_2009 = arith.cmpf ogt, %select_n3A_2007, %scan3A_1704 : vector<16xf32>
        %select_n3A_2010 = arith.select %gt3A_2009, %select_n3A_2007, %scan3A_1704 : vector<16xi1>, vector<16xf32>
        %select_n3A_2011 = arith.select %gt3A_2009, %select_n3A_2008, %scan3A_1709 : vector<16xi1>, vector<16xi32>
        %select_n3A_2012 = arith.select %gt3A_2009, %scan3A_1704, %select_n3A_2007 : vector<16xi1>, vector<16xf32>
        %select_n3A_2013 = arith.select %gt3A_2009, %scan3A_1709, %select_n3A_2008 : vector<16xi1>, vector<16xi32>
        %gt3A_2014 = arith.cmpf ogt, %select_n3A_2012, %scan3A_1705 : vector<16xf32>
        %select_n3A_2015 = arith.select %gt3A_2014, %select_n3A_2012, %scan3A_1705 : vector<16xi1>, vector<16xf32>
        %select_n3A_2016 = arith.select %gt3A_2014, %select_n3A_2013, %scan3A_1710 : vector<16xi1>, vector<16xi32>
        %select_n3A_2017 = arith.select %gt3A_2014, %scan3A_1705, %select_n3A_2012 : vector<16xi1>, vector<16xf32>
        %select_n3A_2018 = arith.select %gt3A_2014, %scan3A_1710, %select_n3A_2013 : vector<16xi1>, vector<16xi32>
        %gt3A_2019 = arith.cmpf ogt, %select_n3A_2017, %scan3A_1706 : vector<16xf32>
        %select_n3A_2020 = arith.select %gt3A_2019, %select_n3A_2017, %scan3A_1706 : vector<16xi1>, vector<16xf32>
        %select_n3A_2021 = arith.select %gt3A_2019, %select_n3A_2018, %scan3A_1711 : vector<16xi1>, vector<16xi32>
        %select_n3A_2022 = arith.select %gt3A_2019, %scan3A_1706, %select_n3A_2017 : vector<16xi1>, vector<16xf32>
        %select_n3A_2023 = arith.select %gt3A_2019, %scan3A_1711, %select_n3A_2018 : vector<16xi1>, vector<16xi32>
        %gt3A_2024 = arith.cmpf ogt, %select_n3A_2022, %scan3A_1707 : vector<16xf32>
        %select_n3A_2025 = arith.select %gt3A_2024, %select_n3A_2022, %scan3A_1707 : vector<16xi1>, vector<16xf32>
        %select_n3A_2026 = arith.select %gt3A_2024, %select_n3A_2023, %scan3A_1712 : vector<16xi1>, vector<16xi32>
        %select_n3A_2027 = arith.select %gt3A_2024, %scan3A_1707, %select_n3A_2022 : vector<16xi1>, vector<16xf32>
        %select_n3A_2028 = arith.select %gt3A_2024, %scan3A_1712, %select_n3A_2023 : vector<16xi1>, vector<16xi32>
        scf.yield %select_n3A_2005, %select_n3A_2010, %select_n3A_2015, %select_n3A_2020, %select_n3A_2025, %select_n3A_2006, %select_n3A_2011, %select_n3A_2016, %select_n3A_2021, %select_n3A_2026 : vector<16xf32>, vector<16xf32>, vector<16xf32>, vector<16xf32>, vector<16xf32>, vector<16xi32>, vector<16xi32>, vector<16xi32>, vector<16xi32>, vector<16xi32>
      }
      %scan3A_662 = arith.constant 39 : i32
      %dma_start3A_663 = arith.constant 0 : i32
      %dma_start3A_664 = arith.constant 0 : i32
      %dma_start3A_665 = tpu.memref_slice %arg7[%dma_start3A_663, %dma_start3A_664] : memref<1x19968xf32, #tpu.memory_space<vmem>> -> memref<1x128xf32, #tpu.memory_space<vmem>>
      %dma_start3A_666 = tpu.memref_slice %arg10[%mul3A_599] : memref<16xi32, #tpu.memory_space<vmem>> -> memref<1xi32, #tpu.memory_space<vmem>>
      %dma_start3A_667 = arith.constant 0 : i32
      %dma_start3A_668 = arith.constant 99840 : i32
      %dma_start3A_669 = tpu.memref_slice %arg2[%dma_start3A_667, %dma_start3A_668] : memref<160x100000xf32, #tpu.memory_space<hbm>> -> memref<160x128xf32, #tpu.memory_space<hbm>>
      tpu.enqueue_indirect_dma source(%dma_start3A_669 : memref<160x128xf32, #tpu.memory_space<hbm>>) target(%dma_start3A_665 : memref<1x128xf32, #tpu.memory_space<vmem>>) offsets(%dma_start3A_666 : memref<1xi32, #tpu.memory_space<vmem>>) semaphore(%arg16 : memref<!tpu.dma_semaphore, #tpu.memory_space<semaphore_mem>>)
      %dma_wait3A_670 = arith.constant 0 : i32
      %dma_wait3A_671 = arith.constant 0 : i32
      %dma_wait3A_672 = tpu.memref_slice %arg5[%dma_wait3A_670, %dma_wait3A_671] : memref<1x19968xf32, #tpu.memory_space<vmem>> -> memref<1x19968xf32, #tpu.memory_space<vmem>>
      %dma_wait3A_673 = tpu.memref_slice %arg10[%mul3A_599] : memref<16xi32, #tpu.memory_space<vmem>> -> memref<1xi32, #tpu.memory_space<vmem>>
      %dma_wait3A_674 = arith.constant 0 : i32
      %dma_wait3A_675 = arith.constant 59904 : i32
      %dma_wait3A_676 = tpu.memref_slice %arg2[%dma_wait3A_674, %dma_wait3A_675] : memref<160x100000xf32, #tpu.memory_space<hbm>> -> memref<160x19968xf32, #tpu.memory_space<hbm>>
      tpu.wait_indirect_dma semaphore(%arg14 : memref<!tpu.dma_semaphore, #tpu.memory_space<semaphore_mem>>) src(%dma_wait3A_676 : memref<160x19968xf32, #tpu.memory_space<hbm>>) dst(%dma_wait3A_672 : memref<1x19968xf32, #tpu.memory_space<vmem>>)
      %scan3A_677 = arith.constant 0 : i32
      %scan3A_678 = arith.constant 39 : i32
      %scan3A_679 = arith.addi %scan3A_677, %scan3A_678 : i32
      %scan3A_680 = arith.constant 1 : i32
      %scan3A_681:10 = scf.for %scan3A_1702 = %scan3A_677 to %scan3A_679 step %scan3A_680 iter_args(%scan3A_1703 = %scan3A_661#0, %scan3A_1704 = %scan3A_661#1, %scan3A_1705 = %scan3A_661#2, %scan3A_1706 = %scan3A_661#3, %scan3A_1707 = %scan3A_661#4, %scan3A_1708 = %scan3A_661#5, %scan3A_1709 = %scan3A_661#6, %scan3A_1710 = %scan3A_661#7, %scan3A_1711 = %scan3A_661#8, %scan3A_1712 = %scan3A_661#9) -> (vector<16xf32>, vector<16xf32>, vector<16xf32>, vector<16xf32>, vector<16xf32>, vector<16xi32>, vector<16xi32>, vector<16xi32>, vector<16xi32>, vector<16xi32>)  : i32 {
        %mul3A_1713 = arith.constant 512 : i32
        %mul3A_1714 = arith.muli %scan3A_1702, %mul3A_1713 : i32
        %get3A_1715 = arith.constant 0 : i32
        %get3A_1716 = arith.index_cast %get3A_1715 : i32 to index
        %get3A_1717 = arith.index_cast %mul3A_1714 : i32 to index
        %get3A_1718 = tpu.vector_load %arg5[%get3A_1716, %get3A_1717] {strides = array<i32>} : memref<1x19968xf32, #tpu.memory_space<vmem>>, vector<16xf32>,
        %mul3A_1719 = arith.constant 512 : i32
        %mul3A_1720 = arith.muli %scan3A_1702, %mul3A_1719 : i32
        %add3A_1721 = arith.constant 16 : i32
        %add3A_1722 = arith.addi %mul3A_1720, %add3A_1721 : i32
        %get3A_1723 = arith.constant 0 : i32
        %get3A_1724 = arith.index_cast %get3A_1723 : i32 to index
        %get3A_1725 = arith.index_cast %add3A_1722 : i32 to index
        %get3A_1726 = tpu.vector_load %arg5[%get3A_1724, %get3A_1725] {strides = array<i32>} : memref<1x19968xf32, #tpu.memory_space<vmem>>, vector<16xf32>,
        %max3A_1727 = arith.maximumf %get3A_1718, %get3A_1726 : vector<16xf32>
        %mul3A_1728 = arith.constant 512 : i32
        %mul3A_1729 = arith.muli %scan3A_1702, %mul3A_1728 : i32
        %add3A_1730 = arith.constant 32 : i32
        %add3A_1731 = arith.addi %mul3A_1729, %add3A_1730 : i32
        %get3A_1732 = arith.constant 0 : i32
        %get3A_1733 = arith.index_cast %get3A_1732 : i32 to index
        %get3A_1734 = arith.index_cast %add3A_1731 : i32 to index
        %get3A_1735 = tpu.vector_load %arg5[%get3A_1733, %get3A_1734] {strides = array<i32>} : memref<1x19968xf32, #tpu.memory_space<vmem>>, vector<16xf32>,
        %max3A_1736 = arith.maximumf %max3A_1727, %get3A_1735 : vector<16xf32>
        %mul3A_1737 = arith.constant 512 : i32
        %mul3A_1738 = arith.muli %scan3A_1702, %mul3A_1737 : i32
        %add3A_1739 = arith.constant 48 : i32
        %add3A_1740 = arith.addi %mul3A_1738, %add3A_1739 : i32
        %get3A_1741 = arith.constant 0 : i32
        %get3A_1742 = arith.index_cast %get3A_1741 : i32 to index
        %get3A_1743 = arith.index_cast %add3A_1740 : i32 to index
        %get3A_1744 = tpu.vector_load %arg5[%get3A_1742, %get3A_1743] {strides = array<i32>} : memref<1x19968xf32, #tpu.memory_space<vmem>>, vector<16xf32>,
        %max3A_1745 = arith.maximumf %max3A_1736, %get3A_1744 : vector<16xf32>
        %mul3A_1746 = arith.constant 512 : i32
        %mul3A_1747 = arith.muli %scan3A_1702, %mul3A_1746 : i32
        %add3A_1748 = arith.constant 64 : i32
        %add3A_1749 = arith.addi %mul3A_1747, %add3A_1748 : i32
        %get3A_1750 = arith.constant 0 : i32
        %get3A_1751 = arith.index_cast %get3A_1750 : i32 to index
        %get3A_1752 = arith.index_cast %add3A_1749 : i32 to index
        %get3A_1753 = tpu.vector_load %arg5[%get3A_1751, %get3A_1752] {strides = array<i32>} : memref<1x19968xf32, #tpu.memory_space<vmem>>, vector<16xf32>,
        %max3A_1754 = arith.maximumf %max3A_1745, %get3A_1753 : vector<16xf32>
        %mul3A_1755 = arith.constant 512 : i32
        %mul3A_1756 = arith.muli %scan3A_1702, %mul3A_1755 : i32
        %add3A_1757 = arith.constant 80 : i32
        %add3A_1758 = arith.addi %mul3A_1756, %add3A_1757 : i32
        %get3A_1759 = arith.constant 0 : i32
        %get3A_1760 = arith.index_cast %get3A_1759 : i32 to index
        %get3A_1761 = arith.index_cast %add3A_1758 : i32 to index
        %get3A_1762 = tpu.vector_load %arg5[%get3A_1760, %get3A_1761] {strides = array<i32>} : memref<1x19968xf32, #tpu.memory_space<vmem>>, vector<16xf32>,
        %max3A_1763 = arith.maximumf %max3A_1754, %get3A_1762 : vector<16xf32>
        %mul3A_1764 = arith.constant 512 : i32
        %mul3A_1765 = arith.muli %scan3A_1702, %mul3A_1764 : i32
        %add3A_1766 = arith.constant 96 : i32
        %add3A_1767 = arith.addi %mul3A_1765, %add3A_1766 : i32
        %get3A_1768 = arith.constant 0 : i32
        %get3A_1769 = arith.index_cast %get3A_1768 : i32 to index
        %get3A_1770 = arith.index_cast %add3A_1767 : i32 to index
        %get3A_1771 = tpu.vector_load %arg5[%get3A_1769, %get3A_1770] {strides = array<i32>} : memref<1x19968xf32, #tpu.memory_space<vmem>>, vector<16xf32>,
        %max3A_1772 = arith.maximumf %max3A_1763, %get3A_1771 : vector<16xf32>
        %mul3A_1773 = arith.constant 512 : i32
        %mul3A_1774 = arith.muli %scan3A_1702, %mul3A_1773 : i32
        %add3A_1775 = arith.constant 112 : i32
        %add3A_1776 = arith.addi %mul3A_1774, %add3A_1775 : i32
        %get3A_1777 = arith.constant 0 : i32
        %get3A_1778 = arith.index_cast %get3A_1777 : i32 to index
        %get3A_1779 = arith.index_cast %add3A_1776 : i32 to index
        %get3A_1780 = tpu.vector_load %arg5[%get3A_1778, %get3A_1779] {strides = array<i32>} : memref<1x19968xf32, #tpu.memory_space<vmem>>, vector<16xf32>,
        %max3A_1781 = arith.maximumf %max3A_1772, %get3A_1780 : vector<16xf32>
        %mul3A_1782 = arith.constant 512 : i32
        %mul3A_1783 = arith.muli %scan3A_1702, %mul3A_1782 : i32
        %add3A_1784 = arith.constant 128 : i32
        %add3A_1785 = arith.addi %mul3A_1783, %add3A_1784 : i32
        %get3A_1786 = arith.constant 0 : i32
        %get3A_1787 = arith.index_cast %get3A_1786 : i32 to index
        %get3A_1788 = arith.index_cast %add3A_1785 : i32 to index
        %get3A_1789 = tpu.vector_load %arg5[%get3A_1787, %get3A_1788] {strides = array<i32>} : memref<1x19968xf32, #tpu.memory_space<vmem>>, vector<16xf32>,
        %max3A_1790 = arith.maximumf %max3A_1781, %get3A_1789 : vector<16xf32>
        %mul3A_1791 = arith.constant 512 : i32
        %mul3A_1792 = arith.muli %scan3A_1702, %mul3A_1791 : i32
        %add3A_1793 = arith.constant 144 : i32
        %add3A_1794 = arith.addi %mul3A_1792, %add3A_1793 : i32
        %get3A_1795 = arith.constant 0 : i32
        %get3A_1796 = arith.index_cast %get3A_1795 : i32 to index
        %get3A_1797 = arith.index_cast %add3A_1794 : i32 to index
        %get3A_1798 = tpu.vector_load %arg5[%get3A_1796, %get3A_1797] {strides = array<i32>} : memref<1x19968xf32, #tpu.memory_space<vmem>>, vector<16xf32>,
        %max3A_1799 = arith.maximumf %max3A_1790, %get3A_1798 : vector<16xf32>
        %mul3A_1800 = arith.constant 512 : i32
        %mul3A_1801 = arith.muli %scan3A_1702, %mul3A_1800 : i32
        %add3A_1802 = arith.constant 160 : i32
        %add3A_1803 = arith.addi %mul3A_1801, %add3A_1802 : i32
        %get3A_1804 = arith.constant 0 : i32
        %get3A_1805 = arith.index_cast %get3A_1804 : i32 to index
        %get3A_1806 = arith.index_cast %add3A_1803 : i32 to index
        %get3A_1807 = tpu.vector_load %arg5[%get3A_1805, %get3A_1806] {strides = array<i32>} : memref<1x19968xf32, #tpu.memory_space<vmem>>, vector<16xf32>,
        %max3A_1808 = arith.maximumf %max3A_1799, %get3A_1807 : vector<16xf32>
        %mul3A_1809 = arith.constant 512 : i32
        %mul3A_1810 = arith.muli %scan3A_1702, %mul3A_1809 : i32
        %add3A_1811 = arith.constant 176 : i32
        %add3A_1812 = arith.addi %mul3A_1810, %add3A_1811 : i32
        %get3A_1813 = arith.constant 0 : i32
        %get3A_1814 = arith.index_cast %get3A_1813 : i32 to index
        %get3A_1815 = arith.index_cast %add3A_1812 : i32 to index
        %get3A_1816 = tpu.vector_load %arg5[%get3A_1814, %get3A_1815] {strides = array<i32>} : memref<1x19968xf32, #tpu.memory_space<vmem>>, vector<16xf32>,
        %max3A_1817 = arith.maximumf %max3A_1808, %get3A_1816 : vector<16xf32>
        %mul3A_1818 = arith.constant 512 : i32
        %mul3A_1819 = arith.muli %scan3A_1702, %mul3A_1818 : i32
        %add3A_1820 = arith.constant 192 : i32
        %add3A_1821 = arith.addi %mul3A_1819, %add3A_1820 : i32
        %get3A_1822 = arith.constant 0 : i32
        %get3A_1823 = arith.index_cast %get3A_1822 : i32 to index
        %get3A_1824 = arith.index_cast %add3A_1821 : i32 to index
        %get3A_1825 = tpu.vector_load %arg5[%get3A_1823, %get3A_1824] {strides = array<i32>} : memref<1x19968xf32, #tpu.memory_space<vmem>>, vector<16xf32>,
        %max3A_1826 = arith.maximumf %max3A_1817, %get3A_1825 : vector<16xf32>
        %mul3A_1827 = arith.constant 512 : i32
        %mul3A_1828 = arith.muli %scan3A_1702, %mul3A_1827 : i32
        %add3A_1829 = arith.constant 208 : i32
        %add3A_1830 = arith.addi %mul3A_1828, %add3A_1829 : i32
        %get3A_1831 = arith.constant 0 : i32
        %get3A_1832 = arith.index_cast %get3A_1831 : i32 to index
        %get3A_1833 = arith.index_cast %add3A_1830 : i32 to index
        %get3A_1834 = tpu.vector_load %arg5[%get3A_1832, %get3A_1833] {strides = array<i32>} : memref<1x19968xf32, #tpu.memory_space<vmem>>, vector<16xf32>,
        %max3A_1835 = arith.maximumf %max3A_1826, %get3A_1834 : vector<16xf32>
        %mul3A_1836 = arith.constant 512 : i32
        %mul3A_1837 = arith.muli %scan3A_1702, %mul3A_1836 : i32
        %add3A_1838 = arith.constant 224 : i32
        %add3A_1839 = arith.addi %mul3A_1837, %add3A_1838 : i32
        %get3A_1840 = arith.constant 0 : i32
        %get3A_1841 = arith.index_cast %get3A_1840 : i32 to index
        %get3A_1842 = arith.index_cast %add3A_1839 : i32 to index
        %get3A_1843 = tpu.vector_load %arg5[%get3A_1841, %get3A_1842] {strides = array<i32>} : memref<1x19968xf32, #tpu.memory_space<vmem>>, vector<16xf32>,
        %max3A_1844 = arith.maximumf %max3A_1835, %get3A_1843 : vector<16xf32>
        %mul3A_1845 = arith.constant 512 : i32
        %mul3A_1846 = arith.muli %scan3A_1702, %mul3A_1845 : i32
        %add3A_1847 = arith.constant 240 : i32
        %add3A_1848 = arith.addi %mul3A_1846, %add3A_1847 : i32
        %get3A_1849 = arith.constant 0 : i32
        %get3A_1850 = arith.index_cast %get3A_1849 : i32 to index
        %get3A_1851 = arith.index_cast %add3A_1848 : i32 to index
        %get3A_1852 = tpu.vector_load %arg5[%get3A_1850, %get3A_1851] {strides = array<i32>} : memref<1x19968xf32, #tpu.memory_space<vmem>>, vector<16xf32>,
        %max3A_1853 = arith.maximumf %max3A_1844, %get3A_1852 : vector<16xf32>
        %mul3A_1854 = arith.constant 512 : i32
        %mul3A_1855 = arith.muli %scan3A_1702, %mul3A_1854 : i32
        %add3A_1856 = arith.constant 256 : i32
        %add3A_1857 = arith.addi %mul3A_1855, %add3A_1856 : i32
        %get3A_1858 = arith.constant 0 : i32
        %get3A_1859 = arith.index_cast %get3A_1858 : i32 to index
        %get3A_1860 = arith.index_cast %add3A_1857 : i32 to index
        %get3A_1861 = tpu.vector_load %arg5[%get3A_1859, %get3A_1860] {strides = array<i32>} : memref<1x19968xf32, #tpu.memory_space<vmem>>, vector<16xf32>,
        %max3A_1862 = arith.maximumf %max3A_1853, %get3A_1861 : vector<16xf32>
        %mul3A_1863 = arith.constant 512 : i32
        %mul3A_1864 = arith.muli %scan3A_1702, %mul3A_1863 : i32
        %add3A_1865 = arith.constant 272 : i32
        %add3A_1866 = arith.addi %mul3A_1864, %add3A_1865 : i32
        %get3A_1867 = arith.constant 0 : i32
        %get3A_1868 = arith.index_cast %get3A_1867 : i32 to index
        %get3A_1869 = arith.index_cast %add3A_1866 : i32 to index
        %get3A_1870 = tpu.vector_load %arg5[%get3A_1868, %get3A_1869] {strides = array<i32>} : memref<1x19968xf32, #tpu.memory_space<vmem>>, vector<16xf32>,
        %max3A_1871 = arith.maximumf %max3A_1862, %get3A_1870 : vector<16xf32>
        %mul3A_1872 = arith.constant 512 : i32
        %mul3A_1873 = arith.muli %scan3A_1702, %mul3A_1872 : i32
        %add3A_1874 = arith.constant 288 : i32
        %add3A_1875 = arith.addi %mul3A_1873, %add3A_1874 : i32
        %get3A_1876 = arith.constant 0 : i32
        %get3A_1877 = arith.index_cast %get3A_1876 : i32 to index
        %get3A_1878 = arith.index_cast %add3A_1875 : i32 to index
        %get3A_1879 = tpu.vector_load %arg5[%get3A_1877, %get3A_1878] {strides = array<i32>} : memref<1x19968xf32, #tpu.memory_space<vmem>>, vector<16xf32>,
        %max3A_1880 = arith.maximumf %max3A_1871, %get3A_1879 : vector<16xf32>
        %mul3A_1881 = arith.constant 512 : i32
        %mul3A_1882 = arith.muli %scan3A_1702, %mul3A_1881 : i32
        %add3A_1883 = arith.constant 304 : i32
        %add3A_1884 = arith.addi %mul3A_1882, %add3A_1883 : i32
        %get3A_1885 = arith.constant 0 : i32
        %get3A_1886 = arith.index_cast %get3A_1885 : i32 to index
        %get3A_1887 = arith.index_cast %add3A_1884 : i32 to index
        %get3A_1888 = tpu.vector_load %arg5[%get3A_1886, %get3A_1887] {strides = array<i32>} : memref<1x19968xf32, #tpu.memory_space<vmem>>, vector<16xf32>,
        %max3A_1889 = arith.maximumf %max3A_1880, %get3A_1888 : vector<16xf32>
        %mul3A_1890 = arith.constant 512 : i32
        %mul3A_1891 = arith.muli %scan3A_1702, %mul3A_1890 : i32
        %add3A_1892 = arith.constant 320 : i32
        %add3A_1893 = arith.addi %mul3A_1891, %add3A_1892 : i32
        %get3A_1894 = arith.constant 0 : i32
        %get3A_1895 = arith.index_cast %get3A_1894 : i32 to index
        %get3A_1896 = arith.index_cast %add3A_1893 : i32 to index
        %get3A_1897 = tpu.vector_load %arg5[%get3A_1895, %get3A_1896] {strides = array<i32>} : memref<1x19968xf32, #tpu.memory_space<vmem>>, vector<16xf32>,
        %max3A_1898 = arith.maximumf %max3A_1889, %get3A_1897 : vector<16xf32>
        %mul3A_1899 = arith.constant 512 : i32
        %mul3A_1900 = arith.muli %scan3A_1702, %mul3A_1899 : i32
        %add3A_1901 = arith.constant 336 : i32
        %add3A_1902 = arith.addi %mul3A_1900, %add3A_1901 : i32
        %get3A_1903 = arith.constant 0 : i32
        %get3A_1904 = arith.index_cast %get3A_1903 : i32 to index
        %get3A_1905 = arith.index_cast %add3A_1902 : i32 to index
        %get3A_1906 = tpu.vector_load %arg5[%get3A_1904, %get3A_1905] {strides = array<i32>} : memref<1x19968xf32, #tpu.memory_space<vmem>>, vector<16xf32>,
        %max3A_1907 = arith.maximumf %max3A_1898, %get3A_1906 : vector<16xf32>
        %mul3A_1908 = arith.constant 512 : i32
        %mul3A_1909 = arith.muli %scan3A_1702, %mul3A_1908 : i32
        %add3A_1910 = arith.constant 352 : i32
        %add3A_1911 = arith.addi %mul3A_1909, %add3A_1910 : i32
        %get3A_1912 = arith.constant 0 : i32
        %get3A_1913 = arith.index_cast %get3A_1912 : i32 to index
        %get3A_1914 = arith.index_cast %add3A_1911 : i32 to index
        %get3A_1915 = tpu.vector_load %arg5[%get3A_1913, %get3A_1914] {strides = array<i32>} : memref<1x19968xf32, #tpu.memory_space<vmem>>, vector<16xf32>,
        %max3A_1916 = arith.maximumf %max3A_1907, %get3A_1915 : vector<16xf32>
        %mul3A_1917 = arith.constant 512 : i32
        %mul3A_1918 = arith.muli %scan3A_1702, %mul3A_1917 : i32
        %add3A_1919 = arith.constant 368 : i32
        %add3A_1920 = arith.addi %mul3A_1918, %add3A_1919 : i32
        %get3A_1921 = arith.constant 0 : i32
        %get3A_1922 = arith.index_cast %get3A_1921 : i32 to index
        %get3A_1923 = arith.index_cast %add3A_1920 : i32 to index
        %get3A_1924 = tpu.vector_load %arg5[%get3A_1922, %get3A_1923] {strides = array<i32>} : memref<1x19968xf32, #tpu.memory_space<vmem>>, vector<16xf32>,
        %max3A_1925 = arith.maximumf %max3A_1916, %get3A_1924 : vector<16xf32>
        %mul3A_1926 = arith.constant 512 : i32
        %mul3A_1927 = arith.muli %scan3A_1702, %mul3A_1926 : i32
        %add3A_1928 = arith.constant 384 : i32
        %add3A_1929 = arith.addi %mul3A_1927, %add3A_1928 : i32
        %get3A_1930 = arith.constant 0 : i32
        %get3A_1931 = arith.index_cast %get3A_1930 : i32 to index
        %get3A_1932 = arith.index_cast %add3A_1929 : i32 to index
        %get3A_1933 = tpu.vector_load %arg5[%get3A_1931, %get3A_1932] {strides = array<i32>} : memref<1x19968xf32, #tpu.memory_space<vmem>>, vector<16xf32>,
        %max3A_1934 = arith.maximumf %max3A_1925, %get3A_1933 : vector<16xf32>
        %mul3A_1935 = arith.constant 512 : i32
        %mul3A_1936 = arith.muli %scan3A_1702, %mul3A_1935 : i32
        %add3A_1937 = arith.constant 400 : i32
        %add3A_1938 = arith.addi %mul3A_1936, %add3A_1937 : i32
        %get3A_1939 = arith.constant 0 : i32
        %get3A_1940 = arith.index_cast %get3A_1939 : i32 to index
        %get3A_1941 = arith.index_cast %add3A_1938 : i32 to index
        %get3A_1942 = tpu.vector_load %arg5[%get3A_1940, %get3A_1941] {strides = array<i32>} : memref<1x19968xf32, #tpu.memory_space<vmem>>, vector<16xf32>,
        %max3A_1943 = arith.maximumf %max3A_1934, %get3A_1942 : vector<16xf32>
        %mul3A_1944 = arith.constant 512 : i32
        %mul3A_1945 = arith.muli %scan3A_1702, %mul3A_1944 : i32
        %add3A_1946 = arith.constant 416 : i32
        %add3A_1947 = arith.addi %mul3A_1945, %add3A_1946 : i32
        %get3A_1948 = arith.constant 0 : i32
        %get3A_1949 = arith.index_cast %get3A_1948 : i32 to index
        %get3A_1950 = arith.index_cast %add3A_1947 : i32 to index
        %get3A_1951 = tpu.vector_load %arg5[%get3A_1949, %get3A_1950] {strides = array<i32>} : memref<1x19968xf32, #tpu.memory_space<vmem>>, vector<16xf32>,
        %max3A_1952 = arith.maximumf %max3A_1943, %get3A_1951 : vector<16xf32>
        %mul3A_1953 = arith.constant 512 : i32
        %mul3A_1954 = arith.muli %scan3A_1702, %mul3A_1953 : i32
        %add3A_1955 = arith.constant 432 : i32
        %add3A_1956 = arith.addi %mul3A_1954, %add3A_1955 : i32
        %get3A_1957 = arith.constant 0 : i32
        %get3A_1958 = arith.index_cast %get3A_1957 : i32 to index
        %get3A_1959 = arith.index_cast %add3A_1956 : i32 to index
        %get3A_1960 = tpu.vector_load %arg5[%get3A_1958, %get3A_1959] {strides = array<i32>} : memref<1x19968xf32, #tpu.memory_space<vmem>>, vector<16xf32>,
        %max3A_1961 = arith.maximumf %max3A_1952, %get3A_1960 : vector<16xf32>
        %mul3A_1962 = arith.constant 512 : i32
        %mul3A_1963 = arith.muli %scan3A_1702, %mul3A_1962 : i32
        %add3A_1964 = arith.constant 448 : i32
        %add3A_1965 = arith.addi %mul3A_1963, %add3A_1964 : i32
        %get3A_1966 = arith.constant 0 : i32
        %get3A_1967 = arith.index_cast %get3A_1966 : i32 to index
        %get3A_1968 = arith.index_cast %add3A_1965 : i32 to index
        %get3A_1969 = tpu.vector_load %arg5[%get3A_1967, %get3A_1968] {strides = array<i32>} : memref<1x19968xf32, #tpu.memory_space<vmem>>, vector<16xf32>,
        %max3A_1970 = arith.maximumf %max3A_1961, %get3A_1969 : vector<16xf32>
        %mul3A_1971 = arith.constant 512 : i32
        %mul3A_1972 = arith.muli %scan3A_1702, %mul3A_1971 : i32
        %add3A_1973 = arith.constant 464 : i32
        %add3A_1974 = arith.addi %mul3A_1972, %add3A_1973 : i32
        %get3A_1975 = arith.constant 0 : i32
        %get3A_1976 = arith.index_cast %get3A_1975 : i32 to index
        %get3A_1977 = arith.index_cast %add3A_1974 : i32 to index
        %get3A_1978 = tpu.vector_load %arg5[%get3A_1976, %get3A_1977] {strides = array<i32>} : memref<1x19968xf32, #tpu.memory_space<vmem>>, vector<16xf32>,
        %max3A_1979 = arith.maximumf %max3A_1970, %get3A_1978 : vector<16xf32>
        %mul3A_1980 = arith.constant 512 : i32
        %mul3A_1981 = arith.muli %scan3A_1702, %mul3A_1980 : i32
        %add3A_1982 = arith.constant 480 : i32
        %add3A_1983 = arith.addi %mul3A_1981, %add3A_1982 : i32
        %get3A_1984 = arith.constant 0 : i32
        %get3A_1985 = arith.index_cast %get3A_1984 : i32 to index
        %get3A_1986 = arith.index_cast %add3A_1983 : i32 to index
        %get3A_1987 = tpu.vector_load %arg5[%get3A_1985, %get3A_1986] {strides = array<i32>} : memref<1x19968xf32, #tpu.memory_space<vmem>>, vector<16xf32>,
        %max3A_1988 = arith.maximumf %max3A_1979, %get3A_1987 : vector<16xf32>
        %mul3A_1989 = arith.constant 512 : i32
        %mul3A_1990 = arith.muli %scan3A_1702, %mul3A_1989 : i32
        %add3A_1991 = arith.constant 496 : i32
        %add3A_1992 = arith.addi %mul3A_1990, %add3A_1991 : i32
        %get3A_1993 = arith.constant 0 : i32
        %get3A_1994 = arith.index_cast %get3A_1993 : i32 to index
        %get3A_1995 = arith.index_cast %add3A_1992 : i32 to index
        %get3A_1996 = tpu.vector_load %arg5[%get3A_1994, %get3A_1995] {strides = array<i32>} : memref<1x19968xf32, #tpu.memory_space<vmem>>, vector<16xf32>,
        %max3A_1997 = arith.maximumf %max3A_1988, %get3A_1996 : vector<16xf32>
        %add3A_1998 = arith.constant 117 : i32
        %add3A_1999 = arith.addi %add3A_1998, %scan3A_1702 : i32
        %mul3A_2000 = arith.constant 16 : i32
        %mul3A_2001 = arith.muli %add3A_1999, %mul3A_2000 : i32
        %add3A_2002 = vector.broadcast %mul3A_2001 : i32 to vector<16xi32>
        %add3A_2003 = arith.addi %add3A_2002, %iota3A : vector<16xi32>
        %gt3A_2004 = arith.cmpf ogt, %max3A_1997, %scan3A_1703 : vector<16xf32>
        %select_n3A_2005 = arith.select %gt3A_2004, %max3A_1997, %scan3A_1703 : vector<16xi1>, vector<16xf32>
        %select_n3A_2006 = arith.select %gt3A_2004, %add3A_2003, %scan3A_1708 : vector<16xi1>, vector<16xi32>
        %select_n3A_2007 = arith.select %gt3A_2004, %scan3A_1703, %max3A_1997 : vector<16xi1>, vector<16xf32>
        %select_n3A_2008 = arith.select %gt3A_2004, %scan3A_1708, %add3A_2003 : vector<16xi1>, vector<16xi32>
        %gt3A_2009 = arith.cmpf ogt, %select_n3A_2007, %scan3A_1704 : vector<16xf32>
        %select_n3A_2010 = arith.select %gt3A_2009, %select_n3A_2007, %scan3A_1704 : vector<16xi1>, vector<16xf32>
        %select_n3A_2011 = arith.select %gt3A_2009, %select_n3A_2008, %scan3A_1709 : vector<16xi1>, vector<16xi32>
        %select_n3A_2012 = arith.select %gt3A_2009, %scan3A_1704, %select_n3A_2007 : vector<16xi1>, vector<16xf32>
        %select_n3A_2013 = arith.select %gt3A_2009, %scan3A_1709, %select_n3A_2008 : vector<16xi1>, vector<16xi32>
        %gt3A_2014 = arith.cmpf ogt, %select_n3A_2012, %scan3A_1705 : vector<16xf32>
        %select_n3A_2015 = arith.select %gt3A_2014, %select_n3A_2012, %scan3A_1705 : vector<16xi1>, vector<16xf32>
        %select_n3A_2016 = arith.select %gt3A_2014, %select_n3A_2013, %scan3A_1710 : vector<16xi1>, vector<16xi32>
        %select_n3A_2017 = arith.select %gt3A_2014, %scan3A_1705, %select_n3A_2012 : vector<16xi1>, vector<16xf32>
        %select_n3A_2018 = arith.select %gt3A_2014, %scan3A_1710, %select_n3A_2013 : vector<16xi1>, vector<16xi32>
        %gt3A_2019 = arith.cmpf ogt, %select_n3A_2017, %scan3A_1706 : vector<16xf32>
        %select_n3A_2020 = arith.select %gt3A_2019, %select_n3A_2017, %scan3A_1706 : vector<16xi1>, vector<16xf32>
        %select_n3A_2021 = arith.select %gt3A_2019, %select_n3A_2018, %scan3A_1711 : vector<16xi1>, vector<16xi32>
        %select_n3A_2022 = arith.select %gt3A_2019, %scan3A_1706, %select_n3A_2017 : vector<16xi1>, vector<16xf32>
        %select_n3A_2023 = arith.select %gt3A_2019, %scan3A_1711, %select_n3A_2018 : vector<16xi1>, vector<16xi32>
        %gt3A_2024 = arith.cmpf ogt, %select_n3A_2022, %scan3A_1707 : vector<16xf32>
        %select_n3A_2025 = arith.select %gt3A_2024, %select_n3A_2022, %scan3A_1707 : vector<16xi1>, vector<16xf32>
        %select_n3A_2026 = arith.select %gt3A_2024, %select_n3A_2023, %scan3A_1712 : vector<16xi1>, vector<16xi32>
        %select_n3A_2027 = arith.select %gt3A_2024, %scan3A_1707, %select_n3A_2022 : vector<16xi1>, vector<16xf32>
        %select_n3A_2028 = arith.select %gt3A_2024, %scan3A_1712, %select_n3A_2023 : vector<16xi1>, vector<16xi32>
        scf.yield %select_n3A_2005, %select_n3A_2010, %select_n3A_2015, %select_n3A_2020, %select_n3A_2025, %select_n3A_2006, %select_n3A_2011, %select_n3A_2016, %select_n3A_2021, %select_n3A_2026 : vector<16xf32>, vector<16xf32>, vector<16xf32>, vector<16xf32>, vector<16xf32>, vector<16xi32>, vector<16xi32>, vector<16xi32>, vector<16xi32>, vector<16xi32>
      }
      %scan3A_682 = arith.constant 39 : i32
      %lt3A_683 = arith.constant 4 : i32
      %lt3A_684 = arith.cmpi slt, %scan3A_581, %lt3A_683 : i32
      %convert_element_type3A = arith.extui %lt3A_684 : i1 to i32
      %cond3A = arith.constant 0 : i32
      %cond3A_685 = arith.cmpi ne, %convert_element_type3A, %cond3A : i32
      scf.if %cond3A_685 {
        %dma_start3A_1702 = arith.constant 0 : i32
        %dma_start3A_1703 = arith.constant 0 : i32
        %dma_start3A_1704 = tpu.memref_slice %arg5[%dma_start3A_1702, %dma_start3A_1703] : memref<1x19968xf32, #tpu.memory_space<vmem>> -> memref<1x19968xf32, #tpu.memory_space<vmem>>
        %dma_start3A_1705 = tpu.memref_slice %arg10[%sub3A_600] : memref<16xi32, #tpu.memory_space<vmem>> -> memref<1xi32, #tpu.memory_space<vmem>>
        %dma_start3A_1706 = arith.constant 0 : i32
        %dma_start3A_1707 = arith.constant 0 : i32
        %dma_start3A_1708 = tpu.memref_slice %arg2[%dma_start3A_1706, %dma_start3A_1707] : memref<160x100000xf32, #tpu.memory_space<hbm>> -> memref<160x19968xf32, #tpu.memory_space<hbm>>
        tpu.enqueue_indirect_dma source(%dma_start3A_1708 : memref<160x19968xf32, #tpu.memory_space<hbm>>) target(%dma_start3A_1704 : memref<1x19968xf32, #tpu.memory_space<vmem>>) offsets(%dma_start3A_1705 : memref<1xi32, #tpu.memory_space<vmem>>) semaphore(%arg14 : memref<!tpu.dma_semaphore, #tpu.memory_space<semaphore_mem>>)
      } else {
      }
      %dma_wait3A_686 = arith.constant 0 : i32
      %dma_wait3A_687 = arith.constant 0 : i32
      %dma_wait3A_688 = tpu.memref_slice %arg6[%dma_wait3A_686, %dma_wait3A_687] : memref<1x19968xf32, #tpu.memory_space<vmem>> -> memref<1x19968xf32, #tpu.memory_space<vmem>>
      %dma_wait3A_689 = tpu.memref_slice %arg10[%mul3A_599] : memref<16xi32, #tpu.memory_space<vmem>> -> memref<1xi32, #tpu.memory_space<vmem>>
      %dma_wait3A_690 = arith.constant 0 : i32
      %dma_wait3A_691 = arith.constant 79872 : i32
      %dma_wait3A_692 = tpu.memref_slice %arg2[%dma_wait3A_690, %dma_wait3A_691] : memref<160x100000xf32, #tpu.memory_space<hbm>> -> memref<160x19968xf32, #tpu.memory_space<hbm>>
      tpu.wait_indirect_dma semaphore(%arg15 : memref<!tpu.dma_semaphore, #tpu.memory_space<semaphore_mem>>) src(%dma_wait3A_692 : memref<160x19968xf32, #tpu.memory_space<hbm>>) dst(%dma_wait3A_688 : memref<1x19968xf32, #tpu.memory_space<vmem>>)
      %scan3A_693 = arith.constant 0 : i32
      %scan3A_694 = arith.constant 39 : i32
      %scan3A_695 = arith.addi %scan3A_693, %scan3A_694 : i32
      %scan3A_696 = arith.constant 1 : i32
      %scan3A_697:10 = scf.for %scan3A_1702 = %scan3A_693 to %scan3A_695 step %scan3A_696 iter_args(%scan3A_1703 = %scan3A_681#0, %scan3A_1704 = %scan3A_681#1, %scan3A_1705 = %scan3A_681#2, %scan3A_1706 = %scan3A_681#3, %scan3A_1707 = %scan3A_681#4, %scan3A_1708 = %scan3A_681#5, %scan3A_1709 = %scan3A_681#6, %scan3A_1710 = %scan3A_681#7, %scan3A_1711 = %scan3A_681#8, %scan3A_1712 = %scan3A_681#9) -> (vector<16xf32>, vector<16xf32>, vector<16xf32>, vector<16xf32>, vector<16xf32>, vector<16xi32>, vector<16xi32>, vector<16xi32>, vector<16xi32>, vector<16xi32>)  : i32 {
        %mul3A_1713 = arith.constant 512 : i32
        %mul3A_1714 = arith.muli %scan3A_1702, %mul3A_1713 : i32
        %get3A_1715 = arith.constant 0 : i32
        %get3A_1716 = arith.index_cast %get3A_1715 : i32 to index
        %get3A_1717 = arith.index_cast %mul3A_1714 : i32 to index
        %get3A_1718 = tpu.vector_load %arg6[%get3A_1716, %get3A_1717] {strides = array<i32>} : memref<1x19968xf32, #tpu.memory_space<vmem>>, vector<16xf32>,
        %mul3A_1719 = arith.constant 512 : i32
        %mul3A_1720 = arith.muli %scan3A_1702, %mul3A_1719 : i32
        %add3A_1721 = arith.constant 16 : i32
        %add3A_1722 = arith.addi %mul3A_1720, %add3A_1721 : i32
        %get3A_1723 = arith.constant 0 : i32
        %get3A_1724 = arith.index_cast %get3A_1723 : i32 to index
        %get3A_1725 = arith.index_cast %add3A_1722 : i32 to index
        %get3A_1726 = tpu.vector_load %arg6[%get3A_1724, %get3A_1725] {strides = array<i32>} : memref<1x19968xf32, #tpu.memory_space<vmem>>, vector<16xf32>,
        %max3A_1727 = arith.maximumf %get3A_1718, %get3A_1726 : vector<16xf32>
        %mul3A_1728 = arith.constant 512 : i32
        %mul3A_1729 = arith.muli %scan3A_1702, %mul3A_1728 : i32
        %add3A_1730 = arith.constant 32 : i32
        %add3A_1731 = arith.addi %mul3A_1729, %add3A_1730 : i32
        %get3A_1732 = arith.constant 0 : i32
        %get3A_1733 = arith.index_cast %get3A_1732 : i32 to index
        %get3A_1734 = arith.index_cast %add3A_1731 : i32 to index
        %get3A_1735 = tpu.vector_load %arg6[%get3A_1733, %get3A_1734] {strides = array<i32>} : memref<1x19968xf32, #tpu.memory_space<vmem>>, vector<16xf32>,
        %max3A_1736 = arith.maximumf %max3A_1727, %get3A_1735 : vector<16xf32>
        %mul3A_1737 = arith.constant 512 : i32
        %mul3A_1738 = arith.muli %scan3A_1702, %mul3A_1737 : i32
        %add3A_1739 = arith.constant 48 : i32
        %add3A_1740 = arith.addi %mul3A_1738, %add3A_1739 : i32
        %get3A_1741 = arith.constant 0 : i32
        %get3A_1742 = arith.index_cast %get3A_1741 : i32 to index
        %get3A_1743 = arith.index_cast %add3A_1740 : i32 to index
        %get3A_1744 = tpu.vector_load %arg6[%get3A_1742, %get3A_1743] {strides = array<i32>} : memref<1x19968xf32, #tpu.memory_space<vmem>>, vector<16xf32>,
        %max3A_1745 = arith.maximumf %max3A_1736, %get3A_1744 : vector<16xf32>
        %mul3A_1746 = arith.constant 512 : i32
        %mul3A_1747 = arith.muli %scan3A_1702, %mul3A_1746 : i32
        %add3A_1748 = arith.constant 64 : i32
        %add3A_1749 = arith.addi %mul3A_1747, %add3A_1748 : i32
        %get3A_1750 = arith.constant 0 : i32
        %get3A_1751 = arith.index_cast %get3A_1750 : i32 to index
        %get3A_1752 = arith.index_cast %add3A_1749 : i32 to index
        %get3A_1753 = tpu.vector_load %arg6[%get3A_1751, %get3A_1752] {strides = array<i32>} : memref<1x19968xf32, #tpu.memory_space<vmem>>, vector<16xf32>,
        %max3A_1754 = arith.maximumf %max3A_1745, %get3A_1753 : vector<16xf32>
        %mul3A_1755 = arith.constant 512 : i32
        %mul3A_1756 = arith.muli %scan3A_1702, %mul3A_1755 : i32
        %add3A_1757 = arith.constant 80 : i32
        %add3A_1758 = arith.addi %mul3A_1756, %add3A_1757 : i32
        %get3A_1759 = arith.constant 0 : i32
        %get3A_1760 = arith.index_cast %get3A_1759 : i32 to index
        %get3A_1761 = arith.index_cast %add3A_1758 : i32 to index
        %get3A_1762 = tpu.vector_load %arg6[%get3A_1760, %get3A_1761] {strides = array<i32>} : memref<1x19968xf32, #tpu.memory_space<vmem>>, vector<16xf32>,
        %max3A_1763 = arith.maximumf %max3A_1754, %get3A_1762 : vector<16xf32>
        %mul3A_1764 = arith.constant 512 : i32
        %mul3A_1765 = arith.muli %scan3A_1702, %mul3A_1764 : i32
        %add3A_1766 = arith.constant 96 : i32
        %add3A_1767 = arith.addi %mul3A_1765, %add3A_1766 : i32
        %get3A_1768 = arith.constant 0 : i32
        %get3A_1769 = arith.index_cast %get3A_1768 : i32 to index
        %get3A_1770 = arith.index_cast %add3A_1767 : i32 to index
        %get3A_1771 = tpu.vector_load %arg6[%get3A_1769, %get3A_1770] {strides = array<i32>} : memref<1x19968xf32, #tpu.memory_space<vmem>>, vector<16xf32>,
        %max3A_1772 = arith.maximumf %max3A_1763, %get3A_1771 : vector<16xf32>
        %mul3A_1773 = arith.constant 512 : i32
        %mul3A_1774 = arith.muli %scan3A_1702, %mul3A_1773 : i32
        %add3A_1775 = arith.constant 112 : i32
        %add3A_1776 = arith.addi %mul3A_1774, %add3A_1775 : i32
        %get3A_1777 = arith.constant 0 : i32
        %get3A_1778 = arith.index_cast %get3A_1777 : i32 to index
        %get3A_1779 = arith.index_cast %add3A_1776 : i32 to index
        %get3A_1780 = tpu.vector_load %arg6[%get3A_1778, %get3A_1779] {strides = array<i32>} : memref<1x19968xf32, #tpu.memory_space<vmem>>, vector<16xf32>,
        %max3A_1781 = arith.maximumf %max3A_1772, %get3A_1780 : vector<16xf32>
        %mul3A_1782 = arith.constant 512 : i32
        %mul3A_1783 = arith.muli %scan3A_1702, %mul3A_1782 : i32
        %add3A_1784 = arith.constant 128 : i32
        %add3A_1785 = arith.addi %mul3A_1783, %add3A_1784 : i32
        %get3A_1786 = arith.constant 0 : i32
        %get3A_1787 = arith.index_cast %get3A_1786 : i32 to index
        %get3A_1788 = arith.index_cast %add3A_1785 : i32 to index
        %get3A_1789 = tpu.vector_load %arg6[%get3A_1787, %get3A_1788] {strides = array<i32>} : memref<1x19968xf32, #tpu.memory_space<vmem>>, vector<16xf32>,
        %max3A_1790 = arith.maximumf %max3A_1781, %get3A_1789 : vector<16xf32>
        %mul3A_1791 = arith.constant 512 : i32
        %mul3A_1792 = arith.muli %scan3A_1702, %mul3A_1791 : i32
        %add3A_1793 = arith.constant 144 : i32
        %add3A_1794 = arith.addi %mul3A_1792, %add3A_1793 : i32
        %get3A_1795 = arith.constant 0 : i32
        %get3A_1796 = arith.index_cast %get3A_1795 : i32 to index
        %get3A_1797 = arith.index_cast %add3A_1794 : i32 to index
        %get3A_1798 = tpu.vector_load %arg6[%get3A_1796, %get3A_1797] {strides = array<i32>} : memref<1x19968xf32, #tpu.memory_space<vmem>>, vector<16xf32>,
        %max3A_1799 = arith.maximumf %max3A_1790, %get3A_1798 : vector<16xf32>
        %mul3A_1800 = arith.constant 512 : i32
        %mul3A_1801 = arith.muli %scan3A_1702, %mul3A_1800 : i32
        %add3A_1802 = arith.constant 160 : i32
        %add3A_1803 = arith.addi %mul3A_1801, %add3A_1802 : i32
        %get3A_1804 = arith.constant 0 : i32
        %get3A_1805 = arith.index_cast %get3A_1804 : i32 to index
        %get3A_1806 = arith.index_cast %add3A_1803 : i32 to index
        %get3A_1807 = tpu.vector_load %arg6[%get3A_1805, %get3A_1806] {strides = array<i32>} : memref<1x19968xf32, #tpu.memory_space<vmem>>, vector<16xf32>,
        %max3A_1808 = arith.maximumf %max3A_1799, %get3A_1807 : vector<16xf32>
        %mul3A_1809 = arith.constant 512 : i32
        %mul3A_1810 = arith.muli %scan3A_1702, %mul3A_1809 : i32
        %add3A_1811 = arith.constant 176 : i32
        %add3A_1812 = arith.addi %mul3A_1810, %add3A_1811 : i32
        %get3A_1813 = arith.constant 0 : i32
        %get3A_1814 = arith.index_cast %get3A_1813 : i32 to index
        %get3A_1815 = arith.index_cast %add3A_1812 : i32 to index
        %get3A_1816 = tpu.vector_load %arg6[%get3A_1814, %get3A_1815] {strides = array<i32>} : memref<1x19968xf32, #tpu.memory_space<vmem>>, vector<16xf32>,
        %max3A_1817 = arith.maximumf %max3A_1808, %get3A_1816 : vector<16xf32>
        %mul3A_1818 = arith.constant 512 : i32
        %mul3A_1819 = arith.muli %scan3A_1702, %mul3A_1818 : i32
        %add3A_1820 = arith.constant 192 : i32
        %add3A_1821 = arith.addi %mul3A_1819, %add3A_1820 : i32
        %get3A_1822 = arith.constant 0 : i32
        %get3A_1823 = arith.index_cast %get3A_1822 : i32 to index
        %get3A_1824 = arith.index_cast %add3A_1821 : i32 to index
        %get3A_1825 = tpu.vector_load %arg6[%get3A_1823, %get3A_1824] {strides = array<i32>} : memref<1x19968xf32, #tpu.memory_space<vmem>>, vector<16xf32>,
        %max3A_1826 = arith.maximumf %max3A_1817, %get3A_1825 : vector<16xf32>
        %mul3A_1827 = arith.constant 512 : i32
        %mul3A_1828 = arith.muli %scan3A_1702, %mul3A_1827 : i32
        %add3A_1829 = arith.constant 208 : i32
        %add3A_1830 = arith.addi %mul3A_1828, %add3A_1829 : i32
        %get3A_1831 = arith.constant 0 : i32
        %get3A_1832 = arith.index_cast %get3A_1831 : i32 to index
        %get3A_1833 = arith.index_cast %add3A_1830 : i32 to index
        %get3A_1834 = tpu.vector_load %arg6[%get3A_1832, %get3A_1833] {strides = array<i32>} : memref<1x19968xf32, #tpu.memory_space<vmem>>, vector<16xf32>,
        %max3A_1835 = arith.maximumf %max3A_1826, %get3A_1834 : vector<16xf32>
        %mul3A_1836 = arith.constant 512 : i32
        %mul3A_1837 = arith.muli %scan3A_1702, %mul3A_1836 : i32
        %add3A_1838 = arith.constant 224 : i32
        %add3A_1839 = arith.addi %mul3A_1837, %add3A_1838 : i32
        %get3A_1840 = arith.constant 0 : i32
        %get3A_1841 = arith.index_cast %get3A_1840 : i32 to index
        %get3A_1842 = arith.index_cast %add3A_1839 : i32 to index
        %get3A_1843 = tpu.vector_load %arg6[%get3A_1841, %get3A_1842] {strides = array<i32>} : memref<1x19968xf32, #tpu.memory_space<vmem>>, vector<16xf32>,
        %max3A_1844 = arith.maximumf %max3A_1835, %get3A_1843 : vector<16xf32>
        %mul3A_1845 = arith.constant 512 : i32
        %mul3A_1846 = arith.muli %scan3A_1702, %mul3A_1845 : i32
        %add3A_1847 = arith.constant 240 : i32
        %add3A_1848 = arith.addi %mul3A_1846, %add3A_1847 : i32
        %get3A_1849 = arith.constant 0 : i32
        %get3A_1850 = arith.index_cast %get3A_1849 : i32 to index
        %get3A_1851 = arith.index_cast %add3A_1848 : i32 to index
        %get3A_1852 = tpu.vector_load %arg6[%get3A_1850, %get3A_1851] {strides = array<i32>} : memref<1x19968xf32, #tpu.memory_space<vmem>>, vector<16xf32>,
        %max3A_1853 = arith.maximumf %max3A_1844, %get3A_1852 : vector<16xf32>
        %mul3A_1854 = arith.constant 512 : i32
        %mul3A_1855 = arith.muli %scan3A_1702, %mul3A_1854 : i32
        %add3A_1856 = arith.constant 256 : i32
        %add3A_1857 = arith.addi %mul3A_1855, %add3A_1856 : i32
        %get3A_1858 = arith.constant 0 : i32
        %get3A_1859 = arith.index_cast %get3A_1858 : i32 to index
        %get3A_1860 = arith.index_cast %add3A_1857 : i32 to index
        %get3A_1861 = tpu.vector_load %arg6[%get3A_1859, %get3A_1860] {strides = array<i32>} : memref<1x19968xf32, #tpu.memory_space<vmem>>, vector<16xf32>,
        %max3A_1862 = arith.maximumf %max3A_1853, %get3A_1861 : vector<16xf32>
        %mul3A_1863 = arith.constant 512 : i32
        %mul3A_1864 = arith.muli %scan3A_1702, %mul3A_1863 : i32
        %add3A_1865 = arith.constant 272 : i32
        %add3A_1866 = arith.addi %mul3A_1864, %add3A_1865 : i32
        %get3A_1867 = arith.constant 0 : i32
        %get3A_1868 = arith.index_cast %get3A_1867 : i32 to index
        %get3A_1869 = arith.index_cast %add3A_1866 : i32 to index
        %get3A_1870 = tpu.vector_load %arg6[%get3A_1868, %get3A_1869] {strides = array<i32>} : memref<1x19968xf32, #tpu.memory_space<vmem>>, vector<16xf32>,
        %max3A_1871 = arith.maximumf %max3A_1862, %get3A_1870 : vector<16xf32>
        %mul3A_1872 = arith.constant 512 : i32
        %mul3A_1873 = arith.muli %scan3A_1702, %mul3A_1872 : i32
        %add3A_1874 = arith.constant 288 : i32
        %add3A_1875 = arith.addi %mul3A_1873, %add3A_1874 : i32
        %get3A_1876 = arith.constant 0 : i32
        %get3A_1877 = arith.index_cast %get3A_1876 : i32 to index
        %get3A_1878 = arith.index_cast %add3A_1875 : i32 to index
        %get3A_1879 = tpu.vector_load %arg6[%get3A_1877, %get3A_1878] {strides = array<i32>} : memref<1x19968xf32, #tpu.memory_space<vmem>>, vector<16xf32>,
        %max3A_1880 = arith.maximumf %max3A_1871, %get3A_1879 : vector<16xf32>
        %mul3A_1881 = arith.constant 512 : i32
        %mul3A_1882 = arith.muli %scan3A_1702, %mul3A_1881 : i32
        %add3A_1883 = arith.constant 304 : i32
        %add3A_1884 = arith.addi %mul3A_1882, %add3A_1883 : i32
        %get3A_1885 = arith.constant 0 : i32
        %get3A_1886 = arith.index_cast %get3A_1885 : i32 to index
        %get3A_1887 = arith.index_cast %add3A_1884 : i32 to index
        %get3A_1888 = tpu.vector_load %arg6[%get3A_1886, %get3A_1887] {strides = array<i32>} : memref<1x19968xf32, #tpu.memory_space<vmem>>, vector<16xf32>,
        %max3A_1889 = arith.maximumf %max3A_1880, %get3A_1888 : vector<16xf32>
        %mul3A_1890 = arith.constant 512 : i32
        %mul3A_1891 = arith.muli %scan3A_1702, %mul3A_1890 : i32
        %add3A_1892 = arith.constant 320 : i32
        %add3A_1893 = arith.addi %mul3A_1891, %add3A_1892 : i32
        %get3A_1894 = arith.constant 0 : i32
        %get3A_1895 = arith.index_cast %get3A_1894 : i32 to index
        %get3A_1896 = arith.index_cast %add3A_1893 : i32 to index
        %get3A_1897 = tpu.vector_load %arg6[%get3A_1895, %get3A_1896] {strides = array<i32>} : memref<1x19968xf32, #tpu.memory_space<vmem>>, vector<16xf32>,
        %max3A_1898 = arith.maximumf %max3A_1889, %get3A_1897 : vector<16xf32>
        %mul3A_1899 = arith.constant 512 : i32
        %mul3A_1900 = arith.muli %scan3A_1702, %mul3A_1899 : i32
        %add3A_1901 = arith.constant 336 : i32
        %add3A_1902 = arith.addi %mul3A_1900, %add3A_1901 : i32
        %get3A_1903 = arith.constant 0 : i32
        %get3A_1904 = arith.index_cast %get3A_1903 : i32 to index
        %get3A_1905 = arith.index_cast %add3A_1902 : i32 to index
        %get3A_1906 = tpu.vector_load %arg6[%get3A_1904, %get3A_1905] {strides = array<i32>} : memref<1x19968xf32, #tpu.memory_space<vmem>>, vector<16xf32>,
        %max3A_1907 = arith.maximumf %max3A_1898, %get3A_1906 : vector<16xf32>
        %mul3A_1908 = arith.constant 512 : i32
        %mul3A_1909 = arith.muli %scan3A_1702, %mul3A_1908 : i32
        %add3A_1910 = arith.constant 352 : i32
        %add3A_1911 = arith.addi %mul3A_1909, %add3A_1910 : i32
        %get3A_1912 = arith.constant 0 : i32
        %get3A_1913 = arith.index_cast %get3A_1912 : i32 to index
        %get3A_1914 = arith.index_cast %add3A_1911 : i32 to index
        %get3A_1915 = tpu.vector_load %arg6[%get3A_1913, %get3A_1914] {strides = array<i32>} : memref<1x19968xf32, #tpu.memory_space<vmem>>, vector<16xf32>,
        %max3A_1916 = arith.maximumf %max3A_1907, %get3A_1915 : vector<16xf32>
        %mul3A_1917 = arith.constant 512 : i32
        %mul3A_1918 = arith.muli %scan3A_1702, %mul3A_1917 : i32
        %add3A_1919 = arith.constant 368 : i32
        %add3A_1920 = arith.addi %mul3A_1918, %add3A_1919 : i32
        %get3A_1921 = arith.constant 0 : i32
        %get3A_1922 = arith.index_cast %get3A_1921 : i32 to index
        %get3A_1923 = arith.index_cast %add3A_1920 : i32 to index
        %get3A_1924 = tpu.vector_load %arg6[%get3A_1922, %get3A_1923] {strides = array<i32>} : memref<1x19968xf32, #tpu.memory_space<vmem>>, vector<16xf32>,
        %max3A_1925 = arith.maximumf %max3A_1916, %get3A_1924 : vector<16xf32>
        %mul3A_1926 = arith.constant 512 : i32
        %mul3A_1927 = arith.muli %scan3A_1702, %mul3A_1926 : i32
        %add3A_1928 = arith.constant 384 : i32
        %add3A_1929 = arith.addi %mul3A_1927, %add3A_1928 : i32
        %get3A_1930 = arith.constant 0 : i32
        %get3A_1931 = arith.index_cast %get3A_1930 : i32 to index
        %get3A_1932 = arith.index_cast %add3A_1929 : i32 to index
        %get3A_1933 = tpu.vector_load %arg6[%get3A_1931, %get3A_1932] {strides = array<i32>} : memref<1x19968xf32, #tpu.memory_space<vmem>>, vector<16xf32>,
        %max3A_1934 = arith.maximumf %max3A_1925, %get3A_1933 : vector<16xf32>
        %mul3A_1935 = arith.constant 512 : i32
        %mul3A_1936 = arith.muli %scan3A_1702, %mul3A_1935 : i32
        %add3A_1937 = arith.constant 400 : i32
        %add3A_1938 = arith.addi %mul3A_1936, %add3A_1937 : i32
        %get3A_1939 = arith.constant 0 : i32
        %get3A_1940 = arith.index_cast %get3A_1939 : i32 to index
        %get3A_1941 = arith.index_cast %add3A_1938 : i32 to index
        %get3A_1942 = tpu.vector_load %arg6[%get3A_1940, %get3A_1941] {strides = array<i32>} : memref<1x19968xf32, #tpu.memory_space<vmem>>, vector<16xf32>,
        %max3A_1943 = arith.maximumf %max3A_1934, %get3A_1942 : vector<16xf32>
        %mul3A_1944 = arith.constant 512 : i32
        %mul3A_1945 = arith.muli %scan3A_1702, %mul3A_1944 : i32
        %add3A_1946 = arith.constant 416 : i32
        %add3A_1947 = arith.addi %mul3A_1945, %add3A_1946 : i32
        %get3A_1948 = arith.constant 0 : i32
        %get3A_1949 = arith.index_cast %get3A_1948 : i32 to index
        %get3A_1950 = arith.index_cast %add3A_1947 : i32 to index
        %get3A_1951 = tpu.vector_load %arg6[%get3A_1949, %get3A_1950] {strides = array<i32>} : memref<1x19968xf32, #tpu.memory_space<vmem>>, vector<16xf32>,
        %max3A_1952 = arith.maximumf %max3A_1943, %get3A_1951 : vector<16xf32>
        %mul3A_1953 = arith.constant 512 : i32
        %mul3A_1954 = arith.muli %scan3A_1702, %mul3A_1953 : i32
        %add3A_1955 = arith.constant 432 : i32
        %add3A_1956 = arith.addi %mul3A_1954, %add3A_1955 : i32
        %get3A_1957 = arith.constant 0 : i32
        %get3A_1958 = arith.index_cast %get3A_1957 : i32 to index
        %get3A_1959 = arith.index_cast %add3A_1956 : i32 to index
        %get3A_1960 = tpu.vector_load %arg6[%get3A_1958, %get3A_1959] {strides = array<i32>} : memref<1x19968xf32, #tpu.memory_space<vmem>>, vector<16xf32>,
        %max3A_1961 = arith.maximumf %max3A_1952, %get3A_1960 : vector<16xf32>
        %mul3A_1962 = arith.constant 512 : i32
        %mul3A_1963 = arith.muli %scan3A_1702, %mul3A_1962 : i32
        %add3A_1964 = arith.constant 448 : i32
        %add3A_1965 = arith.addi %mul3A_1963, %add3A_1964 : i32
        %get3A_1966 = arith.constant 0 : i32
        %get3A_1967 = arith.index_cast %get3A_1966 : i32 to index
        %get3A_1968 = arith.index_cast %add3A_1965 : i32 to index
        %get3A_1969 = tpu.vector_load %arg6[%get3A_1967, %get3A_1968] {strides = array<i32>} : memref<1x19968xf32, #tpu.memory_space<vmem>>, vector<16xf32>,
        %max3A_1970 = arith.maximumf %max3A_1961, %get3A_1969 : vector<16xf32>
        %mul3A_1971 = arith.constant 512 : i32
        %mul3A_1972 = arith.muli %scan3A_1702, %mul3A_1971 : i32
        %add3A_1973 = arith.constant 464 : i32
        %add3A_1974 = arith.addi %mul3A_1972, %add3A_1973 : i32
        %get3A_1975 = arith.constant 0 : i32
        %get3A_1976 = arith.index_cast %get3A_1975 : i32 to index
        %get3A_1977 = arith.index_cast %add3A_1974 : i32 to index
        %get3A_1978 = tpu.vector_load %arg6[%get3A_1976, %get3A_1977] {strides = array<i32>} : memref<1x19968xf32, #tpu.memory_space<vmem>>, vector<16xf32>,
        %max3A_1979 = arith.maximumf %max3A_1970, %get3A_1978 : vector<16xf32>
        %mul3A_1980 = arith.constant 512 : i32
        %mul3A_1981 = arith.muli %scan3A_1702, %mul3A_1980 : i32
        %add3A_1982 = arith.constant 480 : i32
        %add3A_1983 = arith.addi %mul3A_1981, %add3A_1982 : i32
        %get3A_1984 = arith.constant 0 : i32
        %get3A_1985 = arith.index_cast %get3A_1984 : i32 to index
        %get3A_1986 = arith.index_cast %add3A_1983 : i32 to index
        %get3A_1987 = tpu.vector_load %arg6[%get3A_1985, %get3A_1986] {strides = array<i32>} : memref<1x19968xf32, #tpu.memory_space<vmem>>, vector<16xf32>,
        %max3A_1988 = arith.maximumf %max3A_1979, %get3A_1987 : vector<16xf32>
        %mul3A_1989 = arith.constant 512 : i32
        %mul3A_1990 = arith.muli %scan3A_1702, %mul3A_1989 : i32
        %add3A_1991 = arith.constant 496 : i32
        %add3A_1992 = arith.addi %mul3A_1990, %add3A_1991 : i32
        %get3A_1993 = arith.constant 0 : i32
        %get3A_1994 = arith.index_cast %get3A_1993 : i32 to index
        %get3A_1995 = arith.index_cast %add3A_1992 : i32 to index
        %get3A_1996 = tpu.vector_load %arg6[%get3A_1994, %get3A_1995] {strides = array<i32>} : memref<1x19968xf32, #tpu.memory_space<vmem>>, vector<16xf32>,
        %max3A_1997 = arith.maximumf %max3A_1988, %get3A_1996 : vector<16xf32>
        %add3A_1998 = arith.constant 156 : i32
        %add3A_1999 = arith.addi %add3A_1998, %scan3A_1702 : i32
        %mul3A_2000 = arith.constant 16 : i32
        %mul3A_2001 = arith.muli %add3A_1999, %mul3A_2000 : i32
        %add3A_2002 = vector.broadcast %mul3A_2001 : i32 to vector<16xi32>
        %add3A_2003 = arith.addi %add3A_2002, %iota3A : vector<16xi32>
        %gt3A_2004 = arith.cmpf ogt, %max3A_1997, %scan3A_1703 : vector<16xf32>
        %select_n3A_2005 = arith.select %gt3A_2004, %max3A_1997, %scan3A_1703 : vector<16xi1>, vector<16xf32>
        %select_n3A_2006 = arith.select %gt3A_2004, %add3A_2003, %scan3A_1708 : vector<16xi1>, vector<16xi32>
        %select_n3A_2007 = arith.select %gt3A_2004, %scan3A_1703, %max3A_1997 : vector<16xi1>, vector<16xf32>
        %select_n3A_2008 = arith.select %gt3A_2004, %scan3A_1708, %add3A_2003 : vector<16xi1>, vector<16xi32>
        %gt3A_2009 = arith.cmpf ogt, %select_n3A_2007, %scan3A_1704 : vector<16xf32>
        %select_n3A_2010 = arith.select %gt3A_2009, %select_n3A_2007, %scan3A_1704 : vector<16xi1>, vector<16xf32>
        %select_n3A_2011 = arith.select %gt3A_2009, %select_n3A_2008, %scan3A_1709 : vector<16xi1>, vector<16xi32>
        %select_n3A_2012 = arith.select %gt3A_2009, %scan3A_1704, %select_n3A_2007 : vector<16xi1>, vector<16xf32>
        %select_n3A_2013 = arith.select %gt3A_2009, %scan3A_1709, %select_n3A_2008 : vector<16xi1>, vector<16xi32>
        %gt3A_2014 = arith.cmpf ogt, %select_n3A_2012, %scan3A_1705 : vector<16xf32>
        %select_n3A_2015 = arith.select %gt3A_2014, %select_n3A_2012, %scan3A_1705 : vector<16xi1>, vector<16xf32>
        %select_n3A_2016 = arith.select %gt3A_2014, %select_n3A_2013, %scan3A_1710 : vector<16xi1>, vector<16xi32>
        %select_n3A_2017 = arith.select %gt3A_2014, %scan3A_1705, %select_n3A_2012 : vector<16xi1>, vector<16xf32>
        %select_n3A_2018 = arith.select %gt3A_2014, %scan3A_1710, %select_n3A_2013 : vector<16xi1>, vector<16xi32>
        %gt3A_2019 = arith.cmpf ogt, %select_n3A_2017, %scan3A_1706 : vector<16xf32>
        %select_n3A_2020 = arith.select %gt3A_2019, %select_n3A_2017, %scan3A_1706 : vector<16xi1>, vector<16xf32>
        %select_n3A_2021 = arith.select %gt3A_2019, %select_n3A_2018, %scan3A_1711 : vector<16xi1>, vector<16xi32>
        %select_n3A_2022 = arith.select %gt3A_2019, %scan3A_1706, %select_n3A_2017 : vector<16xi1>, vector<16xf32>
        %select_n3A_2023 = arith.select %gt3A_2019, %scan3A_1711, %select_n3A_2018 : vector<16xi1>, vector<16xi32>
        %gt3A_2024 = arith.cmpf ogt, %select_n3A_2022, %scan3A_1707 : vector<16xf32>
        %select_n3A_2025 = arith.select %gt3A_2024, %select_n3A_2022, %scan3A_1707 : vector<16xi1>, vector<16xf32>
        %select_n3A_2026 = arith.select %gt3A_2024, %select_n3A_2023, %scan3A_1712 : vector<16xi1>, vector<16xi32>
        %select_n3A_2027 = arith.select %gt3A_2024, %scan3A_1707, %select_n3A_2022 : vector<16xi1>, vector<16xf32>
        %select_n3A_2028 = arith.select %gt3A_2024, %scan3A_1712, %select_n3A_2023 : vector<16xi1>, vector<16xi32>
        scf.yield %select_n3A_2005, %select_n3A_2010, %select_n3A_2015, %select_n3A_2020, %select_n3A_2025, %select_n3A_2006, %select_n3A_2011, %select_n3A_2016, %select_n3A_2021, %select_n3A_2026 : vector<16xf32>, vector<16xf32>, vector<16xf32>, vector<16xf32>, vector<16xf32>, vector<16xi32>, vector<16xi32>, vector<16xi32>, vector<16xi32>, vector<16xi32>
      }
      %scan3A_698 = arith.constant 39 : i32
      %lt3A_699 = arith.constant 4 : i32
      %lt3A_700 = arith.cmpi slt, %scan3A_581, %lt3A_699 : i32
      %convert_element_type3A_701 = arith.extui %lt3A_700 : i1 to i32
      %cond3A_702 = arith.constant 0 : i32
      %cond3A_703 = arith.cmpi ne, %convert_element_type3A_701, %cond3A_702 : i32
      scf.if %cond3A_703 {
        %dma_start3A_1702 = arith.constant 0 : i32
        %dma_start3A_1703 = arith.constant 0 : i32
        %dma_start3A_1704 = tpu.memref_slice %arg6[%dma_start3A_1702, %dma_start3A_1703] : memref<1x19968xf32, #tpu.memory_space<vmem>> -> memref<1x19968xf32, #tpu.memory_space<vmem>>
        %dma_start3A_1705 = tpu.memref_slice %arg10[%sub3A_600] : memref<16xi32, #tpu.memory_space<vmem>> -> memref<1xi32, #tpu.memory_space<vmem>>
        %dma_start3A_1706 = arith.constant 0 : i32
        %dma_start3A_1707 = arith.constant 19968 : i32
        %dma_start3A_1708 = tpu.memref_slice %arg2[%dma_start3A_1706, %dma_start3A_1707] : memref<160x100000xf32, #tpu.memory_space<hbm>> -> memref<160x19968xf32, #tpu.memory_space<hbm>>
        tpu.enqueue_indirect_dma source(%dma_start3A_1708 : memref<160x19968xf32, #tpu.memory_space<hbm>>) target(%dma_start3A_1704 : memref<1x19968xf32, #tpu.memory_space<vmem>>) offsets(%dma_start3A_1705 : memref<1xi32, #tpu.memory_space<vmem>>) semaphore(%arg15 : memref<!tpu.dma_semaphore, #tpu.memory_space<semaphore_mem>>)
      } else {
      }
      %dma_wait3A_704 = arith.constant 0 : i32
      %dma_wait3A_705 = arith.constant 0 : i32
      %dma_wait3A_706 = tpu.memref_slice %arg7[%dma_wait3A_704, %dma_wait3A_705] : memref<1x19968xf32, #tpu.memory_space<vmem>> -> memref<1x128xf32, #tpu.memory_space<vmem>>
      %dma_wait3A_707 = tpu.memref_slice %arg10[%mul3A_599] : memref<16xi32, #tpu.memory_space<vmem>> -> memref<1xi32, #tpu.memory_space<vmem>>
      %dma_wait3A_708 = arith.constant 0 : i32
      %dma_wait3A_709 = arith.constant 99840 : i32
      %dma_wait3A_710 = tpu.memref_slice %arg2[%dma_wait3A_708, %dma_wait3A_709] : memref<160x100000xf32, #tpu.memory_space<hbm>> -> memref<160x128xf32, #tpu.memory_space<hbm>>
      tpu.wait_indirect_dma semaphore(%arg16 : memref<!tpu.dma_semaphore, #tpu.memory_space<semaphore_mem>>) src(%dma_wait3A_710 : memref<160x128xf32, #tpu.memory_space<hbm>>) dst(%dma_wait3A_706 : memref<1x128xf32, #tpu.memory_space<vmem>>)
      %get3A_711 = arith.constant 0 : i32
      %get3A_712 = arith.index_cast %get3A_711 : i32 to index
      %get3A_713 = arith.constant 0 : index
      %get3A_714 = tpu.vector_load %arg7[%get3A_712, %get3A_713] {strides = array<i32>} : memref<1x19968xf32, #tpu.memory_space<vmem>>, vector<16xf32>,
      %get3A_715 = arith.constant 0 : i32
      %get3A_716 = arith.index_cast %get3A_715 : i32 to index
      %get3A_717 = arith.constant 16 : index
      %get3A_718 = tpu.vector_load %arg7[%get3A_716, %get3A_717] {strides = array<i32>} : memref<1x19968xf32, #tpu.memory_space<vmem>>, vector<16xf32>,
      %max3A = arith.maximumf %get3A_714, %get3A_718 : vector<16xf32>
      %get3A_719 = arith.constant 0 : i32
      %get3A_720 = arith.index_cast %get3A_719 : i32 to index
      %get3A_721 = arith.constant 32 : index
      %get3A_722 = tpu.vector_load %arg7[%get3A_720, %get3A_721] {strides = array<i32>} : memref<1x19968xf32, #tpu.memory_space<vmem>>, vector<16xf32>,
      %max3A_723 = arith.maximumf %max3A, %get3A_722 : vector<16xf32>
      %get3A_724 = arith.constant 0 : i32
      %get3A_725 = arith.index_cast %get3A_724 : i32 to index
      %get3A_726 = arith.constant 48 : index
      %get3A_727 = tpu.vector_load %arg7[%get3A_725, %get3A_726] {strides = array<i32>} : memref<1x19968xf32, #tpu.memory_space<vmem>>, vector<16xf32>,
      %max3A_728 = arith.maximumf %max3A_723, %get3A_727 : vector<16xf32>
      %get3A_729 = arith.constant 0 : i32
      %get3A_730 = arith.index_cast %get3A_729 : i32 to index
      %get3A_731 = arith.constant 64 : index
      %get3A_732 = tpu.vector_load %arg7[%get3A_730, %get3A_731] {strides = array<i32>} : memref<1x19968xf32, #tpu.memory_space<vmem>>, vector<16xf32>,
      %max3A_733 = arith.maximumf %max3A_728, %get3A_732 : vector<16xf32>
      %get3A_734 = arith.constant 0 : i32
      %get3A_735 = arith.index_cast %get3A_734 : i32 to index
      %get3A_736 = arith.constant 80 : index
      %get3A_737 = tpu.vector_load %arg7[%get3A_735, %get3A_736] {strides = array<i32>} : memref<1x19968xf32, #tpu.memory_space<vmem>>, vector<16xf32>,
      %max3A_738 = arith.maximumf %max3A_733, %get3A_737 : vector<16xf32>
      %get3A_739 = arith.constant 0 : i32
      %get3A_740 = arith.index_cast %get3A_739 : i32 to index
      %get3A_741 = arith.constant 96 : index
      %get3A_742 = tpu.vector_load %arg7[%get3A_740, %get3A_741] {strides = array<i32>} : memref<1x19968xf32, #tpu.memory_space<vmem>>, vector<16xf32>,
      %max3A_743 = arith.maximumf %max3A_738, %get3A_742 : vector<16xf32>
      %get3A_744 = arith.constant 0 : i32
      %get3A_745 = arith.index_cast %get3A_744 : i32 to index
      %get3A_746 = arith.constant 112 : index
      %get3A_747 = tpu.vector_load %arg7[%get3A_745, %get3A_746] {strides = array<i32>} : memref<1x19968xf32, #tpu.memory_space<vmem>>, vector<16xf32>,
      %max3A_748 = arith.maximumf %max3A_743, %get3A_747 : vector<16xf32>
      %add3A_749 = arith.constant 3120 : i32
      %add3A_750 = vector.broadcast %add3A_749 : i32 to vector<16xi32>
      %add3A_751 = arith.addi %add3A_750, %iota3A : vector<16xi32>
      %gt3A_752 = arith.cmpf ogt, %max3A_748, %scan3A_697#0 : vector<16xf32>
      %select_n3A_753 = arith.select %gt3A_752, %max3A_748, %scan3A_697#0 : vector<16xi1>, vector<16xf32>
      %select_n3A_754 = arith.select %gt3A_752, %add3A_751, %scan3A_697#5 : vector<16xi1>, vector<16xi32>
      %select_n3A_755 = arith.select %gt3A_752, %scan3A_697#0, %max3A_748 : vector<16xi1>, vector<16xf32>
      %select_n3A_756 = arith.select %gt3A_752, %scan3A_697#5, %add3A_751 : vector<16xi1>, vector<16xi32>
      %gt3A_757 = arith.cmpf ogt, %select_n3A_755, %scan3A_697#1 : vector<16xf32>
      %select_n3A_758 = arith.select %gt3A_757, %select_n3A_755, %scan3A_697#1 : vector<16xi1>, vector<16xf32>
      %select_n3A_759 = arith.select %gt3A_757, %select_n3A_756, %scan3A_697#6 : vector<16xi1>, vector<16xi32>
      %select_n3A_760 = arith.select %gt3A_757, %scan3A_697#1, %select_n3A_755 : vector<16xi1>, vector<16xf32>
      %select_n3A_761 = arith.select %gt3A_757, %scan3A_697#6, %select_n3A_756 : vector<16xi1>, vector<16xi32>
      %gt3A_762 = arith.cmpf ogt, %select_n3A_760, %scan3A_697#2 : vector<16xf32>
      %select_n3A_763 = arith.select %gt3A_762, %select_n3A_760, %scan3A_697#2 : vector<16xi1>, vector<16xf32>
      %select_n3A_764 = arith.select %gt3A_762, %select_n3A_761, %scan3A_697#7 : vector<16xi1>, vector<16xi32>
      %select_n3A_765 = arith.select %gt3A_762, %scan3A_697#2, %select_n3A_760 : vector<16xi1>, vector<16xf32>
      %select_n3A_766 = arith.select %gt3A_762, %scan3A_697#7, %select_n3A_761 : vector<16xi1>, vector<16xi32>
      %gt3A_767 = arith.cmpf ogt, %select_n3A_765, %scan3A_697#3 : vector<16xf32>
      %select_n3A_768 = arith.select %gt3A_767, %select_n3A_765, %scan3A_697#3 : vector<16xi1>, vector<16xf32>
      %select_n3A_769 = arith.select %gt3A_767, %select_n3A_766, %scan3A_697#8 : vector<16xi1>, vector<16xi32>
      %select_n3A_770 = arith.select %gt3A_767, %scan3A_697#3, %select_n3A_765 : vector<16xi1>, vector<16xf32>
      %select_n3A_771 = arith.select %gt3A_767, %scan3A_697#8, %select_n3A_766 : vector<16xi1>, vector<16xi32>
      %gt3A_772 = arith.cmpf ogt, %select_n3A_770, %scan3A_697#4 : vector<16xf32>
      %select_n3A_773 = arith.select %gt3A_772, %select_n3A_770, %scan3A_697#4 : vector<16xi1>, vector<16xf32>
      %select_n3A_774 = arith.select %gt3A_772, %select_n3A_771, %scan3A_697#9 : vector<16xi1>, vector<16xi32>
      %select_n3A_775 = arith.select %gt3A_772, %scan3A_697#4, %select_n3A_770 : vector<16xi1>, vector<16xf32>
      %select_n3A_776 = arith.select %gt3A_772, %scan3A_697#9, %select_n3A_771 : vector<16xi1>, vector<16xi32>
      %lt3A_777 = arith.constant 4 : i32
      %lt3A_778 = arith.cmpi slt, %scan3A_581, %lt3A_777 : i32
      %convert_element_type3A_779 = arith.extui %lt3A_778 : i1 to i32
      %cond3A_780 = arith.constant 0 : i32
      %cond3A_781 = arith.cmpi ne, %convert_element_type3A_779, %cond3A_780 : i32
      scf.if %cond3A_781 {
        %dma_start3A_1702 = arith.constant 0 : i32
        %dma_start3A_1703 = arith.constant 0 : i32
        %dma_start3A_1704 = tpu.memref_slice %arg7[%dma_start3A_1702, %dma_start3A_1703] : memref<1x19968xf32, #tpu.memory_space<vmem>> -> memref<1x19968xf32, #tpu.memory_space<vmem>>
        %dma_start3A_1705 = tpu.memref_slice %arg10[%sub3A_600] : memref<16xi32, #tpu.memory_space<vmem>> -> memref<1xi32, #tpu.memory_space<vmem>>
        %dma_start3A_1706 = arith.constant 0 : i32
        %dma_start3A_1707 = arith.constant 39936 : i32
        %dma_start3A_1708 = tpu.memref_slice %arg2[%dma_start3A_1706, %dma_start3A_1707] : memref<160x100000xf32, #tpu.memory_space<hbm>> -> memref<160x19968xf32, #tpu.memory_space<hbm>>
        tpu.enqueue_indirect_dma source(%dma_start3A_1708 : memref<160x19968xf32, #tpu.memory_space<hbm>>) target(%dma_start3A_1704 : memref<1x19968xf32, #tpu.memory_space<vmem>>) offsets(%dma_start3A_1705 : memref<1xi32, #tpu.memory_space<vmem>>) semaphore(%arg16 : memref<!tpu.dma_semaphore, #tpu.memory_space<semaphore_mem>>)
      } else {
      }
      %gt3A_782 = arith.cmpf ogt, %select_n3A_758, %select_n3A_753 : vector<16xf32>
      %select_n3A_783 = arith.select %gt3A_782, %select_n3A_758, %select_n3A_753 : vector<16xi1>, vector<16xf32>
      %select_n3A_784 = arith.select %gt3A_782, %select_n3A_759, %select_n3A_754 : vector<16xi1>, vector<16xi32>
      %gt3A_785 = arith.cmpf ogt, %select_n3A_763, %select_n3A_783 : vector<16xf32>
      %select_n3A_786 = arith.select %gt3A_785, %select_n3A_763, %select_n3A_783 : vector<16xi1>, vector<16xf32>
      %select_n3A_787 = arith.select %gt3A_785, %select_n3A_764, %select_n3A_784 : vector<16xi1>, vector<16xi32>
      %gt3A_788 = arith.cmpf ogt, %select_n3A_768, %select_n3A_786 : vector<16xf32>
      %select_n3A_789 = arith.select %gt3A_788, %select_n3A_768, %select_n3A_786 : vector<16xi1>, vector<16xf32>
      %select_n3A_790 = arith.select %gt3A_788, %select_n3A_769, %select_n3A_787 : vector<16xi1>, vector<16xi32>
      %gt3A_791 = arith.cmpf ogt, %select_n3A_773, %select_n3A_789 : vector<16xf32>
      %select_n3A_792 = arith.select %gt3A_791, %select_n3A_773, %select_n3A_789 : vector<16xi1>, vector<16xf32>
      %select_n3A_793 = arith.select %gt3A_791, %select_n3A_774, %select_n3A_790 : vector<16xi1>, vector<16xi32>
      %reduce_max3A_794 = arith.constant true
      %reduce_max3A_795 = vector.broadcast %reduce_max3A_794 : i1 to vector<16xi1>
      %reduce_max3A_796 = tpu.scan <max>, %select_n3A_792 masked %reduce_max3A_795 : vector<16xf32>, vector<16xi1> -> vector<16xf32>
      %reduce_max3A_797 = vector.extract %reduce_max3A_796[15] : f32 from vector<16xf32>
      %eq3A_798 = vector.broadcast %reduce_max3A_797 : f32 to vector<16xf32>
      %eq3A_799 = arith.cmpf oeq, %select_n3A_792, %eq3A_798 : vector<16xf32>
      %jit3A_800 = arith.constant 2147483647 : i32
      %broadcast_in_dim3A_801 = vector.broadcast %jit3A_800 : i32 to vector<16xi32>
      %select_n3A_802 = arith.select %eq3A_799, %select_n3A_793, %broadcast_in_dim3A_801 : vector<16xi1>, vector<16xi32>
      %reduce_min3A_803 = arith.constant true
      %reduce_min3A_804 = vector.broadcast %reduce_min3A_803 : i1 to vector<16xi1>
      %reduce_min3A_805 = arith.constant -2147483648 : i32
      %reduce_min3A_806 = vector.broadcast %reduce_min3A_805 : i32 to vector<16xi32>
      %reduce_min3A_807 = arith.xori %select_n3A_802, %reduce_min3A_806 : vector<16xi32>
      %reduce_min3A_808 = tpu.scan <min>, %reduce_min3A_807 masked %reduce_min3A_804 : vector<16xi32>, vector<16xi1> -> vector<16xi32>
      %reduce_min3A_809 = arith.xori %reduce_min3A_808, %reduce_min3A_806 : vector<16xi32>
      %reduce_min3A_810 = vector.extract %reduce_min3A_809[15] : i32 from vector<16xi32>
      %shift_right_arithmetic3A_811 = arith.constant 4 : i32
      %shift_right_arithmetic3A_812 = arith.shrsi %reduce_min3A_810, %shift_right_arithmetic3A_811 : i32
      %shift_right_arithmetic3A_813 = arith.constant 4 : i32
      %shift_right_arithmetic3A_814 = vector.broadcast %shift_right_arithmetic3A_813 : i32 to vector<16xi32>
      %shift_right_arithmetic3A_815 = arith.shrsi %select_n3A_754, %shift_right_arithmetic3A_814 : vector<16xi32>
      %eq3A_816 = vector.broadcast %shift_right_arithmetic3A_812 : i32 to vector<16xi32>
      %eq3A_817 = arith.cmpi eq, %shift_right_arithmetic3A_815, %eq3A_816 : vector<16xi32>
      %jit3A_818 = arith.constant 0xFF800000 : f32
      %broadcast_in_dim3A_819 = vector.broadcast %jit3A_818 : f32 to vector<16xf32>
      %select_n3A_820 = arith.select %eq3A_817, %broadcast_in_dim3A_819, %select_n3A_753 : vector<16xi1>, vector<16xf32>
      %shift_right_arithmetic3A_821 = arith.constant 4 : i32
      %shift_right_arithmetic3A_822 = vector.broadcast %shift_right_arithmetic3A_821 : i32 to vector<16xi32>
      %shift_right_arithmetic3A_823 = arith.shrsi %select_n3A_759, %shift_right_arithmetic3A_822 : vector<16xi32>
      %eq3A_824 = vector.broadcast %shift_right_arithmetic3A_812 : i32 to vector<16xi32>
      %eq3A_825 = arith.cmpi eq, %shift_right_arithmetic3A_823, %eq3A_824 : vector<16xi32>
      %jit3A_826 = arith.constant 0xFF800000 : f32
      %broadcast_in_dim3A_827 = vector.broadcast %jit3A_826 : f32 to vector<16xf32>
      %select_n3A_828 = arith.select %eq3A_825, %broadcast_in_dim3A_827, %select_n3A_758 : vector<16xi1>, vector<16xf32>
      %shift_right_arithmetic3A_829 = arith.constant 4 : i32
      %shift_right_arithmetic3A_830 = vector.broadcast %shift_right_arithmetic3A_829 : i32 to vector<16xi32>
      %shift_right_arithmetic3A_831 = arith.shrsi %select_n3A_764, %shift_right_arithmetic3A_830 : vector<16xi32>
      %eq3A_832 = vector.broadcast %shift_right_arithmetic3A_812 : i32 to vector<16xi32>
      %eq3A_833 = arith.cmpi eq, %shift_right_arithmetic3A_831, %eq3A_832 : vector<16xi32>
      %jit3A_834 = arith.constant 0xFF800000 : f32
      %broadcast_in_dim3A_835 = vector.broadcast %jit3A_834 : f32 to vector<16xf32>
      %select_n3A_836 = arith.select %eq3A_833, %broadcast_in_dim3A_835, %select_n3A_763 : vector<16xi1>, vector<16xf32>
      %shift_right_arithmetic3A_837 = arith.constant 4 : i32
      %shift_right_arithmetic3A_838 = vector.broadcast %shift_right_arithmetic3A_837 : i32 to vector<16xi32>
      %shift_right_arithmetic3A_839 = arith.shrsi %select_n3A_769, %shift_right_arithmetic3A_838 : vector<16xi32>
      %eq3A_840 = vector.broadcast %shift_right_arithmetic3A_812 : i32 to vector<16xi32>
      %eq3A_841 = arith.cmpi eq, %shift_right_arithmetic3A_839, %eq3A_840 : vector<16xi32>
      %jit3A_842 = arith.constant 0xFF800000 : f32
      %broadcast_in_dim3A_843 = vector.broadcast %jit3A_842 : f32 to vector<16xf32>
      %select_n3A_844 = arith.select %eq3A_841, %broadcast_in_dim3A_843, %select_n3A_768 : vector<16xi1>, vector<16xf32>
      %shift_right_arithmetic3A_845 = arith.constant 4 : i32
      %shift_right_arithmetic3A_846 = vector.broadcast %shift_right_arithmetic3A_845 : i32 to vector<16xi32>
      %shift_right_arithmetic3A_847 = arith.shrsi %select_n3A_774, %shift_right_arithmetic3A_846 : vector<16xi32>
      %eq3A_848 = vector.broadcast %shift_right_arithmetic3A_812 : i32 to vector<16xi32>
      %eq3A_849 = arith.cmpi eq, %shift_right_arithmetic3A_847, %eq3A_848 : vector<16xi32>
      %jit3A_850 = arith.constant 0xFF800000 : f32
      %broadcast_in_dim3A_851 = vector.broadcast %jit3A_850 : f32 to vector<16xf32>
      %select_n3A_852 = arith.select %eq3A_849, %broadcast_in_dim3A_851, %select_n3A_773 : vector<16xi1>, vector<16xf32>
      %gt3A_853 = arith.cmpf ogt, %select_n3A_828, %select_n3A_820 : vector<16xf32>
      %select_n3A_854 = arith.select %gt3A_853, %select_n3A_828, %select_n3A_820 : vector<16xi1>, vector<16xf32>
      %select_n3A_855 = arith.select %gt3A_853, %select_n3A_759, %select_n3A_754 : vector<16xi1>, vector<16xi32>
      %gt3A_856 = arith.cmpf ogt, %select_n3A_836, %select_n3A_854 : vector<16xf32>
      %select_n3A_857 = arith.select %gt3A_856, %select_n3A_836, %select_n3A_854 : vector<16xi1>, vector<16xf32>
      %select_n3A_858 = arith.select %gt3A_856, %select_n3A_764, %select_n3A_855 : vector<16xi1>, vector<16xi32>
      %gt3A_859 = arith.cmpf ogt, %select_n3A_844, %select_n3A_857 : vector<16xf32>
      %select_n3A_860 = arith.select %gt3A_859, %select_n3A_844, %select_n3A_857 : vector<16xi1>, vector<16xf32>
      %select_n3A_861 = arith.select %gt3A_859, %select_n3A_769, %select_n3A_858 : vector<16xi1>, vector<16xi32>
      %gt3A_862 = arith.cmpf ogt, %select_n3A_852, %select_n3A_860 : vector<16xf32>
      %select_n3A_863 = arith.select %gt3A_862, %select_n3A_852, %select_n3A_860 : vector<16xi1>, vector<16xf32>
      %select_n3A_864 = arith.select %gt3A_862, %select_n3A_774, %select_n3A_861 : vector<16xi1>, vector<16xi32>
      %reduce_max3A_865 = arith.constant true
      %reduce_max3A_866 = vector.broadcast %reduce_max3A_865 : i1 to vector<16xi1>
      %reduce_max3A_867 = tpu.scan <max>, %select_n3A_863 masked %reduce_max3A_866 : vector<16xf32>, vector<16xi1> -> vector<16xf32>
      %reduce_max3A_868 = vector.extract %reduce_max3A_867[15] : f32 from vector<16xf32>
      %eq3A_869 = vector.broadcast %reduce_max3A_868 : f32 to vector<16xf32>
      %eq3A_870 = arith.cmpf oeq, %select_n3A_863, %eq3A_869 : vector<16xf32>
      %jit3A_871 = arith.constant 2147483647 : i32
      %broadcast_in_dim3A_872 = vector.broadcast %jit3A_871 : i32 to vector<16xi32>
      %select_n3A_873 = arith.select %eq3A_870, %select_n3A_864, %broadcast_in_dim3A_872 : vector<16xi1>, vector<16xi32>
      %reduce_min3A_874 = arith.constant true
      %reduce_min3A_875 = vector.broadcast %reduce_min3A_874 : i1 to vector<16xi1>
      %reduce_min3A_876 = arith.constant -2147483648 : i32
      %reduce_min3A_877 = vector.broadcast %reduce_min3A_876 : i32 to vector<16xi32>
      %reduce_min3A_878 = arith.xori %select_n3A_873, %reduce_min3A_877 : vector<16xi32>
      %reduce_min3A_879 = tpu.scan <min>, %reduce_min3A_878 masked %reduce_min3A_875 : vector<16xi32>, vector<16xi1> -> vector<16xi32>
      %reduce_min3A_880 = arith.xori %reduce_min3A_879, %reduce_min3A_877 : vector<16xi32>
      %reduce_min3A_881 = vector.extract %reduce_min3A_880[15] : i32 from vector<16xi32>
      %shift_right_arithmetic3A_882 = arith.constant 4 : i32
      %shift_right_arithmetic3A_883 = arith.shrsi %reduce_min3A_881, %shift_right_arithmetic3A_882 : i32
      %shift_right_arithmetic3A_884 = arith.constant 4 : i32
      %shift_right_arithmetic3A_885 = vector.broadcast %shift_right_arithmetic3A_884 : i32 to vector<16xi32>
      %shift_right_arithmetic3A_886 = arith.shrsi %select_n3A_754, %shift_right_arithmetic3A_885 : vector<16xi32>
      %eq3A_887 = vector.broadcast %shift_right_arithmetic3A_883 : i32 to vector<16xi32>
      %eq3A_888 = arith.cmpi eq, %shift_right_arithmetic3A_886, %eq3A_887 : vector<16xi32>
      %jit3A_889 = arith.constant 0xFF800000 : f32
      %broadcast_in_dim3A_890 = vector.broadcast %jit3A_889 : f32 to vector<16xf32>
      %select_n3A_891 = arith.select %eq3A_888, %broadcast_in_dim3A_890, %select_n3A_820 : vector<16xi1>, vector<16xf32>
      %shift_right_arithmetic3A_892 = arith.constant 4 : i32
      %shift_right_arithmetic3A_893 = vector.broadcast %shift_right_arithmetic3A_892 : i32 to vector<16xi32>
      %shift_right_arithmetic3A_894 = arith.shrsi %select_n3A_759, %shift_right_arithmetic3A_893 : vector<16xi32>
      %eq3A_895 = vector.broadcast %shift_right_arithmetic3A_883 : i32 to vector<16xi32>
      %eq3A_896 = arith.cmpi eq, %shift_right_arithmetic3A_894, %eq3A_895 : vector<16xi32>
      %jit3A_897 = arith.constant 0xFF800000 : f32
      %broadcast_in_dim3A_898 = vector.broadcast %jit3A_897 : f32 to vector<16xf32>
      %select_n3A_899 = arith.select %eq3A_896, %broadcast_in_dim3A_898, %select_n3A_828 : vector<16xi1>, vector<16xf32>
      %shift_right_arithmetic3A_900 = arith.constant 4 : i32
      %shift_right_arithmetic3A_901 = vector.broadcast %shift_right_arithmetic3A_900 : i32 to vector<16xi32>
      %shift_right_arithmetic3A_902 = arith.shrsi %select_n3A_764, %shift_right_arithmetic3A_901 : vector<16xi32>
      %eq3A_903 = vector.broadcast %shift_right_arithmetic3A_883 : i32 to vector<16xi32>
      %eq3A_904 = arith.cmpi eq, %shift_right_arithmetic3A_902, %eq3A_903 : vector<16xi32>
      %jit3A_905 = arith.constant 0xFF800000 : f32
      %broadcast_in_dim3A_906 = vector.broadcast %jit3A_905 : f32 to vector<16xf32>
      %select_n3A_907 = arith.select %eq3A_904, %broadcast_in_dim3A_906, %select_n3A_836 : vector<16xi1>, vector<16xf32>
      %shift_right_arithmetic3A_908 = arith.constant 4 : i32
      %shift_right_arithmetic3A_909 = vector.broadcast %shift_right_arithmetic3A_908 : i32 to vector<16xi32>
      %shift_right_arithmetic3A_910 = arith.shrsi %select_n3A_769, %shift_right_arithmetic3A_909 : vector<16xi32>
      %eq3A_911 = vector.broadcast %shift_right_arithmetic3A_883 : i32 to vector<16xi32>
      %eq3A_912 = arith.cmpi eq, %shift_right_arithmetic3A_910, %eq3A_911 : vector<16xi32>
      %jit3A_913 = arith.constant 0xFF800000 : f32
      %broadcast_in_dim3A_914 = vector.broadcast %jit3A_913 : f32 to vector<16xf32>
      %select_n3A_915 = arith.select %eq3A_912, %broadcast_in_dim3A_914, %select_n3A_844 : vector<16xi1>, vector<16xf32>
      %shift_right_arithmetic3A_916 = arith.constant 4 : i32
      %shift_right_arithmetic3A_917 = vector.broadcast %shift_right_arithmetic3A_916 : i32 to vector<16xi32>
      %shift_right_arithmetic3A_918 = arith.shrsi %select_n3A_774, %shift_right_arithmetic3A_917 : vector<16xi32>
      %eq3A_919 = vector.broadcast %shift_right_arithmetic3A_883 : i32 to vector<16xi32>
      %eq3A_920 = arith.cmpi eq, %shift_right_arithmetic3A_918, %eq3A_919 : vector<16xi32>
      %jit3A_921 = arith.constant 0xFF800000 : f32
      %broadcast_in_dim3A_922 = vector.broadcast %jit3A_921 : f32 to vector<16xf32>
      %select_n3A_923 = arith.select %eq3A_920, %broadcast_in_dim3A_922, %select_n3A_852 : vector<16xi1>, vector<16xf32>
      %gt3A_924 = arith.cmpf ogt, %select_n3A_899, %select_n3A_891 : vector<16xf32>
      %select_n3A_925 = arith.select %gt3A_924, %select_n3A_899, %select_n3A_891 : vector<16xi1>, vector<16xf32>
      %select_n3A_926 = arith.select %gt3A_924, %select_n3A_759, %select_n3A_754 : vector<16xi1>, vector<16xi32>
      %gt3A_927 = arith.cmpf ogt, %select_n3A_907, %select_n3A_925 : vector<16xf32>
      %select_n3A_928 = arith.select %gt3A_927, %select_n3A_907, %select_n3A_925 : vector<16xi1>, vector<16xf32>
      %select_n3A_929 = arith.select %gt3A_927, %select_n3A_764, %select_n3A_926 : vector<16xi1>, vector<16xi32>
      %gt3A_930 = arith.cmpf ogt, %select_n3A_915, %select_n3A_928 : vector<16xf32>
      %select_n3A_931 = arith.select %gt3A_930, %select_n3A_915, %select_n3A_928 : vector<16xi1>, vector<16xf32>
      %select_n3A_932 = arith.select %gt3A_930, %select_n3A_769, %select_n3A_929 : vector<16xi1>, vector<16xi32>
      %gt3A_933 = arith.cmpf ogt, %select_n3A_923, %select_n3A_931 : vector<16xf32>
      %select_n3A_934 = arith.select %gt3A_933, %select_n3A_923, %select_n3A_931 : vector<16xi1>, vector<16xf32>
      %select_n3A_935 = arith.select %gt3A_933, %select_n3A_774, %select_n3A_932 : vector<16xi1>, vector<16xi32>
      %reduce_max3A_936 = arith.constant true
      %reduce_max3A_937 = vector.broadcast %reduce_max3A_936 : i1 to vector<16xi1>
      %reduce_max3A_938 = tpu.scan <max>, %select_n3A_934 masked %reduce_max3A_937 : vector<16xf32>, vector<16xi1> -> vector<16xf32>
      %reduce_max3A_939 = vector.extract %reduce_max3A_938[15] : f32 from vector<16xf32>
      %eq3A_940 = vector.broadcast %reduce_max3A_939 : f32 to vector<16xf32>
      %eq3A_941 = arith.cmpf oeq, %select_n3A_934, %eq3A_940 : vector<16xf32>
      %jit3A_942 = arith.constant 2147483647 : i32
      %broadcast_in_dim3A_943 = vector.broadcast %jit3A_942 : i32 to vector<16xi32>
      %select_n3A_944 = arith.select %eq3A_941, %select_n3A_935, %broadcast_in_dim3A_943 : vector<16xi1>, vector<16xi32>
      %reduce_min3A_945 = arith.constant true
      %reduce_min3A_946 = vector.broadcast %reduce_min3A_945 : i1 to vector<16xi1>
      %reduce_min3A_947 = arith.constant -2147483648 : i32
      %reduce_min3A_948 = vector.broadcast %reduce_min3A_947 : i32 to vector<16xi32>
      %reduce_min3A_949 = arith.xori %select_n3A_944, %reduce_min3A_948 : vector<16xi32>
      %reduce_min3A_950 = tpu.scan <min>, %reduce_min3A_949 masked %reduce_min3A_946 : vector<16xi32>, vector<16xi1> -> vector<16xi32>
      %reduce_min3A_951 = arith.xori %reduce_min3A_950, %reduce_min3A_948 : vector<16xi32>
      %reduce_min3A_952 = vector.extract %reduce_min3A_951[15] : i32 from vector<16xi32>
      %shift_right_arithmetic3A_953 = arith.constant 4 : i32
      %shift_right_arithmetic3A_954 = arith.shrsi %reduce_min3A_952, %shift_right_arithmetic3A_953 : i32
      %shift_right_arithmetic3A_955 = arith.constant 4 : i32
      %shift_right_arithmetic3A_956 = vector.broadcast %shift_right_arithmetic3A_955 : i32 to vector<16xi32>
      %shift_right_arithmetic3A_957 = arith.shrsi %select_n3A_754, %shift_right_arithmetic3A_956 : vector<16xi32>
      %eq3A_958 = vector.broadcast %shift_right_arithmetic3A_954 : i32 to vector<16xi32>
      %eq3A_959 = arith.cmpi eq, %shift_right_arithmetic3A_957, %eq3A_958 : vector<16xi32>
      %jit3A_960 = arith.constant 0xFF800000 : f32
      %broadcast_in_dim3A_961 = vector.broadcast %jit3A_960 : f32 to vector<16xf32>
      %select_n3A_962 = arith.select %eq3A_959, %broadcast_in_dim3A_961, %select_n3A_891 : vector<16xi1>, vector<16xf32>
      %shift_right_arithmetic3A_963 = arith.constant 4 : i32
      %shift_right_arithmetic3A_964 = vector.broadcast %shift_right_arithmetic3A_963 : i32 to vector<16xi32>
      %shift_right_arithmetic3A_965 = arith.shrsi %select_n3A_759, %shift_right_arithmetic3A_964 : vector<16xi32>
      %eq3A_966 = vector.broadcast %shift_right_arithmetic3A_954 : i32 to vector<16xi32>
      %eq3A_967 = arith.cmpi eq, %shift_right_arithmetic3A_965, %eq3A_966 : vector<16xi32>
      %jit3A_968 = arith.constant 0xFF800000 : f32
      %broadcast_in_dim3A_969 = vector.broadcast %jit3A_968 : f32 to vector<16xf32>
      %select_n3A_970 = arith.select %eq3A_967, %broadcast_in_dim3A_969, %select_n3A_899 : vector<16xi1>, vector<16xf32>
      %shift_right_arithmetic3A_971 = arith.constant 4 : i32
      %shift_right_arithmetic3A_972 = vector.broadcast %shift_right_arithmetic3A_971 : i32 to vector<16xi32>
      %shift_right_arithmetic3A_973 = arith.shrsi %select_n3A_764, %shift_right_arithmetic3A_972 : vector<16xi32>
      %eq3A_974 = vector.broadcast %shift_right_arithmetic3A_954 : i32 to vector<16xi32>
      %eq3A_975 = arith.cmpi eq, %shift_right_arithmetic3A_973, %eq3A_974 : vector<16xi32>
      %jit3A_976 = arith.constant 0xFF800000 : f32
      %broadcast_in_dim3A_977 = vector.broadcast %jit3A_976 : f32 to vector<16xf32>
      %select_n3A_978 = arith.select %eq3A_975, %broadcast_in_dim3A_977, %select_n3A_907 : vector<16xi1>, vector<16xf32>
      %shift_right_arithmetic3A_979 = arith.constant 4 : i32
      %shift_right_arithmetic3A_980 = vector.broadcast %shift_right_arithmetic3A_979 : i32 to vector<16xi32>
      %shift_right_arithmetic3A_981 = arith.shrsi %select_n3A_769, %shift_right_arithmetic3A_980 : vector<16xi32>
      %eq3A_982 = vector.broadcast %shift_right_arithmetic3A_954 : i32 to vector<16xi32>
      %eq3A_983 = arith.cmpi eq, %shift_right_arithmetic3A_981, %eq3A_982 : vector<16xi32>
      %jit3A_984 = arith.constant 0xFF800000 : f32
      %broadcast_in_dim3A_985 = vector.broadcast %jit3A_984 : f32 to vector<16xf32>
      %select_n3A_986 = arith.select %eq3A_983, %broadcast_in_dim3A_985, %select_n3A_915 : vector<16xi1>, vector<16xf32>
      %shift_right_arithmetic3A_987 = arith.constant 4 : i32
      %shift_right_arithmetic3A_988 = vector.broadcast %shift_right_arithmetic3A_987 : i32 to vector<16xi32>
      %shift_right_arithmetic3A_989 = arith.shrsi %select_n3A_774, %shift_right_arithmetic3A_988 : vector<16xi32>
      %eq3A_990 = vector.broadcast %shift_right_arithmetic3A_954 : i32 to vector<16xi32>
      %eq3A_991 = arith.cmpi eq, %shift_right_arithmetic3A_989, %eq3A_990 : vector<16xi32>
      %jit3A_992 = arith.constant 0xFF800000 : f32
      %broadcast_in_dim3A_993 = vector.broadcast %jit3A_992 : f32 to vector<16xf32>
      %select_n3A_994 = arith.select %eq3A_991, %broadcast_in_dim3A_993, %select_n3A_923 : vector<16xi1>, vector<16xf32>
      %gt3A_995 = arith.cmpf ogt, %select_n3A_970, %select_n3A_962 : vector<16xf32>
      %select_n3A_996 = arith.select %gt3A_995, %select_n3A_970, %select_n3A_962 : vector<16xi1>, vector<16xf32>
      %select_n3A_997 = arith.select %gt3A_995, %select_n3A_759, %select_n3A_754 : vector<16xi1>, vector<16xi32>
      %gt3A_998 = arith.cmpf ogt, %select_n3A_978, %select_n3A_996 : vector<16xf32>
      %select_n3A_999 = arith.select %gt3A_998, %select_n3A_978, %select_n3A_996 : vector<16xi1>, vector<16xf32>
      %select_n3A_1000 = arith.select %gt3A_998, %select_n3A_764, %select_n3A_997 : vector<16xi1>, vector<16xi32>
      %gt3A_1001 = arith.cmpf ogt, %select_n3A_986, %select_n3A_999 : vector<16xf32>
      %select_n3A_1002 = arith.select %gt3A_1001, %select_n3A_986, %select_n3A_999 : vector<16xi1>, vector<16xf32>
      %select_n3A_1003 = arith.select %gt3A_1001, %select_n3A_769, %select_n3A_1000 : vector<16xi1>, vector<16xi32>
      %gt3A_1004 = arith.cmpf ogt, %select_n3A_994, %select_n3A_1002 : vector<16xf32>
      %select_n3A_1005 = arith.select %gt3A_1004, %select_n3A_994, %select_n3A_1002 : vector<16xi1>, vector<16xf32>
      %select_n3A_1006 = arith.select %gt3A_1004, %select_n3A_774, %select_n3A_1003 : vector<16xi1>, vector<16xi32>
      %reduce_max3A_1007 = arith.constant true
      %reduce_max3A_1008 = vector.broadcast %reduce_max3A_1007 : i1 to vector<16xi1>
      %reduce_max3A_1009 = tpu.scan <max>, %select_n3A_1005 masked %reduce_max3A_1008 : vector<16xf32>, vector<16xi1> -> vector<16xf32>
      %reduce_max3A_1010 = vector.extract %reduce_max3A_1009[15] : f32 from vector<16xf32>
      %eq3A_1011 = vector.broadcast %reduce_max3A_1010 : f32 to vector<16xf32>
      %eq3A_1012 = arith.cmpf oeq, %select_n3A_1005, %eq3A_1011 : vector<16xf32>
      %jit3A_1013 = arith.constant 2147483647 : i32
      %broadcast_in_dim3A_1014 = vector.broadcast %jit3A_1013 : i32 to vector<16xi32>
      %select_n3A_1015 = arith.select %eq3A_1012, %select_n3A_1006, %broadcast_in_dim3A_1014 : vector<16xi1>, vector<16xi32>
      %reduce_min3A_1016 = arith.constant true
      %reduce_min3A_1017 = vector.broadcast %reduce_min3A_1016 : i1 to vector<16xi1>
      %reduce_min3A_1018 = arith.constant -2147483648 : i32
      %reduce_min3A_1019 = vector.broadcast %reduce_min3A_1018 : i32 to vector<16xi32>
      %reduce_min3A_1020 = arith.xori %select_n3A_1015, %reduce_min3A_1019 : vector<16xi32>
      %reduce_min3A_1021 = tpu.scan <min>, %reduce_min3A_1020 masked %reduce_min3A_1017 : vector<16xi32>, vector<16xi1> -> vector<16xi32>
      %reduce_min3A_1022 = arith.xori %reduce_min3A_1021, %reduce_min3A_1019 : vector<16xi32>
      %reduce_min3A_1023 = vector.extract %reduce_min3A_1022[15] : i32 from vector<16xi32>
      %shift_right_arithmetic3A_1024 = arith.constant 4 : i32
      %shift_right_arithmetic3A_1025 = arith.shrsi %reduce_min3A_1023, %shift_right_arithmetic3A_1024 : i32
      %shift_right_arithmetic3A_1026 = arith.constant 4 : i32
      %shift_right_arithmetic3A_1027 = vector.broadcast %shift_right_arithmetic3A_1026 : i32 to vector<16xi32>
      %shift_right_arithmetic3A_1028 = arith.shrsi %select_n3A_754, %shift_right_arithmetic3A_1027 : vector<16xi32>
      %eq3A_1029 = vector.broadcast %shift_right_arithmetic3A_1025 : i32 to vector<16xi32>
      %eq3A_1030 = arith.cmpi eq, %shift_right_arithmetic3A_1028, %eq3A_1029 : vector<16xi32>
      %jit3A_1031 = arith.constant 0xFF800000 : f32
      %broadcast_in_dim3A_1032 = vector.broadcast %jit3A_1031 : f32 to vector<16xf32>
      %select_n3A_1033 = arith.select %eq3A_1030, %broadcast_in_dim3A_1032, %select_n3A_962 : vector<16xi1>, vector<16xf32>
      %shift_right_arithmetic3A_1034 = arith.constant 4 : i32
      %shift_right_arithmetic3A_1035 = vector.broadcast %shift_right_arithmetic3A_1034 : i32 to vector<16xi32>
      %shift_right_arithmetic3A_1036 = arith.shrsi %select_n3A_759, %shift_right_arithmetic3A_1035 : vector<16xi32>
      %eq3A_1037 = vector.broadcast %shift_right_arithmetic3A_1025 : i32 to vector<16xi32>
      %eq3A_1038 = arith.cmpi eq, %shift_right_arithmetic3A_1036, %eq3A_1037 : vector<16xi32>
      %jit3A_1039 = arith.constant 0xFF800000 : f32
      %broadcast_in_dim3A_1040 = vector.broadcast %jit3A_1039 : f32 to vector<16xf32>
      %select_n3A_1041 = arith.select %eq3A_1038, %broadcast_in_dim3A_1040, %select_n3A_970 : vector<16xi1>, vector<16xf32>
      %shift_right_arithmetic3A_1042 = arith.constant 4 : i32
      %shift_right_arithmetic3A_1043 = vector.broadcast %shift_right_arithmetic3A_1042 : i32 to vector<16xi32>
      %shift_right_arithmetic3A_1044 = arith.shrsi %select_n3A_764, %shift_right_arithmetic3A_1043 : vector<16xi32>
      %eq3A_1045 = vector.broadcast %shift_right_arithmetic3A_1025 : i32 to vector<16xi32>
      %eq3A_1046 = arith.cmpi eq, %shift_right_arithmetic3A_1044, %eq3A_1045 : vector<16xi32>
      %jit3A_1047 = arith.constant 0xFF800000 : f32
      %broadcast_in_dim3A_1048 = vector.broadcast %jit3A_1047 : f32 to vector<16xf32>
      %select_n3A_1049 = arith.select %eq3A_1046, %broadcast_in_dim3A_1048, %select_n3A_978 : vector<16xi1>, vector<16xf32>
      %shift_right_arithmetic3A_1050 = arith.constant 4 : i32
      %shift_right_arithmetic3A_1051 = vector.broadcast %shift_right_arithmetic3A_1050 : i32 to vector<16xi32>
      %shift_right_arithmetic3A_1052 = arith.shrsi %select_n3A_769, %shift_right_arithmetic3A_1051 : vector<16xi32>
      %eq3A_1053 = vector.broadcast %shift_right_arithmetic3A_1025 : i32 to vector<16xi32>
      %eq3A_1054 = arith.cmpi eq, %shift_right_arithmetic3A_1052, %eq3A_1053 : vector<16xi32>
      %jit3A_1055 = arith.constant 0xFF800000 : f32
      %broadcast_in_dim3A_1056 = vector.broadcast %jit3A_1055 : f32 to vector<16xf32>
      %select_n3A_1057 = arith.select %eq3A_1054, %broadcast_in_dim3A_1056, %select_n3A_986 : vector<16xi1>, vector<16xf32>
      %shift_right_arithmetic3A_1058 = arith.constant 4 : i32
      %shift_right_arithmetic3A_1059 = vector.broadcast %shift_right_arithmetic3A_1058 : i32 to vector<16xi32>
      %shift_right_arithmetic3A_1060 = arith.shrsi %select_n3A_774, %shift_right_arithmetic3A_1059 : vector<16xi32>
      %eq3A_1061 = vector.broadcast %shift_right_arithmetic3A_1025 : i32 to vector<16xi32>
      %eq3A_1062 = arith.cmpi eq, %shift_right_arithmetic3A_1060, %eq3A_1061 : vector<16xi32>
      %jit3A_1063 = arith.constant 0xFF800000 : f32
      %broadcast_in_dim3A_1064 = vector.broadcast %jit3A_1063 : f32 to vector<16xf32>
      %select_n3A_1065 = arith.select %eq3A_1062, %broadcast_in_dim3A_1064, %select_n3A_994 : vector<16xi1>, vector<16xf32>
      %gt3A_1066 = arith.cmpf ogt, %select_n3A_1041, %select_n3A_1033 : vector<16xf32>
      %select_n3A_1067 = arith.select %gt3A_1066, %select_n3A_1041, %select_n3A_1033 : vector<16xi1>, vector<16xf32>
      %select_n3A_1068 = arith.select %gt3A_1066, %select_n3A_759, %select_n3A_754 : vector<16xi1>, vector<16xi32>
      %gt3A_1069 = arith.cmpf ogt, %select_n3A_1049, %select_n3A_1067 : vector<16xf32>
      %select_n3A_1070 = arith.select %gt3A_1069, %select_n3A_1049, %select_n3A_1067 : vector<16xi1>, vector<16xf32>
      %select_n3A_1071 = arith.select %gt3A_1069, %select_n3A_764, %select_n3A_1068 : vector<16xi1>, vector<16xi32>
      %gt3A_1072 = arith.cmpf ogt, %select_n3A_1057, %select_n3A_1070 : vector<16xf32>
      %select_n3A_1073 = arith.select %gt3A_1072, %select_n3A_1057, %select_n3A_1070 : vector<16xi1>, vector<16xf32>
      %select_n3A_1074 = arith.select %gt3A_1072, %select_n3A_769, %select_n3A_1071 : vector<16xi1>, vector<16xi32>
      %gt3A_1075 = arith.cmpf ogt, %select_n3A_1065, %select_n3A_1073 : vector<16xf32>
      %select_n3A_1076 = arith.select %gt3A_1075, %select_n3A_1065, %select_n3A_1073 : vector<16xi1>, vector<16xf32>
      %select_n3A_1077 = arith.select %gt3A_1075, %select_n3A_774, %select_n3A_1074 : vector<16xi1>, vector<16xi32>
      %reduce_max3A_1078 = arith.constant true
      %reduce_max3A_1079 = vector.broadcast %reduce_max3A_1078 : i1 to vector<16xi1>
      %reduce_max3A_1080 = tpu.scan <max>, %select_n3A_1076 masked %reduce_max3A_1079 : vector<16xf32>, vector<16xi1> -> vector<16xf32>
      %reduce_max3A_1081 = vector.extract %reduce_max3A_1080[15] : f32 from vector<16xf32>
      %eq3A_1082 = vector.broadcast %reduce_max3A_1081 : f32 to vector<16xf32>
      %eq3A_1083 = arith.cmpf oeq, %select_n3A_1076, %eq3A_1082 : vector<16xf32>
      %jit3A_1084 = arith.constant 2147483647 : i32
      %broadcast_in_dim3A_1085 = vector.broadcast %jit3A_1084 : i32 to vector<16xi32>
      %select_n3A_1086 = arith.select %eq3A_1083, %select_n3A_1077, %broadcast_in_dim3A_1085 : vector<16xi1>, vector<16xi32>
      %reduce_min3A_1087 = arith.constant true
      %reduce_min3A_1088 = vector.broadcast %reduce_min3A_1087 : i1 to vector<16xi1>
      %reduce_min3A_1089 = arith.constant -2147483648 : i32
      %reduce_min3A_1090 = vector.broadcast %reduce_min3A_1089 : i32 to vector<16xi32>
      %reduce_min3A_1091 = arith.xori %select_n3A_1086, %reduce_min3A_1090 : vector<16xi32>
      %reduce_min3A_1092 = tpu.scan <min>, %reduce_min3A_1091 masked %reduce_min3A_1088 : vector<16xi32>, vector<16xi1> -> vector<16xi32>
      %reduce_min3A_1093 = arith.xori %reduce_min3A_1092, %reduce_min3A_1090 : vector<16xi32>
      %reduce_min3A_1094 = vector.extract %reduce_min3A_1093[15] : i32 from vector<16xi32>
      %shift_right_arithmetic3A_1095 = arith.constant 4 : i32
      %shift_right_arithmetic3A_1096 = arith.shrsi %reduce_min3A_1094, %shift_right_arithmetic3A_1095 : i32
      %shift_right_arithmetic3A_1097 = arith.constant 4 : i32
      %shift_right_arithmetic3A_1098 = vector.broadcast %shift_right_arithmetic3A_1097 : i32 to vector<16xi32>
      %shift_right_arithmetic3A_1099 = arith.shrsi %select_n3A_754, %shift_right_arithmetic3A_1098 : vector<16xi32>
      %eq3A_1100 = vector.broadcast %shift_right_arithmetic3A_1096 : i32 to vector<16xi32>
      %eq3A_1101 = arith.cmpi eq, %shift_right_arithmetic3A_1099, %eq3A_1100 : vector<16xi32>
      %jit3A_1102 = arith.constant 0xFF800000 : f32
      %broadcast_in_dim3A_1103 = vector.broadcast %jit3A_1102 : f32 to vector<16xf32>
      %select_n3A_1104 = arith.select %eq3A_1101, %broadcast_in_dim3A_1103, %select_n3A_1033 : vector<16xi1>, vector<16xf32>
      %shift_right_arithmetic3A_1105 = arith.constant 4 : i32
      %shift_right_arithmetic3A_1106 = vector.broadcast %shift_right_arithmetic3A_1105 : i32 to vector<16xi32>
      %shift_right_arithmetic3A_1107 = arith.shrsi %select_n3A_759, %shift_right_arithmetic3A_1106 : vector<16xi32>
      %eq3A_1108 = vector.broadcast %shift_right_arithmetic3A_1096 : i32 to vector<16xi32>
      %eq3A_1109 = arith.cmpi eq, %shift_right_arithmetic3A_1107, %eq3A_1108 : vector<16xi32>
      %jit3A_1110 = arith.constant 0xFF800000 : f32
      %broadcast_in_dim3A_1111 = vector.broadcast %jit3A_1110 : f32 to vector<16xf32>
      %select_n3A_1112 = arith.select %eq3A_1109, %broadcast_in_dim3A_1111, %select_n3A_1041 : vector<16xi1>, vector<16xf32>
      %shift_right_arithmetic3A_1113 = arith.constant 4 : i32
      %shift_right_arithmetic3A_1114 = vector.broadcast %shift_right_arithmetic3A_1113 : i32 to vector<16xi32>
      %shift_right_arithmetic3A_1115 = arith.shrsi %select_n3A_764, %shift_right_arithmetic3A_1114 : vector<16xi32>
      %eq3A_1116 = vector.broadcast %shift_right_arithmetic3A_1096 : i32 to vector<16xi32>
      %eq3A_1117 = arith.cmpi eq, %shift_right_arithmetic3A_1115, %eq3A_1116 : vector<16xi32>
      %jit3A_1118 = arith.constant 0xFF800000 : f32
      %broadcast_in_dim3A_1119 = vector.broadcast %jit3A_1118 : f32 to vector<16xf32>
      %select_n3A_1120 = arith.select %eq3A_1117, %broadcast_in_dim3A_1119, %select_n3A_1049 : vector<16xi1>, vector<16xf32>
      %shift_right_arithmetic3A_1121 = arith.constant 4 : i32
      %shift_right_arithmetic3A_1122 = vector.broadcast %shift_right_arithmetic3A_1121 : i32 to vector<16xi32>
      %shift_right_arithmetic3A_1123 = arith.shrsi %select_n3A_769, %shift_right_arithmetic3A_1122 : vector<16xi32>
      %eq3A_1124 = vector.broadcast %shift_right_arithmetic3A_1096 : i32 to vector<16xi32>
      %eq3A_1125 = arith.cmpi eq, %shift_right_arithmetic3A_1123, %eq3A_1124 : vector<16xi32>
      %jit3A_1126 = arith.constant 0xFF800000 : f32
      %broadcast_in_dim3A_1127 = vector.broadcast %jit3A_1126 : f32 to vector<16xf32>
      %select_n3A_1128 = arith.select %eq3A_1125, %broadcast_in_dim3A_1127, %select_n3A_1057 : vector<16xi1>, vector<16xf32>
      %shift_right_arithmetic3A_1129 = arith.constant 4 : i32
      %shift_right_arithmetic3A_1130 = vector.broadcast %shift_right_arithmetic3A_1129 : i32 to vector<16xi32>
      %shift_right_arithmetic3A_1131 = arith.shrsi %select_n3A_774, %shift_right_arithmetic3A_1130 : vector<16xi32>
      %eq3A_1132 = vector.broadcast %shift_right_arithmetic3A_1096 : i32 to vector<16xi32>
      %eq3A_1133 = arith.cmpi eq, %shift_right_arithmetic3A_1131, %eq3A_1132 : vector<16xi32>
      %jit3A_1134 = arith.constant 0xFF800000 : f32
      %broadcast_in_dim3A_1135 = vector.broadcast %jit3A_1134 : f32 to vector<16xf32>
      %select_n3A_1136 = arith.select %eq3A_1133, %broadcast_in_dim3A_1135, %select_n3A_1065 : vector<16xi1>, vector<16xf32>
      %mul3A_1137 = arith.constant 512 : i32
      %mul3A_1138 = arith.muli %shift_right_arithmetic3A_812, %mul3A_1137 : i32
      %gt3A_1139 = arith.constant 99456 : i32
      %gt3A_1140 = arith.cmpi sgt, %mul3A_1138, %gt3A_1139 : i32
      %jit3A_1141 = arith.constant 99456 : i32
      %select_n3A_1142 = arith.select %gt3A_1140, %jit3A_1141, %mul3A_1138 : i32
      %multiple_of3A = tpu.assume_multiple %select_n3A_1142, 128 : i32
      %mul3A_1143 = arith.constant 512 : i32
      %mul3A_1144 = arith.muli %shift_right_arithmetic3A_883, %mul3A_1143 : i32
      %gt3A_1145 = arith.constant 99456 : i32
      %gt3A_1146 = arith.cmpi sgt, %mul3A_1144, %gt3A_1145 : i32
      %jit3A_1147 = arith.constant 99456 : i32
      %select_n3A_1148 = arith.select %gt3A_1146, %jit3A_1147, %mul3A_1144 : i32
      %multiple_of3A_1149 = tpu.assume_multiple %select_n3A_1148, 128 : i32
      %mul3A_1150 = arith.constant 512 : i32
      %mul3A_1151 = arith.muli %shift_right_arithmetic3A_954, %mul3A_1150 : i32
      %gt3A_1152 = arith.constant 99456 : i32
      %gt3A_1153 = arith.cmpi sgt, %mul3A_1151, %gt3A_1152 : i32
      %jit3A_1154 = arith.constant 99456 : i32
      %select_n3A_1155 = arith.select %gt3A_1153, %jit3A_1154, %mul3A_1151 : i32
      %multiple_of3A_1156 = tpu.assume_multiple %select_n3A_1155, 128 : i32
      %mul3A_1157 = arith.constant 512 : i32
      %mul3A_1158 = arith.muli %shift_right_arithmetic3A_1025, %mul3A_1157 : i32
      %gt3A_1159 = arith.constant 99456 : i32
      %gt3A_1160 = arith.cmpi sgt, %mul3A_1158, %gt3A_1159 : i32
      %jit3A_1161 = arith.constant 99456 : i32
      %select_n3A_1162 = arith.select %gt3A_1160, %jit3A_1161, %mul3A_1158 : i32
      %multiple_of3A_1163 = tpu.assume_multiple %select_n3A_1162, 128 : i32
      %mul3A_1164 = arith.constant 512 : i32
      %mul3A_1165 = arith.muli %shift_right_arithmetic3A_1096, %mul3A_1164 : i32
      %gt3A_1166 = arith.constant 99456 : i32
      %gt3A_1167 = arith.cmpi sgt, %mul3A_1165, %gt3A_1166 : i32
      %jit3A_1168 = arith.constant 99456 : i32
      %select_n3A_1169 = arith.select %gt3A_1167, %jit3A_1168, %mul3A_1165 : i32
      %multiple_of3A_1170 = tpu.assume_multiple %select_n3A_1169, 128 : i32
      %dma_start3A_1171 = arith.constant 0 : i32
      %dma_start3A_1172 = arith.constant 0 : i32
      %dma_start3A_1173 = tpu.memref_slice %arg8[%dma_start3A_1171, %dma_start3A_1172] : memref<1x2560xf32, #tpu.memory_space<vmem>> -> memref<1x512xf32, #tpu.memory_space<vmem>>
      %dma_start3A_1174 = tpu.memref_slice %arg10[%mul3A_599] : memref<16xi32, #tpu.memory_space<vmem>> -> memref<1xi32, #tpu.memory_space<vmem>>
      %dma_start3A_1175 = arith.constant 0 : i32
      %dma_start3A_1176 = tpu.memref_slice %arg2[%dma_start3A_1175, %multiple_of3A] : memref<160x100000xf32, #tpu.memory_space<hbm>> -> memref<160x512xf32, #tpu.memory_space<hbm>>
      tpu.enqueue_indirect_dma source(%dma_start3A_1176 : memref<160x512xf32, #tpu.memory_space<hbm>>) target(%dma_start3A_1173 : memref<1x512xf32, #tpu.memory_space<vmem>>) offsets(%dma_start3A_1174 : memref<1xi32, #tpu.memory_space<vmem>>) semaphore(%arg17 : memref<!tpu.dma_semaphore, #tpu.memory_space<semaphore_mem>>)
      %dma_start3A_1177 = arith.constant 0 : i32
      %dma_start3A_1178 = arith.constant 512 : i32
      %dma_start3A_1179 = tpu.memref_slice %arg8[%dma_start3A_1177, %dma_start3A_1178] : memref<1x2560xf32, #tpu.memory_space<vmem>> -> memref<1x512xf32, #tpu.memory_space<vmem>>
      %dma_start3A_1180 = tpu.memref_slice %arg10[%mul3A_599] : memref<16xi32, #tpu.memory_space<vmem>> -> memref<1xi32, #tpu.memory_space<vmem>>
      %dma_start3A_1181 = arith.constant 0 : i32
      %dma_start3A_1182 = tpu.memref_slice %arg2[%dma_start3A_1181, %multiple_of3A_1149] : memref<160x100000xf32, #tpu.memory_space<hbm>> -> memref<160x512xf32, #tpu.memory_space<hbm>>
      tpu.enqueue_indirect_dma source(%dma_start3A_1182 : memref<160x512xf32, #tpu.memory_space<hbm>>) target(%dma_start3A_1179 : memref<1x512xf32, #tpu.memory_space<vmem>>) offsets(%dma_start3A_1180 : memref<1xi32, #tpu.memory_space<vmem>>) semaphore(%arg17 : memref<!tpu.dma_semaphore, #tpu.memory_space<semaphore_mem>>)
      %dma_start3A_1183 = arith.constant 0 : i32
      %dma_start3A_1184 = arith.constant 1024 : i32
      %dma_start3A_1185 = tpu.memref_slice %arg8[%dma_start3A_1183, %dma_start3A_1184] : memref<1x2560xf32, #tpu.memory_space<vmem>> -> memref<1x512xf32, #tpu.memory_space<vmem>>
      %dma_start3A_1186 = tpu.memref_slice %arg10[%mul3A_599] : memref<16xi32, #tpu.memory_space<vmem>> -> memref<1xi32, #tpu.memory_space<vmem>>
      %dma_start3A_1187 = arith.constant 0 : i32
      %dma_start3A_1188 = tpu.memref_slice %arg2[%dma_start3A_1187, %multiple_of3A_1156] : memref<160x100000xf32, #tpu.memory_space<hbm>> -> memref<160x512xf32, #tpu.memory_space<hbm>>
      tpu.enqueue_indirect_dma source(%dma_start3A_1188 : memref<160x512xf32, #tpu.memory_space<hbm>>) target(%dma_start3A_1185 : memref<1x512xf32, #tpu.memory_space<vmem>>) offsets(%dma_start3A_1186 : memref<1xi32, #tpu.memory_space<vmem>>) semaphore(%arg17 : memref<!tpu.dma_semaphore, #tpu.memory_space<semaphore_mem>>)
      %dma_start3A_1189 = arith.constant 0 : i32
      %dma_start3A_1190 = arith.constant 1536 : i32
      %dma_start3A_1191 = tpu.memref_slice %arg8[%dma_start3A_1189, %dma_start3A_1190] : memref<1x2560xf32, #tpu.memory_space<vmem>> -> memref<1x512xf32, #tpu.memory_space<vmem>>
      %dma_start3A_1192 = tpu.memref_slice %arg10[%mul3A_599] : memref<16xi32, #tpu.memory_space<vmem>> -> memref<1xi32, #tpu.memory_space<vmem>>
      %dma_start3A_1193 = arith.constant 0 : i32
      %dma_start3A_1194 = tpu.memref_slice %arg2[%dma_start3A_1193, %multiple_of3A_1163] : memref<160x100000xf32, #tpu.memory_space<hbm>> -> memref<160x512xf32, #tpu.memory_space<hbm>>
      tpu.enqueue_indirect_dma source(%dma_start3A_1194 : memref<160x512xf32, #tpu.memory_space<hbm>>) target(%dma_start3A_1191 : memref<1x512xf32, #tpu.memory_space<vmem>>) offsets(%dma_start3A_1192 : memref<1xi32, #tpu.memory_space<vmem>>) semaphore(%arg17 : memref<!tpu.dma_semaphore, #tpu.memory_space<semaphore_mem>>)
      %dma_start3A_1195 = arith.constant 0 : i32
      %dma_start3A_1196 = arith.constant 2048 : i32
      %dma_start3A_1197 = tpu.memref_slice %arg8[%dma_start3A_1195, %dma_start3A_1196] : memref<1x2560xf32, #tpu.memory_space<vmem>> -> memref<1x512xf32, #tpu.memory_space<vmem>>
      %dma_start3A_1198 = tpu.memref_slice %arg10[%mul3A_599] : memref<16xi32, #tpu.memory_space<vmem>> -> memref<1xi32, #tpu.memory_space<vmem>>
      %dma_start3A_1199 = arith.constant 0 : i32
      %dma_start3A_1200 = tpu.memref_slice %arg2[%dma_start3A_1199, %multiple_of3A_1170] : memref<160x100000xf32, #tpu.memory_space<hbm>> -> memref<160x512xf32, #tpu.memory_space<hbm>>
      tpu.enqueue_indirect_dma source(%dma_start3A_1200 : memref<160x512xf32, #tpu.memory_space<hbm>>) target(%dma_start3A_1197 : memref<1x512xf32, #tpu.memory_space<vmem>>) offsets(%dma_start3A_1198 : memref<1xi32, #tpu.memory_space<vmem>>) semaphore(%arg17 : memref<!tpu.dma_semaphore, #tpu.memory_space<semaphore_mem>>)
      %dma_wait3A_1201 = arith.constant 0 : i32
      %dma_wait3A_1202 = arith.constant 0 : i32
      %dma_wait3A_1203 = tpu.memref_slice %arg8[%dma_wait3A_1201, %dma_wait3A_1202] : memref<1x2560xf32, #tpu.memory_space<vmem>> -> memref<1x512xf32, #tpu.memory_space<vmem>>
      %dma_wait3A_1204 = tpu.memref_slice %arg10[%mul3A_599] : memref<16xi32, #tpu.memory_space<vmem>> -> memref<1xi32, #tpu.memory_space<vmem>>
      %dma_wait3A_1205 = arith.constant 0 : i32
      %dma_wait3A_1206 = tpu.memref_slice %arg2[%dma_wait3A_1205, %multiple_of3A] : memref<160x100000xf32, #tpu.memory_space<hbm>> -> memref<160x512xf32, #tpu.memory_space<hbm>>
      tpu.wait_indirect_dma semaphore(%arg17 : memref<!tpu.dma_semaphore, #tpu.memory_space<semaphore_mem>>) src(%dma_wait3A_1206 : memref<160x512xf32, #tpu.memory_space<hbm>>) dst(%dma_wait3A_1203 : memref<1x512xf32, #tpu.memory_space<vmem>>)
      %dma_wait3A_1207 = arith.constant 0 : i32
      %dma_wait3A_1208 = arith.constant 512 : i32
      %dma_wait3A_1209 = tpu.memref_slice %arg8[%dma_wait3A_1207, %dma_wait3A_1208] : memref<1x2560xf32, #tpu.memory_space<vmem>> -> memref<1x512xf32, #tpu.memory_space<vmem>>
      %dma_wait3A_1210 = tpu.memref_slice %arg10[%mul3A_599] : memref<16xi32, #tpu.memory_space<vmem>> -> memref<1xi32, #tpu.memory_space<vmem>>
      %dma_wait3A_1211 = arith.constant 0 : i32
      %dma_wait3A_1212 = tpu.memref_slice %arg2[%dma_wait3A_1211, %multiple_of3A_1149] : memref<160x100000xf32, #tpu.memory_space<hbm>> -> memref<160x512xf32, #tpu.memory_space<hbm>>
      tpu.wait_indirect_dma semaphore(%arg17 : memref<!tpu.dma_semaphore, #tpu.memory_space<semaphore_mem>>) src(%dma_wait3A_1212 : memref<160x512xf32, #tpu.memory_space<hbm>>) dst(%dma_wait3A_1209 : memref<1x512xf32, #tpu.memory_space<vmem>>)
      %dma_wait3A_1213 = arith.constant 0 : i32
      %dma_wait3A_1214 = arith.constant 1024 : i32
      %dma_wait3A_1215 = tpu.memref_slice %arg8[%dma_wait3A_1213, %dma_wait3A_1214] : memref<1x2560xf32, #tpu.memory_space<vmem>> -> memref<1x512xf32, #tpu.memory_space<vmem>>
      %dma_wait3A_1216 = tpu.memref_slice %arg10[%mul3A_599] : memref<16xi32, #tpu.memory_space<vmem>> -> memref<1xi32, #tpu.memory_space<vmem>>
      %dma_wait3A_1217 = arith.constant 0 : i32
      %dma_wait3A_1218 = tpu.memref_slice %arg2[%dma_wait3A_1217, %multiple_of3A_1156] : memref<160x100000xf32, #tpu.memory_space<hbm>> -> memref<160x512xf32, #tpu.memory_space<hbm>>
      tpu.wait_indirect_dma semaphore(%arg17 : memref<!tpu.dma_semaphore, #tpu.memory_space<semaphore_mem>>) src(%dma_wait3A_1218 : memref<160x512xf32, #tpu.memory_space<hbm>>) dst(%dma_wait3A_1215 : memref<1x512xf32, #tpu.memory_space<vmem>>)
      %dma_wait3A_1219 = arith.constant 0 : i32
      %dma_wait3A_1220 = arith.constant 1536 : i32
      %dma_wait3A_1221 = tpu.memref_slice %arg8[%dma_wait3A_1219, %dma_wait3A_1220] : memref<1x2560xf32, #tpu.memory_space<vmem>> -> memref<1x512xf32, #tpu.memory_space<vmem>>
      %dma_wait3A_1222 = tpu.memref_slice %arg10[%mul3A_599] : memref<16xi32, #tpu.memory_space<vmem>> -> memref<1xi32, #tpu.memory_space<vmem>>
      %dma_wait3A_1223 = arith.constant 0 : i32
      %dma_wait3A_1224 = tpu.memref_slice %arg2[%dma_wait3A_1223, %multiple_of3A_1163] : memref<160x100000xf32, #tpu.memory_space<hbm>> -> memref<160x512xf32, #tpu.memory_space<hbm>>
      tpu.wait_indirect_dma semaphore(%arg17 : memref<!tpu.dma_semaphore, #tpu.memory_space<semaphore_mem>>) src(%dma_wait3A_1224 : memref<160x512xf32, #tpu.memory_space<hbm>>) dst(%dma_wait3A_1221 : memref<1x512xf32, #tpu.memory_space<vmem>>)
      %dma_wait3A_1225 = arith.constant 0 : i32
      %dma_wait3A_1226 = arith.constant 2048 : i32
      %dma_wait3A_1227 = tpu.memref_slice %arg8[%dma_wait3A_1225, %dma_wait3A_1226] : memref<1x2560xf32, #tpu.memory_space<vmem>> -> memref<1x512xf32, #tpu.memory_space<vmem>>
      %dma_wait3A_1228 = tpu.memref_slice %arg10[%mul3A_599] : memref<16xi32, #tpu.memory_space<vmem>> -> memref<1xi32, #tpu.memory_space<vmem>>
      %dma_wait3A_1229 = arith.constant 0 : i32
      %dma_wait3A_1230 = tpu.memref_slice %arg2[%dma_wait3A_1229, %multiple_of3A_1170] : memref<160x100000xf32, #tpu.memory_space<hbm>> -> memref<160x512xf32, #tpu.memory_space<hbm>>
      tpu.wait_indirect_dma semaphore(%arg17 : memref<!tpu.dma_semaphore, #tpu.memory_space<semaphore_mem>>) src(%dma_wait3A_1230 : memref<160x512xf32, #tpu.memory_space<hbm>>) dst(%dma_wait3A_1227 : memref<1x512xf32, #tpu.memory_space<vmem>>)
      %scan3A_1231 = arith.constant 0 : i32
      %scan3A_1232 = arith.constant 32 : i32
      %scan3A_1233 = arith.addi %scan3A_1231, %scan3A_1232 : i32
      %scan3A_1234 = arith.constant 1 : i32
      %scan3A_1235:10 = scf.for %scan3A_1702 = %scan3A_1231 to %scan3A_1233 step %scan3A_1234 iter_args(%scan3A_1703 = %broadcast_in_dim3A_1, %scan3A_1704 = %broadcast_in_dim3A_1, %scan3A_1705 = %broadcast_in_dim3A_1, %scan3A_1706 = %broadcast_in_dim3A_1, %scan3A_1707 = %broadcast_in_dim3A_1, %scan3A_1708 = %broadcast_in_dim3A_3, %scan3A_1709 = %broadcast_in_dim3A_3, %scan3A_1710 = %broadcast_in_dim3A_3, %scan3A_1711 = %broadcast_in_dim3A_3, %scan3A_1712 = %broadcast_in_dim3A_3) -> (vector<16xf32>, vector<16xf32>, vector<16xf32>, vector<16xf32>, vector<16xf32>, vector<16xi32>, vector<16xi32>, vector<16xi32>, vector<16xi32>, vector<16xi32>)  : i32 {
        %mul3A_1713 = arith.constant 16 : i32
        %mul3A_1714 = arith.muli %scan3A_1702, %mul3A_1713 : i32
        %add3A_1715 = arith.constant 0 : i32
        %add3A_1716 = arith.addi %add3A_1715, %mul3A_1714 : i32
        %get3A_1717 = arith.constant 0 : i32
        %get3A_1718 = arith.index_cast %get3A_1717 : i32 to index
        %get3A_1719 = arith.index_cast %add3A_1716 : i32 to index
        %get3A_1720 = tpu.vector_load %arg8[%get3A_1718, %get3A_1719] {strides = array<i32>} : memref<1x2560xf32, #tpu.memory_space<vmem>>, vector<16xf32>,
        %mul3A_1721 = arith.constant 16 : i32
        %mul3A_1722 = arith.muli %scan3A_1702, %mul3A_1721 : i32
        %add3A_1723 = arith.addi %multiple_of3A, %mul3A_1722 : i32
        %add3A_1724 = vector.broadcast %add3A_1723 : i32 to vector<16xi32>
        %add3A_1725 = arith.addi %add3A_1724, %iota3A : vector<16xi32>
        %gt3A_1726 = arith.cmpf ogt, %get3A_1720, %scan3A_1703 : vector<16xf32>
        %select_n3A_1727 = arith.select %gt3A_1726, %get3A_1720, %scan3A_1703 : vector<16xi1>, vector<16xf32>
        %select_n3A_1728 = arith.select %gt3A_1726, %add3A_1725, %scan3A_1708 : vector<16xi1>, vector<16xi32>
        %select_n3A_1729 = arith.select %gt3A_1726, %scan3A_1703, %get3A_1720 : vector<16xi1>, vector<16xf32>
        %select_n3A_1730 = arith.select %gt3A_1726, %scan3A_1708, %add3A_1725 : vector<16xi1>, vector<16xi32>
        %gt3A_1731 = arith.cmpf ogt, %select_n3A_1729, %scan3A_1704 : vector<16xf32>
        %select_n3A_1732 = arith.select %gt3A_1731, %select_n3A_1729, %scan3A_1704 : vector<16xi1>, vector<16xf32>
        %select_n3A_1733 = arith.select %gt3A_1731, %select_n3A_1730, %scan3A_1709 : vector<16xi1>, vector<16xi32>
        %select_n3A_1734 = arith.select %gt3A_1731, %scan3A_1704, %select_n3A_1729 : vector<16xi1>, vector<16xf32>
        %select_n3A_1735 = arith.select %gt3A_1731, %scan3A_1709, %select_n3A_1730 : vector<16xi1>, vector<16xi32>
        %gt3A_1736 = arith.cmpf ogt, %select_n3A_1734, %scan3A_1705 : vector<16xf32>
        %select_n3A_1737 = arith.select %gt3A_1736, %select_n3A_1734, %scan3A_1705 : vector<16xi1>, vector<16xf32>
        %select_n3A_1738 = arith.select %gt3A_1736, %select_n3A_1735, %scan3A_1710 : vector<16xi1>, vector<16xi32>
        %select_n3A_1739 = arith.select %gt3A_1736, %scan3A_1705, %select_n3A_1734 : vector<16xi1>, vector<16xf32>
        %select_n3A_1740 = arith.select %gt3A_1736, %scan3A_1710, %select_n3A_1735 : vector<16xi1>, vector<16xi32>
        %gt3A_1741 = arith.cmpf ogt, %select_n3A_1739, %scan3A_1706 : vector<16xf32>
        %select_n3A_1742 = arith.select %gt3A_1741, %select_n3A_1739, %scan3A_1706 : vector<16xi1>, vector<16xf32>
        %select_n3A_1743 = arith.select %gt3A_1741, %select_n3A_1740, %scan3A_1711 : vector<16xi1>, vector<16xi32>
        %select_n3A_1744 = arith.select %gt3A_1741, %scan3A_1706, %select_n3A_1739 : vector<16xi1>, vector<16xf32>
        %select_n3A_1745 = arith.select %gt3A_1741, %scan3A_1711, %select_n3A_1740 : vector<16xi1>, vector<16xi32>
        %gt3A_1746 = arith.cmpf ogt, %select_n3A_1744, %scan3A_1707 : vector<16xf32>
        %select_n3A_1747 = arith.select %gt3A_1746, %select_n3A_1744, %scan3A_1707 : vector<16xi1>, vector<16xf32>
        %select_n3A_1748 = arith.select %gt3A_1746, %select_n3A_1745, %scan3A_1712 : vector<16xi1>, vector<16xi32>
        %select_n3A_1749 = arith.select %gt3A_1746, %scan3A_1707, %select_n3A_1744 : vector<16xi1>, vector<16xf32>
        %select_n3A_1750 = arith.select %gt3A_1746, %scan3A_1712, %select_n3A_1745 : vector<16xi1>, vector<16xi32>
        scf.yield %select_n3A_1727, %select_n3A_1732, %select_n3A_1737, %select_n3A_1742, %select_n3A_1747, %select_n3A_1728, %select_n3A_1733, %select_n3A_1738, %select_n3A_1743, %select_n3A_1748 : vector<16xf32>, vector<16xf32>, vector<16xf32>, vector<16xf32>, vector<16xf32>, vector<16xi32>, vector<16xi32>, vector<16xi32>, vector<16xi32>, vector<16xi32>
      }
      %scan3A_1236 = arith.constant 32 : i32
      %scan3A_1237 = arith.constant 0 : i32
      %scan3A_1238 = arith.constant 32 : i32
      %scan3A_1239 = arith.addi %scan3A_1237, %scan3A_1238 : i32
      %scan3A_1240 = arith.constant 1 : i32
      %scan3A_1241:10 = scf.for %scan3A_1702 = %scan3A_1237 to %scan3A_1239 step %scan3A_1240 iter_args(%scan3A_1703 = %scan3A_1235#0, %scan3A_1704 = %scan3A_1235#1, %scan3A_1705 = %scan3A_1235#2, %scan3A_1706 = %scan3A_1235#3, %scan3A_1707 = %scan3A_1235#4, %scan3A_1708 = %scan3A_1235#5, %scan3A_1709 = %scan3A_1235#6, %scan3A_1710 = %scan3A_1235#7, %scan3A_1711 = %scan3A_1235#8, %scan3A_1712 = %scan3A_1235#9) -> (vector<16xf32>, vector<16xf32>, vector<16xf32>, vector<16xf32>, vector<16xf32>, vector<16xi32>, vector<16xi32>, vector<16xi32>, vector<16xi32>, vector<16xi32>)  : i32 {
        %mul3A_1713 = arith.constant 16 : i32
        %mul3A_1714 = arith.muli %scan3A_1702, %mul3A_1713 : i32
        %add3A_1715 = arith.constant 512 : i32
        %add3A_1716 = arith.addi %add3A_1715, %mul3A_1714 : i32
        %get3A_1717 = arith.constant 0 : i32
        %get3A_1718 = arith.index_cast %get3A_1717 : i32 to index
        %get3A_1719 = arith.index_cast %add3A_1716 : i32 to index
        %get3A_1720 = tpu.vector_load %arg8[%get3A_1718, %get3A_1719] {strides = array<i32>} : memref<1x2560xf32, #tpu.memory_space<vmem>>, vector<16xf32>,
        %mul3A_1721 = arith.constant 16 : i32
        %mul3A_1722 = arith.muli %scan3A_1702, %mul3A_1721 : i32
        %add3A_1723 = arith.addi %multiple_of3A_1149, %mul3A_1722 : i32
        %add3A_1724 = vector.broadcast %add3A_1723 : i32 to vector<16xi32>
        %add3A_1725 = arith.addi %add3A_1724, %iota3A : vector<16xi32>
        %gt3A_1726 = arith.cmpf ogt, %get3A_1720, %scan3A_1703 : vector<16xf32>
        %select_n3A_1727 = arith.select %gt3A_1726, %get3A_1720, %scan3A_1703 : vector<16xi1>, vector<16xf32>
        %select_n3A_1728 = arith.select %gt3A_1726, %add3A_1725, %scan3A_1708 : vector<16xi1>, vector<16xi32>
        %select_n3A_1729 = arith.select %gt3A_1726, %scan3A_1703, %get3A_1720 : vector<16xi1>, vector<16xf32>
        %select_n3A_1730 = arith.select %gt3A_1726, %scan3A_1708, %add3A_1725 : vector<16xi1>, vector<16xi32>
        %gt3A_1731 = arith.cmpf ogt, %select_n3A_1729, %scan3A_1704 : vector<16xf32>
        %select_n3A_1732 = arith.select %gt3A_1731, %select_n3A_1729, %scan3A_1704 : vector<16xi1>, vector<16xf32>
        %select_n3A_1733 = arith.select %gt3A_1731, %select_n3A_1730, %scan3A_1709 : vector<16xi1>, vector<16xi32>
        %select_n3A_1734 = arith.select %gt3A_1731, %scan3A_1704, %select_n3A_1729 : vector<16xi1>, vector<16xf32>
        %select_n3A_1735 = arith.select %gt3A_1731, %scan3A_1709, %select_n3A_1730 : vector<16xi1>, vector<16xi32>
        %gt3A_1736 = arith.cmpf ogt, %select_n3A_1734, %scan3A_1705 : vector<16xf32>
        %select_n3A_1737 = arith.select %gt3A_1736, %select_n3A_1734, %scan3A_1705 : vector<16xi1>, vector<16xf32>
        %select_n3A_1738 = arith.select %gt3A_1736, %select_n3A_1735, %scan3A_1710 : vector<16xi1>, vector<16xi32>
        %select_n3A_1739 = arith.select %gt3A_1736, %scan3A_1705, %select_n3A_1734 : vector<16xi1>, vector<16xf32>
        %select_n3A_1740 = arith.select %gt3A_1736, %scan3A_1710, %select_n3A_1735 : vector<16xi1>, vector<16xi32>
        %gt3A_1741 = arith.cmpf ogt, %select_n3A_1739, %scan3A_1706 : vector<16xf32>
        %select_n3A_1742 = arith.select %gt3A_1741, %select_n3A_1739, %scan3A_1706 : vector<16xi1>, vector<16xf32>
        %select_n3A_1743 = arith.select %gt3A_1741, %select_n3A_1740, %scan3A_1711 : vector<16xi1>, vector<16xi32>
        %select_n3A_1744 = arith.select %gt3A_1741, %scan3A_1706, %select_n3A_1739 : vector<16xi1>, vector<16xf32>
        %select_n3A_1745 = arith.select %gt3A_1741, %scan3A_1711, %select_n3A_1740 : vector<16xi1>, vector<16xi32>
        %gt3A_1746 = arith.cmpf ogt, %select_n3A_1744, %scan3A_1707 : vector<16xf32>
        %select_n3A_1747 = arith.select %gt3A_1746, %select_n3A_1744, %scan3A_1707 : vector<16xi1>, vector<16xf32>
        %select_n3A_1748 = arith.select %gt3A_1746, %select_n3A_1745, %scan3A_1712 : vector<16xi1>, vector<16xi32>
        %select_n3A_1749 = arith.select %gt3A_1746, %scan3A_1707, %select_n3A_1744 : vector<16xi1>, vector<16xf32>
        %select_n3A_1750 = arith.select %gt3A_1746, %scan3A_1712, %select_n3A_1745 : vector<16xi1>, vector<16xi32>
        scf.yield %select_n3A_1727, %select_n3A_1732, %select_n3A_1737, %select_n3A_1742, %select_n3A_1747, %select_n3A_1728, %select_n3A_1733, %select_n3A_1738, %select_n3A_1743, %select_n3A_1748 : vector<16xf32>, vector<16xf32>, vector<16xf32>, vector<16xf32>, vector<16xf32>, vector<16xi32>, vector<16xi32>, vector<16xi32>, vector<16xi32>, vector<16xi32>
      }
      %scan3A_1242 = arith.constant 32 : i32
      %scan3A_1243 = arith.constant 0 : i32
      %scan3A_1244 = arith.constant 32 : i32
      %scan3A_1245 = arith.addi %scan3A_1243, %scan3A_1244 : i32
      %scan3A_1246 = arith.constant 1 : i32
      %scan3A_1247:10 = scf.for %scan3A_1702 = %scan3A_1243 to %scan3A_1245 step %scan3A_1246 iter_args(%scan3A_1703 = %scan3A_1241#0, %scan3A_1704 = %scan3A_1241#1, %scan3A_1705 = %scan3A_1241#2, %scan3A_1706 = %scan3A_1241#3, %scan3A_1707 = %scan3A_1241#4, %scan3A_1708 = %scan3A_1241#5, %scan3A_1709 = %scan3A_1241#6, %scan3A_1710 = %scan3A_1241#7, %scan3A_1711 = %scan3A_1241#8, %scan3A_1712 = %scan3A_1241#9) -> (vector<16xf32>, vector<16xf32>, vector<16xf32>, vector<16xf32>, vector<16xf32>, vector<16xi32>, vector<16xi32>, vector<16xi32>, vector<16xi32>, vector<16xi32>)  : i32 {
        %mul3A_1713 = arith.constant 16 : i32
        %mul3A_1714 = arith.muli %scan3A_1702, %mul3A_1713 : i32
        %add3A_1715 = arith.constant 1024 : i32
        %add3A_1716 = arith.addi %add3A_1715, %mul3A_1714 : i32
        %get3A_1717 = arith.constant 0 : i32
        %get3A_1718 = arith.index_cast %get3A_1717 : i32 to index
        %get3A_1719 = arith.index_cast %add3A_1716 : i32 to index
        %get3A_1720 = tpu.vector_load %arg8[%get3A_1718, %get3A_1719] {strides = array<i32>} : memref<1x2560xf32, #tpu.memory_space<vmem>>, vector<16xf32>,
        %mul3A_1721 = arith.constant 16 : i32
        %mul3A_1722 = arith.muli %scan3A_1702, %mul3A_1721 : i32
        %add3A_1723 = arith.addi %multiple_of3A_1156, %mul3A_1722 : i32
        %add3A_1724 = vector.broadcast %add3A_1723 : i32 to vector<16xi32>
        %add3A_1725 = arith.addi %add3A_1724, %iota3A : vector<16xi32>
        %gt3A_1726 = arith.cmpf ogt, %get3A_1720, %scan3A_1703 : vector<16xf32>
        %select_n3A_1727 = arith.select %gt3A_1726, %get3A_1720, %scan3A_1703 : vector<16xi1>, vector<16xf32>
        %select_n3A_1728 = arith.select %gt3A_1726, %add3A_1725, %scan3A_1708 : vector<16xi1>, vector<16xi32>
        %select_n3A_1729 = arith.select %gt3A_1726, %scan3A_1703, %get3A_1720 : vector<16xi1>, vector<16xf32>
        %select_n3A_1730 = arith.select %gt3A_1726, %scan3A_1708, %add3A_1725 : vector<16xi1>, vector<16xi32>
        %gt3A_1731 = arith.cmpf ogt, %select_n3A_1729, %scan3A_1704 : vector<16xf32>
        %select_n3A_1732 = arith.select %gt3A_1731, %select_n3A_1729, %scan3A_1704 : vector<16xi1>, vector<16xf32>
        %select_n3A_1733 = arith.select %gt3A_1731, %select_n3A_1730, %scan3A_1709 : vector<16xi1>, vector<16xi32>
        %select_n3A_1734 = arith.select %gt3A_1731, %scan3A_1704, %select_n3A_1729 : vector<16xi1>, vector<16xf32>
        %select_n3A_1735 = arith.select %gt3A_1731, %scan3A_1709, %select_n3A_1730 : vector<16xi1>, vector<16xi32>
        %gt3A_1736 = arith.cmpf ogt, %select_n3A_1734, %scan3A_1705 : vector<16xf32>
        %select_n3A_1737 = arith.select %gt3A_1736, %select_n3A_1734, %scan3A_1705 : vector<16xi1>, vector<16xf32>
        %select_n3A_1738 = arith.select %gt3A_1736, %select_n3A_1735, %scan3A_1710 : vector<16xi1>, vector<16xi32>
        %select_n3A_1739 = arith.select %gt3A_1736, %scan3A_1705, %select_n3A_1734 : vector<16xi1>, vector<16xf32>
        %select_n3A_1740 = arith.select %gt3A_1736, %scan3A_1710, %select_n3A_1735 : vector<16xi1>, vector<16xi32>
        %gt3A_1741 = arith.cmpf ogt, %select_n3A_1739, %scan3A_1706 : vector<16xf32>
        %select_n3A_1742 = arith.select %gt3A_1741, %select_n3A_1739, %scan3A_1706 : vector<16xi1>, vector<16xf32>
        %select_n3A_1743 = arith.select %gt3A_1741, %select_n3A_1740, %scan3A_1711 : vector<16xi1>, vector<16xi32>
        %select_n3A_1744 = arith.select %gt3A_1741, %scan3A_1706, %select_n3A_1739 : vector<16xi1>, vector<16xf32>
        %select_n3A_1745 = arith.select %gt3A_1741, %scan3A_1711, %select_n3A_1740 : vector<16xi1>, vector<16xi32>
        %gt3A_1746 = arith.cmpf ogt, %select_n3A_1744, %scan3A_1707 : vector<16xf32>
        %select_n3A_1747 = arith.select %gt3A_1746, %select_n3A_1744, %scan3A_1707 : vector<16xi1>, vector<16xf32>
        %select_n3A_1748 = arith.select %gt3A_1746, %select_n3A_1745, %scan3A_1712 : vector<16xi1>, vector<16xi32>
        %select_n3A_1749 = arith.select %gt3A_1746, %scan3A_1707, %select_n3A_1744 : vector<16xi1>, vector<16xf32>
        %select_n3A_1750 = arith.select %gt3A_1746, %scan3A_1712, %select_n3A_1745 : vector<16xi1>, vector<16xi32>
        scf.yield %select_n3A_1727, %select_n3A_1732, %select_n3A_1737, %select_n3A_1742, %select_n3A_1747, %select_n3A_1728, %select_n3A_1733, %select_n3A_1738, %select_n3A_1743, %select_n3A_1748 : vector<16xf32>, vector<16xf32>, vector<16xf32>, vector<16xf32>, vector<16xf32>, vector<16xi32>, vector<16xi32>, vector<16xi32>, vector<16xi32>, vector<16xi32>
      }
      %scan3A_1248 = arith.constant 32 : i32
      %scan3A_1249 = arith.constant 0 : i32
      %scan3A_1250 = arith.constant 32 : i32
      %scan3A_1251 = arith.addi %scan3A_1249, %scan3A_1250 : i32
      %scan3A_1252 = arith.constant 1 : i32
      %scan3A_1253:10 = scf.for %scan3A_1702 = %scan3A_1249 to %scan3A_1251 step %scan3A_1252 iter_args(%scan3A_1703 = %scan3A_1247#0, %scan3A_1704 = %scan3A_1247#1, %scan3A_1705 = %scan3A_1247#2, %scan3A_1706 = %scan3A_1247#3, %scan3A_1707 = %scan3A_1247#4, %scan3A_1708 = %scan3A_1247#5, %scan3A_1709 = %scan3A_1247#6, %scan3A_1710 = %scan3A_1247#7, %scan3A_1711 = %scan3A_1247#8, %scan3A_1712 = %scan3A_1247#9) -> (vector<16xf32>, vector<16xf32>, vector<16xf32>, vector<16xf32>, vector<16xf32>, vector<16xi32>, vector<16xi32>, vector<16xi32>, vector<16xi32>, vector<16xi32>)  : i32 {
        %mul3A_1713 = arith.constant 16 : i32
        %mul3A_1714 = arith.muli %scan3A_1702, %mul3A_1713 : i32
        %add3A_1715 = arith.constant 1536 : i32
        %add3A_1716 = arith.addi %add3A_1715, %mul3A_1714 : i32
        %get3A_1717 = arith.constant 0 : i32
        %get3A_1718 = arith.index_cast %get3A_1717 : i32 to index
        %get3A_1719 = arith.index_cast %add3A_1716 : i32 to index
        %get3A_1720 = tpu.vector_load %arg8[%get3A_1718, %get3A_1719] {strides = array<i32>} : memref<1x2560xf32, #tpu.memory_space<vmem>>, vector<16xf32>,
        %mul3A_1721 = arith.constant 16 : i32
        %mul3A_1722 = arith.muli %scan3A_1702, %mul3A_1721 : i32
        %add3A_1723 = arith.addi %multiple_of3A_1163, %mul3A_1722 : i32
        %add3A_1724 = vector.broadcast %add3A_1723 : i32 to vector<16xi32>
        %add3A_1725 = arith.addi %add3A_1724, %iota3A : vector<16xi32>
        %gt3A_1726 = arith.cmpf ogt, %get3A_1720, %scan3A_1703 : vector<16xf32>
        %select_n3A_1727 = arith.select %gt3A_1726, %get3A_1720, %scan3A_1703 : vector<16xi1>, vector<16xf32>
        %select_n3A_1728 = arith.select %gt3A_1726, %add3A_1725, %scan3A_1708 : vector<16xi1>, vector<16xi32>
        %select_n3A_1729 = arith.select %gt3A_1726, %scan3A_1703, %get3A_1720 : vector<16xi1>, vector<16xf32>
        %select_n3A_1730 = arith.select %gt3A_1726, %scan3A_1708, %add3A_1725 : vector<16xi1>, vector<16xi32>
        %gt3A_1731 = arith.cmpf ogt, %select_n3A_1729, %scan3A_1704 : vector<16xf32>
        %select_n3A_1732 = arith.select %gt3A_1731, %select_n3A_1729, %scan3A_1704 : vector<16xi1>, vector<16xf32>
        %select_n3A_1733 = arith.select %gt3A_1731, %select_n3A_1730, %scan3A_1709 : vector<16xi1>, vector<16xi32>
        %select_n3A_1734 = arith.select %gt3A_1731, %scan3A_1704, %select_n3A_1729 : vector<16xi1>, vector<16xf32>
        %select_n3A_1735 = arith.select %gt3A_1731, %scan3A_1709, %select_n3A_1730 : vector<16xi1>, vector<16xi32>
        %gt3A_1736 = arith.cmpf ogt, %select_n3A_1734, %scan3A_1705 : vector<16xf32>
        %select_n3A_1737 = arith.select %gt3A_1736, %select_n3A_1734, %scan3A_1705 : vector<16xi1>, vector<16xf32>
        %select_n3A_1738 = arith.select %gt3A_1736, %select_n3A_1735, %scan3A_1710 : vector<16xi1>, vector<16xi32>
        %select_n3A_1739 = arith.select %gt3A_1736, %scan3A_1705, %select_n3A_1734 : vector<16xi1>, vector<16xf32>
        %select_n3A_1740 = arith.select %gt3A_1736, %scan3A_1710, %select_n3A_1735 : vector<16xi1>, vector<16xi32>
        %gt3A_1741 = arith.cmpf ogt, %select_n3A_1739, %scan3A_1706 : vector<16xf32>
        %select_n3A_1742 = arith.select %gt3A_1741, %select_n3A_1739, %scan3A_1706 : vector<16xi1>, vector<16xf32>
        %select_n3A_1743 = arith.select %gt3A_1741, %select_n3A_1740, %scan3A_1711 : vector<16xi1>, vector<16xi32>
        %select_n3A_1744 = arith.select %gt3A_1741, %scan3A_1706, %select_n3A_1739 : vector<16xi1>, vector<16xf32>
        %select_n3A_1745 = arith.select %gt3A_1741, %scan3A_1711, %select_n3A_1740 : vector<16xi1>, vector<16xi32>
        %gt3A_1746 = arith.cmpf ogt, %select_n3A_1744, %scan3A_1707 : vector<16xf32>
        %select_n3A_1747 = arith.select %gt3A_1746, %select_n3A_1744, %scan3A_1707 : vector<16xi1>, vector<16xf32>
        %select_n3A_1748 = arith.select %gt3A_1746, %select_n3A_1745, %scan3A_1712 : vector<16xi1>, vector<16xi32>
        %select_n3A_1749 = arith.select %gt3A_1746, %scan3A_1707, %select_n3A_1744 : vector<16xi1>, vector<16xf32>
        %select_n3A_1750 = arith.select %gt3A_1746, %scan3A_1712, %select_n3A_1745 : vector<16xi1>, vector<16xi32>
        scf.yield %select_n3A_1727, %select_n3A_1732, %select_n3A_1737, %select_n3A_1742, %select_n3A_1747, %select_n3A_1728, %select_n3A_1733, %select_n3A_1738, %select_n3A_1743, %select_n3A_1748 : vector<16xf32>, vector<16xf32>, vector<16xf32>, vector<16xf32>, vector<16xf32>, vector<16xi32>, vector<16xi32>, vector<16xi32>, vector<16xi32>, vector<16xi32>
      }
      %scan3A_1254 = arith.constant 32 : i32
      %scan3A_1255 = arith.constant 0 : i32
      %scan3A_1256 = arith.constant 32 : i32
      %scan3A_1257 = arith.addi %scan3A_1255, %scan3A_1256 : i32
      %scan3A_1258 = arith.constant 1 : i32
      %scan3A_1259:10 = scf.for %scan3A_1702 = %scan3A_1255 to %scan3A_1257 step %scan3A_1258 iter_args(%scan3A_1703 = %scan3A_1253#0, %scan3A_1704 = %scan3A_1253#1, %scan3A_1705 = %scan3A_1253#2, %scan3A_1706 = %scan3A_1253#3, %scan3A_1707 = %scan3A_1253#4, %scan3A_1708 = %scan3A_1253#5, %scan3A_1709 = %scan3A_1253#6, %scan3A_1710 = %scan3A_1253#7, %scan3A_1711 = %scan3A_1253#8, %scan3A_1712 = %scan3A_1253#9) -> (vector<16xf32>, vector<16xf32>, vector<16xf32>, vector<16xf32>, vector<16xf32>, vector<16xi32>, vector<16xi32>, vector<16xi32>, vector<16xi32>, vector<16xi32>)  : i32 {
        %mul3A_1713 = arith.constant 16 : i32
        %mul3A_1714 = arith.muli %scan3A_1702, %mul3A_1713 : i32
        %add3A_1715 = arith.constant 2048 : i32
        %add3A_1716 = arith.addi %add3A_1715, %mul3A_1714 : i32
        %get3A_1717 = arith.constant 0 : i32
        %get3A_1718 = arith.index_cast %get3A_1717 : i32 to index
        %get3A_1719 = arith.index_cast %add3A_1716 : i32 to index
        %get3A_1720 = tpu.vector_load %arg8[%get3A_1718, %get3A_1719] {strides = array<i32>} : memref<1x2560xf32, #tpu.memory_space<vmem>>, vector<16xf32>,
        %mul3A_1721 = arith.constant 16 : i32
        %mul3A_1722 = arith.muli %scan3A_1702, %mul3A_1721 : i32
        %add3A_1723 = arith.addi %multiple_of3A_1170, %mul3A_1722 : i32
        %add3A_1724 = vector.broadcast %add3A_1723 : i32 to vector<16xi32>
        %add3A_1725 = arith.addi %add3A_1724, %iota3A : vector<16xi32>
        %gt3A_1726 = arith.cmpf ogt, %get3A_1720, %scan3A_1703 : vector<16xf32>
        %select_n3A_1727 = arith.select %gt3A_1726, %get3A_1720, %scan3A_1703 : vector<16xi1>, vector<16xf32>
        %select_n3A_1728 = arith.select %gt3A_1726, %add3A_1725, %scan3A_1708 : vector<16xi1>, vector<16xi32>
        %select_n3A_1729 = arith.select %gt3A_1726, %scan3A_1703, %get3A_1720 : vector<16xi1>, vector<16xf32>
        %select_n3A_1730 = arith.select %gt3A_1726, %scan3A_1708, %add3A_1725 : vector<16xi1>, vector<16xi32>
        %gt3A_1731 = arith.cmpf ogt, %select_n3A_1729, %scan3A_1704 : vector<16xf32>
        %select_n3A_1732 = arith.select %gt3A_1731, %select_n3A_1729, %scan3A_1704 : vector<16xi1>, vector<16xf32>
        %select_n3A_1733 = arith.select %gt3A_1731, %select_n3A_1730, %scan3A_1709 : vector<16xi1>, vector<16xi32>
        %select_n3A_1734 = arith.select %gt3A_1731, %scan3A_1704, %select_n3A_1729 : vector<16xi1>, vector<16xf32>
        %select_n3A_1735 = arith.select %gt3A_1731, %scan3A_1709, %select_n3A_1730 : vector<16xi1>, vector<16xi32>
        %gt3A_1736 = arith.cmpf ogt, %select_n3A_1734, %scan3A_1705 : vector<16xf32>
        %select_n3A_1737 = arith.select %gt3A_1736, %select_n3A_1734, %scan3A_1705 : vector<16xi1>, vector<16xf32>
        %select_n3A_1738 = arith.select %gt3A_1736, %select_n3A_1735, %scan3A_1710 : vector<16xi1>, vector<16xi32>
        %select_n3A_1739 = arith.select %gt3A_1736, %scan3A_1705, %select_n3A_1734 : vector<16xi1>, vector<16xf32>
        %select_n3A_1740 = arith.select %gt3A_1736, %scan3A_1710, %select_n3A_1735 : vector<16xi1>, vector<16xi32>
        %gt3A_1741 = arith.cmpf ogt, %select_n3A_1739, %scan3A_1706 : vector<16xf32>
        %select_n3A_1742 = arith.select %gt3A_1741, %select_n3A_1739, %scan3A_1706 : vector<16xi1>, vector<16xf32>
        %select_n3A_1743 = arith.select %gt3A_1741, %select_n3A_1740, %scan3A_1711 : vector<16xi1>, vector<16xi32>
        %select_n3A_1744 = arith.select %gt3A_1741, %scan3A_1706, %select_n3A_1739 : vector<16xi1>, vector<16xf32>
        %select_n3A_1745 = arith.select %gt3A_1741, %scan3A_1711, %select_n3A_1740 : vector<16xi1>, vector<16xi32>
        %gt3A_1746 = arith.cmpf ogt, %select_n3A_1744, %scan3A_1707 : vector<16xf32>
        %select_n3A_1747 = arith.select %gt3A_1746, %select_n3A_1744, %scan3A_1707 : vector<16xi1>, vector<16xf32>
        %select_n3A_1748 = arith.select %gt3A_1746, %select_n3A_1745, %scan3A_1712 : vector<16xi1>, vector<16xi32>
        %select_n3A_1749 = arith.select %gt3A_1746, %scan3A_1707, %select_n3A_1744 : vector<16xi1>, vector<16xf32>
        %select_n3A_1750 = arith.select %gt3A_1746, %scan3A_1712, %select_n3A_1745 : vector<16xi1>, vector<16xi32>
        scf.yield %select_n3A_1727, %select_n3A_1732, %select_n3A_1737, %select_n3A_1742, %select_n3A_1747, %select_n3A_1728, %select_n3A_1733, %select_n3A_1738, %select_n3A_1743, %select_n3A_1748 : vector<16xf32>, vector<16xf32>, vector<16xf32>, vector<16xf32>, vector<16xf32>, vector<16xi32>, vector<16xi32>, vector<16xi32>, vector<16xi32>, vector<16xi32>
      }
      %scan3A_1260 = arith.constant 32 : i32
      %get3A_1261 = arith.constant 0 : index
      %get3A_1262 = tpu.vector_load %arg9[%get3A_1261] {strides = array<i32>} : memref<48xf32, #tpu.memory_space<vmem>>, vector<16xf32>,
      %add3A_1263 = arith.constant 99968 : i32
      %add3A_1264 = vector.broadcast %add3A_1263 : i32 to vector<16xi32>
      %add3A_1265 = arith.addi %add3A_1264, %iota3A : vector<16xi32>
      %gt3A_1266 = arith.cmpf ogt, %get3A_1262, %scan3A_1259#0 : vector<16xf32>
      %select_n3A_1267 = arith.select %gt3A_1266, %get3A_1262, %scan3A_1259#0 : vector<16xi1>, vector<16xf32>
      %select_n3A_1268 = arith.select %gt3A_1266, %add3A_1265, %scan3A_1259#5 : vector<16xi1>, vector<16xi32>
      %select_n3A_1269 = arith.select %gt3A_1266, %scan3A_1259#0, %get3A_1262 : vector<16xi1>, vector<16xf32>
      %select_n3A_1270 = arith.select %gt3A_1266, %scan3A_1259#5, %add3A_1265 : vector<16xi1>, vector<16xi32>
      %gt3A_1271 = arith.cmpf ogt, %select_n3A_1269, %scan3A_1259#1 : vector<16xf32>
      %select_n3A_1272 = arith.select %gt3A_1271, %select_n3A_1269, %scan3A_1259#1 : vector<16xi1>, vector<16xf32>
      %select_n3A_1273 = arith.select %gt3A_1271, %select_n3A_1270, %scan3A_1259#6 : vector<16xi1>, vector<16xi32>
      %select_n3A_1274 = arith.select %gt3A_1271, %scan3A_1259#1, %select_n3A_1269 : vector<16xi1>, vector<16xf32>
      %select_n3A_1275 = arith.select %gt3A_1271, %scan3A_1259#6, %select_n3A_1270 : vector<16xi1>, vector<16xi32>
      %gt3A_1276 = arith.cmpf ogt, %select_n3A_1274, %scan3A_1259#2 : vector<16xf32>
      %select_n3A_1277 = arith.select %gt3A_1276, %select_n3A_1274, %scan3A_1259#2 : vector<16xi1>, vector<16xf32>
      %select_n3A_1278 = arith.select %gt3A_1276, %select_n3A_1275, %scan3A_1259#7 : vector<16xi1>, vector<16xi32>
      %select_n3A_1279 = arith.select %gt3A_1276, %scan3A_1259#2, %select_n3A_1274 : vector<16xi1>, vector<16xf32>
      %select_n3A_1280 = arith.select %gt3A_1276, %scan3A_1259#7, %select_n3A_1275 : vector<16xi1>, vector<16xi32>
      %gt3A_1281 = arith.cmpf ogt, %select_n3A_1279, %scan3A_1259#3 : vector<16xf32>
      %select_n3A_1282 = arith.select %gt3A_1281, %select_n3A_1279, %scan3A_1259#3 : vector<16xi1>, vector<16xf32>
      %select_n3A_1283 = arith.select %gt3A_1281, %select_n3A_1280, %scan3A_1259#8 : vector<16xi1>, vector<16xi32>
      %select_n3A_1284 = arith.select %gt3A_1281, %scan3A_1259#3, %select_n3A_1279 : vector<16xi1>, vector<16xf32>
      %select_n3A_1285 = arith.select %gt3A_1281, %scan3A_1259#8, %select_n3A_1280 : vector<16xi1>, vector<16xi32>
      %gt3A_1286 = arith.cmpf ogt, %select_n3A_1284, %scan3A_1259#4 : vector<16xf32>
      %select_n3A_1287 = arith.select %gt3A_1286, %select_n3A_1284, %scan3A_1259#4 : vector<16xi1>, vector<16xf32>
      %select_n3A_1288 = arith.select %gt3A_1286, %select_n3A_1285, %scan3A_1259#9 : vector<16xi1>, vector<16xi32>
      %select_n3A_1289 = arith.select %gt3A_1286, %scan3A_1259#4, %select_n3A_1284 : vector<16xi1>, vector<16xf32>
      %select_n3A_1290 = arith.select %gt3A_1286, %scan3A_1259#9, %select_n3A_1285 : vector<16xi1>, vector<16xi32>
      %get3A_1291 = arith.constant 16 : index
      %get3A_1292 = tpu.vector_load %arg9[%get3A_1291] {strides = array<i32>} : memref<48xf32, #tpu.memory_space<vmem>>, vector<16xf32>,
      %add3A_1293 = arith.constant 99984 : i32
      %add3A_1294 = vector.broadcast %add3A_1293 : i32 to vector<16xi32>
      %add3A_1295 = arith.addi %add3A_1294, %iota3A : vector<16xi32>
      %gt3A_1296 = arith.cmpf ogt, %get3A_1292, %select_n3A_1267 : vector<16xf32>
      %select_n3A_1297 = arith.select %gt3A_1296, %get3A_1292, %select_n3A_1267 : vector<16xi1>, vector<16xf32>
      %select_n3A_1298 = arith.select %gt3A_1296, %add3A_1295, %select_n3A_1268 : vector<16xi1>, vector<16xi32>
      %select_n3A_1299 = arith.select %gt3A_1296, %select_n3A_1267, %get3A_1292 : vector<16xi1>, vector<16xf32>
      %select_n3A_1300 = arith.select %gt3A_1296, %select_n3A_1268, %add3A_1295 : vector<16xi1>, vector<16xi32>
      %gt3A_1301 = arith.cmpf ogt, %select_n3A_1299, %select_n3A_1272 : vector<16xf32>
      %select_n3A_1302 = arith.select %gt3A_1301, %select_n3A_1299, %select_n3A_1272 : vector<16xi1>, vector<16xf32>
      %select_n3A_1303 = arith.select %gt3A_1301, %select_n3A_1300, %select_n3A_1273 : vector<16xi1>, vector<16xi32>
      %select_n3A_1304 = arith.select %gt3A_1301, %select_n3A_1272, %select_n3A_1299 : vector<16xi1>, vector<16xf32>
      %select_n3A_1305 = arith.select %gt3A_1301, %select_n3A_1273, %select_n3A_1300 : vector<16xi1>, vector<16xi32>
      %gt3A_1306 = arith.cmpf ogt, %select_n3A_1304, %select_n3A_1277 : vector<16xf32>
      %select_n3A_1307 = arith.select %gt3A_1306, %select_n3A_1304, %select_n3A_1277 : vector<16xi1>, vector<16xf32>
      %select_n3A_1308 = arith.select %gt3A_1306, %select_n3A_1305, %select_n3A_1278 : vector<16xi1>, vector<16xi32>
      %select_n3A_1309 = arith.select %gt3A_1306, %select_n3A_1277, %select_n3A_1304 : vector<16xi1>, vector<16xf32>
      %select_n3A_1310 = arith.select %gt3A_1306, %select_n3A_1278, %select_n3A_1305 : vector<16xi1>, vector<16xi32>
      %gt3A_1311 = arith.cmpf ogt, %select_n3A_1309, %select_n3A_1282 : vector<16xf32>
      %select_n3A_1312 = arith.select %gt3A_1311, %select_n3A_1309, %select_n3A_1282 : vector<16xi1>, vector<16xf32>
      %select_n3A_1313 = arith.select %gt3A_1311, %select_n3A_1310, %select_n3A_1283 : vector<16xi1>, vector<16xi32>
      %select_n3A_1314 = arith.select %gt3A_1311, %select_n3A_1282, %select_n3A_1309 : vector<16xi1>, vector<16xf32>
      %select_n3A_1315 = arith.select %gt3A_1311, %select_n3A_1283, %select_n3A_1310 : vector<16xi1>, vector<16xi32>
      %gt3A_1316 = arith.cmpf ogt, %select_n3A_1314, %select_n3A_1287 : vector<16xf32>
      %select_n3A_1317 = arith.select %gt3A_1316, %select_n3A_1314, %select_n3A_1287 : vector<16xi1>, vector<16xf32>
      %select_n3A_1318 = arith.select %gt3A_1316, %select_n3A_1315, %select_n3A_1288 : vector<16xi1>, vector<16xi32>
      %select_n3A_1319 = arith.select %gt3A_1316, %select_n3A_1287, %select_n3A_1314 : vector<16xi1>, vector<16xf32>
      %select_n3A_1320 = arith.select %gt3A_1316, %select_n3A_1288, %select_n3A_1315 : vector<16xi1>, vector<16xi32>
      %gt3A_1321 = arith.cmpf ogt, %select_n3A_1302, %select_n3A_1297 : vector<16xf32>
      %select_n3A_1322 = arith.select %gt3A_1321, %select_n3A_1302, %select_n3A_1297 : vector<16xi1>, vector<16xf32>
      %select_n3A_1323 = arith.select %gt3A_1321, %select_n3A_1303, %select_n3A_1298 : vector<16xi1>, vector<16xi32>
      %gt3A_1324 = arith.cmpf ogt, %select_n3A_1307, %select_n3A_1322 : vector<16xf32>
      %select_n3A_1325 = arith.select %gt3A_1324, %select_n3A_1307, %select_n3A_1322 : vector<16xi1>, vector<16xf32>
      %select_n3A_1326 = arith.select %gt3A_1324, %select_n3A_1308, %select_n3A_1323 : vector<16xi1>, vector<16xi32>
      %gt3A_1327 = arith.cmpf ogt, %select_n3A_1312, %select_n3A_1325 : vector<16xf32>
      %select_n3A_1328 = arith.select %gt3A_1327, %select_n3A_1312, %select_n3A_1325 : vector<16xi1>, vector<16xf32>
      %select_n3A_1329 = arith.select %gt3A_1327, %select_n3A_1313, %select_n3A_1326 : vector<16xi1>, vector<16xi32>
      %gt3A_1330 = arith.cmpf ogt, %select_n3A_1317, %select_n3A_1328 : vector<16xf32>
      %select_n3A_1331 = arith.select %gt3A_1330, %select_n3A_1317, %select_n3A_1328 : vector<16xi1>, vector<16xf32>
      %select_n3A_1332 = arith.select %gt3A_1330, %select_n3A_1318, %select_n3A_1329 : vector<16xi1>, vector<16xi32>
      %reduce_max3A_1333 = arith.constant true
      %reduce_max3A_1334 = vector.broadcast %reduce_max3A_1333 : i1 to vector<16xi1>
      %reduce_max3A_1335 = tpu.scan <max>, %select_n3A_1331 masked %reduce_max3A_1334 : vector<16xf32>, vector<16xi1> -> vector<16xf32>
      %reduce_max3A_1336 = vector.extract %reduce_max3A_1335[15] : f32 from vector<16xf32>
      %eq3A_1337 = vector.broadcast %reduce_max3A_1336 : f32 to vector<16xf32>
      %eq3A_1338 = arith.cmpf oeq, %select_n3A_1331, %eq3A_1337 : vector<16xf32>
      %jit3A_1339 = arith.constant 2147483647 : i32
      %broadcast_in_dim3A_1340 = vector.broadcast %jit3A_1339 : i32 to vector<16xi32>
      %select_n3A_1341 = arith.select %eq3A_1338, %select_n3A_1332, %broadcast_in_dim3A_1340 : vector<16xi1>, vector<16xi32>
      %reduce_min3A_1342 = arith.constant true
      %reduce_min3A_1343 = vector.broadcast %reduce_min3A_1342 : i1 to vector<16xi1>
      %reduce_min3A_1344 = arith.constant -2147483648 : i32
      %reduce_min3A_1345 = vector.broadcast %reduce_min3A_1344 : i32 to vector<16xi32>
      %reduce_min3A_1346 = arith.xori %select_n3A_1341, %reduce_min3A_1345 : vector<16xi32>
      %reduce_min3A_1347 = tpu.scan <min>, %reduce_min3A_1346 masked %reduce_min3A_1343 : vector<16xi32>, vector<16xi1> -> vector<16xi32>
      %reduce_min3A_1348 = arith.xori %reduce_min3A_1347, %reduce_min3A_1345 : vector<16xi32>
      %reduce_min3A_1349 = vector.extract %reduce_min3A_1348[15] : i32 from vector<16xi32>
      %eq3A_1350 = vector.broadcast %reduce_min3A_1349 : i32 to vector<16xi32>
      %eq3A_1351 = arith.cmpi eq, %select_n3A_1298, %eq3A_1350 : vector<16xi32>
      %jit3A_1352 = arith.constant 0xFF800000 : f32
      %broadcast_in_dim3A_1353 = vector.broadcast %jit3A_1352 : f32 to vector<16xf32>
      %select_n3A_1354 = arith.select %eq3A_1351, %broadcast_in_dim3A_1353, %select_n3A_1297 : vector<16xi1>, vector<16xf32>
      %eq3A_1355 = vector.broadcast %reduce_min3A_1349 : i32 to vector<16xi32>
      %eq3A_1356 = arith.cmpi eq, %select_n3A_1303, %eq3A_1355 : vector<16xi32>
      %jit3A_1357 = arith.constant 0xFF800000 : f32
      %broadcast_in_dim3A_1358 = vector.broadcast %jit3A_1357 : f32 to vector<16xf32>
      %select_n3A_1359 = arith.select %eq3A_1356, %broadcast_in_dim3A_1358, %select_n3A_1302 : vector<16xi1>, vector<16xf32>
      %eq3A_1360 = vector.broadcast %reduce_min3A_1349 : i32 to vector<16xi32>
      %eq3A_1361 = arith.cmpi eq, %select_n3A_1308, %eq3A_1360 : vector<16xi32>
      %jit3A_1362 = arith.constant 0xFF800000 : f32
      %broadcast_in_dim3A_1363 = vector.broadcast %jit3A_1362 : f32 to vector<16xf32>
      %select_n3A_1364 = arith.select %eq3A_1361, %broadcast_in_dim3A_1363, %select_n3A_1307 : vector<16xi1>, vector<16xf32>
      %eq3A_1365 = vector.broadcast %reduce_min3A_1349 : i32 to vector<16xi32>
      %eq3A_1366 = arith.cmpi eq, %select_n3A_1313, %eq3A_1365 : vector<16xi32>
      %jit3A_1367 = arith.constant 0xFF800000 : f32
      %broadcast_in_dim3A_1368 = vector.broadcast %jit3A_1367 : f32 to vector<16xf32>
      %select_n3A_1369 = arith.select %eq3A_1366, %broadcast_in_dim3A_1368, %select_n3A_1312 : vector<16xi1>, vector<16xf32>
      %eq3A_1370 = vector.broadcast %reduce_min3A_1349 : i32 to vector<16xi32>
      %eq3A_1371 = arith.cmpi eq, %select_n3A_1318, %eq3A_1370 : vector<16xi32>
      %jit3A_1372 = arith.constant 0xFF800000 : f32
      %broadcast_in_dim3A_1373 = vector.broadcast %jit3A_1372 : f32 to vector<16xf32>
      %select_n3A_1374 = arith.select %eq3A_1371, %broadcast_in_dim3A_1373, %select_n3A_1317 : vector<16xi1>, vector<16xf32>
      %eq3A_1375 = arith.constant 0 : i32
      %eq3A_1376 = vector.broadcast %eq3A_1375 : i32 to vector<16xi32>
      %eq3A_1377 = arith.cmpi eq, %iota3A, %eq3A_1376 : vector<16xi32>
      %broadcast_in_dim3A_1378 = vector.broadcast %reduce_max3A_1336 : f32 to vector<16xf32>
      %select_n3A_1379 = arith.select %eq3A_1377, %broadcast_in_dim3A_1378, %broadcast_in_dim3A_1 : vector<16xi1>, vector<16xf32>
      %eq3A_1380 = arith.constant 0 : i32
      %eq3A_1381 = vector.broadcast %eq3A_1380 : i32 to vector<16xi32>
      %eq3A_1382 = arith.cmpi eq, %iota3A, %eq3A_1381 : vector<16xi32>
      %broadcast_in_dim3A_1383 = vector.broadcast %reduce_min3A_1349 : i32 to vector<16xi32>
      %select_n3A_1384 = arith.select %eq3A_1382, %broadcast_in_dim3A_1383, %broadcast_in_dim3A_3 : vector<16xi1>, vector<16xi32>
      %gt3A_1385 = arith.cmpf ogt, %select_n3A_1359, %select_n3A_1354 : vector<16xf32>
      %select_n3A_1386 = arith.select %gt3A_1385, %select_n3A_1359, %select_n3A_1354 : vector<16xi1>, vector<16xf32>
      %select_n3A_1387 = arith.select %gt3A_1385, %select_n3A_1303, %select_n3A_1298 : vector<16xi1>, vector<16xi32>
      %gt3A_1388 = arith.cmpf ogt, %select_n3A_1364, %select_n3A_1386 : vector<16xf32>
      %select_n3A_1389 = arith.select %gt3A_1388, %select_n3A_1364, %select_n3A_1386 : vector<16xi1>, vector<16xf32>
      %select_n3A_1390 = arith.select %gt3A_1388, %select_n3A_1308, %select_n3A_1387 : vector<16xi1>, vector<16xi32>
      %gt3A_1391 = arith.cmpf ogt, %select_n3A_1369, %select_n3A_1389 : vector<16xf32>
      %select_n3A_1392 = arith.select %gt3A_1391, %select_n3A_1369, %select_n3A_1389 : vector<16xi1>, vector<16xf32>
      %select_n3A_1393 = arith.select %gt3A_1391, %select_n3A_1313, %select_n3A_1390 : vector<16xi1>, vector<16xi32>
      %gt3A_1394 = arith.cmpf ogt, %select_n3A_1374, %select_n3A_1392 : vector<16xf32>
      %select_n3A_1395 = arith.select %gt3A_1394, %select_n3A_1374, %select_n3A_1392 : vector<16xi1>, vector<16xf32>
      %select_n3A_1396 = arith.select %gt3A_1394, %select_n3A_1318, %select_n3A_1393 : vector<16xi1>, vector<16xi32>
      %reduce_max3A_1397 = arith.constant true
      %reduce_max3A_1398 = vector.broadcast %reduce_max3A_1397 : i1 to vector<16xi1>
      %reduce_max3A_1399 = tpu.scan <max>, %select_n3A_1395 masked %reduce_max3A_1398 : vector<16xf32>, vector<16xi1> -> vector<16xf32>
      %reduce_max3A_1400 = vector.extract %reduce_max3A_1399[15] : f32 from vector<16xf32>
      %eq3A_1401 = vector.broadcast %reduce_max3A_1400 : f32 to vector<16xf32>
      %eq3A_1402 = arith.cmpf oeq, %select_n3A_1395, %eq3A_1401 : vector<16xf32>
      %jit3A_1403 = arith.constant 2147483647 : i32
      %broadcast_in_dim3A_1404 = vector.broadcast %jit3A_1403 : i32 to vector<16xi32>
      %select_n3A_1405 = arith.select %eq3A_1402, %select_n3A_1396, %broadcast_in_dim3A_1404 : vector<16xi1>, vector<16xi32>
      %reduce_min3A_1406 = arith.constant true
      %reduce_min3A_1407 = vector.broadcast %reduce_min3A_1406 : i1 to vector<16xi1>
      %reduce_min3A_1408 = arith.constant -2147483648 : i32
      %reduce_min3A_1409 = vector.broadcast %reduce_min3A_1408 : i32 to vector<16xi32>
      %reduce_min3A_1410 = arith.xori %select_n3A_1405, %reduce_min3A_1409 : vector<16xi32>
      %reduce_min3A_1411 = tpu.scan <min>, %reduce_min3A_1410 masked %reduce_min3A_1407 : vector<16xi32>, vector<16xi1> -> vector<16xi32>
      %reduce_min3A_1412 = arith.xori %reduce_min3A_1411, %reduce_min3A_1409 : vector<16xi32>
      %reduce_min3A_1413 = vector.extract %reduce_min3A_1412[15] : i32 from vector<16xi32>
      %eq3A_1414 = vector.broadcast %reduce_min3A_1413 : i32 to vector<16xi32>
      %eq3A_1415 = arith.cmpi eq, %select_n3A_1298, %eq3A_1414 : vector<16xi32>
      %jit3A_1416 = arith.constant 0xFF800000 : f32
      %broadcast_in_dim3A_1417 = vector.broadcast %jit3A_1416 : f32 to vector<16xf32>
      %select_n3A_1418 = arith.select %eq3A_1415, %broadcast_in_dim3A_1417, %select_n3A_1354 : vector<16xi1>, vector<16xf32>
      %eq3A_1419 = vector.broadcast %reduce_min3A_1413 : i32 to vector<16xi32>
      %eq3A_1420 = arith.cmpi eq, %select_n3A_1303, %eq3A_1419 : vector<16xi32>
      %jit3A_1421 = arith.constant 0xFF800000 : f32
      %broadcast_in_dim3A_1422 = vector.broadcast %jit3A_1421 : f32 to vector<16xf32>
      %select_n3A_1423 = arith.select %eq3A_1420, %broadcast_in_dim3A_1422, %select_n3A_1359 : vector<16xi1>, vector<16xf32>
      %eq3A_1424 = vector.broadcast %reduce_min3A_1413 : i32 to vector<16xi32>
      %eq3A_1425 = arith.cmpi eq, %select_n3A_1308, %eq3A_1424 : vector<16xi32>
      %jit3A_1426 = arith.constant 0xFF800000 : f32
      %broadcast_in_dim3A_1427 = vector.broadcast %jit3A_1426 : f32 to vector<16xf32>
      %select_n3A_1428 = arith.select %eq3A_1425, %broadcast_in_dim3A_1427, %select_n3A_1364 : vector<16xi1>, vector<16xf32>
      %eq3A_1429 = vector.broadcast %reduce_min3A_1413 : i32 to vector<16xi32>
      %eq3A_1430 = arith.cmpi eq, %select_n3A_1313, %eq3A_1429 : vector<16xi32>
      %jit3A_1431 = arith.constant 0xFF800000 : f32
      %broadcast_in_dim3A_1432 = vector.broadcast %jit3A_1431 : f32 to vector<16xf32>
      %select_n3A_1433 = arith.select %eq3A_1430, %broadcast_in_dim3A_1432, %select_n3A_1369 : vector<16xi1>, vector<16xf32>
      %eq3A_1434 = vector.broadcast %reduce_min3A_1413 : i32 to vector<16xi32>
      %eq3A_1435 = arith.cmpi eq, %select_n3A_1318, %eq3A_1434 : vector<16xi32>
      %jit3A_1436 = arith.constant 0xFF800000 : f32
      %broadcast_in_dim3A_1437 = vector.broadcast %jit3A_1436 : f32 to vector<16xf32>
      %select_n3A_1438 = arith.select %eq3A_1435, %broadcast_in_dim3A_1437, %select_n3A_1374 : vector<16xi1>, vector<16xf32>
      %eq3A_1439 = arith.constant 1 : i32
      %eq3A_1440 = vector.broadcast %eq3A_1439 : i32 to vector<16xi32>
      %eq3A_1441 = arith.cmpi eq, %iota3A, %eq3A_1440 : vector<16xi32>
      %broadcast_in_dim3A_1442 = vector.broadcast %reduce_max3A_1400 : f32 to vector<16xf32>
      %select_n3A_1443 = arith.select %eq3A_1441, %broadcast_in_dim3A_1442, %select_n3A_1379 : vector<16xi1>, vector<16xf32>
      %eq3A_1444 = arith.constant 1 : i32
      %eq3A_1445 = vector.broadcast %eq3A_1444 : i32 to vector<16xi32>
      %eq3A_1446 = arith.cmpi eq, %iota3A, %eq3A_1445 : vector<16xi32>
      %broadcast_in_dim3A_1447 = vector.broadcast %reduce_min3A_1413 : i32 to vector<16xi32>
      %select_n3A_1448 = arith.select %eq3A_1446, %broadcast_in_dim3A_1447, %select_n3A_1384 : vector<16xi1>, vector<16xi32>
      %gt3A_1449 = arith.cmpf ogt, %select_n3A_1423, %select_n3A_1418 : vector<16xf32>
      %select_n3A_1450 = arith.select %gt3A_1449, %select_n3A_1423, %select_n3A_1418 : vector<16xi1>, vector<16xf32>
      %select_n3A_1451 = arith.select %gt3A_1449, %select_n3A_1303, %select_n3A_1298 : vector<16xi1>, vector<16xi32>
      %gt3A_1452 = arith.cmpf ogt, %select_n3A_1428, %select_n3A_1450 : vector<16xf32>
      %select_n3A_1453 = arith.select %gt3A_1452, %select_n3A_1428, %select_n3A_1450 : vector<16xi1>, vector<16xf32>
      %select_n3A_1454 = arith.select %gt3A_1452, %select_n3A_1308, %select_n3A_1451 : vector<16xi1>, vector<16xi32>
      %gt3A_1455 = arith.cmpf ogt, %select_n3A_1433, %select_n3A_1453 : vector<16xf32>
      %select_n3A_1456 = arith.select %gt3A_1455, %select_n3A_1433, %select_n3A_1453 : vector<16xi1>, vector<16xf32>
      %select_n3A_1457 = arith.select %gt3A_1455, %select_n3A_1313, %select_n3A_1454 : vector<16xi1>, vector<16xi32>
      %gt3A_1458 = arith.cmpf ogt, %select_n3A_1438, %select_n3A_1456 : vector<16xf32>
      %select_n3A_1459 = arith.select %gt3A_1458, %select_n3A_1438, %select_n3A_1456 : vector<16xi1>, vector<16xf32>
      %select_n3A_1460 = arith.select %gt3A_1458, %select_n3A_1318, %select_n3A_1457 : vector<16xi1>, vector<16xi32>
      %reduce_max3A_1461 = arith.constant true
      %reduce_max3A_1462 = vector.broadcast %reduce_max3A_1461 : i1 to vector<16xi1>
      %reduce_max3A_1463 = tpu.scan <max>, %select_n3A_1459 masked %reduce_max3A_1462 : vector<16xf32>, vector<16xi1> -> vector<16xf32>
      %reduce_max3A_1464 = vector.extract %reduce_max3A_1463[15] : f32 from vector<16xf32>
      %eq3A_1465 = vector.broadcast %reduce_max3A_1464 : f32 to vector<16xf32>
      %eq3A_1466 = arith.cmpf oeq, %select_n3A_1459, %eq3A_1465 : vector<16xf32>
      %jit3A_1467 = arith.constant 2147483647 : i32
      %broadcast_in_dim3A_1468 = vector.broadcast %jit3A_1467 : i32 to vector<16xi32>
      %select_n3A_1469 = arith.select %eq3A_1466, %select_n3A_1460, %broadcast_in_dim3A_1468 : vector<16xi1>, vector<16xi32>
      %reduce_min3A_1470 = arith.constant true
      %reduce_min3A_1471 = vector.broadcast %reduce_min3A_1470 : i1 to vector<16xi1>
      %reduce_min3A_1472 = arith.constant -2147483648 : i32
      %reduce_min3A_1473 = vector.broadcast %reduce_min3A_1472 : i32 to vector<16xi32>
      %reduce_min3A_1474 = arith.xori %select_n3A_1469, %reduce_min3A_1473 : vector<16xi32>
      %reduce_min3A_1475 = tpu.scan <min>, %reduce_min3A_1474 masked %reduce_min3A_1471 : vector<16xi32>, vector<16xi1> -> vector<16xi32>
      %reduce_min3A_1476 = arith.xori %reduce_min3A_1475, %reduce_min3A_1473 : vector<16xi32>
      %reduce_min3A_1477 = vector.extract %reduce_min3A_1476[15] : i32 from vector<16xi32>
      %eq3A_1478 = vector.broadcast %reduce_min3A_1477 : i32 to vector<16xi32>
      %eq3A_1479 = arith.cmpi eq, %select_n3A_1298, %eq3A_1478 : vector<16xi32>
      %jit3A_1480 = arith.constant 0xFF800000 : f32
      %broadcast_in_dim3A_1481 = vector.broadcast %jit3A_1480 : f32 to vector<16xf32>
      %select_n3A_1482 = arith.select %eq3A_1479, %broadcast_in_dim3A_1481, %select_n3A_1418 : vector<16xi1>, vector<16xf32>
      %eq3A_1483 = vector.broadcast %reduce_min3A_1477 : i32 to vector<16xi32>
      %eq3A_1484 = arith.cmpi eq, %select_n3A_1303, %eq3A_1483 : vector<16xi32>
      %jit3A_1485 = arith.constant 0xFF800000 : f32
      %broadcast_in_dim3A_1486 = vector.broadcast %jit3A_1485 : f32 to vector<16xf32>
      %select_n3A_1487 = arith.select %eq3A_1484, %broadcast_in_dim3A_1486, %select_n3A_1423 : vector<16xi1>, vector<16xf32>
      %eq3A_1488 = vector.broadcast %reduce_min3A_1477 : i32 to vector<16xi32>
      %eq3A_1489 = arith.cmpi eq, %select_n3A_1308, %eq3A_1488 : vector<16xi32>
      %jit3A_1490 = arith.constant 0xFF800000 : f32
      %broadcast_in_dim3A_1491 = vector.broadcast %jit3A_1490 : f32 to vector<16xf32>
      %select_n3A_1492 = arith.select %eq3A_1489, %broadcast_in_dim3A_1491, %select_n3A_1428 : vector<16xi1>, vector<16xf32>
      %eq3A_1493 = vector.broadcast %reduce_min3A_1477 : i32 to vector<16xi32>
      %eq3A_1494 = arith.cmpi eq, %select_n3A_1313, %eq3A_1493 : vector<16xi32>
      %jit3A_1495 = arith.constant 0xFF800000 : f32
      %broadcast_in_dim3A_1496 = vector.broadcast %jit3A_1495 : f32 to vector<16xf32>
      %select_n3A_1497 = arith.select %eq3A_1494, %broadcast_in_dim3A_1496, %select_n3A_1433 : vector<16xi1>, vector<16xf32>
      %eq3A_1498 = vector.broadcast %reduce_min3A_1477 : i32 to vector<16xi32>
      %eq3A_1499 = arith.cmpi eq, %select_n3A_1318, %eq3A_1498 : vector<16xi32>
      %jit3A_1500 = arith.constant 0xFF800000 : f32
      %broadcast_in_dim3A_1501 = vector.broadcast %jit3A_1500 : f32 to vector<16xf32>
      %select_n3A_1502 = arith.select %eq3A_1499, %broadcast_in_dim3A_1501, %select_n3A_1438 : vector<16xi1>, vector<16xf32>
      %eq3A_1503 = arith.constant 2 : i32
      %eq3A_1504 = vector.broadcast %eq3A_1503 : i32 to vector<16xi32>
      %eq3A_1505 = arith.cmpi eq, %iota3A, %eq3A_1504 : vector<16xi32>
      %broadcast_in_dim3A_1506 = vector.broadcast %reduce_max3A_1464 : f32 to vector<16xf32>
      %select_n3A_1507 = arith.select %eq3A_1505, %broadcast_in_dim3A_1506, %select_n3A_1443 : vector<16xi1>, vector<16xf32>
      %eq3A_1508 = arith.constant 2 : i32
      %eq3A_1509 = vector.broadcast %eq3A_1508 : i32 to vector<16xi32>
      %eq3A_1510 = arith.cmpi eq, %iota3A, %eq3A_1509 : vector<16xi32>
      %broadcast_in_dim3A_1511 = vector.broadcast %reduce_min3A_1477 : i32 to vector<16xi32>
      %select_n3A_1512 = arith.select %eq3A_1510, %broadcast_in_dim3A_1511, %select_n3A_1448 : vector<16xi1>, vector<16xi32>
      %gt3A_1513 = arith.cmpf ogt, %select_n3A_1487, %select_n3A_1482 : vector<16xf32>
      %select_n3A_1514 = arith.select %gt3A_1513, %select_n3A_1487, %select_n3A_1482 : vector<16xi1>, vector<16xf32>
      %select_n3A_1515 = arith.select %gt3A_1513, %select_n3A_1303, %select_n3A_1298 : vector<16xi1>, vector<16xi32>
      %gt3A_1516 = arith.cmpf ogt, %select_n3A_1492, %select_n3A_1514 : vector<16xf32>
      %select_n3A_1517 = arith.select %gt3A_1516, %select_n3A_1492, %select_n3A_1514 : vector<16xi1>, vector<16xf32>
      %select_n3A_1518 = arith.select %gt3A_1516, %select_n3A_1308, %select_n3A_1515 : vector<16xi1>, vector<16xi32>
      %gt3A_1519 = arith.cmpf ogt, %select_n3A_1497, %select_n3A_1517 : vector<16xf32>
      %select_n3A_1520 = arith.select %gt3A_1519, %select_n3A_1497, %select_n3A_1517 : vector<16xi1>, vector<16xf32>
      %select_n3A_1521 = arith.select %gt3A_1519, %select_n3A_1313, %select_n3A_1518 : vector<16xi1>, vector<16xi32>
      %gt3A_1522 = arith.cmpf ogt, %select_n3A_1502, %select_n3A_1520 : vector<16xf32>
      %select_n3A_1523 = arith.select %gt3A_1522, %select_n3A_1502, %select_n3A_1520 : vector<16xi1>, vector<16xf32>
      %select_n3A_1524 = arith.select %gt3A_1522, %select_n3A_1318, %select_n3A_1521 : vector<16xi1>, vector<16xi32>
      %reduce_max3A_1525 = arith.constant true
      %reduce_max3A_1526 = vector.broadcast %reduce_max3A_1525 : i1 to vector<16xi1>
      %reduce_max3A_1527 = tpu.scan <max>, %select_n3A_1523 masked %reduce_max3A_1526 : vector<16xf32>, vector<16xi1> -> vector<16xf32>
      %reduce_max3A_1528 = vector.extract %reduce_max3A_1527[15] : f32 from vector<16xf32>
      %eq3A_1529 = vector.broadcast %reduce_max3A_1528 : f32 to vector<16xf32>
      %eq3A_1530 = arith.cmpf oeq, %select_n3A_1523, %eq3A_1529 : vector<16xf32>
      %jit3A_1531 = arith.constant 2147483647 : i32
      %broadcast_in_dim3A_1532 = vector.broadcast %jit3A_1531 : i32 to vector<16xi32>
      %select_n3A_1533 = arith.select %eq3A_1530, %select_n3A_1524, %broadcast_in_dim3A_1532 : vector<16xi1>, vector<16xi32>
      %reduce_min3A_1534 = arith.constant true
      %reduce_min3A_1535 = vector.broadcast %reduce_min3A_1534 : i1 to vector<16xi1>
      %reduce_min3A_1536 = arith.constant -2147483648 : i32
      %reduce_min3A_1537 = vector.broadcast %reduce_min3A_1536 : i32 to vector<16xi32>
      %reduce_min3A_1538 = arith.xori %select_n3A_1533, %reduce_min3A_1537 : vector<16xi32>
      %reduce_min3A_1539 = tpu.scan <min>, %reduce_min3A_1538 masked %reduce_min3A_1535 : vector<16xi32>, vector<16xi1> -> vector<16xi32>
      %reduce_min3A_1540 = arith.xori %reduce_min3A_1539, %reduce_min3A_1537 : vector<16xi32>
      %reduce_min3A_1541 = vector.extract %reduce_min3A_1540[15] : i32 from vector<16xi32>
      %eq3A_1542 = vector.broadcast %reduce_min3A_1541 : i32 to vector<16xi32>
      %eq3A_1543 = arith.cmpi eq, %select_n3A_1298, %eq3A_1542 : vector<16xi32>
      %jit3A_1544 = arith.constant 0xFF800000 : f32
      %broadcast_in_dim3A_1545 = vector.broadcast %jit3A_1544 : f32 to vector<16xf32>
      %select_n3A_1546 = arith.select %eq3A_1543, %broadcast_in_dim3A_1545, %select_n3A_1482 : vector<16xi1>, vector<16xf32>
      %eq3A_1547 = vector.broadcast %reduce_min3A_1541 : i32 to vector<16xi32>
      %eq3A_1548 = arith.cmpi eq, %select_n3A_1303, %eq3A_1547 : vector<16xi32>
      %jit3A_1549 = arith.constant 0xFF800000 : f32
      %broadcast_in_dim3A_1550 = vector.broadcast %jit3A_1549 : f32 to vector<16xf32>
      %select_n3A_1551 = arith.select %eq3A_1548, %broadcast_in_dim3A_1550, %select_n3A_1487 : vector<16xi1>, vector<16xf32>
      %eq3A_1552 = vector.broadcast %reduce_min3A_1541 : i32 to vector<16xi32>
      %eq3A_1553 = arith.cmpi eq, %select_n3A_1308, %eq3A_1552 : vector<16xi32>
      %jit3A_1554 = arith.constant 0xFF800000 : f32
      %broadcast_in_dim3A_1555 = vector.broadcast %jit3A_1554 : f32 to vector<16xf32>
      %select_n3A_1556 = arith.select %eq3A_1553, %broadcast_in_dim3A_1555, %select_n3A_1492 : vector<16xi1>, vector<16xf32>
      %eq3A_1557 = vector.broadcast %reduce_min3A_1541 : i32 to vector<16xi32>
      %eq3A_1558 = arith.cmpi eq, %select_n3A_1313, %eq3A_1557 : vector<16xi32>
      %jit3A_1559 = arith.constant 0xFF800000 : f32
      %broadcast_in_dim3A_1560 = vector.broadcast %jit3A_1559 : f32 to vector<16xf32>
      %select_n3A_1561 = arith.select %eq3A_1558, %broadcast_in_dim3A_1560, %select_n3A_1497 : vector<16xi1>, vector<16xf32>
      %eq3A_1562 = vector.broadcast %reduce_min3A_1541 : i32 to vector<16xi32>
      %eq3A_1563 = arith.cmpi eq, %select_n3A_1318, %eq3A_1562 : vector<16xi32>
      %jit3A_1564 = arith.constant 0xFF800000 : f32
      %broadcast_in_dim3A_1565 = vector.broadcast %jit3A_1564 : f32 to vector<16xf32>
      %select_n3A_1566 = arith.select %eq3A_1563, %broadcast_in_dim3A_1565, %select_n3A_1502 : vector<16xi1>, vector<16xf32>
      %eq3A_1567 = arith.constant 3 : i32
      %eq3A_1568 = vector.broadcast %eq3A_1567 : i32 to vector<16xi32>
      %eq3A_1569 = arith.cmpi eq, %iota3A, %eq3A_1568 : vector<16xi32>
      %broadcast_in_dim3A_1570 = vector.broadcast %reduce_max3A_1528 : f32 to vector<16xf32>
      %select_n3A_1571 = arith.select %eq3A_1569, %broadcast_in_dim3A_1570, %select_n3A_1507 : vector<16xi1>, vector<16xf32>
      %eq3A_1572 = arith.constant 3 : i32
      %eq3A_1573 = vector.broadcast %eq3A_1572 : i32 to vector<16xi32>
      %eq3A_1574 = arith.cmpi eq, %iota3A, %eq3A_1573 : vector<16xi32>
      %broadcast_in_dim3A_1575 = vector.broadcast %reduce_min3A_1541 : i32 to vector<16xi32>
      %select_n3A_1576 = arith.select %eq3A_1574, %broadcast_in_dim3A_1575, %select_n3A_1512 : vector<16xi1>, vector<16xi32>
      %gt3A_1577 = arith.cmpf ogt, %select_n3A_1551, %select_n3A_1546 : vector<16xf32>
      %select_n3A_1578 = arith.select %gt3A_1577, %select_n3A_1551, %select_n3A_1546 : vector<16xi1>, vector<16xf32>
      %select_n3A_1579 = arith.select %gt3A_1577, %select_n3A_1303, %select_n3A_1298 : vector<16xi1>, vector<16xi32>
      %gt3A_1580 = arith.cmpf ogt, %select_n3A_1556, %select_n3A_1578 : vector<16xf32>
      %select_n3A_1581 = arith.select %gt3A_1580, %select_n3A_1556, %select_n3A_1578 : vector<16xi1>, vector<16xf32>
      %select_n3A_1582 = arith.select %gt3A_1580, %select_n3A_1308, %select_n3A_1579 : vector<16xi1>, vector<16xi32>
      %gt3A_1583 = arith.cmpf ogt, %select_n3A_1561, %select_n3A_1581 : vector<16xf32>
      %select_n3A_1584 = arith.select %gt3A_1583, %select_n3A_1561, %select_n3A_1581 : vector<16xi1>, vector<16xf32>
      %select_n3A_1585 = arith.select %gt3A_1583, %select_n3A_1313, %select_n3A_1582 : vector<16xi1>, vector<16xi32>
      %gt3A_1586 = arith.cmpf ogt, %select_n3A_1566, %select_n3A_1584 : vector<16xf32>
      %select_n3A_1587 = arith.select %gt3A_1586, %select_n3A_1566, %select_n3A_1584 : vector<16xi1>, vector<16xf32>
      %select_n3A_1588 = arith.select %gt3A_1586, %select_n3A_1318, %select_n3A_1585 : vector<16xi1>, vector<16xi32>
      %reduce_max3A_1589 = arith.constant true
      %reduce_max3A_1590 = vector.broadcast %reduce_max3A_1589 : i1 to vector<16xi1>
      %reduce_max3A_1591 = tpu.scan <max>, %select_n3A_1587 masked %reduce_max3A_1590 : vector<16xf32>, vector<16xi1> -> vector<16xf32>
      %reduce_max3A_1592 = vector.extract %reduce_max3A_1591[15] : f32 from vector<16xf32>
      %eq3A_1593 = vector.broadcast %reduce_max3A_1592 : f32 to vector<16xf32>
      %eq3A_1594 = arith.cmpf oeq, %select_n3A_1587, %eq3A_1593 : vector<16xf32>
      %jit3A_1595 = arith.constant 2147483647 : i32
      %broadcast_in_dim3A_1596 = vector.broadcast %jit3A_1595 : i32 to vector<16xi32>
      %select_n3A_1597 = arith.select %eq3A_1594, %select_n3A_1588, %broadcast_in_dim3A_1596 : vector<16xi1>, vector<16xi32>
      %reduce_min3A_1598 = arith.constant true
      %reduce_min3A_1599 = vector.broadcast %reduce_min3A_1598 : i1 to vector<16xi1>
      %reduce_min3A_1600 = arith.constant -2147483648 : i32
      %reduce_min3A_1601 = vector.broadcast %reduce_min3A_1600 : i32 to vector<16xi32>
      %reduce_min3A_1602 = arith.xori %select_n3A_1597, %reduce_min3A_1601 : vector<16xi32>
      %reduce_min3A_1603 = tpu.scan <min>, %reduce_min3A_1602 masked %reduce_min3A_1599 : vector<16xi32>, vector<16xi1> -> vector<16xi32>
      %reduce_min3A_1604 = arith.xori %reduce_min3A_1603, %reduce_min3A_1601 : vector<16xi32>
      %reduce_min3A_1605 = vector.extract %reduce_min3A_1604[15] : i32 from vector<16xi32>
      %eq3A_1606 = vector.broadcast %reduce_min3A_1605 : i32 to vector<16xi32>
      %eq3A_1607 = arith.cmpi eq, %select_n3A_1298, %eq3A_1606 : vector<16xi32>
      %jit3A_1608 = arith.constant 0xFF800000 : f32
      %broadcast_in_dim3A_1609 = vector.broadcast %jit3A_1608 : f32 to vector<16xf32>
      %select_n3A_1610 = arith.select %eq3A_1607, %broadcast_in_dim3A_1609, %select_n3A_1546 : vector<16xi1>, vector<16xf32>
      %eq3A_1611 = vector.broadcast %reduce_min3A_1605 : i32 to vector<16xi32>
      %eq3A_1612 = arith.cmpi eq, %select_n3A_1303, %eq3A_1611 : vector<16xi32>
      %jit3A_1613 = arith.constant 0xFF800000 : f32
      %broadcast_in_dim3A_1614 = vector.broadcast %jit3A_1613 : f32 to vector<16xf32>
      %select_n3A_1615 = arith.select %eq3A_1612, %broadcast_in_dim3A_1614, %select_n3A_1551 : vector<16xi1>, vector<16xf32>
      %eq3A_1616 = vector.broadcast %reduce_min3A_1605 : i32 to vector<16xi32>
      %eq3A_1617 = arith.cmpi eq, %select_n3A_1308, %eq3A_1616 : vector<16xi32>
      %jit3A_1618 = arith.constant 0xFF800000 : f32
      %broadcast_in_dim3A_1619 = vector.broadcast %jit3A_1618 : f32 to vector<16xf32>
      %select_n3A_1620 = arith.select %eq3A_1617, %broadcast_in_dim3A_1619, %select_n3A_1556 : vector<16xi1>, vector<16xf32>
      %eq3A_1621 = vector.broadcast %reduce_min3A_1605 : i32 to vector<16xi32>
      %eq3A_1622 = arith.cmpi eq, %select_n3A_1313, %eq3A_1621 : vector<16xi32>
      %jit3A_1623 = arith.constant 0xFF800000 : f32
      %broadcast_in_dim3A_1624 = vector.broadcast %jit3A_1623 : f32 to vector<16xf32>
      %select_n3A_1625 = arith.select %eq3A_1622, %broadcast_in_dim3A_1624, %select_n3A_1561 : vector<16xi1>, vector<16xf32>
      %eq3A_1626 = vector.broadcast %reduce_min3A_1605 : i32 to vector<16xi32>
      %eq3A_1627 = arith.cmpi eq, %select_n3A_1318, %eq3A_1626 : vector<16xi32>
      %jit3A_1628 = arith.constant 0xFF800000 : f32
      %broadcast_in_dim3A_1629 = vector.broadcast %jit3A_1628 : f32 to vector<16xf32>
      %select_n3A_1630 = arith.select %eq3A_1627, %broadcast_in_dim3A_1629, %select_n3A_1566 : vector<16xi1>, vector<16xf32>
      %eq3A_1631 = arith.constant 4 : i32
      %eq3A_1632 = vector.broadcast %eq3A_1631 : i32 to vector<16xi32>
      %eq3A_1633 = arith.cmpi eq, %iota3A, %eq3A_1632 : vector<16xi32>
      %broadcast_in_dim3A_1634 = vector.broadcast %reduce_max3A_1592 : f32 to vector<16xf32>
      %select_n3A_1635 = arith.select %eq3A_1633, %broadcast_in_dim3A_1634, %select_n3A_1571 : vector<16xi1>, vector<16xf32>
      %eq3A_1636 = arith.constant 4 : i32
      %eq3A_1637 = vector.broadcast %eq3A_1636 : i32 to vector<16xi32>
      %eq3A_1638 = arith.cmpi eq, %iota3A, %eq3A_1637 : vector<16xi32>
      %broadcast_in_dim3A_1639 = vector.broadcast %reduce_min3A_1605 : i32 to vector<16xi32>
      %select_n3A_1640 = arith.select %eq3A_1638, %broadcast_in_dim3A_1639, %select_n3A_1576 : vector<16xi1>, vector<16xi32>
      %get3A_1641 = arith.constant 32 : index
      %get3A_1642 = tpu.vector_load %arg9[%get3A_1641] {strides = array<i32>} : memref<48xf32, #tpu.memory_space<vmem>>, vector<16xf32>,
      %eq3A_1643 = arith.constant 0 : i32
      %eq3A_1644 = vector.broadcast %eq3A_1643 : i32 to vector<16xi32>
      %eq3A_1645 = arith.cmpi eq, %iota3A, %eq3A_1644 : vector<16xi32>
      %jit3A_1646 = arith.constant 0xFF800000 : f32
      %broadcast_in_dim3A_1647 = vector.broadcast %jit3A_1646 : f32 to vector<16xf32>
      %select_n3A_1648 = arith.select %eq3A_1645, %get3A_1642, %broadcast_in_dim3A_1647 : vector<16xi1>, vector<16xf32>
      %reduce_max3A_1649 = arith.constant true
      %reduce_max3A_1650 = vector.broadcast %reduce_max3A_1649 : i1 to vector<16xi1>
      %reduce_max3A_1651 = tpu.scan <max>, %select_n3A_1648 masked %reduce_max3A_1650 : vector<16xf32>, vector<16xi1> -> vector<16xf32>
      %reduce_max3A_1652 = vector.extract %reduce_max3A_1651[15] : f32 from vector<16xf32>
      %eq3A_1653 = arith.constant 1 : i32
      %eq3A_1654 = vector.broadcast %eq3A_1653 : i32 to vector<16xi32>
      %eq3A_1655 = arith.cmpi eq, %iota3A, %eq3A_1654 : vector<16xi32>
      %jit3A_1656 = arith.constant 0xFF800000 : f32
      %broadcast_in_dim3A_1657 = vector.broadcast %jit3A_1656 : f32 to vector<16xf32>
      %select_n3A_1658 = arith.select %eq3A_1655, %get3A_1642, %broadcast_in_dim3A_1657 : vector<16xi1>, vector<16xf32>
      %reduce_max3A_1659 = arith.constant true
      %reduce_max3A_1660 = vector.broadcast %reduce_max3A_1659 : i1 to vector<16xi1>
      %reduce_max3A_1661 = tpu.scan <max>, %select_n3A_1658 masked %reduce_max3A_1660 : vector<16xf32>, vector<16xi1> -> vector<16xf32>
      %reduce_max3A_1662 = vector.extract %reduce_max3A_1661[15] : f32 from vector<16xf32>
      %eq3A_1663 = arith.constant 2.000000e+00 : f32
      %eq3A_1664 = arith.cmpf oeq, %reduce_max3A_1662, %eq3A_1663 : f32
      %eq3A_1665 = arith.constant 0 : i32
      %eq3A_1666 = vector.broadcast %eq3A_1665 : i32 to vector<16xi32>
      %eq3A_1667 = arith.cmpi eq, %iota3A, %eq3A_1666 : vector<16xi32>
      %jit3A_1668 = arith.constant 0.000000e+00 : f32
      %broadcast_in_dim3A_1669 = vector.broadcast %jit3A_1668 : f32 to vector<16xf32>
      %select_n3A_1670 = arith.select %eq3A_1667, %broadcast_in_dim3A_1669, %broadcast_in_dim3A_1 : vector<16xi1>, vector<16xf32>
      %eq3A_1671 = arith.constant 0 : i32
      %eq3A_1672 = vector.broadcast %eq3A_1671 : i32 to vector<16xi32>
      %eq3A_1673 = arith.cmpi eq, %iota3A, %eq3A_1672 : vector<16xi32>
      %eq3A_1674 = arith.constant 1 : i32
      %eq3A_1675 = vector.broadcast %eq3A_1674 : i32 to vector<16xi32>
      %eq3A_1676 = arith.cmpi eq, %iota3A, %eq3A_1675 : vector<16xi32>
      %eq3A_1677 = arith.constant 2 : i32
      %eq3A_1678 = vector.broadcast %eq3A_1677 : i32 to vector<16xi32>
      %eq3A_1679 = arith.cmpi eq, %iota3A, %eq3A_1678 : vector<16xi32>
      %jit3A_1680 = arith.constant 1 : i32
      %broadcast_in_dim3A_1681 = vector.broadcast %jit3A_1680 : i32 to vector<16xi32>
      %select_n3A_1682 = arith.select %eq3A_1679, %broadcast_in_dim3A_1681, %iota3A : vector<16xi1>, vector<16xi32>
      %jit3A_1683 = arith.constant 0 : i32
      %broadcast_in_dim3A_1684 = vector.broadcast %jit3A_1683 : i32 to vector<16xi32>
      %select_n3A_1685 = arith.select %eq3A_1676, %broadcast_in_dim3A_1684, %select_n3A_1682 : vector<16xi1>, vector<16xi32>
      %jit3A_1686 = arith.constant 2 : i32
      %broadcast_in_dim3A_1687 = vector.broadcast %jit3A_1686 : i32 to vector<16xi32>
      %select_n3A_1688 = arith.select %eq3A_1673, %broadcast_in_dim3A_1687, %select_n3A_1685 : vector<16xi1>, vector<16xi32>
      %select_n3A_1689 = arith.select %eq3A_1664, %select_n3A_1670, %select_n3A_1635 : vector<16xf32>
      %add3A_1690 = vector.broadcast %reduce_max3A_1652 : f32 to vector<16xf32>
      %add3A_1691 = arith.addf %select_n3A_1689, %add3A_1690 : vector<16xf32>
      %select_n3A_1692 = arith.select %eq3A_1664, %select_n3A_1688, %select_n3A_1640 : vector<16xi32>
      %mul3A_1693 = arith.constant 16 : i32
      %mul3A_1694 = arith.muli %scan3A_581, %mul3A_1693 : i32
      %swap3A_1695 = arith.index_cast %mul3A_1694 : i32 to index
      %swap3A_1696 = tpu.vector_load %arg11[%swap3A_1695] {strides = array<i32>} : memref<80xf32, #tpu.memory_space<vmem>>, vector<16xf32>,
      tpu.vector_store %arg11[%swap3A_1695], %add3A_1691 {strides = array<i32>} : memref<80xf32, #tpu.memory_space<vmem>>, vector<16xf32>,
      %mul3A_1697 = arith.constant 16 : i32
      %mul3A_1698 = arith.muli %scan3A_581, %mul3A_1697 : i32
      %swap3A_1699 = arith.index_cast %mul3A_1698 : i32 to index
      %swap3A_1700 = tpu.vector_load %arg12[%swap3A_1699] {strides = array<i32>} : memref<80xi32, #tpu.memory_space<vmem>>, vector<16xi32>,
      tpu.vector_store %arg12[%swap3A_1699], %select_n3A_1692 {strides = array<i32>} : memref<80xi32, #tpu.memory_space<vmem>>, vector<16xi32>,
      %scan3A_1701 = arith.constant 0 : i32
      scf.yield %scan3A_1701 : i32
    }
    %scan3A_36 = arith.constant 5 : i32
    %broadcast_in_dim3A_37 = arith.constant 0xFF800000 : f32
    %broadcast_in_dim3A_38 = vector.broadcast %broadcast_in_dim3A_37 : f32 to vector<16xf32>
    %broadcast_in_dim3A_39 = arith.constant 0xFF800000 : f32
    %broadcast_in_dim3A_40 = vector.broadcast %broadcast_in_dim3A_39 : f32 to vector<16xf32>
    %broadcast_in_dim3A_41 = arith.constant 0xFF800000 : f32
    %broadcast_in_dim3A_42 = vector.broadcast %broadcast_in_dim3A_41 : f32 to vector<16xf32>
    %broadcast_in_dim3A_43 = arith.constant 0xFF800000 : f32
    %broadcast_in_dim3A_44 = vector.broadcast %broadcast_in_dim3A_43 : f32 to vector<16xf32>
    %broadcast_in_dim3A_45 = arith.constant 0xFF800000 : f32
    %broadcast_in_dim3A_46 = vector.broadcast %broadcast_in_dim3A_45 : f32 to vector<16xf32>
    %broadcast_in_dim3A_47 = arith.constant 0 : i32
    %broadcast_in_dim3A_48 = vector.broadcast %broadcast_in_dim3A_47 : i32 to vector<16xi32>
    %broadcast_in_dim3A_49 = arith.constant 0 : i32
    %broadcast_in_dim3A_50 = vector.broadcast %broadcast_in_dim3A_49 : i32 to vector<16xi32>
    %broadcast_in_dim3A_51 = arith.constant 0 : i32
    %broadcast_in_dim3A_52 = vector.broadcast %broadcast_in_dim3A_51 : i32 to vector<16xi32>
    %broadcast_in_dim3A_53 = arith.constant 0 : i32
    %broadcast_in_dim3A_54 = vector.broadcast %broadcast_in_dim3A_53 : i32 to vector<16xi32>
    %broadcast_in_dim3A_55 = arith.constant 0 : i32
    %broadcast_in_dim3A_56 = vector.broadcast %broadcast_in_dim3A_55 : i32 to vector<16xi32>
    %get3A = arith.constant 0 : index
    %get3A_57 = tpu.vector_load %arg11[%get3A] {strides = array<i32>} : memref<80xf32, #tpu.memory_space<vmem>>, vector<16xf32>,
    %add3A_58 = arith.constant 0 : i32
    %add3A_59 = vector.broadcast %add3A_58 : i32 to vector<16xi32>
    %add3A_60 = arith.addi %add3A_59, %iota3A : vector<16xi32>
    %gt3A = arith.cmpf ogt, %get3A_57, %broadcast_in_dim3A_38 : vector<16xf32>
    %select_n3A = arith.select %gt3A, %get3A_57, %broadcast_in_dim3A_38 : vector<16xi1>, vector<16xf32>
    %select_n3A_61 = arith.select %gt3A, %add3A_60, %broadcast_in_dim3A_48 : vector<16xi1>, vector<16xi32>
    %select_n3A_62 = arith.select %gt3A, %broadcast_in_dim3A_38, %get3A_57 : vector<16xi1>, vector<16xf32>
    %select_n3A_63 = arith.select %gt3A, %broadcast_in_dim3A_48, %add3A_60 : vector<16xi1>, vector<16xi32>
    %gt3A_64 = arith.cmpf ogt, %select_n3A_62, %broadcast_in_dim3A_40 : vector<16xf32>
    %select_n3A_65 = arith.select %gt3A_64, %select_n3A_62, %broadcast_in_dim3A_40 : vector<16xi1>, vector<16xf32>
    %select_n3A_66 = arith.select %gt3A_64, %select_n3A_63, %broadcast_in_dim3A_50 : vector<16xi1>, vector<16xi32>
    %select_n3A_67 = arith.select %gt3A_64, %broadcast_in_dim3A_40, %select_n3A_62 : vector<16xi1>, vector<16xf32>
    %select_n3A_68 = arith.select %gt3A_64, %broadcast_in_dim3A_50, %select_n3A_63 : vector<16xi1>, vector<16xi32>
    %gt3A_69 = arith.cmpf ogt, %select_n3A_67, %broadcast_in_dim3A_42 : vector<16xf32>
    %select_n3A_70 = arith.select %gt3A_69, %select_n3A_67, %broadcast_in_dim3A_42 : vector<16xi1>, vector<16xf32>
    %select_n3A_71 = arith.select %gt3A_69, %select_n3A_68, %broadcast_in_dim3A_52 : vector<16xi1>, vector<16xi32>
    %select_n3A_72 = arith.select %gt3A_69, %broadcast_in_dim3A_42, %select_n3A_67 : vector<16xi1>, vector<16xf32>
    %select_n3A_73 = arith.select %gt3A_69, %broadcast_in_dim3A_52, %select_n3A_68 : vector<16xi1>, vector<16xi32>
    %gt3A_74 = arith.cmpf ogt, %select_n3A_72, %broadcast_in_dim3A_44 : vector<16xf32>
    %select_n3A_75 = arith.select %gt3A_74, %select_n3A_72, %broadcast_in_dim3A_44 : vector<16xi1>, vector<16xf32>
    %select_n3A_76 = arith.select %gt3A_74, %select_n3A_73, %broadcast_in_dim3A_54 : vector<16xi1>, vector<16xi32>
    %select_n3A_77 = arith.select %gt3A_74, %broadcast_in_dim3A_44, %select_n3A_72 : vector<16xi1>, vector<16xf32>
    %select_n3A_78 = arith.select %gt3A_74, %broadcast_in_dim3A_54, %select_n3A_73 : vector<16xi1>, vector<16xi32>
    %gt3A_79 = arith.cmpf ogt, %select_n3A_77, %broadcast_in_dim3A_46 : vector<16xf32>
    %select_n3A_80 = arith.select %gt3A_79, %select_n3A_77, %broadcast_in_dim3A_46 : vector<16xi1>, vector<16xf32>
    %select_n3A_81 = arith.select %gt3A_79, %select_n3A_78, %broadcast_in_dim3A_56 : vector<16xi1>, vector<16xi32>
    %select_n3A_82 = arith.select %gt3A_79, %broadcast_in_dim3A_46, %select_n3A_77 : vector<16xi1>, vector<16xf32>
    %select_n3A_83 = arith.select %gt3A_79, %broadcast_in_dim3A_56, %select_n3A_78 : vector<16xi1>, vector<16xi32>
    %get3A_84 = arith.constant 16 : index
    %get3A_85 = tpu.vector_load %arg11[%get3A_84] {strides = array<i32>} : memref<80xf32, #tpu.memory_space<vmem>>, vector<16xf32>,
    %add3A_86 = arith.constant 16 : i32
    %add3A_87 = vector.broadcast %add3A_86 : i32 to vector<16xi32>
    %add3A_88 = arith.addi %add3A_87, %iota3A : vector<16xi32>
    %gt3A_89 = arith.cmpf ogt, %get3A_85, %select_n3A : vector<16xf32>
    %select_n3A_90 = arith.select %gt3A_89, %get3A_85, %select_n3A : vector<16xi1>, vector<16xf32>
    %select_n3A_91 = arith.select %gt3A_89, %add3A_88, %select_n3A_61 : vector<16xi1>, vector<16xi32>
    %select_n3A_92 = arith.select %gt3A_89, %select_n3A, %get3A_85 : vector<16xi1>, vector<16xf32>
    %select_n3A_93 = arith.select %gt3A_89, %select_n3A_61, %add3A_88 : vector<16xi1>, vector<16xi32>
    %gt3A_94 = arith.cmpf ogt, %select_n3A_92, %select_n3A_65 : vector<16xf32>
    %select_n3A_95 = arith.select %gt3A_94, %select_n3A_92, %select_n3A_65 : vector<16xi1>, vector<16xf32>
    %select_n3A_96 = arith.select %gt3A_94, %select_n3A_93, %select_n3A_66 : vector<16xi1>, vector<16xi32>
    %select_n3A_97 = arith.select %gt3A_94, %select_n3A_65, %select_n3A_92 : vector<16xi1>, vector<16xf32>
    %select_n3A_98 = arith.select %gt3A_94, %select_n3A_66, %select_n3A_93 : vector<16xi1>, vector<16xi32>
    %gt3A_99 = arith.cmpf ogt, %select_n3A_97, %select_n3A_70 : vector<16xf32>
    %select_n3A_100 = arith.select %gt3A_99, %select_n3A_97, %select_n3A_70 : vector<16xi1>, vector<16xf32>
    %select_n3A_101 = arith.select %gt3A_99, %select_n3A_98, %select_n3A_71 : vector<16xi1>, vector<16xi32>
    %select_n3A_102 = arith.select %gt3A_99, %select_n3A_70, %select_n3A_97 : vector<16xi1>, vector<16xf32>
    %select_n3A_103 = arith.select %gt3A_99, %select_n3A_71, %select_n3A_98 : vector<16xi1>, vector<16xi32>
    %gt3A_104 = arith.cmpf ogt, %select_n3A_102, %select_n3A_75 : vector<16xf32>
    %select_n3A_105 = arith.select %gt3A_104, %select_n3A_102, %select_n3A_75 : vector<16xi1>, vector<16xf32>
    %select_n3A_106 = arith.select %gt3A_104, %select_n3A_103, %select_n3A_76 : vector<16xi1>, vector<16xi32>
    %select_n3A_107 = arith.select %gt3A_104, %select_n3A_75, %select_n3A_102 : vector<16xi1>, vector<16xf32>
    %select_n3A_108 = arith.select %gt3A_104, %select_n3A_76, %select_n3A_103 : vector<16xi1>, vector<16xi32>
    %gt3A_109 = arith.cmpf ogt, %select_n3A_107, %select_n3A_80 : vector<16xf32>
    %select_n3A_110 = arith.select %gt3A_109, %select_n3A_107, %select_n3A_80 : vector<16xi1>, vector<16xf32>
    %select_n3A_111 = arith.select %gt3A_109, %select_n3A_108, %select_n3A_81 : vector<16xi1>, vector<16xi32>
    %select_n3A_112 = arith.select %gt3A_109, %select_n3A_80, %select_n3A_107 : vector<16xi1>, vector<16xf32>
    %select_n3A_113 = arith.select %gt3A_109, %select_n3A_81, %select_n3A_108 : vector<16xi1>, vector<16xi32>
    %get3A_114 = arith.constant 32 : index
    %get3A_115 = tpu.vector_load %arg11[%get3A_114] {strides = array<i32>} : memref<80xf32, #tpu.memory_space<vmem>>, vector<16xf32>,
    %add3A_116 = arith.constant 32 : i32
    %add3A_117 = vector.broadcast %add3A_116 : i32 to vector<16xi32>
    %add3A_118 = arith.addi %add3A_117, %iota3A : vector<16xi32>
    %gt3A_119 = arith.cmpf ogt, %get3A_115, %select_n3A_90 : vector<16xf32>
    %select_n3A_120 = arith.select %gt3A_119, %get3A_115, %select_n3A_90 : vector<16xi1>, vector<16xf32>
    %select_n3A_121 = arith.select %gt3A_119, %add3A_118, %select_n3A_91 : vector<16xi1>, vector<16xi32>
    %select_n3A_122 = arith.select %gt3A_119, %select_n3A_90, %get3A_115 : vector<16xi1>, vector<16xf32>
    %select_n3A_123 = arith.select %gt3A_119, %select_n3A_91, %add3A_118 : vector<16xi1>, vector<16xi32>
    %gt3A_124 = arith.cmpf ogt, %select_n3A_122, %select_n3A_95 : vector<16xf32>
    %select_n3A_125 = arith.select %gt3A_124, %select_n3A_122, %select_n3A_95 : vector<16xi1>, vector<16xf32>
    %select_n3A_126 = arith.select %gt3A_124, %select_n3A_123, %select_n3A_96 : vector<16xi1>, vector<16xi32>
    %select_n3A_127 = arith.select %gt3A_124, %select_n3A_95, %select_n3A_122 : vector<16xi1>, vector<16xf32>
    %select_n3A_128 = arith.select %gt3A_124, %select_n3A_96, %select_n3A_123 : vector<16xi1>, vector<16xi32>
    %gt3A_129 = arith.cmpf ogt, %select_n3A_127, %select_n3A_100 : vector<16xf32>
    %select_n3A_130 = arith.select %gt3A_129, %select_n3A_127, %select_n3A_100 : vector<16xi1>, vector<16xf32>
    %select_n3A_131 = arith.select %gt3A_129, %select_n3A_128, %select_n3A_101 : vector<16xi1>, vector<16xi32>
    %select_n3A_132 = arith.select %gt3A_129, %select_n3A_100, %select_n3A_127 : vector<16xi1>, vector<16xf32>
    %select_n3A_133 = arith.select %gt3A_129, %select_n3A_101, %select_n3A_128 : vector<16xi1>, vector<16xi32>
    %gt3A_134 = arith.cmpf ogt, %select_n3A_132, %select_n3A_105 : vector<16xf32>
    %select_n3A_135 = arith.select %gt3A_134, %select_n3A_132, %select_n3A_105 : vector<16xi1>, vector<16xf32>
    %select_n3A_136 = arith.select %gt3A_134, %select_n3A_133, %select_n3A_106 : vector<16xi1>, vector<16xi32>
    %select_n3A_137 = arith.select %gt3A_134, %select_n3A_105, %select_n3A_132 : vector<16xi1>, vector<16xf32>
    %select_n3A_138 = arith.select %gt3A_134, %select_n3A_106, %select_n3A_133 : vector<16xi1>, vector<16xi32>
    %gt3A_139 = arith.cmpf ogt, %select_n3A_137, %select_n3A_110 : vector<16xf32>
    %select_n3A_140 = arith.select %gt3A_139, %select_n3A_137, %select_n3A_110 : vector<16xi1>, vector<16xf32>
    %select_n3A_141 = arith.select %gt3A_139, %select_n3A_138, %select_n3A_111 : vector<16xi1>, vector<16xi32>
    %select_n3A_142 = arith.select %gt3A_139, %select_n3A_110, %select_n3A_137 : vector<16xi1>, vector<16xf32>
    %select_n3A_143 = arith.select %gt3A_139, %select_n3A_111, %select_n3A_138 : vector<16xi1>, vector<16xi32>
    %get3A_144 = arith.constant 48 : index
    %get3A_145 = tpu.vector_load %arg11[%get3A_144] {strides = array<i32>} : memref<80xf32, #tpu.memory_space<vmem>>, vector<16xf32>,
    %add3A_146 = arith.constant 48 : i32
    %add3A_147 = vector.broadcast %add3A_146 : i32 to vector<16xi32>
    %add3A_148 = arith.addi %add3A_147, %iota3A : vector<16xi32>
    %gt3A_149 = arith.cmpf ogt, %get3A_145, %select_n3A_120 : vector<16xf32>
    %select_n3A_150 = arith.select %gt3A_149, %get3A_145, %select_n3A_120 : vector<16xi1>, vector<16xf32>
    %select_n3A_151 = arith.select %gt3A_149, %add3A_148, %select_n3A_121 : vector<16xi1>, vector<16xi32>
    %select_n3A_152 = arith.select %gt3A_149, %select_n3A_120, %get3A_145 : vector<16xi1>, vector<16xf32>
    %select_n3A_153 = arith.select %gt3A_149, %select_n3A_121, %add3A_148 : vector<16xi1>, vector<16xi32>
    %gt3A_154 = arith.cmpf ogt, %select_n3A_152, %select_n3A_125 : vector<16xf32>
    %select_n3A_155 = arith.select %gt3A_154, %select_n3A_152, %select_n3A_125 : vector<16xi1>, vector<16xf32>
    %select_n3A_156 = arith.select %gt3A_154, %select_n3A_153, %select_n3A_126 : vector<16xi1>, vector<16xi32>
    %select_n3A_157 = arith.select %gt3A_154, %select_n3A_125, %select_n3A_152 : vector<16xi1>, vector<16xf32>
    %select_n3A_158 = arith.select %gt3A_154, %select_n3A_126, %select_n3A_153 : vector<16xi1>, vector<16xi32>
    %gt3A_159 = arith.cmpf ogt, %select_n3A_157, %select_n3A_130 : vector<16xf32>
    %select_n3A_160 = arith.select %gt3A_159, %select_n3A_157, %select_n3A_130 : vector<16xi1>, vector<16xf32>
    %select_n3A_161 = arith.select %gt3A_159, %select_n3A_158, %select_n3A_131 : vector<16xi1>, vector<16xi32>
    %select_n3A_162 = arith.select %gt3A_159, %select_n3A_130, %select_n3A_157 : vector<16xi1>, vector<16xf32>
    %select_n3A_163 = arith.select %gt3A_159, %select_n3A_131, %select_n3A_158 : vector<16xi1>, vector<16xi32>
    %gt3A_164 = arith.cmpf ogt, %select_n3A_162, %select_n3A_135 : vector<16xf32>
    %select_n3A_165 = arith.select %gt3A_164, %select_n3A_162, %select_n3A_135 : vector<16xi1>, vector<16xf32>
    %select_n3A_166 = arith.select %gt3A_164, %select_n3A_163, %select_n3A_136 : vector<16xi1>, vector<16xi32>
    %select_n3A_167 = arith.select %gt3A_164, %select_n3A_135, %select_n3A_162 : vector<16xi1>, vector<16xf32>
    %select_n3A_168 = arith.select %gt3A_164, %select_n3A_136, %select_n3A_163 : vector<16xi1>, vector<16xi32>
    %gt3A_169 = arith.cmpf ogt, %select_n3A_167, %select_n3A_140 : vector<16xf32>
    %select_n3A_170 = arith.select %gt3A_169, %select_n3A_167, %select_n3A_140 : vector<16xi1>, vector<16xf32>
    %select_n3A_171 = arith.select %gt3A_169, %select_n3A_168, %select_n3A_141 : vector<16xi1>, vector<16xi32>
    %select_n3A_172 = arith.select %gt3A_169, %select_n3A_140, %select_n3A_167 : vector<16xi1>, vector<16xf32>
    %select_n3A_173 = arith.select %gt3A_169, %select_n3A_141, %select_n3A_168 : vector<16xi1>, vector<16xi32>
    %get3A_174 = arith.constant 64 : index
    %get3A_175 = tpu.vector_load %arg11[%get3A_174] {strides = array<i32>} : memref<80xf32, #tpu.memory_space<vmem>>, vector<16xf32>,
    %add3A_176 = arith.constant 64 : i32
    %add3A_177 = vector.broadcast %add3A_176 : i32 to vector<16xi32>
    %add3A_178 = arith.addi %add3A_177, %iota3A : vector<16xi32>
    %gt3A_179 = arith.cmpf ogt, %get3A_175, %select_n3A_150 : vector<16xf32>
    %select_n3A_180 = arith.select %gt3A_179, %get3A_175, %select_n3A_150 : vector<16xi1>, vector<16xf32>
    %select_n3A_181 = arith.select %gt3A_179, %add3A_178, %select_n3A_151 : vector<16xi1>, vector<16xi32>
    %select_n3A_182 = arith.select %gt3A_179, %select_n3A_150, %get3A_175 : vector<16xi1>, vector<16xf32>
    %select_n3A_183 = arith.select %gt3A_179, %select_n3A_151, %add3A_178 : vector<16xi1>, vector<16xi32>
    %gt3A_184 = arith.cmpf ogt, %select_n3A_182, %select_n3A_155 : vector<16xf32>
    %select_n3A_185 = arith.select %gt3A_184, %select_n3A_182, %select_n3A_155 : vector<16xi1>, vector<16xf32>
    %select_n3A_186 = arith.select %gt3A_184, %select_n3A_183, %select_n3A_156 : vector<16xi1>, vector<16xi32>
    %select_n3A_187 = arith.select %gt3A_184, %select_n3A_155, %select_n3A_182 : vector<16xi1>, vector<16xf32>
    %select_n3A_188 = arith.select %gt3A_184, %select_n3A_156, %select_n3A_183 : vector<16xi1>, vector<16xi32>
    %gt3A_189 = arith.cmpf ogt, %select_n3A_187, %select_n3A_160 : vector<16xf32>
    %select_n3A_190 = arith.select %gt3A_189, %select_n3A_187, %select_n3A_160 : vector<16xi1>, vector<16xf32>
    %select_n3A_191 = arith.select %gt3A_189, %select_n3A_188, %select_n3A_161 : vector<16xi1>, vector<16xi32>
    %select_n3A_192 = arith.select %gt3A_189, %select_n3A_160, %select_n3A_187 : vector<16xi1>, vector<16xf32>
    %select_n3A_193 = arith.select %gt3A_189, %select_n3A_161, %select_n3A_188 : vector<16xi1>, vector<16xi32>
    %gt3A_194 = arith.cmpf ogt, %select_n3A_192, %select_n3A_165 : vector<16xf32>
    %select_n3A_195 = arith.select %gt3A_194, %select_n3A_192, %select_n3A_165 : vector<16xi1>, vector<16xf32>
    %select_n3A_196 = arith.select %gt3A_194, %select_n3A_193, %select_n3A_166 : vector<16xi1>, vector<16xi32>
    %select_n3A_197 = arith.select %gt3A_194, %select_n3A_165, %select_n3A_192 : vector<16xi1>, vector<16xf32>
    %select_n3A_198 = arith.select %gt3A_194, %select_n3A_166, %select_n3A_193 : vector<16xi1>, vector<16xi32>
    %gt3A_199 = arith.cmpf ogt, %select_n3A_197, %select_n3A_170 : vector<16xf32>
    %select_n3A_200 = arith.select %gt3A_199, %select_n3A_197, %select_n3A_170 : vector<16xi1>, vector<16xf32>
    %select_n3A_201 = arith.select %gt3A_199, %select_n3A_198, %select_n3A_171 : vector<16xi1>, vector<16xi32>
    %select_n3A_202 = arith.select %gt3A_199, %select_n3A_170, %select_n3A_197 : vector<16xi1>, vector<16xf32>
    %select_n3A_203 = arith.select %gt3A_199, %select_n3A_171, %select_n3A_198 : vector<16xi1>, vector<16xi32>
    %broadcast_in_dim3A_204 = arith.constant 0xFF800000 : f32
    %broadcast_in_dim3A_205 = vector.broadcast %broadcast_in_dim3A_204 : f32 to vector<16xf32>
    %broadcast_in_dim3A_206 = arith.constant 0 : i32
    %broadcast_in_dim3A_207 = vector.broadcast %broadcast_in_dim3A_206 : i32 to vector<16xi32>
    %broadcast_in_dim3A_208 = arith.constant 0 : i32
    %broadcast_in_dim3A_209 = vector.broadcast %broadcast_in_dim3A_208 : i32 to vector<16xi32>
    %gt3A_210 = arith.cmpf ogt, %select_n3A_185, %select_n3A_180 : vector<16xf32>
    %select_n3A_211 = arith.select %gt3A_210, %select_n3A_185, %select_n3A_180 : vector<16xi1>, vector<16xf32>
    %select_n3A_212 = arith.select %gt3A_210, %select_n3A_186, %select_n3A_181 : vector<16xi1>, vector<16xi32>
    %gt3A_213 = arith.cmpf ogt, %select_n3A_190, %select_n3A_211 : vector<16xf32>
    %select_n3A_214 = arith.select %gt3A_213, %select_n3A_190, %select_n3A_211 : vector<16xi1>, vector<16xf32>
    %select_n3A_215 = arith.select %gt3A_213, %select_n3A_191, %select_n3A_212 : vector<16xi1>, vector<16xi32>
    %gt3A_216 = arith.cmpf ogt, %select_n3A_195, %select_n3A_214 : vector<16xf32>
    %select_n3A_217 = arith.select %gt3A_216, %select_n3A_195, %select_n3A_214 : vector<16xi1>, vector<16xf32>
    %select_n3A_218 = arith.select %gt3A_216, %select_n3A_196, %select_n3A_215 : vector<16xi1>, vector<16xi32>
    %gt3A_219 = arith.cmpf ogt, %select_n3A_200, %select_n3A_217 : vector<16xf32>
    %select_n3A_220 = arith.select %gt3A_219, %select_n3A_200, %select_n3A_217 : vector<16xi1>, vector<16xf32>
    %select_n3A_221 = arith.select %gt3A_219, %select_n3A_201, %select_n3A_218 : vector<16xi1>, vector<16xi32>
    %reduce_max3A = arith.constant true
    %reduce_max3A_222 = vector.broadcast %reduce_max3A : i1 to vector<16xi1>
    %reduce_max3A_223 = tpu.scan <max>, %select_n3A_220 masked %reduce_max3A_222 : vector<16xf32>, vector<16xi1> -> vector<16xf32>
    %reduce_max3A_224 = vector.extract %reduce_max3A_223[15] : f32 from vector<16xf32>
    %eq3A = vector.broadcast %reduce_max3A_224 : f32 to vector<16xf32>
    %eq3A_225 = arith.cmpf oeq, %select_n3A_220, %eq3A : vector<16xf32>
    %jit3A = arith.constant 2147483647 : i32
    %broadcast_in_dim3A_226 = vector.broadcast %jit3A : i32 to vector<16xi32>
    %select_n3A_227 = arith.select %eq3A_225, %select_n3A_221, %broadcast_in_dim3A_226 : vector<16xi1>, vector<16xi32>
    %reduce_min3A = arith.constant true
    %reduce_min3A_228 = vector.broadcast %reduce_min3A : i1 to vector<16xi1>
    %reduce_min3A_229 = arith.constant -2147483648 : i32
    %reduce_min3A_230 = vector.broadcast %reduce_min3A_229 : i32 to vector<16xi32>
    %reduce_min3A_231 = arith.xori %select_n3A_227, %reduce_min3A_230 : vector<16xi32>
    %reduce_min3A_232 = tpu.scan <min>, %reduce_min3A_231 masked %reduce_min3A_228 : vector<16xi32>, vector<16xi1> -> vector<16xi32>
    %reduce_min3A_233 = arith.xori %reduce_min3A_232, %reduce_min3A_230 : vector<16xi32>
    %reduce_min3A_234 = vector.extract %reduce_min3A_233[15] : i32 from vector<16xi32>
    %eq3A_235 = vector.broadcast %reduce_min3A_234 : i32 to vector<16xi32>
    %eq3A_236 = arith.cmpi eq, %select_n3A_181, %eq3A_235 : vector<16xi32>
    %jit3A_237 = arith.constant 0xFF800000 : f32
    %broadcast_in_dim3A_238 = vector.broadcast %jit3A_237 : f32 to vector<16xf32>
    %select_n3A_239 = arith.select %eq3A_236, %broadcast_in_dim3A_238, %select_n3A_180 : vector<16xi1>, vector<16xf32>
    %eq3A_240 = vector.broadcast %reduce_min3A_234 : i32 to vector<16xi32>
    %eq3A_241 = arith.cmpi eq, %select_n3A_186, %eq3A_240 : vector<16xi32>
    %jit3A_242 = arith.constant 0xFF800000 : f32
    %broadcast_in_dim3A_243 = vector.broadcast %jit3A_242 : f32 to vector<16xf32>
    %select_n3A_244 = arith.select %eq3A_241, %broadcast_in_dim3A_243, %select_n3A_185 : vector<16xi1>, vector<16xf32>
    %eq3A_245 = vector.broadcast %reduce_min3A_234 : i32 to vector<16xi32>
    %eq3A_246 = arith.cmpi eq, %select_n3A_191, %eq3A_245 : vector<16xi32>
    %jit3A_247 = arith.constant 0xFF800000 : f32
    %broadcast_in_dim3A_248 = vector.broadcast %jit3A_247 : f32 to vector<16xf32>
    %select_n3A_249 = arith.select %eq3A_246, %broadcast_in_dim3A_248, %select_n3A_190 : vector<16xi1>, vector<16xf32>
    %eq3A_250 = vector.broadcast %reduce_min3A_234 : i32 to vector<16xi32>
    %eq3A_251 = arith.cmpi eq, %select_n3A_196, %eq3A_250 : vector<16xi32>
    %jit3A_252 = arith.constant 0xFF800000 : f32
    %broadcast_in_dim3A_253 = vector.broadcast %jit3A_252 : f32 to vector<16xf32>
    %select_n3A_254 = arith.select %eq3A_251, %broadcast_in_dim3A_253, %select_n3A_195 : vector<16xi1>, vector<16xf32>
    %eq3A_255 = vector.broadcast %reduce_min3A_234 : i32 to vector<16xi32>
    %eq3A_256 = arith.cmpi eq, %select_n3A_201, %eq3A_255 : vector<16xi32>
    %jit3A_257 = arith.constant 0xFF800000 : f32
    %broadcast_in_dim3A_258 = vector.broadcast %jit3A_257 : f32 to vector<16xf32>
    %select_n3A_259 = arith.select %eq3A_256, %broadcast_in_dim3A_258, %select_n3A_200 : vector<16xi1>, vector<16xf32>
    %broadcast_in_dim3A_260 = vector.broadcast %reduce_min3A_234 : i32 to vector<16xi32>
    %gather3A = tpu.vector_load_idx %arg12[%broadcast_in_dim3A_260] : memref<80xi32, #tpu.memory_space<vmem>>[vector<16xi32>], vector<16xi32>,
    %eq3A_261 = arith.constant 0 : i32
    %eq3A_262 = vector.broadcast %eq3A_261 : i32 to vector<16xi32>
    %eq3A_263 = arith.cmpi eq, %iota3A, %eq3A_262 : vector<16xi32>
    %broadcast_in_dim3A_264 = vector.broadcast %reduce_max3A_224 : f32 to vector<16xf32>
    %select_n3A_265 = arith.select %eq3A_263, %broadcast_in_dim3A_264, %broadcast_in_dim3A_205 : vector<16xi1>, vector<16xf32>
    %eq3A_266 = arith.constant 0 : i32
    %eq3A_267 = vector.broadcast %eq3A_266 : i32 to vector<16xi32>
    %eq3A_268 = arith.cmpi eq, %iota3A, %eq3A_267 : vector<16xi32>
    %select_n3A_269 = arith.select %eq3A_268, %gather3A, %broadcast_in_dim3A_207 : vector<16xi1>, vector<16xi32>
    %eq3A_270 = arith.constant 0 : i32
    %eq3A_271 = vector.broadcast %eq3A_270 : i32 to vector<16xi32>
    %eq3A_272 = arith.cmpi eq, %iota3A, %eq3A_271 : vector<16xi32>
    %shift_right_arithmetic3A = arith.constant 4 : i32
    %shift_right_arithmetic3A_273 = arith.shrsi %reduce_min3A_234, %shift_right_arithmetic3A : i32
    %broadcast_in_dim3A_274 = vector.broadcast %shift_right_arithmetic3A_273 : i32 to vector<16xi32>
    %select_n3A_275 = arith.select %eq3A_272, %broadcast_in_dim3A_274, %broadcast_in_dim3A_209 : vector<16xi1>, vector<16xi32>
    %gt3A_276 = arith.cmpf ogt, %select_n3A_244, %select_n3A_239 : vector<16xf32>
    %select_n3A_277 = arith.select %gt3A_276, %select_n3A_244, %select_n3A_239 : vector<16xi1>, vector<16xf32>
    %select_n3A_278 = arith.select %gt3A_276, %select_n3A_186, %select_n3A_181 : vector<16xi1>, vector<16xi32>
    %gt3A_279 = arith.cmpf ogt, %select_n3A_249, %select_n3A_277 : vector<16xf32>
    %select_n3A_280 = arith.select %gt3A_279, %select_n3A_249, %select_n3A_277 : vector<16xi1>, vector<16xf32>
    %select_n3A_281 = arith.select %gt3A_279, %select_n3A_191, %select_n3A_278 : vector<16xi1>, vector<16xi32>
    %gt3A_282 = arith.cmpf ogt, %select_n3A_254, %select_n3A_280 : vector<16xf32>
    %select_n3A_283 = arith.select %gt3A_282, %select_n3A_254, %select_n3A_280 : vector<16xi1>, vector<16xf32>
    %select_n3A_284 = arith.select %gt3A_282, %select_n3A_196, %select_n3A_281 : vector<16xi1>, vector<16xi32>
    %gt3A_285 = arith.cmpf ogt, %select_n3A_259, %select_n3A_283 : vector<16xf32>
    %select_n3A_286 = arith.select %gt3A_285, %select_n3A_259, %select_n3A_283 : vector<16xi1>, vector<16xf32>
    %select_n3A_287 = arith.select %gt3A_285, %select_n3A_201, %select_n3A_284 : vector<16xi1>, vector<16xi32>
    %reduce_max3A_288 = arith.constant true
    %reduce_max3A_289 = vector.broadcast %reduce_max3A_288 : i1 to vector<16xi1>
    %reduce_max3A_290 = tpu.scan <max>, %select_n3A_286 masked %reduce_max3A_289 : vector<16xf32>, vector<16xi1> -> vector<16xf32>
    %reduce_max3A_291 = vector.extract %reduce_max3A_290[15] : f32 from vector<16xf32>
    %eq3A_292 = vector.broadcast %reduce_max3A_291 : f32 to vector<16xf32>
    %eq3A_293 = arith.cmpf oeq, %select_n3A_286, %eq3A_292 : vector<16xf32>
    %jit3A_294 = arith.constant 2147483647 : i32
    %broadcast_in_dim3A_295 = vector.broadcast %jit3A_294 : i32 to vector<16xi32>
    %select_n3A_296 = arith.select %eq3A_293, %select_n3A_287, %broadcast_in_dim3A_295 : vector<16xi1>, vector<16xi32>
    %reduce_min3A_297 = arith.constant true
    %reduce_min3A_298 = vector.broadcast %reduce_min3A_297 : i1 to vector<16xi1>
    %reduce_min3A_299 = arith.constant -2147483648 : i32
    %reduce_min3A_300 = vector.broadcast %reduce_min3A_299 : i32 to vector<16xi32>
    %reduce_min3A_301 = arith.xori %select_n3A_296, %reduce_min3A_300 : vector<16xi32>
    %reduce_min3A_302 = tpu.scan <min>, %reduce_min3A_301 masked %reduce_min3A_298 : vector<16xi32>, vector<16xi1> -> vector<16xi32>
    %reduce_min3A_303 = arith.xori %reduce_min3A_302, %reduce_min3A_300 : vector<16xi32>
    %reduce_min3A_304 = vector.extract %reduce_min3A_303[15] : i32 from vector<16xi32>
    %eq3A_305 = vector.broadcast %reduce_min3A_304 : i32 to vector<16xi32>
    %eq3A_306 = arith.cmpi eq, %select_n3A_181, %eq3A_305 : vector<16xi32>
    %jit3A_307 = arith.constant 0xFF800000 : f32
    %broadcast_in_dim3A_308 = vector.broadcast %jit3A_307 : f32 to vector<16xf32>
    %select_n3A_309 = arith.select %eq3A_306, %broadcast_in_dim3A_308, %select_n3A_239 : vector<16xi1>, vector<16xf32>
    %eq3A_310 = vector.broadcast %reduce_min3A_304 : i32 to vector<16xi32>
    %eq3A_311 = arith.cmpi eq, %select_n3A_186, %eq3A_310 : vector<16xi32>
    %jit3A_312 = arith.constant 0xFF800000 : f32
    %broadcast_in_dim3A_313 = vector.broadcast %jit3A_312 : f32 to vector<16xf32>
    %select_n3A_314 = arith.select %eq3A_311, %broadcast_in_dim3A_313, %select_n3A_244 : vector<16xi1>, vector<16xf32>
    %eq3A_315 = vector.broadcast %reduce_min3A_304 : i32 to vector<16xi32>
    %eq3A_316 = arith.cmpi eq, %select_n3A_191, %eq3A_315 : vector<16xi32>
    %jit3A_317 = arith.constant 0xFF800000 : f32
    %broadcast_in_dim3A_318 = vector.broadcast %jit3A_317 : f32 to vector<16xf32>
    %select_n3A_319 = arith.select %eq3A_316, %broadcast_in_dim3A_318, %select_n3A_249 : vector<16xi1>, vector<16xf32>
    %eq3A_320 = vector.broadcast %reduce_min3A_304 : i32 to vector<16xi32>
    %eq3A_321 = arith.cmpi eq, %select_n3A_196, %eq3A_320 : vector<16xi32>
    %jit3A_322 = arith.constant 0xFF800000 : f32
    %broadcast_in_dim3A_323 = vector.broadcast %jit3A_322 : f32 to vector<16xf32>
    %select_n3A_324 = arith.select %eq3A_321, %broadcast_in_dim3A_323, %select_n3A_254 : vector<16xi1>, vector<16xf32>
    %eq3A_325 = vector.broadcast %reduce_min3A_304 : i32 to vector<16xi32>
    %eq3A_326 = arith.cmpi eq, %select_n3A_201, %eq3A_325 : vector<16xi32>
    %jit3A_327 = arith.constant 0xFF800000 : f32
    %broadcast_in_dim3A_328 = vector.broadcast %jit3A_327 : f32 to vector<16xf32>
    %select_n3A_329 = arith.select %eq3A_326, %broadcast_in_dim3A_328, %select_n3A_259 : vector<16xi1>, vector<16xf32>
    %broadcast_in_dim3A_330 = vector.broadcast %reduce_min3A_304 : i32 to vector<16xi32>
    %gather3A_331 = tpu.vector_load_idx %arg12[%broadcast_in_dim3A_330] : memref<80xi32, #tpu.memory_space<vmem>>[vector<16xi32>], vector<16xi32>,
    %eq3A_332 = arith.constant 1 : i32
    %eq3A_333 = vector.broadcast %eq3A_332 : i32 to vector<16xi32>
    %eq3A_334 = arith.cmpi eq, %iota3A, %eq3A_333 : vector<16xi32>
    %broadcast_in_dim3A_335 = vector.broadcast %reduce_max3A_291 : f32 to vector<16xf32>
    %select_n3A_336 = arith.select %eq3A_334, %broadcast_in_dim3A_335, %select_n3A_265 : vector<16xi1>, vector<16xf32>
    %eq3A_337 = arith.constant 1 : i32
    %eq3A_338 = vector.broadcast %eq3A_337 : i32 to vector<16xi32>
    %eq3A_339 = arith.cmpi eq, %iota3A, %eq3A_338 : vector<16xi32>
    %select_n3A_340 = arith.select %eq3A_339, %gather3A_331, %select_n3A_269 : vector<16xi1>, vector<16xi32>
    %eq3A_341 = arith.constant 1 : i32
    %eq3A_342 = vector.broadcast %eq3A_341 : i32 to vector<16xi32>
    %eq3A_343 = arith.cmpi eq, %iota3A, %eq3A_342 : vector<16xi32>
    %shift_right_arithmetic3A_344 = arith.constant 4 : i32
    %shift_right_arithmetic3A_345 = arith.shrsi %reduce_min3A_304, %shift_right_arithmetic3A_344 : i32
    %broadcast_in_dim3A_346 = vector.broadcast %shift_right_arithmetic3A_345 : i32 to vector<16xi32>
    %select_n3A_347 = arith.select %eq3A_343, %broadcast_in_dim3A_346, %select_n3A_275 : vector<16xi1>, vector<16xi32>
    %gt3A_348 = arith.cmpf ogt, %select_n3A_314, %select_n3A_309 : vector<16xf32>
    %select_n3A_349 = arith.select %gt3A_348, %select_n3A_314, %select_n3A_309 : vector<16xi1>, vector<16xf32>
    %select_n3A_350 = arith.select %gt3A_348, %select_n3A_186, %select_n3A_181 : vector<16xi1>, vector<16xi32>
    %gt3A_351 = arith.cmpf ogt, %select_n3A_319, %select_n3A_349 : vector<16xf32>
    %select_n3A_352 = arith.select %gt3A_351, %select_n3A_319, %select_n3A_349 : vector<16xi1>, vector<16xf32>
    %select_n3A_353 = arith.select %gt3A_351, %select_n3A_191, %select_n3A_350 : vector<16xi1>, vector<16xi32>
    %gt3A_354 = arith.cmpf ogt, %select_n3A_324, %select_n3A_352 : vector<16xf32>
    %select_n3A_355 = arith.select %gt3A_354, %select_n3A_324, %select_n3A_352 : vector<16xi1>, vector<16xf32>
    %select_n3A_356 = arith.select %gt3A_354, %select_n3A_196, %select_n3A_353 : vector<16xi1>, vector<16xi32>
    %gt3A_357 = arith.cmpf ogt, %select_n3A_329, %select_n3A_355 : vector<16xf32>
    %select_n3A_358 = arith.select %gt3A_357, %select_n3A_329, %select_n3A_355 : vector<16xi1>, vector<16xf32>
    %select_n3A_359 = arith.select %gt3A_357, %select_n3A_201, %select_n3A_356 : vector<16xi1>, vector<16xi32>
    %reduce_max3A_360 = arith.constant true
    %reduce_max3A_361 = vector.broadcast %reduce_max3A_360 : i1 to vector<16xi1>
    %reduce_max3A_362 = tpu.scan <max>, %select_n3A_358 masked %reduce_max3A_361 : vector<16xf32>, vector<16xi1> -> vector<16xf32>
    %reduce_max3A_363 = vector.extract %reduce_max3A_362[15] : f32 from vector<16xf32>
    %eq3A_364 = vector.broadcast %reduce_max3A_363 : f32 to vector<16xf32>
    %eq3A_365 = arith.cmpf oeq, %select_n3A_358, %eq3A_364 : vector<16xf32>
    %jit3A_366 = arith.constant 2147483647 : i32
    %broadcast_in_dim3A_367 = vector.broadcast %jit3A_366 : i32 to vector<16xi32>
    %select_n3A_368 = arith.select %eq3A_365, %select_n3A_359, %broadcast_in_dim3A_367 : vector<16xi1>, vector<16xi32>
    %reduce_min3A_369 = arith.constant true
    %reduce_min3A_370 = vector.broadcast %reduce_min3A_369 : i1 to vector<16xi1>
    %reduce_min3A_371 = arith.constant -2147483648 : i32
    %reduce_min3A_372 = vector.broadcast %reduce_min3A_371 : i32 to vector<16xi32>
    %reduce_min3A_373 = arith.xori %select_n3A_368, %reduce_min3A_372 : vector<16xi32>
    %reduce_min3A_374 = tpu.scan <min>, %reduce_min3A_373 masked %reduce_min3A_370 : vector<16xi32>, vector<16xi1> -> vector<16xi32>
    %reduce_min3A_375 = arith.xori %reduce_min3A_374, %reduce_min3A_372 : vector<16xi32>
    %reduce_min3A_376 = vector.extract %reduce_min3A_375[15] : i32 from vector<16xi32>
    %eq3A_377 = vector.broadcast %reduce_min3A_376 : i32 to vector<16xi32>
    %eq3A_378 = arith.cmpi eq, %select_n3A_181, %eq3A_377 : vector<16xi32>
    %jit3A_379 = arith.constant 0xFF800000 : f32
    %broadcast_in_dim3A_380 = vector.broadcast %jit3A_379 : f32 to vector<16xf32>
    %select_n3A_381 = arith.select %eq3A_378, %broadcast_in_dim3A_380, %select_n3A_309 : vector<16xi1>, vector<16xf32>
    %eq3A_382 = vector.broadcast %reduce_min3A_376 : i32 to vector<16xi32>
    %eq3A_383 = arith.cmpi eq, %select_n3A_186, %eq3A_382 : vector<16xi32>
    %jit3A_384 = arith.constant 0xFF800000 : f32
    %broadcast_in_dim3A_385 = vector.broadcast %jit3A_384 : f32 to vector<16xf32>
    %select_n3A_386 = arith.select %eq3A_383, %broadcast_in_dim3A_385, %select_n3A_314 : vector<16xi1>, vector<16xf32>
    %eq3A_387 = vector.broadcast %reduce_min3A_376 : i32 to vector<16xi32>
    %eq3A_388 = arith.cmpi eq, %select_n3A_191, %eq3A_387 : vector<16xi32>
    %jit3A_389 = arith.constant 0xFF800000 : f32
    %broadcast_in_dim3A_390 = vector.broadcast %jit3A_389 : f32 to vector<16xf32>
    %select_n3A_391 = arith.select %eq3A_388, %broadcast_in_dim3A_390, %select_n3A_319 : vector<16xi1>, vector<16xf32>
    %eq3A_392 = vector.broadcast %reduce_min3A_376 : i32 to vector<16xi32>
    %eq3A_393 = arith.cmpi eq, %select_n3A_196, %eq3A_392 : vector<16xi32>
    %jit3A_394 = arith.constant 0xFF800000 : f32
    %broadcast_in_dim3A_395 = vector.broadcast %jit3A_394 : f32 to vector<16xf32>
    %select_n3A_396 = arith.select %eq3A_393, %broadcast_in_dim3A_395, %select_n3A_324 : vector<16xi1>, vector<16xf32>
    %eq3A_397 = vector.broadcast %reduce_min3A_376 : i32 to vector<16xi32>
    %eq3A_398 = arith.cmpi eq, %select_n3A_201, %eq3A_397 : vector<16xi32>
    %jit3A_399 = arith.constant 0xFF800000 : f32
    %broadcast_in_dim3A_400 = vector.broadcast %jit3A_399 : f32 to vector<16xf32>
    %select_n3A_401 = arith.select %eq3A_398, %broadcast_in_dim3A_400, %select_n3A_329 : vector<16xi1>, vector<16xf32>
    %broadcast_in_dim3A_402 = vector.broadcast %reduce_min3A_376 : i32 to vector<16xi32>
    %gather3A_403 = tpu.vector_load_idx %arg12[%broadcast_in_dim3A_402] : memref<80xi32, #tpu.memory_space<vmem>>[vector<16xi32>], vector<16xi32>,
    %eq3A_404 = arith.constant 2 : i32
    %eq3A_405 = vector.broadcast %eq3A_404 : i32 to vector<16xi32>
    %eq3A_406 = arith.cmpi eq, %iota3A, %eq3A_405 : vector<16xi32>
    %broadcast_in_dim3A_407 = vector.broadcast %reduce_max3A_363 : f32 to vector<16xf32>
    %select_n3A_408 = arith.select %eq3A_406, %broadcast_in_dim3A_407, %select_n3A_336 : vector<16xi1>, vector<16xf32>
    %eq3A_409 = arith.constant 2 : i32
    %eq3A_410 = vector.broadcast %eq3A_409 : i32 to vector<16xi32>
    %eq3A_411 = arith.cmpi eq, %iota3A, %eq3A_410 : vector<16xi32>
    %select_n3A_412 = arith.select %eq3A_411, %gather3A_403, %select_n3A_340 : vector<16xi1>, vector<16xi32>
    %eq3A_413 = arith.constant 2 : i32
    %eq3A_414 = vector.broadcast %eq3A_413 : i32 to vector<16xi32>
    %eq3A_415 = arith.cmpi eq, %iota3A, %eq3A_414 : vector<16xi32>
    %shift_right_arithmetic3A_416 = arith.constant 4 : i32
    %shift_right_arithmetic3A_417 = arith.shrsi %reduce_min3A_376, %shift_right_arithmetic3A_416 : i32
    %broadcast_in_dim3A_418 = vector.broadcast %shift_right_arithmetic3A_417 : i32 to vector<16xi32>
    %select_n3A_419 = arith.select %eq3A_415, %broadcast_in_dim3A_418, %select_n3A_347 : vector<16xi1>, vector<16xi32>
    %gt3A_420 = arith.cmpf ogt, %select_n3A_386, %select_n3A_381 : vector<16xf32>
    %select_n3A_421 = arith.select %gt3A_420, %select_n3A_386, %select_n3A_381 : vector<16xi1>, vector<16xf32>
    %select_n3A_422 = arith.select %gt3A_420, %select_n3A_186, %select_n3A_181 : vector<16xi1>, vector<16xi32>
    %gt3A_423 = arith.cmpf ogt, %select_n3A_391, %select_n3A_421 : vector<16xf32>
    %select_n3A_424 = arith.select %gt3A_423, %select_n3A_391, %select_n3A_421 : vector<16xi1>, vector<16xf32>
    %select_n3A_425 = arith.select %gt3A_423, %select_n3A_191, %select_n3A_422 : vector<16xi1>, vector<16xi32>
    %gt3A_426 = arith.cmpf ogt, %select_n3A_396, %select_n3A_424 : vector<16xf32>
    %select_n3A_427 = arith.select %gt3A_426, %select_n3A_396, %select_n3A_424 : vector<16xi1>, vector<16xf32>
    %select_n3A_428 = arith.select %gt3A_426, %select_n3A_196, %select_n3A_425 : vector<16xi1>, vector<16xi32>
    %gt3A_429 = arith.cmpf ogt, %select_n3A_401, %select_n3A_427 : vector<16xf32>
    %select_n3A_430 = arith.select %gt3A_429, %select_n3A_401, %select_n3A_427 : vector<16xi1>, vector<16xf32>
    %select_n3A_431 = arith.select %gt3A_429, %select_n3A_201, %select_n3A_428 : vector<16xi1>, vector<16xi32>
    %reduce_max3A_432 = arith.constant true
    %reduce_max3A_433 = vector.broadcast %reduce_max3A_432 : i1 to vector<16xi1>
    %reduce_max3A_434 = tpu.scan <max>, %select_n3A_430 masked %reduce_max3A_433 : vector<16xf32>, vector<16xi1> -> vector<16xf32>
    %reduce_max3A_435 = vector.extract %reduce_max3A_434[15] : f32 from vector<16xf32>
    %eq3A_436 = vector.broadcast %reduce_max3A_435 : f32 to vector<16xf32>
    %eq3A_437 = arith.cmpf oeq, %select_n3A_430, %eq3A_436 : vector<16xf32>
    %jit3A_438 = arith.constant 2147483647 : i32
    %broadcast_in_dim3A_439 = vector.broadcast %jit3A_438 : i32 to vector<16xi32>
    %select_n3A_440 = arith.select %eq3A_437, %select_n3A_431, %broadcast_in_dim3A_439 : vector<16xi1>, vector<16xi32>
    %reduce_min3A_441 = arith.constant true
    %reduce_min3A_442 = vector.broadcast %reduce_min3A_441 : i1 to vector<16xi1>
    %reduce_min3A_443 = arith.constant -2147483648 : i32
    %reduce_min3A_444 = vector.broadcast %reduce_min3A_443 : i32 to vector<16xi32>
    %reduce_min3A_445 = arith.xori %select_n3A_440, %reduce_min3A_444 : vector<16xi32>
    %reduce_min3A_446 = tpu.scan <min>, %reduce_min3A_445 masked %reduce_min3A_442 : vector<16xi32>, vector<16xi1> -> vector<16xi32>
    %reduce_min3A_447 = arith.xori %reduce_min3A_446, %reduce_min3A_444 : vector<16xi32>
    %reduce_min3A_448 = vector.extract %reduce_min3A_447[15] : i32 from vector<16xi32>
    %eq3A_449 = vector.broadcast %reduce_min3A_448 : i32 to vector<16xi32>
    %eq3A_450 = arith.cmpi eq, %select_n3A_181, %eq3A_449 : vector<16xi32>
    %jit3A_451 = arith.constant 0xFF800000 : f32
    %broadcast_in_dim3A_452 = vector.broadcast %jit3A_451 : f32 to vector<16xf32>
    %select_n3A_453 = arith.select %eq3A_450, %broadcast_in_dim3A_452, %select_n3A_381 : vector<16xi1>, vector<16xf32>
    %eq3A_454 = vector.broadcast %reduce_min3A_448 : i32 to vector<16xi32>
    %eq3A_455 = arith.cmpi eq, %select_n3A_186, %eq3A_454 : vector<16xi32>
    %jit3A_456 = arith.constant 0xFF800000 : f32
    %broadcast_in_dim3A_457 = vector.broadcast %jit3A_456 : f32 to vector<16xf32>
    %select_n3A_458 = arith.select %eq3A_455, %broadcast_in_dim3A_457, %select_n3A_386 : vector<16xi1>, vector<16xf32>
    %eq3A_459 = vector.broadcast %reduce_min3A_448 : i32 to vector<16xi32>
    %eq3A_460 = arith.cmpi eq, %select_n3A_191, %eq3A_459 : vector<16xi32>
    %jit3A_461 = arith.constant 0xFF800000 : f32
    %broadcast_in_dim3A_462 = vector.broadcast %jit3A_461 : f32 to vector<16xf32>
    %select_n3A_463 = arith.select %eq3A_460, %broadcast_in_dim3A_462, %select_n3A_391 : vector<16xi1>, vector<16xf32>
    %eq3A_464 = vector.broadcast %reduce_min3A_448 : i32 to vector<16xi32>
    %eq3A_465 = arith.cmpi eq, %select_n3A_196, %eq3A_464 : vector<16xi32>
    %jit3A_466 = arith.constant 0xFF800000 : f32
    %broadcast_in_dim3A_467 = vector.broadcast %jit3A_466 : f32 to vector<16xf32>
    %select_n3A_468 = arith.select %eq3A_465, %broadcast_in_dim3A_467, %select_n3A_396 : vector<16xi1>, vector<16xf32>
    %eq3A_469 = vector.broadcast %reduce_min3A_448 : i32 to vector<16xi32>
    %eq3A_470 = arith.cmpi eq, %select_n3A_201, %eq3A_469 : vector<16xi32>
    %jit3A_471 = arith.constant 0xFF800000 : f32
    %broadcast_in_dim3A_472 = vector.broadcast %jit3A_471 : f32 to vector<16xf32>
    %select_n3A_473 = arith.select %eq3A_470, %broadcast_in_dim3A_472, %select_n3A_401 : vector<16xi1>, vector<16xf32>
    %broadcast_in_dim3A_474 = vector.broadcast %reduce_min3A_448 : i32 to vector<16xi32>
    %gather3A_475 = tpu.vector_load_idx %arg12[%broadcast_in_dim3A_474] : memref<80xi32, #tpu.memory_space<vmem>>[vector<16xi32>], vector<16xi32>,
    %eq3A_476 = arith.constant 3 : i32
    %eq3A_477 = vector.broadcast %eq3A_476 : i32 to vector<16xi32>
    %eq3A_478 = arith.cmpi eq, %iota3A, %eq3A_477 : vector<16xi32>
    %broadcast_in_dim3A_479 = vector.broadcast %reduce_max3A_435 : f32 to vector<16xf32>
    %select_n3A_480 = arith.select %eq3A_478, %broadcast_in_dim3A_479, %select_n3A_408 : vector<16xi1>, vector<16xf32>
    %eq3A_481 = arith.constant 3 : i32
    %eq3A_482 = vector.broadcast %eq3A_481 : i32 to vector<16xi32>
    %eq3A_483 = arith.cmpi eq, %iota3A, %eq3A_482 : vector<16xi32>
    %select_n3A_484 = arith.select %eq3A_483, %gather3A_475, %select_n3A_412 : vector<16xi1>, vector<16xi32>
    %eq3A_485 = arith.constant 3 : i32
    %eq3A_486 = vector.broadcast %eq3A_485 : i32 to vector<16xi32>
    %eq3A_487 = arith.cmpi eq, %iota3A, %eq3A_486 : vector<16xi32>
    %shift_right_arithmetic3A_488 = arith.constant 4 : i32
    %shift_right_arithmetic3A_489 = arith.shrsi %reduce_min3A_448, %shift_right_arithmetic3A_488 : i32
    %broadcast_in_dim3A_490 = vector.broadcast %shift_right_arithmetic3A_489 : i32 to vector<16xi32>
    %select_n3A_491 = arith.select %eq3A_487, %broadcast_in_dim3A_490, %select_n3A_419 : vector<16xi1>, vector<16xi32>
    %gt3A_492 = arith.cmpf ogt, %select_n3A_458, %select_n3A_453 : vector<16xf32>
    %select_n3A_493 = arith.select %gt3A_492, %select_n3A_458, %select_n3A_453 : vector<16xi1>, vector<16xf32>
    %select_n3A_494 = arith.select %gt3A_492, %select_n3A_186, %select_n3A_181 : vector<16xi1>, vector<16xi32>
    %gt3A_495 = arith.cmpf ogt, %select_n3A_463, %select_n3A_493 : vector<16xf32>
    %select_n3A_496 = arith.select %gt3A_495, %select_n3A_463, %select_n3A_493 : vector<16xi1>, vector<16xf32>
    %select_n3A_497 = arith.select %gt3A_495, %select_n3A_191, %select_n3A_494 : vector<16xi1>, vector<16xi32>
    %gt3A_498 = arith.cmpf ogt, %select_n3A_468, %select_n3A_496 : vector<16xf32>
    %select_n3A_499 = arith.select %gt3A_498, %select_n3A_468, %select_n3A_496 : vector<16xi1>, vector<16xf32>
    %select_n3A_500 = arith.select %gt3A_498, %select_n3A_196, %select_n3A_497 : vector<16xi1>, vector<16xi32>
    %gt3A_501 = arith.cmpf ogt, %select_n3A_473, %select_n3A_499 : vector<16xf32>
    %select_n3A_502 = arith.select %gt3A_501, %select_n3A_473, %select_n3A_499 : vector<16xi1>, vector<16xf32>
    %select_n3A_503 = arith.select %gt3A_501, %select_n3A_201, %select_n3A_500 : vector<16xi1>, vector<16xi32>
    %reduce_max3A_504 = arith.constant true
    %reduce_max3A_505 = vector.broadcast %reduce_max3A_504 : i1 to vector<16xi1>
    %reduce_max3A_506 = tpu.scan <max>, %select_n3A_502 masked %reduce_max3A_505 : vector<16xf32>, vector<16xi1> -> vector<16xf32>
    %reduce_max3A_507 = vector.extract %reduce_max3A_506[15] : f32 from vector<16xf32>
    %eq3A_508 = vector.broadcast %reduce_max3A_507 : f32 to vector<16xf32>
    %eq3A_509 = arith.cmpf oeq, %select_n3A_502, %eq3A_508 : vector<16xf32>
    %jit3A_510 = arith.constant 2147483647 : i32
    %broadcast_in_dim3A_511 = vector.broadcast %jit3A_510 : i32 to vector<16xi32>
    %select_n3A_512 = arith.select %eq3A_509, %select_n3A_503, %broadcast_in_dim3A_511 : vector<16xi1>, vector<16xi32>
    %reduce_min3A_513 = arith.constant true
    %reduce_min3A_514 = vector.broadcast %reduce_min3A_513 : i1 to vector<16xi1>
    %reduce_min3A_515 = arith.constant -2147483648 : i32
    %reduce_min3A_516 = vector.broadcast %reduce_min3A_515 : i32 to vector<16xi32>
    %reduce_min3A_517 = arith.xori %select_n3A_512, %reduce_min3A_516 : vector<16xi32>
    %reduce_min3A_518 = tpu.scan <min>, %reduce_min3A_517 masked %reduce_min3A_514 : vector<16xi32>, vector<16xi1> -> vector<16xi32>
    %reduce_min3A_519 = arith.xori %reduce_min3A_518, %reduce_min3A_516 : vector<16xi32>
    %reduce_min3A_520 = vector.extract %reduce_min3A_519[15] : i32 from vector<16xi32>
    %eq3A_521 = vector.broadcast %reduce_min3A_520 : i32 to vector<16xi32>
    %eq3A_522 = arith.cmpi eq, %select_n3A_181, %eq3A_521 : vector<16xi32>
    %jit3A_523 = arith.constant 0xFF800000 : f32
    %broadcast_in_dim3A_524 = vector.broadcast %jit3A_523 : f32 to vector<16xf32>
    %select_n3A_525 = arith.select %eq3A_522, %broadcast_in_dim3A_524, %select_n3A_453 : vector<16xi1>, vector<16xf32>
    %eq3A_526 = vector.broadcast %reduce_min3A_520 : i32 to vector<16xi32>
    %eq3A_527 = arith.cmpi eq, %select_n3A_186, %eq3A_526 : vector<16xi32>
    %jit3A_528 = arith.constant 0xFF800000 : f32
    %broadcast_in_dim3A_529 = vector.broadcast %jit3A_528 : f32 to vector<16xf32>
    %select_n3A_530 = arith.select %eq3A_527, %broadcast_in_dim3A_529, %select_n3A_458 : vector<16xi1>, vector<16xf32>
    %eq3A_531 = vector.broadcast %reduce_min3A_520 : i32 to vector<16xi32>
    %eq3A_532 = arith.cmpi eq, %select_n3A_191, %eq3A_531 : vector<16xi32>
    %jit3A_533 = arith.constant 0xFF800000 : f32
    %broadcast_in_dim3A_534 = vector.broadcast %jit3A_533 : f32 to vector<16xf32>
    %select_n3A_535 = arith.select %eq3A_532, %broadcast_in_dim3A_534, %select_n3A_463 : vector<16xi1>, vector<16xf32>
    %eq3A_536 = vector.broadcast %reduce_min3A_520 : i32 to vector<16xi32>
    %eq3A_537 = arith.cmpi eq, %select_n3A_196, %eq3A_536 : vector<16xi32>
    %jit3A_538 = arith.constant 0xFF800000 : f32
    %broadcast_in_dim3A_539 = vector.broadcast %jit3A_538 : f32 to vector<16xf32>
    %select_n3A_540 = arith.select %eq3A_537, %broadcast_in_dim3A_539, %select_n3A_468 : vector<16xi1>, vector<16xf32>
    %eq3A_541 = vector.broadcast %reduce_min3A_520 : i32 to vector<16xi32>
    %eq3A_542 = arith.cmpi eq, %select_n3A_201, %eq3A_541 : vector<16xi32>
    %jit3A_543 = arith.constant 0xFF800000 : f32
    %broadcast_in_dim3A_544 = vector.broadcast %jit3A_543 : f32 to vector<16xf32>
    %select_n3A_545 = arith.select %eq3A_542, %broadcast_in_dim3A_544, %select_n3A_473 : vector<16xi1>, vector<16xf32>
    %broadcast_in_dim3A_546 = vector.broadcast %reduce_min3A_520 : i32 to vector<16xi32>
    %gather3A_547 = tpu.vector_load_idx %arg12[%broadcast_in_dim3A_546] : memref<80xi32, #tpu.memory_space<vmem>>[vector<16xi32>], vector<16xi32>,
    %eq3A_548 = arith.constant 4 : i32
    %eq3A_549 = vector.broadcast %eq3A_548 : i32 to vector<16xi32>
    %eq3A_550 = arith.cmpi eq, %iota3A, %eq3A_549 : vector<16xi32>
    %broadcast_in_dim3A_551 = vector.broadcast %reduce_max3A_507 : f32 to vector<16xf32>
    %select_n3A_552 = arith.select %eq3A_550, %broadcast_in_dim3A_551, %select_n3A_480 : vector<16xi1>, vector<16xf32>
    %eq3A_553 = arith.constant 4 : i32
    %eq3A_554 = vector.broadcast %eq3A_553 : i32 to vector<16xi32>
    %eq3A_555 = arith.cmpi eq, %iota3A, %eq3A_554 : vector<16xi32>
    %select_n3A_556 = arith.select %eq3A_555, %gather3A_547, %select_n3A_484 : vector<16xi1>, vector<16xi32>
    %eq3A_557 = arith.constant 4 : i32
    %eq3A_558 = vector.broadcast %eq3A_557 : i32 to vector<16xi32>
    %eq3A_559 = arith.cmpi eq, %iota3A, %eq3A_558 : vector<16xi32>
    %shift_right_arithmetic3A_560 = arith.constant 4 : i32
    %shift_right_arithmetic3A_561 = arith.shrsi %reduce_min3A_520, %shift_right_arithmetic3A_560 : i32
    %broadcast_in_dim3A_562 = vector.broadcast %shift_right_arithmetic3A_561 : i32 to vector<16xi32>
    %select_n3A_563 = arith.select %eq3A_559, %broadcast_in_dim3A_562, %select_n3A_491 : vector<16xi1>, vector<16xi32>
    %swap3A_564 = arith.constant 0 : index
    %swap3A_565 = tpu.vector_load %arg13[%swap3A_564] {strides = array<i32>} : memref<48xi32, #tpu.memory_space<vmem>>, vector<16xi32>,
    tpu.vector_store %arg13[%swap3A_564], %select_n3A_556 {strides = array<i32>} : memref<48xi32, #tpu.memory_space<vmem>>, vector<16xi32>,
    %bitcast3A = vector.bitcast %select_n3A_552 : vector<16xf32> to vector<16xi32>
    %swap3A_566 = arith.constant 16 : index
    %swap3A_567 = tpu.vector_load %arg13[%swap3A_566] {strides = array<i32>} : memref<48xi32, #tpu.memory_space<vmem>>, vector<16xi32>,
    tpu.vector_store %arg13[%swap3A_566], %bitcast3A {strides = array<i32>} : memref<48xi32, #tpu.memory_space<vmem>>, vector<16xi32>,
    %swap3A_568 = arith.constant 32 : index
    %swap3A_569 = tpu.vector_load %arg13[%swap3A_568] {strides = array<i32>} : memref<48xi32, #tpu.memory_space<vmem>>, vector<16xi32>,
    tpu.vector_store %arg13[%swap3A_568], %select_n3A_563 {strides = array<i32>} : memref<48xi32, #tpu.memory_space<vmem>>, vector<16xi32>,
    %dma_start3A_570 = arith.constant 0 : i32
    %dma_start3A_571 = tpu.memref_slice %arg4[%add3A, %dma_start3A_570] : memref<32x48xi32, #tpu.memory_space<hbm>> -> memref<1x48xi32, #tpu.memory_space<hbm>>
    %dma_start3A_572 = tpu.memref_squeeze %dma_start3A_571 : memref<1x48xi32, #tpu.memory_space<hbm>> -> memref<48xi32, #tpu.memory_space<hbm>>
    %dma_start3A_573 = arith.constant 0 : i32
    %dma_start3A_574 = tpu.memref_slice %arg4[%add3A, %dma_start3A_573] : memref<32x48xi32, #tpu.memory_space<hbm>> -> memref<1x48xi32, #tpu.memory_space<hbm>>
    %dma_start3A_575 = tpu.memref_squeeze %dma_start3A_574 : memref<1x48xi32, #tpu.memory_space<hbm>> -> memref<48xi32, #tpu.memory_space<hbm>>
    tpu.enqueue_dma source(%arg13 : memref<48xi32, #tpu.memory_space<vmem>>) target(%dma_start3A_575 : memref<48xi32, #tpu.memory_space<hbm>>) target_semaphore(%arg18 : memref<!tpu.dma_semaphore, #tpu.memory_space<semaphore_mem>>)
    %dma_wait3A = arith.constant 0 : i32
    %dma_wait3A_576 = tpu.memref_slice %arg4[%add3A, %dma_wait3A] : memref<32x48xi32, #tpu.memory_space<hbm>> -> memref<1x48xi32, #tpu.memory_space<hbm>>
    %dma_wait3A_577 = tpu.memref_squeeze %dma_wait3A_576 : memref<1x48xi32, #tpu.memory_space<hbm>> -> memref<48xi32, #tpu.memory_space<hbm>>
    %dma_wait3A_578 = arith.constant 0 : i32
    %dma_wait3A_579 = tpu.memref_slice %arg4[%add3A, %dma_wait3A_578] : memref<32x48xi32, #tpu.memory_space<hbm>> -> memref<1x48xi32, #tpu.memory_space<hbm>>
    %dma_wait3A_580 = tpu.memref_squeeze %dma_wait3A_579 : memref<1x48xi32, #tpu.memory_space<hbm>> -> memref<48xi32, #tpu.memory_space<hbm>>
    tpu.wait_dma2 semaphore(%arg18 : memref<!tpu.dma_semaphore, #tpu.memory_space<semaphore_mem>>) src(%arg13 : memref<48xi32, #tpu.memory_space<vmem>>) dst(%dma_wait3A_580 : memref<48xi32, #tpu.memory_space<hbm>>)
    return
  }
}

</mosaic_0001>

<sc_bundles>
// kernel: kernel.3.cloned.1.call-start
scs
__scs_entry_jumppad:
0x0: {  	(pc) =	sbr.rel $0x88, $3  }
0x1: {  	(tag) =	ssettag $0x0;
	lr =	simm.s32 $0x1  }
0x2: {  	[smem:$0x3F9E] =	sst lr;
	_ =	strace $0xD0000000  }
0x3: {  	_ = 	snop  }
0x4: {  	_ = 	snop  }
0x5: {  	_ = 	snop  }
0x6: {  	_ = 	snop  }
0x7: {  	_ = 	snop  }
__scs_overlays_trampoline_lowered:
0x8: {  	[smem:$0x3FAD] =	sst s0  }
0x9: {  	[smem:$0x3FAE] =	sst s1  }
0xa: {  	[smem:$0x3FAF] =	sst s2  }
0xb: {  	[smem:$0x3FB0] =	sst s3  }
0xc: {  	[smem:$0x3FB1] =	sst s4  }
0xd: {  	[smem:$0x3FB2] =	sst s5  }
0xe: {  	[smem:$0x3FB3] =	sst s6  }
0xf: {  	[smem:$0x3FB4] =	sst s7  }
0x10: {  	[smem:$0x3FB5] =	sst s8  }
0x11: {  	[smem:$0x3FB6] =	sst s9;
	s0 =	simm.s32 @!p0 $0x0  }
0x12: {  	s1 =	sld [smem:$0x3F9C];
	s0 =	simm.s32 @p0 $0x1  }
0x13: {  	[smem:$0x3FB7] =	sst s0;
	s0 =	simm.s32 @!p1 $0x0  }
0x14: {  	s2 =	sld [smem:$0x3F9B];
	s0 =	simm.s32 @p1 $0x1  }
0x15: {  	[smem:$0x3FB8] =	sst s0;
	s0 =	simm.s32 @!p2 $0x0  }
0x16: {  	s3 =	sld [smem:$0x3FDB];
	s0 =	simm.s32 @p2 $0x1  }
0x17: {  	s4 =	simm.s32 $0x1BF5;
	[smem:$0x3FBA] =	sst s0  }
0x18: {  	s0 =	sld [smem:$0x3F9D];
	_ =	swait.ge [sflag:s4], $0x0  }
0x19: {  	s7 =	sld [smem:$0x3F9E]  }
0x1a: {  	s8 =	sadd.s32 $0xFFFFE003, lr  }
0x1b: {  	s9 =	sadd.s32 $0xFFFFFEF7, lr;
	s5 =	simm.s32 $0xFFFFFFFF;
	p2 =	slt.u32 s8, $0xFFFFF086  }
0x1c: {  	p1 =	slt.u32 s9, $0xF7A;
	s5 =	simm.s32 @!p2 $0x0  }
0x1d: {  	s5 =	simm.s32 @p1 $0x1;
	p0 =	seq.s32 s7, s2  }
0x1e: {  	s7 =	smul.u32 @!p0 $0xF7A, s2;
	p2 =	seq.s32 @!p0 s5, $0x0  }
0x1f: {  	s9 =	smul.u32 $0xF7A, s1;
	s8 =	simm.s32 @!p0 $0x1BF5;
	p2 =	por !p2, p0  }
0x20: {  	[sflag:s8] =	ssyncset.s32 @!p0 $0xFFFFF086;
	s6 =	sadd.s32 @!p0 s3, s7;
	s7 =	simm.s32 @!p0 $0x108  }
0x21: {  	s3 =	sadd.s32 s3, s9;
	s6 =	sadd.s32 @!p0 $0x88, s6;
	s7 =	simm.s32 @p2 $0x1082  }
0x22: {  	[simem:s7], [sflag:s8] =	dma.local @!p0 [hbm:s6], $0xF7A  }
0x23: {  	s9 =	sor.u32 $0xD0000000, s2;
	s6 =	simm.s32 $0x108;
	_ =	swait.ge @!p0 [sflag:s8], $0x0  }
0x24: {  	s3 =	sadd.s32 $0x88, s3;
	s6 =	simm.s32 @!p1 $0x1082;
	[sflag:s4] =	ssyncset.s32 $0xFFFFF086  }
0x25: {  	[simem:s6], [sflag:s4] =	dma.local [hbm:s3], $0xF7A  }
0x26: {  	[smem:$0x3F9E] =	sst s1;
	(tag) =	ssettag s2;
	_ =	strace s9  }
0x27: {  	s1 =	sld [smem:$0x3FAE]  }
0x28: {  	s2 =	sld [smem:$0x3FAF]  }
0x29: {  	s4 =	sld [smem:$0x3FB1]  }
0x2a: {  	p0 =	seq.s32 s5, $0x0;
	s5 =	sld [smem:$0x3FB2]  }
0x2b: {  	s6 =	sld [smem:$0x3FB3]  }
0x2c: {  	s7 =	sld [smem:$0x3FB4]  }
0x2d: {  	s3 =	simm.s32 $0x108;
	s8 =	sld [smem:$0x3FB5]  }
0x2e: {  	s3 =	simm.s32 @!p0 $0x1082;
	s9 =	sld [smem:$0x3FB6]  }
0x2f: {  	lr =	sadd.s32 s0, s3;
	s0 =	sld [smem:$0x3FAD]  }
0x30: {  	s3 =	sld [smem:$0x3FB0]  }
0x31: {  	[smem:$0x3FB9] =	sst s10  }
0x32: {  	s10 =	sld [smem:$0x3FB7];
	_ =	sdelay $0x3  }
0x33: {  	p0 =	seq.s32 s10, $0x1;
	s10 =	sld [smem:$0x3FB9];
	_ =	sdelay $0x3  }
0x34: {  	[smem:$0x3FB9] =	sst s10  }
0x35: {  	s10 =	sld [smem:$0x3FB8];
	_ =	sdelay $0x3  }
0x36: {  	p1 =	seq.s32 s10, $0x1;
	s10 =	sld [smem:$0x3FB9];
	_ =	sdelay $0x3  }
0x37: {  	[smem:$0x3FB9] =	sst s10  }
0x38: {  	s10 =	sld [smem:$0x3FBA]  }
0x39: {  	_ = 	snop;
	(pc) =	sbr.ind lr, $3  }
0x3a: {  	_ = 	snop  }
0x3b: {  	_ = 	snop  }
0x3c: {  	p2 =	seq.s32 s10, $0x1;
	s10 =	sld [smem:$0x3FB9]  }
0x3d: {  	_ =	shalt  }
0x3e: {  	_ =	shalt  }
0x3f: {  	_ =	shalt  }
0x40: {  	_ =	shalt  }
0x41: {  	_ =	shalt  }
0x42: {  	_ =	shalt  }
0x43: {  	_ =	shalt  }
0x44: {  	_ =	shalt  }
0x45: {  	_ =	shalt  }
0x46: {  	_ =	shalt  }
0x47: {  	_ =	shalt  }
0x48: {  	_ =	shalt  }
0x49: {  	_ =	shalt  }
0x4a: {  	_ =	shalt  }
0x4b: {  	_ =	shalt  }
0x4c: {  	_ =	shalt  }
0x4d: {  	_ =	shalt  }
0x4e: {  	_ =	shalt  }
0x4f: {  	_ =	shalt  }
0x50: {  	_ =	shalt  }
0x51: {  	_ =	shalt  }
0x52: {  	_ =	shalt  }
0x53: {  	_ =	shalt  }
0x54: {  	_ =	shalt  }
0x55: {  	_ =	shalt  }
0x56: {  	_ =	shalt  }
0x57: {  	_ =	shalt  }
0x58: {  	_ =	shalt  }
0x59: {  	_ =	shalt  }
0x5a: {  	_ =	shalt  }
0x5b: {  	_ =	shalt  }
0x5c: {  	_ =	shalt  }
0x5d: {  	_ =	shalt  }
0x5e: {  	_ =	shalt  }
0x5f: {  	_ =	shalt  }
0x60: {  	_ =	shalt  }
0x61: {  	_ =	shalt  }
0x62: {  	_ =	shalt  }
0x63: {  	_ =	shalt  }
0x64: {  	_ =	shalt  }
0x65: {  	_ =	shalt  }
0x66: {  	_ =	shalt  }
0x67: {  	_ =	shalt  }
0x68: {  	_ =	shalt  }
0x69: {  	_ =	shalt  }
0x6a: {  	_ =	shalt  }
0x6b: {  	_ =	shalt  }
0x6c: {  	_ =	shalt  }
0x6d: {  	_ =	shalt  }
0x6e: {  	_ =	shalt  }
0x6f: {  	_ =	shalt  }
0x70: {  	_ =	shalt  }
0x71: {  	_ =	shalt  }
0x72: {  	_ =	shalt  }
0x73: {  	_ =	shalt  }
0x74: {  	_ =	shalt  }
0x75: {  	_ =	shalt  }
0x76: {  	_ =	shalt  }
0x77: {  	_ =	shalt  }
0x78: {  	_ =	shalt  }
0x79: {  	_ =	shalt  }
0x7a: {  	_ =	shalt  }
0x7b: {  	_ =	shalt  }
0x7c: {  	_ =	shalt  }
0x7d: {  	_ =	shalt  }
0x7e: {  	_ =	shalt  }
0x7f: {  	_ =	shalt  }
0x80: {  	_ =	shalt  }
0x81: {  	_ =	shalt  }
0x82: {  	_ =	shalt  }
0x83: {  	_ =	shalt  }
0x84: {  	_ =	shalt  }
0x85: {  	_ =	shalt  }
0x86: {  	_ =	shalt  }
0x87: {  	_ =	shalt  }
.Lfunc_end0:
.L_simem_size_0:
called_computation_lowered:
.L_overlay_start_0:
0x88: {  	s2 =	sld [smem:$0x3FD9]  }
0x89: {  	s3 =	sld [smem:$0x3FFE];
	_ =	sdelay $0x1  }
0x8a: {  	s1 =	srdreg.scid  }
0x8b: {  	s0 =	sand.u32 $0x1, s1  }
0x8c: {  	s17 =	sshll.u32 s0, $0xA;
	s2 =	sadd.s32 s3, s2  }
0x8d: {  	s2 =	sadd.s32 s2, s17  }
0x8e: {  	[smem:$0x3FC5] =	sst s2  }
0x8f: {  	_ = 	snop  }
0x90: {  	s2 =	sld [smem:$0x3FC9];
	(tm) =	ssettm $0x1  }
0x91: {  	s18 =	sld [smem:$0x3FFB];
	_ =	sdelay $0x3  }
0x92: {  	_ =	strace s18  }
0x93: {  	s3 =	sld [smem:$0x3FFC];
	_ =	sdelay $0x3  }
0x94: {  	_ =	strace s3  }
0x95: {  	s3 =	sld [smem:$0x3FFD];
	_ =	sdelay $0x3  }
0x96: {  	_ =	strace s3  }
0x97: {  	_ =	strace $0x8FFFFFFF  }
0x98: {  	s19 =	sld [smem:$0x3FDB];
	_ =	sdelay $0x1  }
0x99: {  	s4 =	simm.s32 $_scs_section_size  }
0x9a: {  	s5 =	simm.s32 $_size__tile_overlayer_lowered;
	s6 =	simm.s32 $_tile_overlayer_lowered  }
0x9b: {  	s22 =	simm.s32 $0x1BFF;
	s21 =	sshll.u32 s6, $0x1;
	s3 =	sadd.s32 s4, s19  }
0x9c: {  	s7 =	simm.s32 $0x0;
	s20 =	sshll.u32 s5, $0x1;
	s5 =	sadd.s32 s21, s3  }
0x9d: {  	[timem:s7], [sflag:s22] =	dma.local [hbm:s5], s20  }
0x9e: {  	_ =	swait.ge [sflag:s22], s20  }
0x9f: {  	s4 =	ssub.s32 $0x0, s20;
	[sflag:s22] =	ssyncset.done $0x0  }
0xa0: {  	[sflag:s22] =	ssyncadd.s32 s4;
	_ =	sdelay $0x1  }
0xa1: {  	s23 =	simm.s32 $0x1B8B  }
0xa2: {  	_ =	swait.ge [sflag:s23], $0x1  }
0xa3: {  	[sflag:s23] =	ssyncset.done $0x0  }
0xa4: {  	s25 =	simm.s32 $0x1B8E;
	s24 =	sld [smem:$0x3FFE];
	[sflag:s23] =	ssyncadd.s32 $0xFFFFFFFF  }
0xa5: {  	s26 =	simm.s32 $execute0_lowered;
	[smem:$0x3FD2] =	sst s25  }
0xa6: {  	s5 =	sshll.u32 s26, $0x1;
	_ =	strace $0x80000046;
	[dreg:$0x1] =	wrdreg $0xFFFFFFFF  }
0xa7: {  	s28 =	simm.s32 $_size_execute0_lowered;
	s3 =	sadd.s32 s3, s5;
	[dreg:$0x0] =	wrdreg $0x0  }
0xa8: {  	s5 =	sshll.u32 s28, $0x1;
	[dreg:$0x2] =	wrdreg s3  }
0xa9: {  	[dreg:$0x3] =	wrdreg s5  }
0xaa: {  	[dreg:$0x4] =	wrdreg $0xC0  }
0xab: {  	_ =	task [dreg:s7], $0x5FFFF  }
0xac: {  	[dreg:$0x1] =	wrdreg $0xFFFFFFFF  }
0xad: {  	[dreg:$0x0] =	wrdreg $0x60  }
0xae: {  	[dreg:$0x2] =	wrdreg s2  }
0xaf: {  	[dreg:$0x3] =	wrdreg s24  }
0xb0: {  	[dreg:$0x4] =	wrdreg $0x9  }
0xb1: {  	_ =	task.clear_ibuf [dreg:s7], $0x5FFFF;
	_ =	strace $0x90000046  }
0xb2: {  	s29 =	simm.s32 $0x9;
	_ =	strace $0x80000048  }
0xb3: {  	_ =	swait.ge [sflag:s29], $0x1  }
0xb4: {  	[sflag:s29] =	ssyncadd.s32 $0xFFFFFFFF  }
0xb5: {  	_ =	strace $0x90000048  }
0xb6: {  	_ =	sfence  }
0xb7: {  	s30 =	sld [smem:$0x0];
	_ =	sdelay $0x2  }
0xb8: {  	s31 =	sshll.u32 s1, $0xD;
	s1 =	sshrl.u32 s1, $0x2  }
0xb9: {  	s3 =	sand.u32 $0x4000, s31;
	s1 =	sadd.s32 s1, s30  }
0xba: {  	s0 =	sor.u32 s3, s0;
	s1 =	sshll.u32 s1, $0x11  }
0xbb: {  	s0 =	sor.u32 s1, s0  }
0xbc: {  	s0 =	sadd.s32 $0x8F2B, s0  }
0xbd: {  	[sflag:s0] =	ssyncadd.remote.s32 $0x1  }
0xbe: {  	_ =	sfence.sel $0xFFFF  }
0xbf: {  	[dreg:$0x0] =	wrdreg $0xFFFFFFFF;
	(pc) =	sbr.abs _section_cstart, $3  }
0xc0: {  	[dreg:$0x1] =	wrdreg $0xFFFFFFFF  }
0xc1: {  	_ =	task.clear_ibuf [dreg:s7], $0x2FFFF;
	_ =	strace $0x9FFFFFFF  }
0xc2: {  	(tm) =	ssettm $0x7FFFFFFF  }
0xc3: {  	_ =	shalt  }
tec
execute0_lowered:
.L_overlay_start_1:
0x0: {  	(tag) =	ssettag $0x1  }
0x1: {  	s1 =	rddreg [dreg:$0x0]  }
0x2: {  	s0 =	rddreg [dreg:$0x1];
	s3 =	simm.s32 $0x0  }
0x3: {  	s2 =	srdreg.scid;
	[smem:$0x7FF] =	sst s3;
	s5 =	sadd.s32 $0x600, s0  }
0x4: {  	s18 =	sadd.s32 $0x800, s1;
	_ =	strace $0x80000047;
	[dreg:$0x3] =	wrdreg s5  }
0x5: {  	s4 =	stileid.u32;
	s19 =	sadd.s32 $0x1000, s1;
	[dreg:$0x5] =	wrdreg s18  }
0x6: {  	s30 =	simm.s32 $0x6;
	s20 =	sadd.s32 $0x1800, s1;
	[dreg:$0x6] =	wrdreg s19  }
0x7: {  	s31 =	simm.s32 $0x1;
	s21 =	sadd.s32 $0x2000, s1;
	[dreg:$0x7] =	wrdreg s20  }
0x8: {  	s2 =	sand.u32 $0x1, s2;
	s22 =	sadd.s32 $0x2800, s1;
	[dreg:$0x8] =	wrdreg s21  }
0x9: {  	s4 =	sshll.u32 s4, $0x1;
	s23 =	sadd.s32 $0x3000, s1;
	[dreg:$0x9] =	wrdreg s22  }
0xa: {  	s24 =	sadd.s32 $0x3800, s1;
	s25 =	sadd.s32 $0x4000, s1;
	[dreg:$0xa] =	wrdreg s23  }
0xb: {  	s26 =	sadd.s32 $0x4800, s1;
	s15 =	sadd.s32 $0x4E00, s1;
	[dreg:$0xb] =	wrdreg s24  }
0xc: {  	v1 =	vimm.s32 $0xFEDCBA98;
	v2 =	vimm.s32 $0x76543102;
	s16 =	sadd.s32 $0x9C00, s1;
	s28 =	sadd.s32 $0x18600, s1;
	[dreg:$0xc] =	wrdreg s25  }
0xd: {  	v4 =	vunpack.c.l.s4.s8 v1;
	v5 =	vunpack.c.l.s4.s8 v2;
	s4 =	sor.u32 s2, s4;
	s2 =	ssub.s32 $0x2, s2;
	[dreg:$0xd] =	wrdreg s26  }
0xe: {  	v0 =	vlaneseq.u32;
	vm0 =	vmmov $0xffff;
	s18 =	sadd.s32 $0x13800, s1;
	s17 =	sshll.u32 s4, $0x4;
	s4 =	smul.u32 $0x5, s4  }
.Ltmp0:
0xf: {  	v6 =	vimm.s32 $0x0;
	[dreg:$0xe] =	wrdreg s28;
	s6 =	sshrl.u32 s2, $0x1;
	v4 =	vunpack.c.0.s8.s32 v4;
	v5 =	vunpack.c.0.s8.s32 v5;
	(pc) =	sbr.rel .LBB2_1-.Ltmp0, $4  }
0x10: {  	vm14 =	vmmov $0xfff;
	vm15 =	vcmask $0x300;
	v6 =	vsel vm0, $0xFFFFFFFF, v6;
	s20 =	simm.s32 $0x4;
	s0 =	sadd.s32 s17, s0;
	s2 =	ssub.s32 s2, s6  }
0x11: {  	v2 =	vimm.s32 $0x0;
	[tilespmem:$0x1FFE0] =	vst v6;
	v6 =	vimm.s32 $0x0;
	s17 =	sadd.s32 $0xEA00, s1;
	s0 =	sadd.s32 $0x1000, s0;
	[dreg:$0x4] =	wrdreg s4;
	v5 =	vcombine.low v5, v4  }
0x12: {  	v3 =	vmul.u32 $0x8, v0;
	v6 =	vsel vm14, $0xFFFFFFFF, v6;
	s6 =	simm.s32 $0x0;
	s29 =	smax.u32 s2, $0x1;
	v4 =	vimm.f32 $-Inf;
	[dreg:$0xf] =	wrdreg s0  }
0x13: {  	[tilespmem:$0x1FFF0] =	vst v6;
	v1 =	vmov s4;
	s2 =	simm.s32 $0x3;
	[dreg:$0x10] =	wrdreg s29;
	s0 =	simm.s32 $0x2;
	v4 =	vsel vm15, $0x0, v4;
	v5 =	vand.u32 $0xF, v5  }
.LBB2_31:
0x14: {  	v6 =	vld [tilespmem:$0xF500];
	_ =	sdelay $0x2  }
0x15: {  	v7 =	vld [tilespmem:$0xF510];
	_ =	sdelay $0x1  }
0x16: {  	vm0 =	vlt.f32 v6, $-Inf;
	vm1 =	vgt.f32 v6, $-Inf  }
0x17: {  	v8 =	vld [tilespmem:$0xF520];
	vm0 =	vmor vm1, vm0  }
0x18: {  	v6 =	vnsel vm0, $0xFF800000, v6  }
0x19: {  	v10 =	vld [tilespmem:$0xF530];
	vm15 =	vgt.f32 v7, v6  }
0x1a: {  	v9 =	vsel vm15, v6, v7  }
0x1b: {  	v6 =	vsel vm15, v7, v6;
	vm4 =	vlt.f32 v9, $-Inf;
	vm2 =	vgt.f32 v9, $-Inf  }
0x1c: {  	v23 =	vld [tilespmem:$0xF540];
	v7 =	vimm.s32 $0x0;
	vm9 =	vgt.f32 v8, v6;
	vm1 =	vmor vm2, vm4  }
0x1d: {  	v22 =	vsel vm9, v6, v8;
	v6 =	vsel vm9, v8, v6;
	v7 =	vsel vm1, $0xFFFFFFFF, v7  }
0x1e: {  	vm14 =	vgt.f32 v10, v6;
	[tilespmem:$0x1FF80] =	vst v7;
	v7 =	vnsel vm1, $0xFF800000, v9  }
0x1f: {  	v24 =	vsel vm14, v6, v10;
	vm13 =	vgt.f32 v22, v7  }
0x20: {  	v6 =	vsel vm14, v10, v6;
	v12 =	vsel vm13, v22, v7;
	v7 =	vsel vm13, v7, v22  }
0x21: {  	vm8 =	vgt.f32 v23, v6;
	vm5 =	vlt.f32 v7, $-Inf;
	vm6 =	vgt.f32 v7, $-Inf  }
0x22: {  	v15 =	vsel vm8, v6, v23;
	vm11 =	vgt.f32 v24, v12;
	vm10 =	vmor vm6, vm5  }
0x23: {  	v25 =	vsel vm11, v12, v24;
	v9 =	vsel vm11, v24, v12;
	v7 =	vnsel vm10, $0xFF800000, v7  }
0x24: {  	v11 =	vnsel vm0, $0x0, v0;
	vm3 =	vgt.f32 v15, v9;
	vm4 =	vgt.f32 v25, v7  }
0x25: {  	v16 =	vsel vm8, v23, v6;
	v27 =	vsel vm3, v9, v15;
	v26 =	vsel vm4, v7, v25  }
0x26: {  	v7 =	vsel vm4, v25, v7;
	vm7 =	vlt.f32 v26, $-Inf;
	vm12 =	vgt.f32 v26, $-Inf  }
0x27: {  	v15 =	vsel vm3, v15, v9;
	vm5 =	vmor vm12, vm7;
	vm7 =	vgt.f32 v27, v7  }
0x28: {  	vm2 =	vgt.f32 v15, v16;
	v6 =	vnsel vm5, $0xFF800000, v26;
	v28 =	vsel vm7, v7, v27  }
0x29: {  	v29 =	vsel vm7, v27, v7;
	v7 =	vsel vm2, v15, v16;
	vm6 =	vgt.f32 v28, v6  }
0x2a: {  	vm1 =	vgt.f32 v29, v7;
	v17 =	vsel vm6, v28, v6;
	v6 =	vsel vm6, v6, v28  }
0x2b: {  	v7 =	vsel vm1, v29, v7;
	vm0 =	vlt.f32 v6, $-Inf;
	vm12 =	vgt.f32 v6, $-Inf  }
0x2c: {  	vm0 =	vmor vm12, vm0;
	vm12 =	vgt.f32 v17, v7  }
0x2d: {  	v32 =	vnsel vm0, $0xFF800000, v6;
	v6 =	vsel vm12, v17, v7;
	v7 =	vld [tilespmem:$0x1FF80];
	_ =	sdelay $0x3  }
0x2e: {  	v13 =	vor.u32 $0x10, v0;
	v31 =	vor.u32 $0x20, v0  }
0x2f: {  	v14 =	vsel vm15, v13, v11;
	v30 =	vsel vm15, v11, v13;
	vm15 =	vnez.u8 v7  }
0x30: {  	v34 =	vor.u32 $0x30, v0;
	v7 =	vnsel vm15, $0x0, v30;
	vm15 =	vgt.f32 v32, v6  }
0x31: {  	v39 =	vor.u32 $0x40, v0;
	v33 =	vsel vm9, v31, v14;
	v35 =	vsel vm15, v32, v6  }
0x32: {  	v36 =	vsel vm14, v33, v34;
	v8 =	vsel vm14, v34, v33;
	v9 =	vsel vm9, v14, v31;
	(xrf0) =	vmax.scan.msk.f32 $0xffff, v35  }
0x33: {  	v40 =	vsel vm8, v8, v39;
	v6 =	vsel vm13, v9, v7;
	v7 =	vsel vm13, v7, v9  }
0x34: {  	v7 =	vnsel vm10, $0x0, v7;
	v37 =	vsel vm11, v6, v36;
	v6 =	vsel vm11, v36, v6  }
0x35: {  	v38 =	vsel vm4, v7, v37;
	v10 =	vsel vm4, v37, v7;
	v7 =	vsel vm8, v39, v8  }
0x36: {  	v41 =	vsel vm3, v40, v6;
	v6 =	vsel vm3, v6, v40;
	v18 =	vnsel vm5, $0x0, v38  }
0x37: {  	v9 =	vsel vm7, v6, v10;
	v6 =	vsel vm7, v10, v6;
	v11 =	vsel vm2, v41, v7  }
0x38: {  	v10 =	vsel vm6, v6, v18;
	v6 =	vsel vm6, v18, v6;
	v42 =	vsel vm1, v9, v11;
	v19, _, _ =	vpop (xrf0)  }
0x39: {  	v43 =	vnsel vm0, $0x0, v6;
	v18 =	vsel vm12, v10, v42;
	v6 =	vbroadcast v19, $0xF  }
0x3a: {  	v18 =	vsel vm15, v43, v18  }
0x3b: {  	v44 =	vxor.u32 $0x80000000, v18;
	vm6 =	veq.f32 v35, v6  }
0x3c: {  	v14 =	vnsel vm6, $0xFFFFFFFF, v44  }
0x3d: {  	(xrf0) =	vmin.scan.msk.u32 $0xffff, v14;
	_ =	sdelay $0x5  }
0x3e: {  	v14, _, _ =	vpop (xrf0)  }
0x3f: {  	(v2sf) =	vpush v14, $0xF;
	_ =	sdelay $0xe  }
0x40: {  	s4 =	spop (v2sf)  }
0x41: {  	s4 =	sxor.u32 $0x80000000, s4  }
0x42: {  	vm7 =	veq.s32 v7, s4;
	vm8 =	veq.s32 v41, s4  }
0x43: {  	v45 =	vsel vm7, $0xFF800000, v16;
	v15 =	vsel vm8, $0xFF800000, v15  }
0x44: {  	vm9 =	veq.s32 v9, s4;
	vm1 =	vgt.f32 v15, v45  }
0x45: {  	v12 =	vsel vm9, $0xFF800000, v29;
	v16 =	vsel vm1, v15, v45  }
0x46: {  	vm10 =	veq.s32 v10, s4;
	vm11 =	vgt.f32 v12, v16  }
0x47: {  	v17 =	vsel vm10, $0xFF800000, v17;
	v16 =	vsel vm11, v12, v16  }
0x48: {  	vm12 =	veq.s32 v43, s4;
	vm13 =	vgt.f32 v17, v16  }
0x49: {  	v13 =	vsel vm12, $0xFF800000, v32;
	v16 =	vsel vm13, v17, v16  }
0x4a: {  	vm0 =	vgt.f32 v13, v16  }
0x4b: {  	v16 =	vsel vm0, v13, v16  }
0x4c: {  	(xrf0) =	vmax.scan.msk.f32 $0xffff, v16;
	_ =	sdelay $0x4  }
0x4d: {  	v46 =	vsel vm1, v41, v7  }
0x4e: {  	v18 =	vsel vm11, v9, v46;
	v47, _, _ =	vpop (xrf0)  }
0x4f: {  	v18 =	vsel vm13, v10, v18;
	v19 =	vbroadcast v47, $0xF  }
0x50: {  	v18 =	vsel vm0, v43, v18  }
0x51: {  	v48 =	vxor.u32 $0x80000000, v18;
	vm14 =	veq.f32 v16, v19  }
0x52: {  	v16 =	vnsel vm14, $0xFFFFFFFF, v48  }
0x53: {  	(xrf0) =	vmin.scan.msk.u32 $0xffff, v16;
	_ =	sdelay $0x5  }
0x54: {  	v16, _, _ =	vpop (xrf0)  }
0x55: {  	(v2sf) =	vpush v16, $0xF;
	_ =	sdelay $0xe  }
0x56: {  	s5 =	spop (v2sf)  }
0x57: {  	s5 =	sxor.u32 $0x80000000, s5  }
0x58: {  	vm15 =	veq.s32 v7, s5;
	vm4 =	veq.s32 v41, s5  }
0x59: {  	v14 =	vsel vm15, $0xFF800000, v45;
	v15 =	vsel vm4, $0xFF800000, v15  }
0x5a: {  	vm5 =	veq.s32 v9, s5;
	vm1 =	vgt.f32 v15, v14  }
0x5b: {  	v12 =	vsel vm5, $0xFF800000, v12;
	v49 =	vsel vm1, v15, v14  }
0x5c: {  	vm6 =	veq.s32 v10, s5;
	vm7 =	vgt.f32 v12, v49  }
0x5d: {  	v17 =	vsel vm6, $0xFF800000, v17;
	v16 =	vsel vm7, v12, v49  }
0x5e: {  	vm8 =	veq.s32 v43, s5;
	vm9 =	vgt.f32 v17, v16  }
0x5f: {  	v13 =	vsel vm8, $0xFF800000, v13;
	v16 =	vsel vm9, v17, v16  }
0x60: {  	vm0 =	vgt.f32 v13, v16  }
0x61: {  	v16 =	vsel vm0, v13, v16  }
0x62: {  	(xrf0) =	vmax.scan.msk.f32 $0xffff, v16;
	_ =	sdelay $0x4  }
0x63: {  	v50 =	vsel vm1, v41, v7  }
0x64: {  	v18 =	vsel vm7, v9, v50;
	v20, _, _ =	vpop (xrf0)  }
0x65: {  	v18 =	vsel vm9, v10, v18;
	v20 =	vbroadcast v20, $0xF  }
0x66: {  	v18 =	vsel vm0, v43, v18  }
0x67: {  	v51 =	vxor.u32 $0x80000000, v18;
	vm10 =	veq.f32 v16, v20  }
0x68: {  	v16 =	vnsel vm10, $0xFFFFFFFF, v51  }
0x69: {  	(xrf0) =	vmin.scan.msk.u32 $0xffff, v16;
	_ =	sdelay $0x5  }
0x6a: {  	v16, _, _ =	vpop (xrf0)  }
0x6b: {  	(v2sf) =	vpush v16, $0xF;
	_ =	sdelay $0xe  }
0x6c: {  	s6 =	spop (v2sf)  }
0x6d: {  	s6 =	sxor.u32 $0x80000000, s6  }
0x6e: {  	vm11 =	veq.s32 v7, s6;
	vm12 =	veq.s32 v41, s6  }
0x6f: {  	v14 =	vsel vm11, $0xFF800000, v14;
	v15 =	vsel vm12, $0xFF800000, v15  }
0x70: {  	vm13 =	veq.s32 v9, s6;
	vm1 =	vgt.f32 v15, v14  }
0x71: {  	v12 =	vsel vm13, $0xFF800000, v12;
	v52 =	vsel vm1, v15, v14  }
0x72: {  	vm14 =	veq.s32 v10, s6;
	vm15 =	vgt.f32 v12, v52  }
0x73: {  	v17 =	vsel vm14, $0xFF800000, v17;
	v16 =	vsel vm15, v12, v52  }
0x74: {  	vm6 =	veq.s32 v43, s6;
	vm7 =	vgt.f32 v17, v16  }
0x75: {  	v13 =	vsel vm6, $0xFF800000, v13;
	v16 =	vsel vm7, v17, v16  }
0x76: {  	vm0 =	vgt.f32 v13, v16  }
0x77: {  	v16 =	vsel vm0, v13, v16  }
0x78: {  	(xrf0) =	vmax.scan.msk.f32 $0xffff, v16;
	_ =	sdelay $0x4  }
0x79: {  	v53 =	vsel vm1, v41, v7  }
0x7a: {  	v18 =	vsel vm15, v9, v53;
	v21, _, _ =	vpop (xrf0)  }
0x7b: {  	v18 =	vsel vm7, v10, v18;
	v21 =	vbroadcast v21, $0xF  }
0x7c: {  	v18 =	vsel vm0, v43, v18  }
0x7d: {  	v54 =	vxor.u32 $0x80000000, v18;
	vm8 =	veq.f32 v16, v21  }
0x7e: {  	v16 =	vnsel vm8, $0xFFFFFFFF, v54  }
0x7f: {  	(xrf0) =	vmin.scan.msk.u32 $0xffff, v16;
	_ =	sdelay $0x5  }
0x80: {  	v16, _, _ =	vpop (xrf0)  }
0x81: {  	(v2sf) =	vpush v16, $0xF;
	_ =	sdelay $0xe  }
0x82: {  	s7 =	spop (v2sf)  }
0x83: {  	s7 =	sxor.u32 $0x80000000, s7  }
0x84: {  	vm9 =	veq.s32 v7, s7;
	vm10 =	veq.s32 v41, s7  }
0x85: {  	v14 =	vsel vm9, $0xFF800000, v14;
	v15 =	vsel vm10, $0xFF800000, v15  }
0x86: {  	vm11 =	veq.s32 v9, s7;
	vm1 =	vgt.f32 v15, v14  }
0x87: {  	v12 =	vsel vm11, $0xFF800000, v12;
	v14 =	vsel vm1, v15, v14  }
0x88: {  	vm12 =	veq.s32 v10, s7;
	vm13 =	vgt.f32 v12, v14  }
0x89: {  	v55 =	vsel vm12, $0xFF800000, v17;
	v12 =	vsel vm13, v12, v14  }
0x8a: {  	vm14 =	veq.s32 v43, s7;
	vm15 =	vgt.f32 v55, v12  }
0x8b: {  	v13 =	vsel vm14, $0xFF800000, v13;
	v12 =	vsel vm15, v55, v12  }
0x8c: {  	vm0 =	vgt.f32 v13, v12  }
0x8d: {  	v12 =	vsel vm0, v13, v12  }
0x8e: {  	(xrf0) =	vmax.scan.msk.f32 $0xffff, v12;
	_ =	sdelay $0x4  }
0x8f: {  	v7 =	vsel vm1, v41, v7  }
0x90: {  	v7 =	vsel vm13, v9, v7;
	v56, _, _ =	vpop (xrf0)  }
0x91: {  	v7 =	vsel vm15, v10, v7;
	v8 =	vbroadcast v56, $0xF  }
0x92: {  	v7 =	vsel vm0, v43, v7  }
0x93: {  	v7 =	vxor.u32 $0x80000000, v7;
	vm5 =	veq.f32 v12, v8  }
0x94: {  	v7 =	vnsel vm5, $0xFFFFFFFF, v7  }
0x95: {  	(xrf0) =	vmin.scan.msk.u32 $0xffff, v7;
	_ =	sdelay $0x5  }
0x96: {  	v7, _, _ =	vpop (xrf0)  }
0x97: {  	(v2sf) =	vpush v7, $0xF;
	_ =	sdelay $0xc  }
0x98: {  	v61 =	vld [tilespmem:$0x1FFD0];
	v7 =	vmov s4  }
0x99: {  	v57 =	vmov s5  }
0x9a: {  	v58 =	vmov s6;
	s8 =	spop (v2sf)  }
0x9b: {  	v59 =	vmov s7;
	s8 =	sxor.u32 $0x80000000, s8  }
0x9c: {  	s9 =	simm.s32 $0xF580;
	v60 =	vmov s8  }
0x9d: {  	vm6 =	vnez.u8 v61;
	v7 =	vld.idx.msk [tilespmem:v7+s9+$0x0], $0xffff  }
0x9e: {  	v6 =	vnsel vm6, $0xFF800000, v6;
	vm7 =	vcmask $0x314;
	v9 =	vld.idx.msk [tilespmem:v57+s9+$0x0], $0xffff  }
0x9f: {  	v6 =	vsel vm7, v6, v19;
	vm8 =	vcmask $0x714;
	v10 =	vld.idx.msk [tilespmem:v58+s9+$0x0], $0xffff  }
0xa0: {  	v6 =	vsel vm8, v6, v20;
	vm9 =	vcmask $0x300;
	v11 =	vld.idx.msk [tilespmem:v59+s9+$0x0], $0xffff  }
0xa1: {  	vm10 =	vcmask $0xB14;
	vm11 =	vcmask $0x704;
	vm12 =	vcmask $0xF14;
	s4 =	sshra.s32 s4, $0x4;
	v12 =	vld.idx.msk [tilespmem:v60+s9+$0x0], $0xffff  }
0xa2: {  	vm14 =	vcmask $0xF0C;
	v62 =	vmov s4;
	v7 =	vnsel vm6, $0x0, v7  }
0xa3: {  	s19 =	sshra.s32 s5, $0x4;
	v6 =	vsel vm10, v6, v21;
	v7 =	vsel vm7, v7, v9;
	v9 =	vnsel vm9, $0x0, v62  }
0xa4: {  	s21 =	sshra.s32 s6, $0x4;
	vm13 =	vcmask $0xB08;
	v7 =	vsel vm8, v7, v10;
	v9 =	vsel vm11, s19, v9  }
0xa5: {  	s22 =	sshra.s32 s7, $0x4;
	v6 =	vsel vm12, v6, v8;
	v7 =	vsel vm10, v7, v11;
	v9 =	vsel vm13, s21, v9  }
0xa6: {  	vm15 =	vcmask $0x1310;
	v63 =	vsel vm14, s22, v9;
	s23 =	sshra.s32 s8, $0x4;
	[tilespmem:$0xF610] =	vst v6;
	v7 =	vsel vm12, v7, v12  }
0xa7: {  	[tilespmem:$0xF600] =	vst v7;
	v7 =	vsel vm15, s23, v63  }
0xa8: {  	s24 =	rddreg [dreg:$0xf];
	s25 =	simm.s32 $0xF600;
	s26 =	simm.s32 $0x5;
	[tilespmem:$0xF620] =	vst v7  }
0xa9: {  	[hbm4b:s24+s3] =	stream.linear.scatter [tilespmem:s25], [sflag:$0x5], $0x80, $0x38;
	[tilespmem:$0xF680] =	vst v63  }
0xaa: {  	_ =	swait.ge [sflag:s26], $0x80  }
0xab: {  	s28 =	rddreg [dreg:$0x11]  }
0xac: {  	s29 =	rddreg [dreg:$0x10];
	s6 =	sadd.s32 $0x1, s28  }
0xad: {  	p0 =	sne.s32 s6, s29  }
.Ltmp1:
0xae: {  	_ = 	snop;
	(pc) =	sbr.rel @!p0 .LBB2_32-.Ltmp1, $3  }
0xaf: {  	_ =	sdelay $0x1  }
0xb0: {  	[sflag:s26] =	ssyncset.done $0x0  }
0xb1: {  	[sflag:s26] =	ssyncadd.s32 $0xFFFFFF80  }
.LBB2_1:
0xb2: {  	[tilespmem:$0xF480] =	vst v1  }
0xb3: {  	v6 =	vld.msk [tilespmem:$0xF480], $0x1;
	_ =	sdelay $0x4  }
0xb4: {  	v7 =	vshrl.u32 v6, $0x3  }
0xb5: {  	v7 =	vmul.u32 $0x1870, v7  }
0xb6: {  	v6 =	vand.u32 $0x7, v6  }
0xb7: {  	v6 =	vor.u32 v6, v7  }
0xb8: {  	v6 =	vperm.xlane v6, v2  }
0xb9: {  	v7 =	vld [tilespmem:$0x1FFE0]  }
0xba: {  	v6 =	vadd.s32 v3, v6;
	_ =	sdelay $0x3  }
0xbb: {  	[dreg:$0x11] =	wrdreg s6;
	vm0 =	vnez.u8 v7  }
0xbc: {  	[tilespmem:s3], [sflag:$0x1] =	stream.indirect_vreg.gather [hbm4b:s1+s3], $0x80, v6, vm0, $0xb8;
	[tilespmem:$0xF680] =	vst v63  }
0xbd: {  	s4 =	rddreg [dreg:$0x5];
	s5 =	simm.s32 $0x800  }
0xbe: {  	[tilespmem:s5], [sflag:$0x1] =	stream.indirect_vreg.gather [hbm4b:s4+s3], $0x80, v6, vm0, $0xb8;
	[tilespmem:$0xF680] =	vst v63  }
0xbf: {  	s21 =	rddreg [dreg:$0x6];
	s22 =	simm.s32 $0x1000  }
0xc0: {  	[tilespmem:s22], [sflag:$0x1] =	stream.indirect_vreg.gather [hbm4b:s21+s3], $0x80, v6, vm0, $0xb8;
	[tilespmem:$0xF680] =	vst v63  }
0xc1: {  	s23 =	rddreg [dreg:$0x7];
	s24 =	simm.s32 $0x1800  }
0xc2: {  	[tilespmem:s24], [sflag:$0x1] =	stream.indirect_vreg.gather [hbm4b:s23+s3], $0x80, v6, vm0, $0xb8;
	[tilespmem:$0xF680] =	vst v63  }
0xc3: {  	s25 =	rddreg [dreg:$0x8];
	s26 =	simm.s32 $0x2000  }
0xc4: {  	[tilespmem:s26], [sflag:$0x1] =	stream.indirect_vreg.gather [hbm4b:s25+s3], $0x80, v6, vm0, $0xb8;
	[tilespmem:$0xF680] =	vst v63  }
0xc5: {  	s28 =	rddreg [dreg:$0x9];
	s29 =	simm.s32 $0x2800  }
0xc6: {  	[tilespmem:s29], [sflag:$0x1] =	stream.indirect_vreg.gather [hbm4b:s28+s3], $0x80, v6, vm0, $0xb8;
	[tilespmem:$0xF680] =	vst v63  }
0xc7: {  	s6 =	simm.s32 $0x3000;
	s5 =	rddreg [dreg:$0xa]  }
0xc8: {  	v7 =	vld [tilespmem:$0x1FFF0];
	[tilespmem:s6], [sflag:$0x1] =	stream.indirect_vreg.gather [hbm4b:s5+s3], $0x80, v6, vm0, $0xb8  }
0xc9: {  	s7 =	rddreg [dreg:$0xb];
	s8 =	simm.s32 $0x3800  }
0xca: {  	[tilespmem:s8], [sflag:$0x1] =	stream.indirect_vreg.gather [hbm4b:s7+s3], $0x80, v6, vm0, $0xb8;
	[tilespmem:$0xF680] =	vst v63  }
0xcb: {  	s9 =	rddreg [dreg:$0xc];
	s10 =	simm.s32 $0x4000  }
0xcc: {  	[tilespmem:s10], [sflag:$0x1] =	stream.indirect_vreg.gather [hbm4b:s9+s3], $0x80, v6, vm0, $0xb8;
	[tilespmem:$0xF680] =	vst v63  }
0xcd: {  	s11 =	rddreg [dreg:$0xd];
	s12 =	simm.s32 $0x4800;
	vm1 =	vnez.u8 v7  }
0xce: {  	[tilespmem:s12], [sflag:$0x1] =	stream.indirect_vreg.gather [hbm4b:s11+s3], $0x80, v6, vm1, $0xb8;
	[tilespmem:$0xF680] =	vst v63  }
0xcf: {  	v6 =	vld.msk [tilespmem:$0xF480], $0x1;
	_ =	sdelay $0x4  }
0xd0: {  	v7 =	vshrl.u32 v6, $0x3  }
0xd1: {  	v7 =	vmul.u32 $0x1870, v7  }
0xd2: {  	v6 =	vand.u32 $0x7, v6  }
0xd3: {  	v6 =	vor.u32 v6, v7  }
0xd4: {  	v6 =	vperm.xlane v6, v2;
	_ =	sdelay $0x1  }
0xd5: {  	v6 =	vadd.s32 v3, v6;
	_ =	sdelay $0x3  }
0xd6: {  	s13 =	simm.s32 $0x4E00  }
0xd7: {  	[tilespmem:s13], [sflag:$0x2] =	stream.indirect_vreg.gather [hbm4b:s15+s3], $0x80, v6, vm0, $0xb8;
	[tilespmem:$0xF680] =	vst v63  }
0xd8: {  	s14 =	sadd.s32 $0x800, s15;
	s19 =	simm.s32 $0x5600  }
0xd9: {  	[tilespmem:s19], [sflag:$0x2] =	stream.indirect_vreg.gather [hbm4b:s14+s3], $0x80, v6, vm0, $0xb8;
	[tilespmem:$0xF680] =	vst v63  }
0xda: {  	s21 =	sadd.s32 $0x1000, s15;
	s22 =	simm.s32 $0x5E00  }
0xdb: {  	[tilespmem:s22], [sflag:$0x2] =	stream.indirect_vreg.gather [hbm4b:s21+s3], $0x80, v6, vm0, $0xb8;
	[tilespmem:$0xF680] =	vst v63  }
0xdc: {  	s23 =	sadd.s32 $0x1800, s15;
	s24 =	simm.s32 $0x6600  }
0xdd: {  	[tilespmem:s24], [sflag:$0x2] =	stream.indirect_vreg.gather [hbm4b:s23+s3], $0x80, v6, vm0, $0xb8;
	[tilespmem:$0xF680] =	vst v63  }
0xde: {  	s25 =	sadd.s32 $0x2000, s15;
	s26 =	simm.s32 $0x6E00  }
0xdf: {  	[tilespmem:s26], [sflag:$0x2] =	stream.indirect_vreg.gather [hbm4b:s25+s3], $0x80, v6, vm0, $0xb8;
	[tilespmem:$0xF680] =	vst v63  }
0xe0: {  	s28 =	sadd.s32 $0x2800, s15;
	s29 =	simm.s32 $0x7600  }
0xe1: {  	[tilespmem:s29], [sflag:$0x2] =	stream.indirect_vreg.gather [hbm4b:s28+s3], $0x80, v6, vm0, $0xb8;
	[tilespmem:$0xF680] =	vst v63  }
0xe2: {  	s4 =	sadd.s32 $0x3000, s15;
	s6 =	simm.s32 $0x7E00  }
0xe3: {  	[tilespmem:s6], [sflag:$0x2] =	stream.indirect_vreg.gather [hbm4b:s4+s3], $0x80, v6, vm0, $0xb8;
	[tilespmem:$0xF680] =	vst v63  }
0xe4: {  	s7 =	sadd.s32 $0x3800, s15;
	s8 =	simm.s32 $0x8600  }
0xe5: {  	[tilespmem:s8], [sflag:$0x2] =	stream.indirect_vreg.gather [hbm4b:s7+s3], $0x80, v6, vm0, $0xb8;
	[tilespmem:$0xF680] =	vst v63  }
0xe6: {  	s9 =	sadd.s32 $0x4000, s15;
	s10 =	simm.s32 $0x8E00  }
0xe7: {  	[tilespmem:s10], [sflag:$0x2] =	stream.indirect_vreg.gather [hbm4b:s9+s3], $0x80, v6, vm0, $0xb8;
	[tilespmem:$0xF680] =	vst v63  }
0xe8: {  	s11 =	sadd.s32 $0x4800, s15;
	s12 =	simm.s32 $0x9600  }
0xe9: {  	[tilespmem:s12], [sflag:$0x2] =	stream.indirect_vreg.gather [hbm4b:s11+s3], $0x80, v6, vm1, $0xb8;
	[tilespmem:$0xF680] =	vst v63  }
0xea: {  	v6 =	vld.msk [tilespmem:$0xF480], $0x1;
	_ =	sdelay $0x4  }
0xeb: {  	v7 =	vshrl.u32 v6, $0x3  }
0xec: {  	v7 =	vmul.u32 $0x1870, v7  }
0xed: {  	v6 =	vand.u32 $0x7, v6  }
0xee: {  	v6 =	vor.u32 v6, v7  }
0xef: {  	v6 =	vperm.xlane v6, v2;
	_ =	sdelay $0x1  }
0xf0: {  	v6 =	vadd.s32 v3, v6;
	_ =	sdelay $0x2  }
0xf1: {  	[dreg:$0x12] =	wrdreg s14  }
0xf2: {  	[dreg:$0x17] =	wrdreg s4;
	s13 =	simm.s32 $0x9C00  }
0xf3: {  	[tilespmem:s13], [sflag:$0x3] =	stream.indirect_vreg.gather [hbm4b:s16+s3], $0x80, v6, vm0, $0xb8;
	[tilespmem:$0xF680] =	vst v63  }
0xf4: {  	[dreg:$0x13] =	wrdreg s21;
	s14 =	sadd.s32 $0x800, s16;
	s19 =	simm.s32 $0xA400  }
0xf5: {  	[tilespmem:s19], [sflag:$0x3] =	stream.indirect_vreg.gather [hbm4b:s14+s3], $0x80, v6, vm0, $0xb8;
	[tilespmem:$0xF680] =	vst v63  }
0xf6: {  	[dreg:$0x14] =	wrdreg s23;
	s21 =	simm.s32 $0xAC00;
	s19 =	sadd.s32 $0x1000, s16  }
0xf7: {  	[tilespmem:s21], [sflag:$0x3] =	stream.indirect_vreg.gather [hbm4b:s19+s3], $0x80, v6, vm0, $0xb8;
	[tilespmem:$0xF680] =	vst v63  }
0xf8: {  	[dreg:$0x15] =	wrdreg s25;
	s22 =	simm.s32 $0xB400;
	s6 =	sadd.s32 $0x1800, s16  }
0xf9: {  	[tilespmem:s22], [sflag:$0x3] =	stream.indirect_vreg.gather [hbm4b:s6+s3], $0x80, v6, vm0, $0xb8;
	[tilespmem:$0xF680] =	vst v63  }
0xfa: {  	[dreg:$0x18] =	wrdreg s7;
	s23 =	simm.s32 $0xBC00;
	s7 =	sadd.s32 $0x2000, s16  }
0xfb: {  	[tilespmem:s23], [sflag:$0x3] =	stream.indirect_vreg.gather [hbm4b:s7+s3], $0x80, v6, vm0, $0xb8;
	[tilespmem:$0xF680] =	vst v63  }
0xfc: {  	[dreg:$0x16] =	wrdreg s28;
	s24 =	simm.s32 $0xC400;
	s8 =	sadd.s32 $0x2800, s16  }
0xfd: {  	[tilespmem:s24], [sflag:$0x3] =	stream.indirect_vreg.gather [hbm4b:s8+s3], $0x80, v6, vm0, $0xb8;
	[tilespmem:$0xF680] =	vst v63  }
0xfe: {  	[dreg:$0x19] =	wrdreg s9;
	s25 =	simm.s32 $0xCC00;
	s9 =	sadd.s32 $0x3000, s16  }
0xff: {  	[tilespmem:s25], [sflag:$0x3] =	stream.indirect_vreg.gather [hbm4b:s9+s3], $0x80, v6, vm0, $0xb8;
	[tilespmem:$0xF680] =	vst v63  }
0x100: {  	[dreg:$0x1a] =	wrdreg s11;
	s26 =	simm.s32 $0xD400;
	s10 =	sadd.s32 $0x3800, s16  }
0x101: {  	[tilespmem:s26], [sflag:$0x3] =	stream.indirect_vreg.gather [hbm4b:s10+s3], $0x80, v6, vm0, $0xb8;
	[tilespmem:$0xF680] =	vst v63  }
0x102: {  	[dreg:$0x1b] =	wrdreg s14;
	s28 =	simm.s32 $0xDC00;
	s11 =	sadd.s32 $0x4000, s16  }
0x103: {  	[tilespmem:s28], [sflag:$0x3] =	stream.indirect_vreg.gather [hbm4b:s11+s3], $0x80, v6, vm0, $0xb8;
	[tilespmem:$0xF680] =	vst v63  }
0x104: {  	s29 =	simm.s32 $0xE400;
	s12 =	sadd.s32 $0x4800, s16;
	s13 =	simm.s32 $0x0  }
0x105: {  	[tilespmem:s29], [sflag:$0x3] =	stream.indirect_vreg.gather [hbm4b:s12+s3], $0x80, v6, vm1, $0xb8;
	[tilespmem:$0xF680] =	vst v63  }
.LBB2_2:
0x106: {  	s14 =	sshll.u32 s13, $0x3  }
0x107: {  	s14 =	sand.u32 $0x8, s14  }
0x108: {  	s4 =	rddreg [dreg:$0x4];
	s21 =	sxor.u32 $0x8, s14  }
0x109: {  	s22 =	sadd.s32 s4, s13;
	v6 =	vmov s21  }
0x10a: {  	s23 =	sadd.s32 $0x1, s22;
	vm0 =	veq.s32 v6, v0;
	v6 =	vmov s22  }
0x10b: {  	s26 =	rddreg [dreg:$0x3];
	s22 =	sshll.u32 s22, $0x4;
	v6 =	vsel vm0, s23, v6  }
0x10c: {  	s28 =	simm.s32 $0x0;
	s29 =	simm.s32 $0xF400;
	s22 =	sadd.s32 s26, s22;
	[tilespmem:$0xF480] =	vst v6  }
0x10d: {  	[tilespmem:s29], [sflag:$0x6] =	stream.linear.gather [hbm4b:s22+s28], $0x80, $0x38;
	[tilespmem:$0xF680] =	vst v63  }
0x10e: {  	_ =	swait.ge [sflag:s30], $0x80  }
0x10f: {  	[sflag:s30] =	ssyncset.done $0x0  }
0x110: {  	[sflag:s30] =	ssyncadd.s32 $0xFFFFFF80  }
0x111: {  	_ =	swait.ge [sflag:s31], $0x4E00  }
0x112: {  	[sflag:s31] =	ssyncset.done $0x0  }
0x113: {  	s24 =	simm.s32 $0x100;
	[sflag:s31] =	ssyncadd.s32 $0xFFFFB200  }
0x114: {  	v6 =	vld [tilespmem:s24+$0xFFFFFF00]  }
0x115: {  	v7 =	vld [tilespmem:s24+$0xFFFFFF10]  }
0x116: {  	v8 =	vld [tilespmem:s24+$0xFFFFFF20]  }
0x117: {  	v9 =	vld [tilespmem:s24+$0xFFFFFF30]  }
0x118: {  	v10 =	vld [tilespmem:s24+$0xFFFFFF40]  }
0x119: {  	v11 =	vld [tilespmem:s24+$0xFFFFFF50]  }
0x11a: {  	v6 =	vmax.f32 v6, v7;
	v7 =	vld [tilespmem:s24+$0xFFFFFF60]  }
0x11b: {  	v6 =	vmax.f32 v6, v8;
	v8 =	vld [tilespmem:s24+$0xFFFFFF70]  }
0x11c: {  	v6 =	vmax.f32 v6, v9;
	v9 =	vld [tilespmem:s24+$0xFFFFFF80]  }
0x11d: {  	v6 =	vmax.f32 v6, v10;
	v10 =	vld [tilespmem:s24+$0xFFFFFF90]  }
0x11e: {  	v6 =	vmax.f32 v6, v11;
	v11 =	vld [tilespmem:s24+$0xFFFFFFA0]  }
0x11f: {  	v6 =	vmax.f32 v6, v7;
	v7 =	vld [tilespmem:s24+$0xFFFFFFB0]  }
0x120: {  	v6 =	vmax.f32 v6, v8;
	v8 =	vld [tilespmem:s24+$0xFFFFFFC0]  }
0x121: {  	v6 =	vmax.f32 v6, v9;
	v9 =	vld [tilespmem:s24+$0xFFFFFFD0]  }
0x122: {  	v12 =	vld [tilespmem:s24+$0xFFFFFFE0];
	v6 =	vmax.f32 v6, v10  }
0x123: {  	v10 =	vld [tilespmem:s24+$0xFFFFFFF0];
	v6 =	vmax.f32 v6, v11  }
0x124: {  	v6 =	vmax.f32 v6, v7;
	v7 =	vld [tilespmem:s24+$0x0]  }
0x125: {  	v6 =	vmax.f32 v6, v8;
	v8 =	vld [tilespmem:s24+$0x10]  }
0x126: {  	v6 =	vmax.f32 v6, v9;
	v9 =	vld [tilespmem:s24+$0x20]  }
0x127: {  	v11 =	vld [tilespmem:s24+$0x30];
	v6 =	vmax.f32 v6, v12  }
0x128: {  	v6 =	vmax.f32 v6, v10;
	v10 =	vld [tilespmem:s24+$0x40]  }
0x129: {  	v6 =	vmax.f32 v6, v7;
	v7 =	vld [tilespmem:s24+$0x50]  }
0x12a: {  	v6 =	vmax.f32 v6, v8;
	v8 =	vld [tilespmem:s24+$0x60]  }
0x12b: {  	v6 =	vmax.f32 v6, v9;
	v9 =	vld [tilespmem:s24+$0x70]  }
0x12c: {  	v6 =	vmax.f32 v6, v11;
	v11 =	vld [tilespmem:s24+$0x80]  }
0x12d: {  	v6 =	vmax.f32 v6, v10;
	v10 =	vld [tilespmem:s24+$0x90]  }
0x12e: {  	v6 =	vmax.f32 v6, v7;
	v7 =	vld [tilespmem:s24+$0xA0]  }
0x12f: {  	v6 =	vmax.f32 v6, v8;
	v8 =	vld [tilespmem:s24+$0xB0]  }
0x130: {  	v6 =	vmax.f32 v6, v9;
	v9 =	vld [tilespmem:s24+$0xC0]  }
0x131: {  	v6 =	vmax.f32 v6, v11;
	v11 =	vld [tilespmem:s24+$0xD0]  }
0x132: {  	v6 =	vmax.f32 v6, v10;
	v10 =	vld [tilespmem:s24+$0xE0]  }
0x133: {  	s22 =	simm.s32 $0x300;
	v6 =	vmax.f32 v6, v7;
	v7 =	vld [tilespmem:s24+$0xF0]  }
0x134: {  	v12 =	vld [tilespmem:s22+$0xFFFFFF00];
	v6 =	vmax.f32 v6, v8  }
0x135: {  	v8 =	vld [tilespmem:s22+$0xFFFFFF10];
	v6 =	vmax.f32 v6, v9  }
0x136: {  	v13 =	vld [tilespmem:s22+$0xFFFFFF20];
	v6 =	vmax.f32 v6, v11  }
0x137: {  	v11 =	vld [tilespmem:s22+$0xFFFFFF30];
	v6 =	vmax.f32 v6, v10  }
0x138: {  	v15 =	vimm.f32 $-Inf;
	v14 =	vld [tilespmem:s22+$0xFFFFFF40];
	v20 =	vmax.f32 v6, v7  }
0x139: {  	v10 =	vimm.s32 $0x0;
	v7 =	vld [tilespmem:s22+$0xFFFFFF50];
	vm12 =	vgt.f32 v20, v15  }
0x13a: {  	v6 =	vor.u32 s28, v0;
	v8 =	vmax.f32 v12, v8;
	v12 =	vld [tilespmem:s22+$0xFFFFFF60];
	v16 =	vsel vm12, v15, v20  }
0x13b: {  	v17 =	vld [tilespmem:s22+$0xFFFFFF70];
	v9 =	vsel vm12, v6, v10;
	v8 =	vmax.f32 v8, v13;
	vm7 =	vgt.f32 v16, v15  }
0x13c: {  	v19 =	vld [tilespmem:s22+$0xFFFFFF80];
	v18 =	vsel vm12, v10, v6;
	v8 =	vmax.f32 v8, v11;
	v13 =	vsel vm7, v15, v16  }
0x13d: {  	v23 =	vld [tilespmem:s22+$0xFFFFFF90];
	v11 =	vsel vm7, v16, v15;
	v8 =	vmax.f32 v8, v14;
	vm1 =	vgt.f32 v13, v15  }
0x13e: {  	v24 =	vld [tilespmem:s22+$0xFFFFFFA0];
	v14 =	vsel vm7, v10, v18;
	v7 =	vmax.f32 v8, v7;
	v8 =	vsel vm1, v13, v15  }
0x13f: {  	v25 =	vld [tilespmem:s22+$0xFFFFFFB0];
	v16 =	vsel vm1, v15, v13;
	v7 =	vmax.f32 v7, v12;
	v13 =	vsel vm1, v14, v10  }
0x140: {  	v26 =	vld [tilespmem:s22+$0xFFFFFFC0];
	v21 =	vsel vm1, v10, v14;
	vm9 =	vgt.f32 v16, v15;
	v7 =	vmax.f32 v7, v17  }
0x141: {  	v27 =	vld [tilespmem:s22+$0xFFFFFFD0];
	v17 =	vmovc v9;
	v12 =	vsel vm9, v16, v15;
	v28 =	vmax.f32 v7, v19;
	v7 =	vsel vm7, v18, v10  }
0x142: {  	s25 =	simm.s32 $0x500;
	s23 =	simm.s32 $0x10;
	s24 =	simm.s32 $0x20;
	v6 =	vld [tilespmem:s22+$0xFFFFFFE0];
	v22 =	vsel vm9, v15, v16;
	v19 =	vimm.s32 $0x0;
	v18 =	vimm.f32 $-Inf;
	v16 =	vmovc v13;
	v14 =	vmovc v12  }
.LBB2_3:
0x143: {  	v29 =	vld [tilespmem:s25+$0xFFFFFFE0];
	p0 =	sne.s32 s24, $0x260;
	v23 =	vmax.f32 v28, v23;
	v28 =	vsel vm9, v10, v21;
	vm0 =	vgt.f32 v22, v15;
	s26 =	smov.u32 s24;
	s24 =	sadd.s32 $0x10, s24  }
0x144: {  	v23 =	vmax.f32 v23, v24;
	v24 =	vld [tilespmem:s22+$0xFFFFFFF0];
	v15 =	vsel vm0, v22, v15;
	v19 =	vsel vm0, v28, v19  }
0x145: {  	v18 =	vsel vm12, v20, v18;
	v10 =	vsel vm9, v21, v10;
	v22 =	vmax.f32 v23, v25;
	v23 =	vld [tilespmem:s22+$0x0]  }
0x146: {  	v20 =	vmax.f32 v22, v26;
	v21 =	vld [tilespmem:s22+$0x10]  }
0x147: {  	v20 =	vmax.f32 v20, v27;
	v22 =	vld [tilespmem:s22+$0x20]  }
0x148: {  	v20 =	vmax.f32 v20, v6;
	v25 =	vld [tilespmem:s22+$0x30];
	v6 =	vmov v29  }
0x149: {  	v20 =	vmax.f32 v20, v24;
	v24 =	vld [tilespmem:s22+$0x40]  }
0x14a: {  	v20 =	vmax.f32 v20, v23;
	v23 =	vld [tilespmem:s22+$0x50]  }
0x14b: {  	v20 =	vmax.f32 v20, v21;
	v21 =	vld [tilespmem:s22+$0x60]  }
0x14c: {  	v20 =	vmax.f32 v20, v22;
	v22 =	vld [tilespmem:s22+$0x70]  }
0x14d: {  	v20 =	vmax.f32 v20, v25;
	v25 =	vld [tilespmem:s22+$0x80]  }
0x14e: {  	v20 =	vmax.f32 v20, v24;
	v24 =	vld [tilespmem:s22+$0x90]  }
0x14f: {  	v20 =	vmax.f32 v20, v23;
	v23 =	vld [tilespmem:s22+$0xA0]  }
0x150: {  	v20 =	vmax.f32 v20, v21;
	v21 =	vld [tilespmem:s22+$0xB0]  }
0x151: {  	v20 =	vmax.f32 v20, v22;
	v22 =	vld [tilespmem:s22+$0xC0]  }
0x152: {  	v20 =	vmax.f32 v20, v25;
	v25 =	vld [tilespmem:s22+$0xD0]  }
0x153: {  	v20 =	vmax.f32 v20, v24;
	v24 =	vld [tilespmem:s22+$0xE0]  }
0x154: {  	v20 =	vmax.f32 v20, v23;
	v23 =	vld [tilespmem:s22+$0xF0];
	s22 =	smov.u32 s25  }
0x155: {  	v26 =	vld [tilespmem:s25+$0xFFFFFF00];
	v20 =	vmax.f32 v20, v21  }
0x156: {  	v21 =	vld [tilespmem:s25+$0xFFFFFF10];
	v20 =	vmax.f32 v20, v22  }
0x157: {  	v22 =	vld [tilespmem:s25+$0xFFFFFF20];
	v20 =	vmax.f32 v20, v25  }
0x158: {  	v25 =	vld [tilespmem:s25+$0xFFFFFF30];
	v20 =	vmax.f32 v20, v24  }
0x159: {  	v24 =	vld [tilespmem:s25+$0xFFFFFF40];
	v20 =	vmax.f32 v20, v23  }
0x15a: {  	v23 =	vor.u32 s23, v0;
	s23 =	smov.u32 s26;
	v27 =	vld [tilespmem:s25+$0xFFFFFF50];
	vm12 =	vgt.f32 v20, v18  }
0x15b: {  	v21 =	vmax.f32 v26, v21;
	v26 =	vld [tilespmem:s25+$0xFFFFFF60];
	v9 =	vsel vm12, v23, v9;
	v28 =	vsel vm12, v18, v20  }
0x15c: {  	v29 =	vsel vm12, v17, v23;
	v21 =	vmax.f32 v21, v22;
	v22 =	vld [tilespmem:s25+$0xFFFFFF70];
	vm0 =	vgt.f32 v28, v11;
	v17 =	vmovc v9  }
0x15d: {  	v21 =	vmax.f32 v21, v25;
	v30 =	vld [tilespmem:s25+$0xFFFFFF80];
	v25 =	vsel vm0, v11, v28;
	v11 =	vsel vm0, v28, v11  }
.Ltmp2:
0x15e: {  	v28 =	vsel vm0, v7, v29;
	v21 =	vmax.f32 v21, v24;
	v23 =	vld [tilespmem:s25+$0xFFFFFF90];
	vm1 =	vgt.f32 v25, v8;
	(pc) =	sbr.rel @p0 .LBB2_3-.Ltmp2, $4  }
0x15f: {  	v21 =	vmax.f32 v21, v27;
	v24 =	vld [tilespmem:s25+$0xFFFFFFA0];
	v31 =	vsel vm1, v8, v25;
	v8 =	vsel vm1, v25, v8  }
0x160: {  	v13 =	vsel vm1, v28, v13;
	v21 =	vmax.f32 v21, v26;
	v25 =	vld [tilespmem:s25+$0xFFFFFFB0];
	vm9 =	vgt.f32 v31, v12  }
0x161: {  	v22 =	vmax.f32 v21, v22;
	v26 =	vld [tilespmem:s25+$0xFFFFFFC0];
	v21 =	vsel vm1, v16, v28;
	v12 =	vsel vm9, v31, v12;
	v16 =	vmovc v13  }
0x162: {  	v7 =	vsel vm0, v29, v7;
	s25 =	sadd.s32 $0x200, s25;
	v28 =	vmax.f32 v22, v30;
	v27 =	vld [tilespmem:s22+$0xFFFFFFD0];
	v22 =	vsel vm9, v14, v31;
	v14 =	vmovc v12  }
0x163: {  	v29 =	vld [tilespmem:s22+$0xFFFFFFF0]  }
0x164: {  	v30 =	vld [tilespmem:s22+$0x0];
	s14 =	sor.u32 $0xF480, s14  }
0x165: {  	v31 =	vld.msk [tilespmem:s14+$0x0], $0x1  }
0x166: {  	v32 =	vld [tilespmem:s22+$0x10]  }
0x167: {  	v33 =	vld [tilespmem:s22+$0x20]  }
0x168: {  	v34 =	vld [tilespmem:s22+$0x30]  }
0x169: {  	v35 =	vld [tilespmem:s22+$0x40]  }
0x16a: {  	v36 =	vld [tilespmem:s22+$0x50];
	v37 =	vshrl.u32 v31, $0x3  }
0x16b: {  	v38 =	vld [tilespmem:s22+$0x60];
	v37 =	vmul.u32 $0x1870, v37  }
0x16c: {  	v39 =	vld [tilespmem:s22+$0x70];
	v31 =	vand.u32 $0x7, v31  }
0x16d: {  	v40 =	vld [tilespmem:s22+$0x80];
	v31 =	vor.u32 v31, v37  }
0x16e: {  	v60 =	vld [tilespmem:s22+$0x90];
	v31 =	vperm.xlane v31, v2  }
0x16f: {  	v47 =	vld [tilespmem:$0x1FFE0]  }
0x170: {  	v41 =	vld [tilespmem:s22+$0xA0];
	v31 =	vadd.s32 v3, v31  }
0x171: {  	v42 =	vld [tilespmem:s22+$0xB0]  }
0x172: {  	v43 =	vld [tilespmem:s22+$0xC0]  }
0x173: {  	v44 =	vld [tilespmem:s22+$0xD0]  }
0x174: {  	v45 =	vld [tilespmem:s22+$0xE0];
	vm0 =	vnez.u8 v47  }
0x175: {  	v46 =	vld [tilespmem:s22+$0xF0];
	[tilespmem:s3], [sflag:$0x1] =	stream.indirect_vreg.gather [hbm4b:s17+s3], $0x80, v31, vm0, $0xb8  }
0x176: {  	s24 =	sadd.s32 $0x800, s17;
	s4 =	simm.s32 $0x800  }
0x177: {  	[tilespmem:s4], [sflag:$0x1] =	stream.indirect_vreg.gather [hbm4b:s24+s3], $0x80, v31, vm0, $0xb8;
	[tilespmem:$0xF680] =	vst v63  }
0x178: {  	s25 =	sadd.s32 $0x1000, s17;
	s26 =	simm.s32 $0x1000  }
0x179: {  	[tilespmem:s26], [sflag:$0x1] =	stream.indirect_vreg.gather [hbm4b:s25+s3], $0x80, v31, vm0, $0xb8;
	[tilespmem:$0xF680] =	vst v63  }
0x17a: {  	s28 =	sadd.s32 $0x1800, s17;
	s29 =	simm.s32 $0x1800  }
0x17b: {  	[tilespmem:s29], [sflag:$0x1] =	stream.indirect_vreg.gather [hbm4b:s28+s3], $0x80, v31, vm0, $0xb8;
	[tilespmem:$0xF680] =	vst v63  }
0x17c: {  	s5 =	sadd.s32 $0x2000, s17;
	s24 =	simm.s32 $0x2000  }
0x17d: {  	[tilespmem:s24], [sflag:$0x1] =	stream.indirect_vreg.gather [hbm4b:s5+s3], $0x80, v31, vm0, $0xb8;
	[tilespmem:$0xF680] =	vst v63  }
0x17e: {  	s25 =	sadd.s32 $0x2800, s17;
	s26 =	simm.s32 $0x2800  }
0x17f: {  	[tilespmem:s26], [sflag:$0x1] =	stream.indirect_vreg.gather [hbm4b:s25+s3], $0x80, v31, vm0, $0xb8;
	[tilespmem:$0xF680] =	vst v63  }
0x180: {  	s28 =	sadd.s32 $0x3000, s17;
	s29 =	simm.s32 $0x3000  }
0x181: {  	v61 =	vld [tilespmem:$0x1FFF0];
	[tilespmem:s29], [sflag:$0x1] =	stream.indirect_vreg.gather [hbm4b:s28+s3], $0x80, v31, vm0, $0xb8  }
0x182: {  	s4 =	sadd.s32 $0x3800, s17;
	s5 =	simm.s32 $0x3800  }
0x183: {  	[tilespmem:s5], [sflag:$0x1] =	stream.indirect_vreg.gather [hbm4b:s4+s3], $0x80, v31, vm0, $0xb8;
	[tilespmem:$0xF680] =	vst v63  }
0x184: {  	s24 =	sadd.s32 $0x4000, s17;
	s25 =	simm.s32 $0x4000  }
0x185: {  	[tilespmem:s25], [sflag:$0x1] =	stream.indirect_vreg.gather [hbm4b:s24+s3], $0x80, v31, vm0, $0xb8;
	[tilespmem:$0xF680] =	vst v63  }
0x186: {  	vm5 =	vnez.u8 v61;
	s26 =	sadd.s32 $0x4800, s17;
	s28 =	simm.s32 $0x4800  }
0x187: {  	[tilespmem:s28], [sflag:$0x1] =	stream.indirect_vreg.gather [hbm4b:s26+s3], $0x80, v31, vm5, $0xb8;
	[tilespmem:$0xF680] =	vst v63  }
0x188: {  	_ =	swait.ge [sflag:s0], $0x4E00  }
0x189: {  	[sflag:s0] =	ssyncset.done $0x0  }
0x18a: {  	s24 =	simm.s32 $0x4F00;
	[sflag:s0] =	ssyncadd.s32 $0xFFFFB200  }
0x18b: {  	v62 =	vld [tilespmem:s24+$0xFFFFFF00]  }
0x18c: {  	v48 =	vld [tilespmem:s24+$0xFFFFFF10]  }
0x18d: {  	v23 =	vmax.f32 v28, v23;
	v28 =	vld [tilespmem:s24+$0xFFFFFF20]  }
0x18e: {  	v23 =	vmax.f32 v23, v24;
	v24 =	vld [tilespmem:s24+$0xFFFFFF30]  }
0x18f: {  	v23 =	vmax.f32 v23, v25;
	v25 =	vld [tilespmem:s24+$0xFFFFFF40]  }
0x190: {  	v23 =	vmax.f32 v23, v26;
	v26 =	vld [tilespmem:s24+$0xFFFFFF50]  }
0x191: {  	v23 =	vmax.f32 v23, v27;
	v63 =	vld [tilespmem:s24+$0xFFFFFF60];
	v27 =	vmax.f32 v62, v48  }
0x192: {  	v6 =	vmax.f32 v23, v6;
	v23 =	vmax.f32 v27, v28;
	v27 =	vld [tilespmem:s24+$0xFFFFFF70]  }
0x193: {  	v6 =	vmax.f32 v6, v29;
	v23 =	vmax.f32 v23, v24;
	v24 =	vld [tilespmem:s24+$0xFFFFFF80]  }
0x194: {  	v6 =	vmax.f32 v6, v30;
	v23 =	vmax.f32 v23, v25;
	v25 =	vld [tilespmem:s24+$0xFFFFFF90]  }
0x195: {  	v6 =	vmax.f32 v6, v32;
	v23 =	vmax.f32 v23, v26;
	v26 =	vld [tilespmem:s24+$0xFFFFFFA0]  }
0x196: {  	v6 =	vmax.f32 v6, v33;
	v28 =	vld [tilespmem:s24+$0xFFFFFFB0];
	v23 =	vmax.f32 v23, v63  }
0x197: {  	v6 =	vmax.f32 v6, v34;
	v23 =	vmax.f32 v23, v27;
	v27 =	vld [tilespmem:s24+$0xFFFFFFC0]  }
0x198: {  	v6 =	vmax.f32 v6, v35;
	v23 =	vmax.f32 v23, v24;
	v24 =	vld [tilespmem:s24+$0xFFFFFFD0]  }
0x199: {  	v29 =	vmax.f32 v6, v36;
	v31 =	vld [tilespmem:s24+$0xFFFFFFE0];
	v23 =	vmax.f32 v23, v25  }
0x19a: {  	v25 =	vmax.f32 v29, v38;
	v23 =	vmax.f32 v23, v26;
	v26 =	vld [tilespmem:s24+$0xFFFFFFF0]  }
0x19b: {  	v25 =	vmax.f32 v25, v39;
	v23 =	vmax.f32 v23, v28;
	v28 =	vld [tilespmem:s24+$0x0]  }
0x19c: {  	v25 =	vmax.f32 v25, v40;
	v23 =	vmax.f32 v23, v27;
	v27 =	vld [tilespmem:s24+$0x10]  }
0x19d: {  	v25 =	vmax.f32 v25, v60;
	v23 =	vmax.f32 v23, v24;
	v24 =	vld [tilespmem:s24+$0x20]  }
0x19e: {  	v29 =	vld [tilespmem:s24+$0x30];
	v25 =	vmax.f32 v25, v41;
	v23 =	vmax.f32 v23, v31  }
0x19f: {  	vm6 =	vgt.f32 v22, v15;
	v25 =	vmax.f32 v25, v42;
	v23 =	vmax.f32 v23, v26;
	v26 =	vld [tilespmem:s24+$0x40]  }
0x1a0: {  	v15 =	vsel vm6, v22, v15;
	v22 =	vmax.f32 v25, v43;
	v25 =	vld [tilespmem:s24+$0x50];
	v23 =	vmax.f32 v23, v28  }
0x1a1: {  	v18 =	vsel vm12, v20, v18;
	v22 =	vmax.f32 v22, v44;
	v23 =	vmax.f32 v23, v27;
	v27 =	vld [tilespmem:s24+$0x60]  }
0x1a2: {  	v28 =	vsel vm9, v10, v21;
	v22 =	vmax.f32 v22, v45;
	v23 =	vmax.f32 v23, v24;
	v24 =	vld [tilespmem:s24+$0x70]  }
0x1a3: {  	v10 =	vsel vm9, v21, v10;
	v20 =	vmax.f32 v22, v46;
	v22 =	vmax.f32 v23, v29;
	v23 =	vld [tilespmem:s24+$0x80]  }
0x1a4: {  	v19 =	vsel vm6, v28, v19;
	vm2 =	vgt.f32 v20, v18;
	v21 =	vmax.f32 v22, v26;
	v22 =	vld [tilespmem:s24+$0x90]  }
0x1a5: {  	v26 =	vor.u32 s23, v0;
	v28 =	vsel vm2, v18, v20;
	v21 =	vmax.f32 v21, v25;
	v25 =	vld [tilespmem:s24+$0xA0]  }
0x1a6: {  	v9 =	vsel vm2, v26, v9;
	vm7 =	vgt.f32 v28, v11;
	v21 =	vmax.f32 v21, v27;
	v27 =	vld [tilespmem:s24+$0xB0]  }
0x1a7: {  	v17 =	vsel vm2, v17, v26;
	v26 =	vsel vm7, v11, v28;
	v21 =	vmax.f32 v21, v24;
	v24 =	vld [tilespmem:s24+$0xC0]  }
0x1a8: {  	s22 =	simm.s32 $0x5100;
	v28 =	vsel vm7, v28, v11;
	vm1 =	vgt.f32 v26, v8;
	v11 =	vmax.f32 v21, v23;
	v21 =	vld [tilespmem:s24+$0xD0]  }
0x1a9: {  	v29 =	vsel vm1, v26, v8;
	v8 =	vsel vm1, v8, v26;
	v26 =	vld [tilespmem:s22+$0xFFFFFF00]  }
0x1aa: {  	v23 =	vsel vm7, v7, v17;
	v11 =	vmax.f32 v11, v22;
	v22 =	vld [tilespmem:s24+$0xE0]  }
0x1ab: {  	v17 =	vsel vm7, v17, v7;
	vm4 =	vgt.f32 v8, v12;
	v11 =	vmax.f32 v11, v25;
	v25 =	vld [tilespmem:s24+$0xF0]  }
0x1ac: {  	v30 =	vsel vm4, v8, v12;
	v8 =	vsel vm4, v14, v8;
	v14 =	vld [tilespmem:s22+$0xFFFFFF10];
	v11 =	vmax.f32 v11, v27  }
0x1ad: {  	v13 =	vsel vm1, v23, v13;
	vm5 =	vgt.f32 v8, v15;
	v11 =	vmax.f32 v11, v24;
	v24 =	vld [tilespmem:s22+$0xFFFFFF20]  }
0x1ae: {  	v23 =	vsel vm1, v16, v23;
	v16 =	vsel vm5, v8, v15;
	v8 =	vld [tilespmem:s22+$0xFFFFFF30];
	v7 =	vmax.f32 v11, v21  }
0x1af: {  	v12 =	vsel vm2, v20, v18;
	v18 =	vld [tilespmem:s22+$0xFFFFFF40];
	v11 =	vsel vm4, v10, v23;
	v7 =	vmax.f32 v7, v22  }
0x1b0: {  	s29 =	simm.s32 $0x270;
	v15 =	vsel vm5, v11, v19;
	v11 =	vsel vm4, v23, v10;
	v10 =	vld [tilespmem:s22+$0xFFFFFF50];
	v20 =	vmax.f32 v7, v25  }
0x1b1: {  	v21 =	vld [tilespmem:s22+$0xFFFFFF60];
	v19 =	vor.u32 s29, v0;
	v14 =	vmax.f32 v26, v14;
	vm12 =	vgt.f32 v20, v12  }
0x1b2: {  	v6 =	vld [tilespmem:s22+$0xFFFFFFE0];
	v7 =	vsel vm12, v19, v9;
	v22 =	vsel vm12, v12, v20;
	v14 =	vmax.f32 v14, v24  }
0x1b3: {  	v26 =	vld [tilespmem:s22+$0xFFFFFF70];
	v19 =	vsel vm12, v9, v19;
	vm6 =	vgt.f32 v22, v28;
	v9 =	vmax.f32 v14, v8  }
0x1b4: {  	v27 =	vld [tilespmem:s22+$0xFFFFFF80];
	v8 =	vsel vm6, v22, v28;
	v14 =	vsel vm6, v28, v22;
	v9 =	vmax.f32 v9, v18  }
0x1b5: {  	v23 =	vld [tilespmem:s22+$0xFFFFFF90];
	v18 =	vsel vm6, v17, v19;
	vm7 =	vgt.f32 v14, v29;
	v10 =	vmax.f32 v9, v10  }
0x1b6: {  	v24 =	vld [tilespmem:s22+$0xFFFFFFA0];
	v9 =	vsel vm7, v14, v29;
	v22 =	vsel vm7, v29, v14;
	v10 =	vmax.f32 v10, v21  }
0x1b7: {  	v25 =	vld [tilespmem:s22+$0xFFFFFFB0];
	v14 =	vsel vm7, v18, v13;
	v21 =	vsel vm7, v13, v18;
	vm9 =	vgt.f32 v22, v30  }
0x1b8: {  	v13 =	vsel vm6, v19, v17;
	v28 =	vmax.f32 v10, v26;
	v26 =	vld [tilespmem:s22+$0xFFFFFFC0];
	v10 =	vsel vm9, v22, v30  }
0x1b9: {  	s25 =	simm.s32 $0x5300;
	s23 =	simm.s32 $0x280;
	s24 =	simm.s32 $0x290;
	v19 =	vmovc v7;
	v18 =	vmovc v14;
	v28 =	vmax.f32 v28, v27;
	v27 =	vld [tilespmem:s22+$0xFFFFFFD0];
	v22 =	vsel vm9, v30, v22;
	v17 =	vmov v10  }
.LBB2_5:
0x1ba: {  	v29 =	vld [tilespmem:s25+$0xFFFFFFE0];
	p0 =	sne.s32 s24, $0x4D0;
	v23 =	vmax.f32 v28, v23;
	v28 =	vsel vm9, v11, v21;
	vm0 =	vgt.f32 v22, v16;
	s26 =	smov.u32 s24;
	s24 =	sadd.s32 $0x10, s24  }
0x1bb: {  	v23 =	vmax.f32 v23, v24;
	v24 =	vld [tilespmem:s22+$0xFFFFFFF0];
	v16 =	vsel vm0, v22, v16;
	v15 =	vsel vm0, v28, v15  }
0x1bc: {  	v12 =	vsel vm12, v20, v12;
	v11 =	vsel vm9, v21, v11;
	v22 =	vmax.f32 v23, v25;
	v23 =	vld [tilespmem:s22+$0x0]  }
0x1bd: {  	v20 =	vmax.f32 v22, v26;
	v21 =	vld [tilespmem:s22+$0x10]  }
0x1be: {  	v20 =	vmax.f32 v20, v27;
	v22 =	vld [tilespmem:s22+$0x20]  }
0x1bf: {  	v20 =	vmax.f32 v20, v6;
	v25 =	vld [tilespmem:s22+$0x30];
	v6 =	vmov v29  }
0x1c0: {  	v20 =	vmax.f32 v20, v24;
	v24 =	vld [tilespmem:s22+$0x40]  }
0x1c1: {  	v20 =	vmax.f32 v20, v23;
	v23 =	vld [tilespmem:s22+$0x50]  }
0x1c2: {  	v20 =	vmax.f32 v20, v21;
	v21 =	vld [tilespmem:s22+$0x60]  }
0x1c3: {  	v20 =	vmax.f32 v20, v22;
	v22 =	vld [tilespmem:s22+$0x70]  }
0x1c4: {  	v20 =	vmax.f32 v20, v25;
	v25 =	vld [tilespmem:s22+$0x80]  }
0x1c5: {  	v20 =	vmax.f32 v20, v24;
	v24 =	vld [tilespmem:s22+$0x90]  }
0x1c6: {  	v20 =	vmax.f32 v20, v23;
	v23 =	vld [tilespmem:s22+$0xA0]  }
0x1c7: {  	v20 =	vmax.f32 v20, v21;
	v21 =	vld [tilespmem:s22+$0xB0]  }
0x1c8: {  	v20 =	vmax.f32 v20, v22;
	v22 =	vld [tilespmem:s22+$0xC0]  }
0x1c9: {  	v20 =	vmax.f32 v20, v25;
	v25 =	vld [tilespmem:s22+$0xD0]  }
0x1ca: {  	v20 =	vmax.f32 v20, v24;
	v24 =	vld [tilespmem:s22+$0xE0]  }
0x1cb: {  	v20 =	vmax.f32 v20, v23;
	v23 =	vld [tilespmem:s22+$0xF0];
	s22 =	smov.u32 s25  }
0x1cc: {  	v26 =	vld [tilespmem:s25+$0xFFFFFF00];
	v20 =	vmax.f32 v20, v21  }
0x1cd: {  	v21 =	vld [tilespmem:s25+$0xFFFFFF10];
	v20 =	vmax.f32 v20, v22  }
0x1ce: {  	v22 =	vld [tilespmem:s25+$0xFFFFFF20];
	v20 =	vmax.f32 v20, v25  }
0x1cf: {  	v25 =	vld [tilespmem:s25+$0xFFFFFF30];
	v20 =	vmax.f32 v20, v24  }
0x1d0: {  	v24 =	vld [tilespmem:s25+$0xFFFFFF40];
	v20 =	vmax.f32 v20, v23  }
0x1d1: {  	v23 =	vor.u32 s23, v0;
	s23 =	smov.u32 s26;
	v27 =	vld [tilespmem:s25+$0xFFFFFF50];
	vm12 =	vgt.f32 v20, v12  }
0x1d2: {  	v21 =	vmax.f32 v26, v21;
	v26 =	vld [tilespmem:s25+$0xFFFFFF60];
	v7 =	vsel vm12, v23, v7;
	v28 =	vsel vm12, v12, v20  }
0x1d3: {  	v29 =	vsel vm12, v19, v23;
	v21 =	vmax.f32 v21, v22;
	v22 =	vld [tilespmem:s25+$0xFFFFFF70];
	vm0 =	vgt.f32 v28, v8;
	v19 =	vmovc v7  }
0x1d4: {  	v21 =	vmax.f32 v21, v25;
	v30 =	vld [tilespmem:s25+$0xFFFFFF80];
	v25 =	vsel vm0, v8, v28;
	v8 =	vsel vm0, v28, v8  }
.Ltmp3:
0x1d5: {  	v28 =	vsel vm0, v13, v29;
	v21 =	vmax.f32 v21, v24;
	v23 =	vld [tilespmem:s25+$0xFFFFFF90];
	vm1 =	vgt.f32 v25, v9;
	(pc) =	sbr.rel @p0 .LBB2_5-.Ltmp3, $4  }
0x1d6: {  	v21 =	vmax.f32 v21, v27;
	v24 =	vld [tilespmem:s25+$0xFFFFFFA0];
	v31 =	vsel vm1, v9, v25;
	v9 =	vsel vm1, v25, v9  }
0x1d7: {  	v14 =	vsel vm1, v28, v14;
	v21 =	vmax.f32 v21, v26;
	v25 =	vld [tilespmem:s25+$0xFFFFFFB0];
	vm9 =	vgt.f32 v31, v10  }
0x1d8: {  	v22 =	vmax.f32 v21, v22;
	v26 =	vld [tilespmem:s25+$0xFFFFFFC0];
	v21 =	vsel vm1, v18, v28;
	v10 =	vsel vm9, v31, v10;
	v18 =	vmovc v14  }
0x1d9: {  	v13 =	vsel vm0, v29, v13;
	s25 =	sadd.s32 $0x200, s25;
	v28 =	vmax.f32 v22, v30;
	v27 =	vld [tilespmem:s22+$0xFFFFFFD0];
	v22 =	vsel vm9, v17, v31;
	v17 =	vmovc v10  }
0x1da: {  	v29 =	vld [tilespmem:s22+$0xFFFFFFF0]  }
0x1db: {  	v30 =	vld [tilespmem:s22+$0x0]  }
0x1dc: {  	v31 =	vld.msk [tilespmem:s14+$0x0], $0x1  }
0x1dd: {  	v32 =	vld [tilespmem:s22+$0x10]  }
0x1de: {  	v33 =	vld [tilespmem:s22+$0x20]  }
0x1df: {  	v34 =	vld [tilespmem:s22+$0x30]  }
0x1e0: {  	v35 =	vld [tilespmem:s22+$0x40]  }
0x1e1: {  	v36 =	vld [tilespmem:s22+$0x50];
	v37 =	vshrl.u32 v31, $0x3  }
0x1e2: {  	v38 =	vld [tilespmem:s22+$0x60];
	v37 =	vmul.u32 $0x1870, v37  }
0x1e3: {  	v39 =	vld [tilespmem:s22+$0x70];
	v31 =	vand.u32 $0x7, v31  }
0x1e4: {  	v40 =	vld [tilespmem:s22+$0x80];
	v31 =	vor.u32 v31, v37  }
0x1e5: {  	v59 =	vld [tilespmem:s22+$0x90];
	v31 =	vperm.xlane v31, v2  }
0x1e6: {  	v47 =	vld [tilespmem:$0x1FFE0]  }
0x1e7: {  	v41 =	vld [tilespmem:s22+$0xA0];
	v31 =	vadd.s32 v3, v31  }
0x1e8: {  	v42 =	vld [tilespmem:s22+$0xB0]  }
0x1e9: {  	v43 =	vld [tilespmem:s22+$0xC0]  }
0x1ea: {  	v44 =	vld [tilespmem:s22+$0xD0]  }
0x1eb: {  	v45 =	vld [tilespmem:s22+$0xE0];
	s4 =	simm.s32 $0x4E00;
	vm0 =	vnez.u8 v47  }
0x1ec: {  	v46 =	vld [tilespmem:s22+$0xF0];
	[tilespmem:s4], [sflag:$0x2] =	stream.indirect_vreg.gather [hbm4b:s18+s3], $0x80, v31, vm0, $0xb8  }
0x1ed: {  	s5 =	sadd.s32 $0x800, s18;
	s24 =	simm.s32 $0x5600  }
0x1ee: {  	[tilespmem:s24], [sflag:$0x2] =	stream.indirect_vreg.gather [hbm4b:s5+s3], $0x80, v31, vm0, $0xb8;
	[tilespmem:$0xF680] =	vst v63  }
0x1ef: {  	s25 =	sadd.s32 $0x1000, s18;
	s26 =	simm.s32 $0x5E00  }
0x1f0: {  	[tilespmem:s26], [sflag:$0x2] =	stream.indirect_vreg.gather [hbm4b:s25+s3], $0x80, v31, vm0, $0xb8;
	[tilespmem:$0xF680] =	vst v63  }
0x1f1: {  	s28 =	sadd.s32 $0x1800, s18;
	s29 =	simm.s32 $0x6600  }
0x1f2: {  	[tilespmem:s29], [sflag:$0x2] =	stream.indirect_vreg.gather [hbm4b:s28+s3], $0x80, v31, vm0, $0xb8;
	[tilespmem:$0xF680] =	vst v63  }
0x1f3: {  	s5 =	sadd.s32 $0x2000, s18;
	s24 =	simm.s32 $0x6E00  }
0x1f4: {  	[tilespmem:s24], [sflag:$0x2] =	stream.indirect_vreg.gather [hbm4b:s5+s3], $0x80, v31, vm0, $0xb8;
	[tilespmem:$0xF680] =	vst v63  }
0x1f5: {  	s25 =	sadd.s32 $0x2800, s18;
	s26 =	simm.s32 $0x7600  }
0x1f6: {  	[tilespmem:s26], [sflag:$0x2] =	stream.indirect_vreg.gather [hbm4b:s25+s3], $0x80, v31, vm0, $0xb8;
	[tilespmem:$0xF680] =	vst v63  }
0x1f7: {  	s28 =	sadd.s32 $0x3000, s18;
	s29 =	simm.s32 $0x7E00  }
0x1f8: {  	v60 =	vld [tilespmem:$0x1FFF0];
	[tilespmem:s29], [sflag:$0x2] =	stream.indirect_vreg.gather [hbm4b:s28+s3], $0x80, v31, vm0, $0xb8  }
0x1f9: {  	s4 =	sadd.s32 $0x3800, s18;
	s5 =	simm.s32 $0x8600  }
0x1fa: {  	[tilespmem:s5], [sflag:$0x2] =	stream.indirect_vreg.gather [hbm4b:s4+s3], $0x80, v31, vm0, $0xb8;
	[tilespmem:$0xF680] =	vst v63  }
0x1fb: {  	s24 =	sadd.s32 $0x4000, s18;
	s25 =	simm.s32 $0x8E00  }
0x1fc: {  	[tilespmem:s25], [sflag:$0x2] =	stream.indirect_vreg.gather [hbm4b:s24+s3], $0x80, v31, vm0, $0xb8;
	[tilespmem:$0xF680] =	vst v63  }
0x1fd: {  	vm5 =	vnez.u8 v60;
	s26 =	sadd.s32 $0x4800, s18;
	s28 =	simm.s32 $0x9600  }
0x1fe: {  	[tilespmem:s28], [sflag:$0x2] =	stream.indirect_vreg.gather [hbm4b:s26+s3], $0x80, v31, vm5, $0xb8;
	[tilespmem:$0xF680] =	vst v63  }
0x1ff: {  	_ =	swait.ge [sflag:s2], $0x4E00  }
0x200: {  	[sflag:s2] =	ssyncset.done $0x0  }
0x201: {  	s24 =	simm.s32 $0x9D00;
	[sflag:s2] =	ssyncadd.s32 $0xFFFFB200  }
0x202: {  	v61 =	vld [tilespmem:s24+$0xFFFFFF00]  }
0x203: {  	v48 =	vld [tilespmem:s24+$0xFFFFFF10]  }
0x204: {  	v23 =	vmax.f32 v28, v23;
	v28 =	vld [tilespmem:s24+$0xFFFFFF20]  }
0x205: {  	v23 =	vmax.f32 v23, v24;
	v24 =	vld [tilespmem:s24+$0xFFFFFF30]  }
0x206: {  	v23 =	vmax.f32 v23, v25;
	v25 =	vld [tilespmem:s24+$0xFFFFFF40]  }
0x207: {  	v23 =	vmax.f32 v23, v26;
	v26 =	vld [tilespmem:s24+$0xFFFFFF50]  }
0x208: {  	v23 =	vmax.f32 v23, v27;
	v62 =	vld [tilespmem:s24+$0xFFFFFF60];
	v27 =	vmax.f32 v61, v48  }
0x209: {  	v6 =	vmax.f32 v23, v6;
	v23 =	vmax.f32 v27, v28;
	v27 =	vld [tilespmem:s24+$0xFFFFFF70]  }
0x20a: {  	v6 =	vmax.f32 v6, v29;
	v23 =	vmax.f32 v23, v24;
	v24 =	vld [tilespmem:s24+$0xFFFFFF80]  }
0x20b: {  	v6 =	vmax.f32 v6, v30;
	v23 =	vmax.f32 v23, v25;
	v25 =	vld [tilespmem:s24+$0xFFFFFF90]  }
0x20c: {  	v6 =	vmax.f32 v6, v32;
	v23 =	vmax.f32 v23, v26;
	v26 =	vld [tilespmem:s24+$0xFFFFFFA0]  }
0x20d: {  	v6 =	vmax.f32 v6, v33;
	v28 =	vld [tilespmem:s24+$0xFFFFFFB0];
	v23 =	vmax.f32 v23, v62  }
0x20e: {  	v6 =	vmax.f32 v6, v34;
	v23 =	vmax.f32 v23, v27;
	v27 =	vld [tilespmem:s24+$0xFFFFFFC0]  }
0x20f: {  	v6 =	vmax.f32 v6, v35;
	v23 =	vmax.f32 v23, v24;
	v24 =	vld [tilespmem:s24+$0xFFFFFFD0]  }
0x210: {  	v29 =	vmax.f32 v6, v36;
	v31 =	vld [tilespmem:s24+$0xFFFFFFE0];
	v23 =	vmax.f32 v23, v25  }
0x211: {  	v25 =	vmax.f32 v29, v38;
	v23 =	vmax.f32 v23, v26;
	v26 =	vld [tilespmem:s24+$0xFFFFFFF0]  }
0x212: {  	v25 =	vmax.f32 v25, v39;
	v23 =	vmax.f32 v23, v28;
	v28 =	vld [tilespmem:s24+$0x0]  }
0x213: {  	v25 =	vmax.f32 v25, v40;
	v23 =	vmax.f32 v23, v27;
	v27 =	vld [tilespmem:s24+$0x10]  }
0x214: {  	v25 =	vmax.f32 v25, v59;
	v23 =	vmax.f32 v23, v24;
	v24 =	vld [tilespmem:s24+$0x20]  }
0x215: {  	vm6 =	vgt.f32 v22, v16;
	v29 =	vld [tilespmem:s24+$0x30];
	v25 =	vmax.f32 v25, v41;
	v23 =	vmax.f32 v23, v31  }
0x216: {  	v12 =	vsel vm12, v20, v12;
	v25 =	vmax.f32 v25, v42;
	v23 =	vmax.f32 v23, v26;
	v26 =	vld [tilespmem:s24+$0x40]  }
0x217: {  	v16 =	vsel vm6, v22, v16;
	v22 =	vmax.f32 v25, v43;
	v25 =	vld [tilespmem:s24+$0x50];
	v23 =	vmax.f32 v23, v28  }
0x218: {  	v22 =	vmax.f32 v22, v44;
	v28 =	vsel vm9, v11, v21;
	v23 =	vmax.f32 v23, v27;
	v27 =	vld [tilespmem:s24+$0x60]  }
0x219: {  	v11 =	vsel vm9, v21, v11;
	v22 =	vmax.f32 v22, v45;
	v23 =	vmax.f32 v23, v24;
	v24 =	vld [tilespmem:s24+$0x70]  }
0x21a: {  	v15 =	vsel vm6, v28, v15;
	v20 =	vmax.f32 v22, v46;
	v22 =	vmax.f32 v23, v29;
	v23 =	vld [tilespmem:s24+$0x80]  }
0x21b: {  	vm2 =	vgt.f32 v20, v12;
	v21 =	vmax.f32 v22, v26;
	v22 =	vld [tilespmem:s24+$0x90];
	v26 =	vor.u32 s23, v0  }
0x21c: {  	v28 =	vsel vm2, v12, v20;
	v21 =	vmax.f32 v21, v25;
	v25 =	vld [tilespmem:s24+$0xA0];
	v29 =	vsel vm2, v26, v7  }
0x21d: {  	vm7 =	vgt.f32 v28, v8;
	v19 =	vsel vm2, v19, v26;
	v7 =	vmax.f32 v21, v27;
	v21 =	vld [tilespmem:s24+$0xB0]  }
0x21e: {  	v26 =	vsel vm7, v8, v28;
	v27 =	vsel vm7, v28, v8;
	v8 =	vld [tilespmem:s24+$0xD0];
	v7 =	vmax.f32 v7, v24  }
0x21f: {  	v24 =	vld [tilespmem:s24+$0xC0];
	v7 =	vmax.f32 v7, v23  }
0x220: {  	vm1 =	vgt.f32 v26, v9;
	v23 =	vsel vm7, v13, v19;
	v7 =	vmax.f32 v7, v22;
	v22 =	vld [tilespmem:s24+$0xE0]  }
0x221: {  	s22 =	simm.s32 $0x9F00;
	v28 =	vsel vm1, v26, v9;
	v9 =	vsel vm1, v9, v26;
	v30 =	vsel vm1, v23, v14;
	v14 =	vld [tilespmem:s24+$0xF0]  }
0x222: {  	v18 =	vsel vm1, v18, v23;
	vm4 =	vgt.f32 v9, v10;
	v23 =	vld [tilespmem:s22+$0xFFFFFF00];
	v7 =	vmax.f32 v7, v25  }
0x223: {  	v31 =	vsel vm4, v9, v10;
	v9 =	vsel vm4, v17, v9;
	v10 =	vld [tilespmem:s22+$0xFFFFFF10];
	v7 =	vmax.f32 v7, v21  }
0x224: {  	v17 =	vld [tilespmem:s22+$0xFFFFFF20];
	vm5 =	vgt.f32 v9, v16;
	v7 =	vmax.f32 v7, v24  }
0x225: {  	v16 =	vsel vm5, v9, v16;
	v9 =	vld [tilespmem:s22+$0xFFFFFF30];
	v7 =	vmax.f32 v7, v8  }
0x226: {  	v13 =	vsel vm7, v19, v13;
	v19 =	vld [tilespmem:s22+$0xFFFFFF40];
	v7 =	vmax.f32 v7, v22  }
0x227: {  	v12 =	vsel vm2, v20, v12;
	v8 =	vsel vm4, v11, v18;
	v20 =	vmax.f32 v7, v14;
	v14 =	vld [tilespmem:s22+$0xFFFFFF50]  }
0x228: {  	v11 =	vsel vm4, v18, v11;
	v18 =	vld [tilespmem:s22+$0xFFFFFF60];
	v10 =	vmax.f32 v23, v10;
	vm13 =	vgt.f32 v20, v12  }
0x229: {  	s29 =	simm.s32 $0x4E0;
	v15 =	vsel vm5, v8, v15;
	v10 =	vmax.f32 v10, v17;
	v17 =	vld [tilespmem:s22+$0xFFFFFF70];
	v21 =	vsel vm13, v12, v20  }
0x22a: {  	v8 =	vor.u32 s29, v0;
	v9 =	vmax.f32 v10, v9;
	vm6 =	vgt.f32 v21, v27  }
0x22b: {  	v6 =	vld [tilespmem:s22+$0xFFFFFFE0];
	v7 =	vsel vm13, v8, v29;
	v9 =	vmax.f32 v9, v19;
	v10 =	vsel vm6, v27, v21  }
0x22c: {  	v22 =	vsel vm13, v29, v8;
	v29 =	vld [tilespmem:s22+$0xFFFFFF80];
	vm7 =	vgt.f32 v10, v28;
	v14 =	vmax.f32 v9, v14  }
0x22d: {  	v23 =	vld [tilespmem:s22+$0xFFFFFF90];
	v9 =	vsel vm7, v10, v28;
	v63 =	vsel vm7, v28, v10;
	v10 =	vmax.f32 v14, v18  }
0x22e: {  	v24 =	vld [tilespmem:s22+$0xFFFFFFA0];
	v19 =	vsel vm6, v13, v22;
	v17 =	vmax.f32 v10, v17  }
0x22f: {  	v25 =	vld [tilespmem:s22+$0xFFFFFFB0];
	v8 =	vsel vm6, v21, v27;
	v13 =	vsel vm6, v22, v13;
	vm9 =	vgt.f32 v63, v31  }
0x230: {  	v26 =	vld [tilespmem:s22+$0xFFFFFFC0];
	v14 =	vsel vm7, v19, v30;
	v21 =	vsel vm7, v30, v19;
	v10 =	vsel vm9, v63, v31  }
0x231: {  	s25 =	simm.s32 $0xA100;
	s23 =	simm.s32 $0x4F0;
	s24 =	simm.s32 $0x500;
	v27 =	vld [tilespmem:s22+$0xFFFFFFD0];
	v19 =	vmovc v7;
	v18 =	vmovc v14;
	v28 =	vmax.f32 v17, v29;
	v22 =	vsel vm9, v31, v63;
	v17 =	vmov v10  }
.LBB2_7:
0x232: {  	v29 =	vld [tilespmem:s25+$0xFFFFFFE0];
	p0 =	sne.s32 s24, $0x740;
	v23 =	vmax.f32 v28, v23;
	v28 =	vsel vm9, v11, v21;
	vm0 =	vgt.f32 v22, v16;
	s26 =	smov.u32 s24;
	s24 =	sadd.s32 $0x10, s24  }
0x233: {  	v23 =	vmax.f32 v23, v24;
	v24 =	vld [tilespmem:s22+$0xFFFFFFF0];
	v16 =	vsel vm0, v22, v16;
	v15 =	vsel vm0, v28, v15  }
0x234: {  	v12 =	vsel vm13, v20, v12;
	v11 =	vsel vm9, v21, v11;
	v22 =	vmax.f32 v23, v25;
	v23 =	vld [tilespmem:s22+$0x0]  }
0x235: {  	v20 =	vmax.f32 v22, v26;
	v21 =	vld [tilespmem:s22+$0x10]  }
0x236: {  	v20 =	vmax.f32 v20, v27;
	v22 =	vld [tilespmem:s22+$0x20]  }
0x237: {  	v20 =	vmax.f32 v20, v6;
	v25 =	vld [tilespmem:s22+$0x30];
	v6 =	vmov v29  }
0x238: {  	v20 =	vmax.f32 v20, v24;
	v24 =	vld [tilespmem:s22+$0x40]  }
0x239: {  	v20 =	vmax.f32 v20, v23;
	v23 =	vld [tilespmem:s22+$0x50]  }
0x23a: {  	v20 =	vmax.f32 v20, v21;
	v21 =	vld [tilespmem:s22+$0x60]  }
0x23b: {  	v20 =	vmax.f32 v20, v22;
	v22 =	vld [tilespmem:s22+$0x70]  }
0x23c: {  	v20 =	vmax.f32 v20, v25;
	v25 =	vld [tilespmem:s22+$0x80]  }
0x23d: {  	v20 =	vmax.f32 v20, v24;
	v24 =	vld [tilespmem:s22+$0x90]  }
0x23e: {  	v20 =	vmax.f32 v20, v23;
	v23 =	vld [tilespmem:s22+$0xA0]  }
0x23f: {  	v20 =	vmax.f32 v20, v21;
	v21 =	vld [tilespmem:s22+$0xB0]  }
0x240: {  	v20 =	vmax.f32 v20, v22;
	v22 =	vld [tilespmem:s22+$0xC0]  }
0x241: {  	v20 =	vmax.f32 v20, v25;
	v25 =	vld [tilespmem:s22+$0xD0]  }
0x242: {  	v20 =	vmax.f32 v20, v24;
	v24 =	vld [tilespmem:s22+$0xE0]  }
0x243: {  	v20 =	vmax.f32 v20, v23;
	v23 =	vld [tilespmem:s22+$0xF0];
	s22 =	smov.u32 s25  }
0x244: {  	v26 =	vld [tilespmem:s25+$0xFFFFFF00];
	v20 =	vmax.f32 v20, v21  }
0x245: {  	v21 =	vld [tilespmem:s25+$0xFFFFFF10];
	v20 =	vmax.f32 v20, v22  }
0x246: {  	v22 =	vld [tilespmem:s25+$0xFFFFFF20];
	v20 =	vmax.f32 v20, v25  }
0x247: {  	v25 =	vld [tilespmem:s25+$0xFFFFFF30];
	v20 =	vmax.f32 v20, v24  }
0x248: {  	v24 =	vld [tilespmem:s25+$0xFFFFFF40];
	v20 =	vmax.f32 v20, v23  }
0x249: {  	v23 =	vor.u32 s23, v0;
	s23 =	smov.u32 s26;
	v27 =	vld [tilespmem:s25+$0xFFFFFF50];
	vm13 =	vgt.f32 v20, v12  }
0x24a: {  	v21 =	vmax.f32 v26, v21;
	v26 =	vld [tilespmem:s25+$0xFFFFFF60];
	v7 =	vsel vm13, v23, v7;
	v28 =	vsel vm13, v12, v20  }
0x24b: {  	v29 =	vsel vm13, v19, v23;
	v21 =	vmax.f32 v21, v22;
	v22 =	vld [tilespmem:s25+$0xFFFFFF70];
	vm0 =	vgt.f32 v28, v8;
	v19 =	vmovc v7  }
0x24c: {  	v21 =	vmax.f32 v21, v25;
	v30 =	vld [tilespmem:s25+$0xFFFFFF80];
	v25 =	vsel vm0, v8, v28;
	v8 =	vsel vm0, v28, v8  }
.Ltmp4:
0x24d: {  	v28 =	vsel vm0, v13, v29;
	v21 =	vmax.f32 v21, v24;
	v23 =	vld [tilespmem:s25+$0xFFFFFF90];
	vm1 =	vgt.f32 v25, v9;
	(pc) =	sbr.rel @p0 .LBB2_7-.Ltmp4, $4  }
0x24e: {  	v21 =	vmax.f32 v21, v27;
	v24 =	vld [tilespmem:s25+$0xFFFFFFA0];
	v31 =	vsel vm1, v9, v25;
	v9 =	vsel vm1, v25, v9  }
0x24f: {  	v14 =	vsel vm1, v28, v14;
	v21 =	vmax.f32 v21, v26;
	v25 =	vld [tilespmem:s25+$0xFFFFFFB0];
	vm9 =	vgt.f32 v31, v10  }
0x250: {  	v22 =	vmax.f32 v21, v22;
	v26 =	vld [tilespmem:s25+$0xFFFFFFC0];
	v21 =	vsel vm1, v18, v28;
	v10 =	vsel vm9, v31, v10;
	v18 =	vmovc v14  }
0x251: {  	v13 =	vsel vm0, v29, v13;
	s25 =	sadd.s32 $0x200, s25;
	v28 =	vmax.f32 v22, v30;
	v27 =	vld [tilespmem:s22+$0xFFFFFFD0];
	v22 =	vsel vm9, v17, v31;
	v17 =	vmovc v10  }
0x252: {  	v29 =	vld [tilespmem:s22+$0xFFFFFFF0]  }
0x253: {  	v31 =	vld.msk [tilespmem:s14+$0x0], $0x1  }
0x254: {  	v30 =	vld [tilespmem:s22+$0x0]  }
0x255: {  	v32 =	vld [tilespmem:s22+$0x10]  }
0x256: {  	v33 =	vld [tilespmem:s22+$0x20]  }
0x257: {  	v34 =	vld [tilespmem:s22+$0x30]  }
0x258: {  	v35 =	vld [tilespmem:s22+$0x40];
	v37 =	vshrl.u32 v31, $0x3  }
0x259: {  	v36 =	vld [tilespmem:s22+$0x50];
	v37 =	vmul.u32 $0x1870, v37  }
0x25a: {  	v38 =	vld [tilespmem:s22+$0x60];
	v31 =	vand.u32 $0x7, v31  }
0x25b: {  	v39 =	vld [tilespmem:s22+$0x70];
	v31 =	vor.u32 v31, v37  }
0x25c: {  	v40 =	vld [tilespmem:s22+$0x80];
	v31 =	vperm.xlane v31, v2  }
0x25d: {  	v62 =	vld [tilespmem:s22+$0x90]  }
0x25e: {  	v41 =	vld [tilespmem:s22+$0xA0];
	v31 =	vadd.s32 v3, v31  }
0x25f: {  	v42 =	vld [tilespmem:s22+$0xB0]  }
0x260: {  	v43 =	vld [tilespmem:s22+$0xC0]  }
0x261: {  	v44 =	vld [tilespmem:s22+$0xD0]  }
0x262: {  	v45 =	vld [tilespmem:s22+$0xE0];
	vm3 =	vmmov $0x1;
	s4 =	rddreg [dreg:$0xe];
	s5 =	simm.s32 $0x9C00  }
0x263: {  	v46 =	vld [tilespmem:s22+$0xF0];
	[tilespmem:s5], [sflag:$0x3] =	stream.indirect_vreg.gather [hbm4b:s4+s3], $0x80, v31, vm3, $0xb8  }
0x264: {  	_ =	swait.ge [sflag:s31], $0x4E00  }
0x265: {  	[sflag:s31] =	ssyncset.done $0x0  }
0x266: {  	s24 =	simm.s32 $0x100;
	[sflag:s31] =	ssyncadd.s32 $0xFFFFB200  }
0x267: {  	v47 =	vld [tilespmem:s24+$0xFFFFFF00]  }
0x268: {  	v48 =	vld [tilespmem:s24+$0xFFFFFF10]  }
0x269: {  	v23 =	vmax.f32 v28, v23;
	v28 =	vld [tilespmem:s24+$0xFFFFFF20]  }
0x26a: {  	v23 =	vmax.f32 v23, v24;
	v24 =	vld [tilespmem:s24+$0xFFFFFF30]  }
0x26b: {  	v23 =	vmax.f32 v23, v25;
	v25 =	vld [tilespmem:s24+$0xFFFFFF40]  }
0x26c: {  	v23 =	vmax.f32 v23, v26;
	v26 =	vld [tilespmem:s24+$0xFFFFFF50]  }
0x26d: {  	v23 =	vmax.f32 v23, v27;
	v63 =	vld [tilespmem:s24+$0xFFFFFF60];
	v27 =	vmax.f32 v47, v48  }
0x26e: {  	v6 =	vmax.f32 v23, v6;
	v23 =	vmax.f32 v27, v28;
	v27 =	vld [tilespmem:s24+$0xFFFFFF70]  }
0x26f: {  	v6 =	vmax.f32 v6, v29;
	v23 =	vmax.f32 v23, v24;
	v24 =	vld [tilespmem:s24+$0xFFFFFF80]  }
0x270: {  	v6 =	vmax.f32 v6, v30;
	v23 =	vmax.f32 v23, v25;
	v25 =	vld [tilespmem:s24+$0xFFFFFF90]  }
0x271: {  	v6 =	vmax.f32 v6, v32;
	v23 =	vmax.f32 v23, v26;
	v26 =	vld [tilespmem:s24+$0xFFFFFFA0]  }
0x272: {  	v6 =	vmax.f32 v6, v33;
	v28 =	vld [tilespmem:s24+$0xFFFFFFB0];
	v23 =	vmax.f32 v23, v63  }
0x273: {  	v6 =	vmax.f32 v6, v34;
	v23 =	vmax.f32 v23, v27;
	v27 =	vld [tilespmem:s24+$0xFFFFFFC0]  }
0x274: {  	v6 =	vmax.f32 v6, v35;
	v23 =	vmax.f32 v23, v24;
	v24 =	vld [tilespmem:s24+$0xFFFFFFD0]  }
0x275: {  	v29 =	vmax.f32 v6, v36;
	v31 =	vld [tilespmem:s24+$0xFFFFFFE0];
	v23 =	vmax.f32 v23, v25  }
0x276: {  	v25 =	vmax.f32 v29, v38;
	v23 =	vmax.f32 v23, v26;
	v26 =	vld [tilespmem:s24+$0xFFFFFFF0]  }
0x277: {  	v25 =	vmax.f32 v25, v39;
	v23 =	vmax.f32 v23, v28;
	v28 =	vld [tilespmem:s24+$0x0]  }
0x278: {  	v25 =	vmax.f32 v25, v40;
	v23 =	vmax.f32 v23, v27;
	v27 =	vld [tilespmem:s24+$0x10]  }
0x279: {  	v25 =	vmax.f32 v25, v62;
	v23 =	vmax.f32 v23, v24;
	v24 =	vld [tilespmem:s24+$0x20]  }
0x27a: {  	vm0 =	vgt.f32 v22, v16;
	v29 =	vld [tilespmem:s24+$0x30];
	v25 =	vmax.f32 v25, v41;
	v23 =	vmax.f32 v23, v31  }
0x27b: {  	v12 =	vsel vm13, v20, v12;
	v25 =	vmax.f32 v25, v42;
	v23 =	vmax.f32 v23, v26;
	v26 =	vld [tilespmem:s24+$0x40]  }
0x27c: {  	v16 =	vsel vm0, v22, v16;
	v22 =	vmax.f32 v25, v43;
	v25 =	vld [tilespmem:s24+$0x50];
	v23 =	vmax.f32 v23, v28  }
0x27d: {  	v22 =	vmax.f32 v22, v44;
	v28 =	vsel vm9, v11, v21;
	v23 =	vmax.f32 v23, v27;
	v27 =	vld [tilespmem:s24+$0x60]  }
0x27e: {  	v11 =	vsel vm9, v21, v11;
	v22 =	vmax.f32 v22, v45;
	v23 =	vmax.f32 v23, v24;
	v24 =	vld [tilespmem:s24+$0x70]  }
0x27f: {  	v15 =	vsel vm0, v28, v15;
	v20 =	vmax.f32 v22, v46;
	v22 =	vmax.f32 v23, v29;
	v23 =	vld [tilespmem:s24+$0x80]  }
0x280: {  	vm2 =	vgt.f32 v20, v12;
	v21 =	vmax.f32 v22, v26;
	v22 =	vld [tilespmem:s24+$0x90];
	v26 =	vor.u32 s23, v0  }
0x281: {  	v28 =	vsel vm2, v12, v20;
	v21 =	vmax.f32 v21, v25;
	v25 =	vld [tilespmem:s24+$0xA0];
	v29 =	vsel vm2, v26, v7  }
0x282: {  	vm0 =	vgt.f32 v28, v8;
	v19 =	vsel vm2, v19, v26;
	v7 =	vmax.f32 v21, v27;
	v21 =	vld [tilespmem:s24+$0xB0]  }
0x283: {  	v26 =	vsel vm0, v8, v28;
	v27 =	vsel vm0, v28, v8;
	v8 =	vld [tilespmem:s24+$0xD0];
	v7 =	vmax.f32 v7, v24  }
0x284: {  	v24 =	vld [tilespmem:s24+$0xC0];
	vm1 =	vgt.f32 v26, v9;
	v7 =	vmax.f32 v7, v23  }
0x285: {  	s22 =	simm.s32 $0x300;
	v23 =	vsel vm0, v13, v19;
	v28 =	vsel vm1, v26, v9;
	v7 =	vmax.f32 v7, v22;
	v22 =	vld [tilespmem:s24+$0xE0]  }
0x286: {  	v9 =	vsel vm1, v9, v26;
	v14 =	vsel vm1, v23, v14;
	v18 =	vsel vm1, v18, v23;
	v23 =	vld [tilespmem:s22+$0xFFFFFF00]  }
0x287: {  	vm1 =	vgt.f32 v9, v10;
	v7 =	vmax.f32 v7, v25;
	v25 =	vld [tilespmem:s24+$0xF0]  }
0x288: {  	v30 =	vsel vm1, v9, v10;
	v9 =	vsel vm1, v17, v9;
	v10 =	vld [tilespmem:s22+$0xFFFFFF10];
	v7 =	vmax.f32 v7, v21  }
0x289: {  	v19 =	vsel vm0, v19, v13;
	vm0 =	vgt.f32 v9, v16;
	v7 =	vmax.f32 v7, v24;
	v24 =	vld [tilespmem:s22+$0xFFFFFF20]  }
0x28a: {  	v17 =	vsel vm0, v9, v16;
	v9 =	vld [tilespmem:s22+$0xFFFFFF30];
	v7 =	vmax.f32 v7, v8;
	v8 =	vsel vm1, v11, v18  }
0x28b: {  	v7 =	vmax.f32 v7, v22;
	v16 =	vsel vm0, v8, v15;
	v15 =	vld [tilespmem:s22+$0xFFFFFF40]  }
0x28c: {  	v13 =	vsel vm2, v20, v12;
	v12 =	vsel vm1, v18, v11;
	v18 =	vld [tilespmem:s22+$0xFFFFFF50];
	v21 =	vmax.f32 v7, v25  }
0x28d: {  	s29 =	simm.s32 $0x750;
	v20 =	vld [tilespmem:s22+$0xFFFFFF60];
	v10 =	vmax.f32 v23, v10;
	vm15 =	vgt.f32 v21, v13  }
0x28e: {  	v8 =	vor.u32 s29, v0;
	v22 =	vld [tilespmem:s22+$0xFFFFFF70];
	v11 =	vsel vm15, v13, v21;
	v10 =	vmax.f32 v10, v24  }
0x28f: {  	v7 =	vsel vm15, v8, v29;
	vm0 =	vgt.f32 v11, v27;
	v9 =	vmax.f32 v10, v9  }
0x290: {  	v6 =	vld [tilespmem:s22+$0xFFFFFFE0];
	v23 =	vsel vm15, v29, v8;
	v10 =	vsel vm0, v27, v11;
	v9 =	vmax.f32 v9, v15  }
0x291: {  	v29 =	vld [tilespmem:s22+$0xFFFFFF80];
	v8 =	vsel vm0, v11, v27;
	vm1 =	vgt.f32 v10, v28;
	v15 =	vmax.f32 v9, v18  }
0x292: {  	v11 =	vld [tilespmem:s22+$0xFFFFFF90];
	v9 =	vsel vm1, v10, v28;
	v18 =	vsel vm1, v28, v10;
	v10 =	vmax.f32 v15, v20  }
0x293: {  	v24 =	vld [tilespmem:s22+$0xFFFFFFA0];
	v27 =	vsel vm0, v19, v23;
	v20 =	vmax.f32 v10, v22  }
0x294: {  	v25 =	vld [tilespmem:s22+$0xFFFFFFB0];
	v15 =	vsel vm1, v27, v14;
	vm9 =	vgt.f32 v18, v30  }
0x295: {  	v26 =	vld [tilespmem:s22+$0xFFFFFFC0];
	v22 =	vsel vm1, v14, v27;
	v14 =	vsel vm0, v23, v19;
	v10 =	vsel vm9, v18, v30  }
0x296: {  	s25 =	simm.s32 $0x500;
	s23 =	simm.s32 $0x760;
	s24 =	simm.s32 $0x770;
	v27 =	vld [tilespmem:s22+$0xFFFFFFD0];
	v19 =	vmovc v15;
	v28 =	vmax.f32 v20, v29;
	v23 =	vsel vm9, v30, v18;
	v18 =	vmovc v10;
	v20 =	vmov v7  }
.LBB2_9:
0x297: {  	v29 =	vld [tilespmem:s25+$0xFFFFFFE0];
	p0 =	sne.s32 s24, $0x9B0;
	v11 =	vmax.f32 v28, v11;
	v28 =	vsel vm9, v12, v22;
	vm0 =	vgt.f32 v23, v17;
	s26 =	smov.u32 s24;
	s24 =	sadd.s32 $0x10, s24  }
0x298: {  	v11 =	vmax.f32 v11, v24;
	v24 =	vld [tilespmem:s22+$0xFFFFFFF0];
	v17 =	vsel vm0, v23, v17;
	v16 =	vsel vm0, v28, v16  }
0x299: {  	v13 =	vsel vm15, v21, v13;
	v12 =	vsel vm9, v22, v12;
	v11 =	vmax.f32 v11, v25;
	v23 =	vld [tilespmem:s22+$0x0]  }
0x29a: {  	v11 =	vmax.f32 v11, v26;
	v21 =	vld [tilespmem:s22+$0x10]  }
0x29b: {  	v11 =	vmax.f32 v11, v27;
	v22 =	vld [tilespmem:s22+$0x20]  }
0x29c: {  	v11 =	vmax.f32 v11, v6;
	v25 =	vld [tilespmem:s22+$0x30];
	v6 =	vmov v29  }
0x29d: {  	v11 =	vmax.f32 v11, v24;
	v24 =	vld [tilespmem:s22+$0x40]  }
0x29e: {  	v11 =	vmax.f32 v11, v23;
	v23 =	vld [tilespmem:s22+$0x50]  }
0x29f: {  	v11 =	vmax.f32 v11, v21;
	v21 =	vld [tilespmem:s22+$0x60]  }
0x2a0: {  	v11 =	vmax.f32 v11, v22;
	v22 =	vld [tilespmem:s22+$0x70]  }
0x2a1: {  	v11 =	vmax.f32 v11, v25;
	v25 =	vld [tilespmem:s22+$0x80]  }
0x2a2: {  	v11 =	vmax.f32 v11, v24;
	v24 =	vld [tilespmem:s22+$0x90]  }
0x2a3: {  	v11 =	vmax.f32 v11, v23;
	v23 =	vld [tilespmem:s22+$0xA0]  }
0x2a4: {  	v11 =	vmax.f32 v11, v21;
	v21 =	vld [tilespmem:s22+$0xB0]  }
0x2a5: {  	v11 =	vmax.f32 v11, v22;
	v22 =	vld [tilespmem:s22+$0xC0]  }
0x2a6: {  	v11 =	vmax.f32 v11, v25;
	v25 =	vld [tilespmem:s22+$0xD0]  }
0x2a7: {  	v11 =	vmax.f32 v11, v24;
	v24 =	vld [tilespmem:s22+$0xE0]  }
0x2a8: {  	v11 =	vmax.f32 v11, v23;
	v23 =	vld [tilespmem:s22+$0xF0];
	s22 =	smov.u32 s25  }
0x2a9: {  	v26 =	vld [tilespmem:s25+$0xFFFFFF00];
	v11 =	vmax.f32 v11, v21  }
0x2aa: {  	v27 =	vld [tilespmem:s25+$0xFFFFFF10];
	v11 =	vmax.f32 v11, v22  }
0x2ab: {  	v22 =	vld [tilespmem:s25+$0xFFFFFF20];
	v11 =	vmax.f32 v11, v25  }
0x2ac: {  	v25 =	vld [tilespmem:s25+$0xFFFFFF30];
	v11 =	vmax.f32 v11, v24  }
0x2ad: {  	v24 =	vld [tilespmem:s25+$0xFFFFFF40];
	v21 =	vmax.f32 v11, v23  }
0x2ae: {  	v11 =	vor.u32 s23, v0;
	s23 =	smov.u32 s26;
	v23 =	vld [tilespmem:s25+$0xFFFFFF50];
	vm15 =	vgt.f32 v21, v13  }
0x2af: {  	v26 =	vmax.f32 v26, v27;
	v27 =	vld [tilespmem:s25+$0xFFFFFF60];
	v7 =	vsel vm15, v11, v7;
	v28 =	vsel vm15, v13, v21  }
0x2b0: {  	v29 =	vsel vm15, v20, v11;
	v22 =	vmax.f32 v26, v22;
	v26 =	vld [tilespmem:s25+$0xFFFFFF70];
	vm0 =	vgt.f32 v28, v8;
	v20 =	vmovc v7  }
0x2b1: {  	v11 =	vmax.f32 v22, v25;
	v30 =	vld [tilespmem:s25+$0xFFFFFF80];
	v22 =	vsel vm0, v8, v28;
	v8 =	vsel vm0, v28, v8  }
.Ltmp5:
0x2b2: {  	v28 =	vsel vm0, v14, v29;
	v24 =	vmax.f32 v11, v24;
	v11 =	vld [tilespmem:s25+$0xFFFFFF90];
	vm1 =	vgt.f32 v22, v9;
	(pc) =	sbr.rel @p0 .LBB2_9-.Ltmp5, $4  }
0x2b3: {  	v23 =	vmax.f32 v24, v23;
	v24 =	vld [tilespmem:s25+$0xFFFFFFA0];
	v31 =	vsel vm1, v9, v22;
	v9 =	vsel vm1, v22, v9  }
0x2b4: {  	v15 =	vsel vm1, v28, v15;
	v22 =	vmax.f32 v23, v27;
	v25 =	vld [tilespmem:s25+$0xFFFFFFB0];
	vm9 =	vgt.f32 v31, v10  }
0x2b5: {  	v23 =	vmax.f32 v22, v26;
	v26 =	vld [tilespmem:s25+$0xFFFFFFC0];
	v22 =	vsel vm1, v19, v28;
	v10 =	vsel vm9, v31, v10;
	v19 =	vmovc v15  }
0x2b6: {  	v14 =	vsel vm0, v29, v14;
	s25 =	sadd.s32 $0x200, s25;
	v28 =	vmax.f32 v23, v30;
	v27 =	vld [tilespmem:s22+$0xFFFFFFD0];
	v23 =	vsel vm9, v18, v31;
	v18 =	vmovc v10  }
0x2b7: {  	p0 =	seq.s32 s13, $0x4;
	v30 =	vld [tilespmem:s22+$0x0]  }
0x2b8: {  	v32 =	vld [tilespmem:s22+$0x10];
	s21 =	sor.u32 @!p0 $0xF480, s21  }
0x2b9: {  	v31 =	vld.msk @!p0 [tilespmem:s21+$0x0], $0x1  }
0x2ba: {  	v33 =	vld [tilespmem:s22+$0x20]  }
0x2bb: {  	v34 =	vld [tilespmem:s22+$0x30]  }
0x2bc: {  	v35 =	vld [tilespmem:s22+$0x40]  }
0x2bd: {  	v36 =	vld [tilespmem:s22+$0x50]  }
0x2be: {  	v38 =	vld [tilespmem:s22+$0x60];
	v37 =	vshrl.u32 @!p0 v31, $0x3  }
0x2bf: {  	v39 =	vld [tilespmem:s22+$0x70];
	v37 =	vmul.u32 @!p0 $0x1870, v37  }
0x2c0: {  	v40 =	vld [tilespmem:s22+$0x80];
	v31 =	vand.u32 @!p0 $0x7, v31  }
0x2c1: {  	v42 =	vld [tilespmem:s22+$0x90];
	v41 =	vlaneseq.u32 @!p0;
	v31 =	vor.u32 @!p0 v31, v37;
	v37 =	vimm.s32 @!p0 $0x0  }
0x2c2: {  	v61 =	vld [tilespmem:s22+$0xA0];
	v31 =	vperm.xlane @!p0 v31, v37;
	v37 =	vmul.u32 @!p0 $0x8, v41  }
0x2c3: {  	v43 =	vld [tilespmem:s22+$0xB0]  }
0x2c4: {  	v62 =	vld [tilespmem:s22+$0xC0];
	v31 =	vadd.s32 @!p0 v37, v31  }
0x2c5: {  	v44 =	vld [tilespmem:s22+$0xD0]  }
0x2c6: {  	v29 =	vimm.s32 $0x0;
	v45 =	vld [tilespmem:s22+$0xE0]  }
0x2c7: {  	v46 =	vld [tilespmem:s22+$0xF0];
	v29 =	vsel vm3, $0xFFFFFFFF, v29  }
0x2c8: {  	vm3 =	vmmov @!p0 $0xffff;
	[tilespmem:$0x1FFD0] =	vst v29;
	v29 =	vld [tilespmem:s22+$0xFFFFFFF0];
	s22 =	simm.s32 @!p0 $0x0  }
0x2c9: {  	[tilespmem:s22], [sflag:$0x1] =	stream.indirect_vreg.gather @!p0 [hbm4b:s1+s22], $0x80, v31, vm3, $0xb8;
	[tilespmem:$0xF680] =	vst v63  }
0x2ca: {  	s4 =	rddreg [dreg:$0x5];
	s24 =	simm.s32 @!p0 $0x800  }
0x2cb: {  	[tilespmem:s24], [sflag:$0x1] =	stream.indirect_vreg.gather @!p0 [hbm4b:s4+s22], $0x80, v31, vm3, $0xb8;
	[tilespmem:$0xF680] =	vst v63  }
0x2cc: {  	s24 =	simm.s32 @!p0 $0x1000;
	s4 =	rddreg [dreg:$0x6]  }
0x2cd: {  	[tilespmem:s24], [sflag:$0x1] =	stream.indirect_vreg.gather @!p0 [hbm4b:s4+s22], $0x80, v31, vm3, $0xb8;
	[tilespmem:$0xF680] =	vst v63  }
0x2ce: {  	s24 =	simm.s32 @!p0 $0x1800;
	s4 =	rddreg [dreg:$0x7]  }
0x2cf: {  	[tilespmem:s24], [sflag:$0x1] =	stream.indirect_vreg.gather @!p0 [hbm4b:s4+s22], $0x80, v31, vm3, $0xb8;
	[tilespmem:$0xF680] =	vst v63  }
0x2d0: {  	s24 =	simm.s32 @!p0 $0x2000;
	s4 =	rddreg [dreg:$0x8]  }
0x2d1: {  	[tilespmem:s24], [sflag:$0x1] =	stream.indirect_vreg.gather @!p0 [hbm4b:s4+s22], $0x80, v31, vm3, $0xb8;
	[tilespmem:$0xF680] =	vst v63  }
0x2d2: {  	s24 =	simm.s32 @!p0 $0x2800;
	s4 =	rddreg [dreg:$0x9]  }
0x2d3: {  	[tilespmem:s24], [sflag:$0x1] =	stream.indirect_vreg.gather @!p0 [hbm4b:s4+s22], $0x80, v31, vm3, $0xb8;
	[tilespmem:$0xF680] =	vst v63  }
0x2d4: {  	s24 =	simm.s32 @!p0 $0x3000;
	s4 =	rddreg [dreg:$0xa]  }
0x2d5: {  	[tilespmem:s24], [sflag:$0x1] =	stream.indirect_vreg.gather @!p0 [hbm4b:s4+s22], $0x80, v31, vm3, $0xb8;
	[tilespmem:$0xF680] =	vst v63  }
0x2d6: {  	s24 =	simm.s32 @!p0 $0x3800;
	s4 =	rddreg [dreg:$0xb]  }
0x2d7: {  	[tilespmem:s24], [sflag:$0x1] =	stream.indirect_vreg.gather @!p0 [hbm4b:s4+s22], $0x80, v31, vm3, $0xb8;
	[tilespmem:$0xF680] =	vst v63  }
0x2d8: {  	s24 =	simm.s32 @!p0 $0x4000;
	s4 =	rddreg [dreg:$0xc]  }
0x2d9: {  	[tilespmem:s24], [sflag:$0x1] =	stream.indirect_vreg.gather @!p0 [hbm4b:s4+s22], $0x80, v31, vm3, $0xb8;
	[tilespmem:$0xF680] =	vst v63  }
0x2da: {  	vm4 =	vmmov @!p0 $0xfff;
	s24 =	simm.s32 @!p0 $0x4800;
	s4 =	rddreg [dreg:$0xd]  }
0x2db: {  	[tilespmem:s24], [sflag:$0x1] =	stream.indirect_vreg.gather @!p0 [hbm4b:s4+s22], $0x80, v31, vm4, $0xb8;
	[tilespmem:$0xF680] =	vst v63  }
0x2dc: {  	_ =	swait.ge [sflag:s0], $0x4E00  }
0x2dd: {  	[sflag:s0] =	ssyncset.done $0x0  }
0x2de: {  	s28 =	simm.s32 $0x4F00;
	[sflag:s0] =	ssyncadd.s32 $0xFFFFB200  }
0x2df: {  	v31 =	vld [tilespmem:s28+$0xFFFFFFE0]  }
0x2e0: {  	v11 =	vmax.f32 v28, v11;
	v47 =	vld [tilespmem:s28+$0xFFFFFF00]  }
0x2e1: {  	v11 =	vmax.f32 v11, v24;
	v48 =	vld [tilespmem:s28+$0xFFFFFF10]  }
0x2e2: {  	v11 =	vmax.f32 v11, v25;
	v28 =	vld [tilespmem:s28+$0xFFFFFF20]  }
0x2e3: {  	v11 =	vmax.f32 v11, v26;
	v24 =	vld [tilespmem:s28+$0xFFFFFF30]  }
0x2e4: {  	v11 =	vmax.f32 v11, v27;
	v25 =	vld [tilespmem:s28+$0xFFFFFF40]  }
0x2e5: {  	v6 =	vmax.f32 v11, v6;
	v26 =	vld [tilespmem:s28+$0xFFFFFF50]  }
0x2e6: {  	v6 =	vmax.f32 v6, v29;
	v63 =	vld [tilespmem:s28+$0xFFFFFF60];
	v27 =	vmax.f32 v47, v48  }
0x2e7: {  	v6 =	vmax.f32 v6, v30;
	v11 =	vmax.f32 v27, v28;
	v27 =	vld [tilespmem:s28+$0xFFFFFF70]  }
0x2e8: {  	v6 =	vmax.f32 v6, v32;
	v11 =	vmax.f32 v11, v24;
	v24 =	vld [tilespmem:s28+$0xFFFFFF80]  }
0x2e9: {  	v6 =	vmax.f32 v6, v33;
	v11 =	vmax.f32 v11, v25;
	v25 =	vld [tilespmem:s28+$0xFFFFFF90]  }
0x2ea: {  	v6 =	vmax.f32 v6, v34;
	v11 =	vmax.f32 v11, v26;
	v26 =	vld [tilespmem:s28+$0xFFFFFFA0]  }
0x2eb: {  	v6 =	vmax.f32 v6, v35;
	v28 =	vld [tilespmem:s28+$0xFFFFFFB0];
	v11 =	vmax.f32 v11, v63  }
0x2ec: {  	v6 =	vmax.f32 v6, v36;
	v11 =	vmax.f32 v11, v27;
	v27 =	vld [tilespmem:s28+$0xFFFFFFC0]  }
0x2ed: {  	v6 =	vmax.f32 v6, v38;
	v11 =	vmax.f32 v11, v24;
	v24 =	vld [tilespmem:s28+$0xFFFFFFD0]  }
0x2ee: {  	v6 =	vmax.f32 v6, v39;
	v29 =	vld [tilespmem:s28+$0x30];
	v25 =	vmax.f32 v11, v25  }
0x2ef: {  	v6 =	vmax.f32 v6, v40;
	v25 =	vmax.f32 v25, v26;
	v26 =	vld [tilespmem:s28+$0xFFFFFFF0]  }
0x2f0: {  	v6 =	vmax.f32 v6, v42;
	v25 =	vmax.f32 v25, v28;
	v28 =	vld [tilespmem:s28+$0x0]  }
0x2f1: {  	v6 =	vmax.f32 v6, v61;
	v25 =	vmax.f32 v25, v27;
	v27 =	vld [tilespmem:s28+$0x10]  }
0x2f2: {  	v6 =	vmax.f32 v6, v43;
	v24 =	vmax.f32 v25, v24;
	v25 =	vld [tilespmem:s28+$0x20]  }
0x2f3: {  	v6 =	vmax.f32 v6, v62;
	v30 =	vld [tilespmem:s28+$0xE0];
	v24 =	vmax.f32 v24, v31  }
0x2f4: {  	vm0 =	vgt.f32 v23, v17;
	v6 =	vmax.f32 v6, v44;
	v24 =	vmax.f32 v24, v26;
	v26 =	vld [tilespmem:s28+$0x40]  }
0x2f5: {  	v17 =	vsel vm0, v23, v17;
	v6 =	vmax.f32 v6, v45;
	v23 =	vmax.f32 v24, v28;
	v24 =	vld [tilespmem:s28+$0x50]  }
0x2f6: {  	v13 =	vsel vm15, v21, v13;
	v21 =	vmax.f32 v6, v46;
	v23 =	vmax.f32 v23, v27;
	v27 =	vld [tilespmem:s28+$0x60]  }
0x2f7: {  	vm2 =	vgt.f32 v21, v13;
	v28 =	vsel vm9, v12, v22;
	v23 =	vmax.f32 v23, v25;
	v25 =	vld [tilespmem:s28+$0x70]  }
0x2f8: {  	v16 =	vsel vm0, v28, v16;
	v28 =	vsel vm9, v22, v12;
	v6 =	vmax.f32 v23, v29;
	v23 =	vld [tilespmem:s28+$0x80]  }
0x2f9: {  	v12 =	vld [tilespmem:s28+$0x90];
	v22 =	vor.u32 s23, v0;
	v6 =	vmax.f32 v6, v26;
	v26 =	vsel vm2, v13, v21  }
0x2fa: {  	v20 =	vsel vm2, v20, v22;
	v6 =	vmax.f32 v6, v24;
	v24 =	vld [tilespmem:s28+$0xA0];
	vm0 =	vgt.f32 v26, v8  }
0x2fb: {  	v29 =	vsel vm2, v22, v7;
	v7 =	vld [tilespmem:s28+$0xB0];
	v6 =	vmax.f32 v6, v27;
	v22 =	vsel vm0, v8, v26  }
0x2fc: {  	v26 =	vsel vm0, v26, v8;
	v8 =	vld [tilespmem:s28+$0xD0];
	v6 =	vmax.f32 v6, v25;
	vm1 =	vgt.f32 v22, v9  }
0x2fd: {  	v25 =	vld [tilespmem:s28+$0xC0];
	v6 =	vmax.f32 v6, v23;
	v23 =	vsel vm0, v14, v20;
	v27 =	vsel vm1, v22, v9  }
0x2fe: {  	s22 =	simm.s32 $0x5100;
	v9 =	vsel vm1, v9, v22;
	v22 =	vld [tilespmem:s28+$0xF0];
	v6 =	vmax.f32 v6, v12;
	v31 =	vsel vm1, v23, v15  }
0x2ff: {  	v19 =	vsel vm1, v19, v23;
	vm1 =	vgt.f32 v9, v10;
	v23 =	vld [tilespmem:s22+$0xFFFFFF00];
	v6 =	vmax.f32 v6, v24  }
0x300: {  	v24 =	vsel vm1, v9, v10;
	v6 =	vmax.f32 v6, v7;
	v7 =	vsel vm1, v18, v9;
	v9 =	vld [tilespmem:s22+$0xFFFFFF10]  }
0x301: {  	v10 =	vsel vm0, v20, v14;
	v14 =	vld [tilespmem:s22+$0xFFFFFF20];
	vm0 =	vgt.f32 v7, v17  }
0x302: {  	v6 =	vmax.f32 v6, v25;
	v12 =	vsel vm0, v7, v17;
	v17 =	vld [tilespmem:s22+$0xFFFFFF30]  }
0x303: {  	v15 =	vsel vm2, v21, v13;
	v13 =	vld [tilespmem:s22+$0xFFFFFF40];
	v6 =	vmax.f32 v6, v8;
	v8 =	vsel vm1, v28, v19  }
0x304: {  	v18 =	vld [tilespmem:s22+$0xFFFFFF50];
	v7 =	vmax.f32 v6, v30;
	v6 =	vsel vm0, v8, v16  }
0x305: {  	s29 =	simm.s32 $0x9C0;
	v22 =	vmax.f32 v7, v22;
	v7 =	vsel vm1, v19, v28;
	v19 =	vld [tilespmem:s22+$0xFFFFFF60];
	v9 =	vmax.f32 v23, v9  }
0x306: {  	v16 =	vor.u32 s29, v0;
	vm15 =	vgt.f32 v22, v15;
	v9 =	vmax.f32 v9, v14;
	v14 =	vld [tilespmem:s22+$0xFFFFFF70]  }
0x307: {  	v8 =	vsel vm15, v16, v29;
	v20 =	vsel vm15, v15, v22;
	v9 =	vmax.f32 v9, v17  }
0x308: {  	v11 =	vld [tilespmem:s22+$0xFFFFFFE0];
	v21 =	vsel vm15, v29, v16;
	vm0 =	vgt.f32 v20, v26;
	v9 =	vmax.f32 v9, v13  }
0x309: {  	v29 =	vld [tilespmem:s22+$0xFFFFFF80];
	v16 =	vsel vm0, v20, v26;
	v20 =	vsel vm0, v26, v20;
	v9 =	vmax.f32 v9, v18  }
0x30a: {  	v25 =	vld [tilespmem:s22+$0xFFFFFF90];
	v13 =	vsel vm0, v10, v21;
	vm1 =	vgt.f32 v20, v27;
	v18 =	vmax.f32 v9, v19  }
0x30b: {  	v26 =	vld [tilespmem:s22+$0xFFFFFFA0];
	v17 =	vsel vm1, v20, v27;
	v20 =	vsel vm1, v27, v20;
	v14 =	vmax.f32 v18, v14  }
0x30c: {  	v10 =	vsel vm0, v21, v10;
	v27 =	vld [tilespmem:s22+$0xFFFFFFB0];
	vm9 =	vgt.f32 v20, v24  }
0x30d: {  	v28 =	vld [tilespmem:s22+$0xFFFFFFC0];
	v9 =	vsel vm1, v13, v31;
	v23 =	vsel vm1, v31, v13;
	v18 =	vsel vm9, v20, v24  }
0x30e: {  	s25 =	simm.s32 $0x5300;
	s24 =	simm.s32 $0x9E0;
	s23 =	simm.s32 $0x9D0;
	v13 =	vmovc v9;
	v30 =	vmax.f32 v14, v29;
	v29 =	vld [tilespmem:s22+$0xFFFFFFD0];
	v24 =	vsel vm9, v24, v20;
	v19 =	vmovc v18;
	v14 =	vmov v8  }
.LBB2_11:
0x30f: {  	v20 =	vld [tilespmem:s25+$0xFFFFFFE0];
	p1 =	sne.s32 s24, $0xC20;
	v21 =	vmax.f32 v30, v25;
	v25 =	vsel vm9, v7, v23;
	vm0 =	vgt.f32 v24, v12;
	s26 =	smov.u32 s24;
	s24 =	sadd.s32 $0x10, s24  }
0x310: {  	v21 =	vmax.f32 v21, v26;
	v26 =	vld [tilespmem:s22+$0xFFFFFFF0];
	v12 =	vsel vm0, v24, v12;
	v6 =	vsel vm0, v25, v6  }
0x311: {  	v15 =	vsel vm15, v22, v15;
	v7 =	vsel vm9, v23, v7;
	v21 =	vmax.f32 v21, v27;
	v24 =	vld [tilespmem:s22+$0x0]  }
0x312: {  	v21 =	vmax.f32 v21, v28;
	v22 =	vld [tilespmem:s22+$0x10]  }
0x313: {  	v21 =	vmax.f32 v21, v29;
	v23 =	vld [tilespmem:s22+$0x20]  }
0x314: {  	v21 =	vmax.f32 v21, v11;
	v25 =	vld [tilespmem:s22+$0x30];
	v11 =	vmov v20  }
0x315: {  	v20 =	vmax.f32 v21, v26;
	v21 =	vld [tilespmem:s22+$0x40]  }
0x316: {  	v20 =	vmax.f32 v20, v24;
	v24 =	vld [tilespmem:s22+$0x50]  }
0x317: {  	v20 =	vmax.f32 v20, v22;
	v22 =	vld [tilespmem:s22+$0x60]  }
0x318: {  	v20 =	vmax.f32 v20, v23;
	v23 =	vld [tilespmem:s22+$0x70]  }
0x319: {  	v20 =	vmax.f32 v20, v25;
	v25 =	vld [tilespmem:s22+$0x80]  }
0x31a: {  	v20 =	vmax.f32 v20, v21;
	v21 =	vld [tilespmem:s22+$0x90]  }
0x31b: {  	v20 =	vmax.f32 v20, v24;
	v24 =	vld [tilespmem:s22+$0xA0]  }
0x31c: {  	v20 =	vmax.f32 v20, v22;
	v22 =	vld [tilespmem:s22+$0xB0]  }
0x31d: {  	v20 =	vmax.f32 v20, v23;
	v23 =	vld [tilespmem:s22+$0xC0]  }
0x31e: {  	v20 =	vmax.f32 v20, v25;
	v25 =	vld [tilespmem:s22+$0xD0]  }
0x31f: {  	v20 =	vmax.f32 v20, v21;
	v21 =	vld [tilespmem:s22+$0xE0]  }
0x320: {  	v20 =	vmax.f32 v20, v24;
	v24 =	vld [tilespmem:s22+$0xF0];
	s22 =	smov.u32 s25  }
0x321: {  	v26 =	vld [tilespmem:s25+$0xFFFFFF00];
	v20 =	vmax.f32 v20, v22  }
0x322: {  	v27 =	vld [tilespmem:s25+$0xFFFFFF10];
	v20 =	vmax.f32 v20, v23  }
0x323: {  	v23 =	vld [tilespmem:s25+$0xFFFFFF20];
	v20 =	vmax.f32 v20, v25  }
0x324: {  	v25 =	vld [tilespmem:s25+$0xFFFFFF30];
	v20 =	vmax.f32 v20, v21  }
0x325: {  	v21 =	vld [tilespmem:s25+$0xFFFFFF40];
	v22 =	vmax.f32 v20, v24  }
0x326: {  	v24 =	vor.u32 s23, v0;
	s23 =	smov.u32 s26;
	v20 =	vld [tilespmem:s25+$0xFFFFFF50];
	vm15 =	vgt.f32 v22, v15  }
0x327: {  	v26 =	vmax.f32 v26, v27;
	v27 =	vld [tilespmem:s25+$0xFFFFFF60];
	v8 =	vsel vm15, v24, v8;
	v28 =	vsel vm15, v15, v22  }
0x328: {  	v24 =	vsel vm15, v14, v24;
	v23 =	vmax.f32 v26, v23;
	v29 =	vld [tilespmem:s25+$0xFFFFFF70];
	vm0 =	vgt.f32 v28, v16;
	v14 =	vmovc v8  }
0x329: {  	v23 =	vmax.f32 v23, v25;
	v30 =	vld [tilespmem:s25+$0xFFFFFF80];
	v31 =	vsel vm0, v16, v28;
	v16 =	vsel vm0, v28, v16  }
.Ltmp6:
0x32a: {  	v21 =	vmax.f32 v23, v21;
	v25 =	vld [tilespmem:s25+$0xFFFFFF90];
	v23 =	vsel vm0, v10, v24;
	vm1 =	vgt.f32 v31, v17;
	(pc) =	sbr.rel @p1 .LBB2_11-.Ltmp6, $4  }
0x32b: {  	v20 =	vmax.f32 v21, v20;
	v26 =	vld [tilespmem:s25+$0xFFFFFFA0];
	v21 =	vsel vm1, v17, v31;
	v17 =	vsel vm1, v31, v17  }
0x32c: {  	v9 =	vsel vm1, v23, v9;
	v20 =	vmax.f32 v20, v27;
	v27 =	vld [tilespmem:s25+$0xFFFFFFB0];
	vm9 =	vgt.f32 v21, v18  }
0x32d: {  	v23 =	vsel vm1, v13, v23;
	v13 =	vmovc v9;
	v20 =	vmax.f32 v20, v29;
	v28 =	vld [tilespmem:s25+$0xFFFFFFC0];
	v18 =	vsel vm9, v21, v18  }
0x32e: {  	v10 =	vsel vm0, v24, v10;
	s25 =	sadd.s32 $0x200, s25;
	v24 =	vsel vm9, v19, v21;
	v30 =	vmax.f32 v20, v30;
	v29 =	vld [tilespmem:s22+$0xFFFFFFD0];
	v19 =	vmovc v18  }
0x32f: {  	v31 =	vld [tilespmem:s22+$0xFFFFFFF0]  }
0x330: {  	v32 =	vld [tilespmem:s22+$0x0]  }
0x331: {  	v20 =	vld.msk @!p0 [tilespmem:s21+$0x0], $0x1  }
0x332: {  	v33 =	vld [tilespmem:s22+$0x10]  }
0x333: {  	v34 =	vld [tilespmem:s22+$0x20]  }
0x334: {  	v35 =	vld [tilespmem:s22+$0x30]  }
0x335: {  	v36 =	vld [tilespmem:s22+$0x40]  }
0x336: {  	v37 =	vld [tilespmem:s22+$0x50];
	v21 =	vshrl.u32 @!p0 v20, $0x3  }
0x337: {  	v38 =	vld [tilespmem:s22+$0x60];
	v21 =	vmul.u32 @!p0 $0x1870, v21  }
0x338: {  	v39 =	vld [tilespmem:s22+$0x70];
	v20 =	vand.u32 @!p0 $0x7, v20  }
0x339: {  	v40 =	vld [tilespmem:s22+$0x80];
	v41 =	vlaneseq.u32 @!p0;
	v21 =	vor.u32 @!p0 v20, v21;
	v20 =	vimm.s32 @!p0 $0x0  }
0x33a: {  	v42 =	vld [tilespmem:s22+$0x90];
	v43 =	vperm.xlane @!p0 v21, v20;
	v21 =	vmul.u32 @!p0 $0x8, v41  }
0x33b: {  	v63 =	vld [tilespmem:s22+$0xA0]  }
0x33c: {  	v44 =	vld [tilespmem:s22+$0xB0];
	v43 =	vadd.s32 @!p0 v21, v43  }
0x33d: {  	v45 =	vld [tilespmem:s22+$0xC0]  }
0x33e: {  	v46 =	vld [tilespmem:s22+$0xD0]  }
0x33f: {  	v47 =	vld [tilespmem:s22+$0xE0]  }
0x340: {  	v48 =	vld [tilespmem:s22+$0xF0];
	s22 =	simm.s32 @!p0 $0x0;
	s24 =	simm.s32 @!p0 $0x4E00  }
0x341: {  	[tilespmem:s24], [sflag:$0x2] =	stream.indirect_vreg.gather @!p0 [hbm4b:s15+s22], $0x80, v43, vm3, $0xb8;
	[tilespmem:$0xF680] =	vst v63  }
0x342: {  	s4 =	rddreg [dreg:$0x12];
	s24 =	simm.s32 @!p0 $0x5600  }
0x343: {  	[tilespmem:s24], [sflag:$0x2] =	stream.indirect_vreg.gather @!p0 [hbm4b:s4+s22], $0x80, v43, vm3, $0xb8;
	[tilespmem:$0xF680] =	vst v63  }
0x344: {  	s24 =	simm.s32 @!p0 $0x5E00;
	s4 =	rddreg [dreg:$0x13]  }
0x345: {  	[tilespmem:s24], [sflag:$0x2] =	stream.indirect_vreg.gather @!p0 [hbm4b:s4+s22], $0x80, v43, vm3, $0xb8;
	[tilespmem:$0xF680] =	vst v63  }
0x346: {  	s24 =	simm.s32 @!p0 $0x6600;
	s4 =	rddreg [dreg:$0x14]  }
0x347: {  	[tilespmem:s24], [sflag:$0x2] =	stream.indirect_vreg.gather @!p0 [hbm4b:s4+s22], $0x80, v43, vm3, $0xb8;
	[tilespmem:$0xF680] =	vst v63  }
0x348: {  	v25 =	vmax.f32 v30, v25;
	s24 =	simm.s32 @!p0 $0x6E00;
	s4 =	rddreg [dreg:$0x15]  }
0x349: {  	v25 =	vmax.f32 v25, v26;
	[tilespmem:s24], [sflag:$0x2] =	stream.indirect_vreg.gather @!p0 [hbm4b:s4+s22], $0x80, v43, vm3, $0xb8;
	[tilespmem:$0xF680] =	vst v63  }
0x34a: {  	v25 =	vmax.f32 v25, v27;
	s24 =	simm.s32 @!p0 $0x7600;
	s4 =	rddreg [dreg:$0x16]  }
0x34b: {  	v25 =	vmax.f32 v25, v28;
	[tilespmem:s24], [sflag:$0x2] =	stream.indirect_vreg.gather @!p0 [hbm4b:s4+s22], $0x80, v43, vm3, $0xb8;
	[tilespmem:$0xF680] =	vst v63  }
0x34c: {  	v25 =	vmax.f32 v25, v29;
	s24 =	simm.s32 @!p0 $0x7E00;
	s4 =	rddreg [dreg:$0x17]  }
0x34d: {  	v11 =	vmax.f32 v25, v11;
	[tilespmem:s24], [sflag:$0x2] =	stream.indirect_vreg.gather @!p0 [hbm4b:s4+s22], $0x80, v43, vm3, $0xb8;
	[tilespmem:$0xF680] =	vst v63  }
0x34e: {  	v11 =	vmax.f32 v11, v31;
	s24 =	simm.s32 @!p0 $0x8600;
	s4 =	rddreg [dreg:$0x18]  }
0x34f: {  	v11 =	vmax.f32 v11, v32;
	[tilespmem:s24], [sflag:$0x2] =	stream.indirect_vreg.gather @!p0 [hbm4b:s4+s22], $0x80, v43, vm3, $0xb8;
	[tilespmem:$0xF680] =	vst v63  }
0x350: {  	v11 =	vmax.f32 v11, v33;
	s24 =	simm.s32 @!p0 $0x8E00;
	s4 =	rddreg [dreg:$0x19]  }
0x351: {  	v11 =	vmax.f32 v11, v34;
	[tilespmem:s24], [sflag:$0x2] =	stream.indirect_vreg.gather @!p0 [hbm4b:s4+s22], $0x80, v43, vm3, $0xb8;
	[tilespmem:$0xF680] =	vst v63  }
0x352: {  	v11 =	vmax.f32 v11, v35;
	s24 =	simm.s32 @!p0 $0x9600;
	s4 =	rddreg [dreg:$0x1a]  }
0x353: {  	v11 =	vmax.f32 v11, v36;
	[tilespmem:s24], [sflag:$0x2] =	stream.indirect_vreg.gather @!p0 [hbm4b:s4+s22], $0x80, v43, vm4, $0xb8;
	[tilespmem:$0xF680] =	vst v63  }
0x354: {  	v11 =	vmax.f32 v11, v37;
	_ =	swait.ge [sflag:s2], $0x80  }
0x355: {  	v11 =	vmax.f32 v11, v38;
	[sflag:s2] =	ssyncset.done $0x0  }
0x356: {  	v11 =	vmax.f32 v11, v39;
	[sflag:s2] =	ssyncadd.s32 $0xFFFFFF80  }
0x357: {  	v11 =	vmax.f32 v11, v40;
	v40 =	vld [tilespmem:$0x9C00]  }
0x358: {  	v11 =	vmax.f32 v11, v42;
	v42 =	vld [tilespmem:$0x9C10]  }
0x359: {  	v11 =	vmax.f32 v11, v63;
	v43 =	vld [tilespmem:$0x9C20]  }
0x35a: {  	v11 =	vmax.f32 v11, v44;
	v44 =	vld [tilespmem:$0x9C30]  }
0x35b: {  	v11 =	vmax.f32 v11, v45;
	v45 =	vld [tilespmem:$0x9C40]  }
0x35c: {  	v11 =	vmax.f32 v11, v46;
	v46 =	vld [tilespmem:$0x9C50]  }
0x35d: {  	v15 =	vsel vm15, v22, v15;
	v11 =	vmax.f32 v11, v47;
	v49 =	vld [tilespmem:$0x9C60];
	v25 =	vmax.f32 v40, v42  }
0x35e: {  	vm0 =	vgt.f32 v24, v12;
	v11 =	vmax.f32 v11, v48;
	v50 =	vld [tilespmem:$0x9C70];
	v22 =	vmax.f32 v25, v43  }
0x35f: {  	v52 =	vimm.s32 $0x0;
	vm8 =	vgt.f32 v11, v15;
	v22 =	vmax.f32 v22, v44  }
0x360: {  	v54 =	vimm.s32 $0x0;
	v51 =	vsel vm8, v15, v11;
	v22 =	vmax.f32 v22, v45  }
0x361: {  	v28 =	vsel vm0, $0xFFFFFFFF, v52;
	vm2 =	vgt.f32 v51, v16;
	v22 =	vmax.f32 v22, v46  }
0x362: {  	v11 =	vsel vm8, v11, v15;
	v53 =	vsel vm2, v16, v51;
	v22 =	vmax.f32 v22, v49  }
0x363: {  	vm7 =	vgt.f32 v53, v17;
	v25 =	vsel vm4, $0xFFFFFFFF, v54;
	v15 =	vmax.f32 v22, v50  }
0x364: {  	vm4 =	vmmov vm3;
	v22 =	vsel vm7, v17, v53;
	vm3 =	vgt.f32 v15, v11  }
0x365: {  	v16 =	vsel vm2, v51, v16;
	vm1 =	vgt.f32 v22, v18;
	v55 =	vsel vm3, v11, v15  }
0x366: {  	v17 =	vsel vm7, v53, v17;
	v18 =	vsel vm1, v22, v18;
	vm10 =	vgt.f32 v55, v16  }
0x367: {  	v19 =	vsel vm1, v19, v22;
	v11 =	vsel vm3, v15, v11;
	v15 =	vsel vm10, v55, v16  }
0x368: {  	[tilespmem:$0x1FFA0] =	vst v28;
	v22 =	vimm.s32 $0x0;
	v16 =	vsel vm10, v16, v55;
	vm6 =	vgt.f32 v15, v11  }
0x369: {  	v12 =	vsel vm0, v24, v12;
	v56 =	vld [tilespmem:$0x1FFA0];
	vm5 =	vgt.f32 v16, v17;
	v22 =	vsel vm6, $0xFFFFFFFF, v22  }
0x36a: {  	vm0 =	vgt.f32 v19, v12;
	[tilespmem:$0x1FFB0] =	vst v22;
	v22 =	vsel vm5, v16, v17;
	v16 =	vsel vm5, v17, v16  }
0x36b: {  	v12 =	vsel vm0, v19, v12;
	v17 =	vsel vm6, v15, v11;
	vm11 =	vgt.f32 v16, v18  }
0x36c: {  	vm12 =	vgt.f32 v22, v17;
	v19 =	vsel vm11, v16, v18;
	v16 =	vsel vm11, v18, v16  }
0x36d: {  	v17 =	vsel vm12, v22, v17;
	vm15 =	vgt.f32 v16, v12  }
0x36e: {  	vm6 =	vnez.u8 v56;
	vm14 =	vgt.f32 v19, v17;
	v18 =	vsel vm15, v16, v12  }
0x36f: {  	v12 =	vsel vm14, v19, v17;
	v16 =	vor.u32 s23, v0;
	v17 =	vsel vm9, v7, v23  }
0x370: {  	v7 =	vsel vm9, v23, v7;
	v14 =	vsel vm8, v14, v16;
	v6 =	vsel vm6, v17, v6  }
0x371: {  	v8 =	vsel vm8, v16, v8;
	v16 =	vor.u32 $0xC30, v0;
	v17 =	vsel vm2, v10, v14  }
0x372: {  	v10 =	vsel vm2, v14, v10;
	v9 =	vsel vm7, v17, v9;
	v13 =	vsel vm7, v13, v17  }
0x373: {  	v17 =	vsel vm3, v8, v16;
	v14 =	vsel vm1, v7, v13;
	v13 =	vsel vm1, v13, v7  }
0x374: {  	v7 =	vsel vm10, v17, v10;
	v10 =	vsel vm10, v10, v17;
	v14 =	vsel vm0, v14, v6  }
0x375: {  	v6 =	vsel vm3, v16, v8;
	v8 =	vsel vm5, v10, v9;
	v10 =	vsel vm5, v9, v10;
	v9 =	vld [tilespmem:$0x1FFB0]  }
0x376: {  	vm13 =	vgt.f32 v18, v12  }
0x377: {  	v12 =	vsel vm13, v18, v12  }
0x378: {  	(xrf0) =	vmax.scan.msk.f32 $0xffff, v12;
	_ =	sdelay $0x1  }
0x379: {  	vm0 =	vnez.u8 v9  }
0x37a: {  	v16 =	vsel vm0, v7, v6;
	_ =	sdelay $0x2  }
0x37b: {  	v9 =	vsel vm11, v10, v13;
	v10 =	vsel vm11, v13, v10;
	v13 =	vsel vm12, v8, v16;
	v16, _, _ =	vpop (xrf0)  }
0x37c: {  	v10 =	vsel vm15, v10, v14;
	v13 =	vsel vm14, v9, v13;
	v14 =	vbroadcast v16, $0xF  }
0x37d: {  	v13 =	vsel vm13, v10, v13  }
0x37e: {  	vm0 =	veq.f32 v12, v14;
	v12 =	vxor.u32 $0x80000000, v13  }
0x37f: {  	v12 =	vnsel vm0, $0xFFFFFFFF, v12  }
0x380: {  	(xrf0) =	vmin.scan.msk.u32 $0xffff, v12;
	_ =	sdelay $0x5  }
0x381: {  	v12, _, _ =	vpop (xrf0)  }
0x382: {  	(v2sf) =	vpush v12, $0xF;
	_ =	sdelay $0xe  }
0x383: {  	s25 =	spop (v2sf)  }
0x384: {  	s23 =	sshra.s32 s25, $0x4  }
0x385: {  	v13 =	vshra.s32 v7, $0x4;
	v12 =	vshra.s32 v6, $0x4;
	s26 =	sxor.u32 $0xF8000000, s23  }
0x386: {  	vm0 =	veq.s32 v12, s26;
	vm1 =	veq.s32 v13, s26  }
0x387: {  	v11 =	vsel vm0, $0xFF800000, v11;
	v17 =	vsel vm1, $0xFF800000, v15;
	v15 =	vshra.s32 v8, $0x4  }
0x388: {  	vm0 =	veq.s32 v15, s26;
	vm1 =	vgt.f32 v17, v11  }
0x389: {  	v16 =	vshra.s32 v9, $0x4;
	v22 =	vsel vm0, $0xFF800000, v22;
	v23 =	vsel vm1, v17, v11  }
0x38a: {  	vm0 =	veq.s32 v16, s26;
	vm2 =	vgt.f32 v22, v23  }
0x38b: {  	v14 =	vshra.s32 v10, $0x4;
	v19 =	vsel vm0, $0xFF800000, v19;
	v23 =	vsel vm2, v22, v23  }
0x38c: {  	vm0 =	veq.s32 v14, s26;
	vm3 =	vgt.f32 v19, v23  }
0x38d: {  	v18 =	vsel vm0, $0xFF800000, v18;
	v23 =	vsel vm3, v19, v23  }
0x38e: {  	vm0 =	vgt.f32 v18, v23  }
0x38f: {  	v23 =	vsel vm0, v18, v23  }
0x390: {  	(xrf0) =	vmax.scan.msk.f32 $0xffff, v23;
	_ =	sdelay $0x4  }
0x391: {  	v57 =	vsel vm1, v7, v6  }
0x392: {  	v24 =	vsel vm2, v8, v57;
	v58, _, _ =	vpop (xrf0)  }
0x393: {  	[tilespmem:$0x1FFC0] =	vst v25;
	v24 =	vsel vm3, v9, v24;
	v25 =	vbroadcast v58, $0xF  }
0x394: {  	v24 =	vsel vm0, v10, v24  }
0x395: {  	vm0 =	veq.f32 v23, v25;
	v23 =	vxor.u32 $0x80000000, v24  }
0x396: {  	v23 =	vnsel vm0, $0xFFFFFFFF, v23  }
0x397: {  	(xrf0) =	vmin.scan.msk.u32 $0xffff, v23;
	_ =	sdelay $0x5  }
0x398: {  	v23, _, _ =	vpop (xrf0)  }
0x399: {  	(v2sf) =	vpush v23, $0xF;
	_ =	sdelay $0xe  }
0x39a: {  	s28 =	spop (v2sf)  }
0x39b: {  	s26 =	sshra.s32 s28, $0x4  }
0x39c: {  	s24 =	sxor.u32 $0xF8000000, s26  }
0x39d: {  	vm0 =	veq.s32 v12, s24;
	vm1 =	veq.s32 v13, s24  }
0x39e: {  	v11 =	vsel vm0, $0xFF800000, v11;
	v17 =	vsel vm1, $0xFF800000, v17  }
0x39f: {  	vm0 =	veq.s32 v15, s24;
	vm1 =	vgt.f32 v17, v11  }
0x3a0: {  	v22 =	vsel vm0, $0xFF800000, v22;
	v23 =	vsel vm1, v17, v11  }
0x3a1: {  	vm0 =	veq.s32 v16, s24;
	vm2 =	vgt.f32 v22, v23  }
0x3a2: {  	v19 =	vsel vm0, $0xFF800000, v19;
	v23 =	vsel vm2, v22, v23  }
0x3a3: {  	vm0 =	veq.s32 v14, s24;
	vm3 =	vgt.f32 v19, v23  }
0x3a4: {  	v18 =	vsel vm0, $0xFF800000, v18;
	v23 =	vsel vm3, v19, v23  }
0x3a5: {  	vm0 =	vgt.f32 v18, v23  }
0x3a6: {  	v23 =	vsel vm0, v18, v23  }
0x3a7: {  	(xrf0) =	vmax.scan.msk.f32 $0xffff, v23;
	_ =	sdelay $0x4  }
0x3a8: {  	v59 =	vsel vm1, v7, v6  }
0x3a9: {  	v24 =	vsel vm2, v8, v59;
	v60, _, _ =	vpop (xrf0)  }
0x3aa: {  	v24 =	vsel vm3, v9, v24;
	v25 =	vbroadcast v60, $0xF  }
0x3ab: {  	v24 =	vsel vm0, v10, v24  }
0x3ac: {  	vm0 =	veq.f32 v23, v25;
	v23 =	vxor.u32 $0x80000000, v24  }
0x3ad: {  	v24 =	vld.msk @!p0 [tilespmem:s21+$0x0], $0x1;
	v23 =	vnsel vm0, $0xFFFFFFFF, v23  }
0x3ae: {  	(xrf0) =	vmin.scan.msk.u32 $0xffff, v23;
	_ =	sdelay $0x3  }
0x3af: {  	v23 =	vshrl.u32 @!p0 v24, $0x3  }
0x3b0: {  	v23 =	vmul.u32 @!p0 $0x1870, v23  }
0x3b1: {  	v24 =	vand.u32 @!p0 $0x7, v24;
	v61, _, _ =	vpop (xrf0)  }
0x3b2: {  	v23 =	vor.u32 @!p0 v24, v23;
	(v2sf) =	vpush v61, $0xF  }
0x3b3: {  	v20 =	vperm.xlane @!p0 v23, v20;
	_ =	sdelay $0x1  }
0x3b4: {  	v20 =	vadd.s32 @!p0 v21, v20;
	_ =	sdelay $0x3  }
0x3b5: {  	s21 =	simm.s32 @!p0 $0x9C00  }
0x3b6: {  	[tilespmem:s21], [sflag:$0x3] =	stream.indirect_vreg.gather @!p0 [hbm4b:s16+s22], $0x80, v20, vm4, $0xb8;
	[tilespmem:$0xF680] =	vst v63  }
0x3b7: {  	s4 =	rddreg [dreg:$0x1b];
	s21 =	simm.s32 @!p0 $0xA400  }
0x3b8: {  	[tilespmem:s21], [sflag:$0x3] =	stream.indirect_vreg.gather @!p0 [hbm4b:s4+s22], $0x80, v20, vm4, $0xb8;
	[tilespmem:$0xF680] =	vst v63  }
0x3b9: {  	s21 =	simm.s32 @!p0 $0xAC00  }
0x3ba: {  	[tilespmem:s21], [sflag:$0x3] =	stream.indirect_vreg.gather @!p0 [hbm4b:s19+s22], $0x80, v20, vm4, $0xb8;
	[tilespmem:$0xF680] =	vst v63  }
0x3bb: {  	s21 =	simm.s32 @!p0 $0xB400  }
0x3bc: {  	[tilespmem:s21], [sflag:$0x3] =	stream.indirect_vreg.gather @!p0 [hbm4b:s6+s22], $0x80, v20, vm4, $0xb8;
	[tilespmem:$0xF680] =	vst v63  }
0x3bd: {  	s29 =	spop (v2sf)  }
0x3be: {  	s21 =	sshra.s32 s29, $0x4  }
0x3bf: {  	s4 =	sxor.u32 $0xF8000000, s21  }
0x3c0: {  	s25 =	simm.s32 @!p0 $0xBC00;
	vm0 =	veq.s32 v12, s4;
	vm1 =	veq.s32 v13, s4  }
0x3c1: {  	[tilespmem:s25], [sflag:$0x3] =	stream.indirect_vreg.gather @!p0 [hbm4b:s7+s22], $0x80, v20, vm4, $0xb8;
	v21 =	vsel vm0, $0xFF800000, v11;
	v17 =	vsel vm1, $0xFF800000, v17;
	[tilespmem:$0xF680] =	vst v63  }
0x3c2: {  	s25 =	simm.s32 @!p0 $0xC400;
	vm0 =	veq.s32 v15, s4;
	vm1 =	vgt.f32 v17, v21  }
0x3c3: {  	[tilespmem:s25], [sflag:$0x3] =	stream.indirect_vreg.gather @!p0 [hbm4b:s8+s22], $0x80, v20, vm4, $0xb8;
	v22 =	vsel vm0, $0xFF800000, v22;
	v11 =	vsel vm1, v17, v21;
	[tilespmem:$0xF680] =	vst v63  }
0x3c4: {  	s25 =	simm.s32 @!p0 $0xCC00;
	vm0 =	veq.s32 v16, s4;
	vm2 =	vgt.f32 v22, v11  }
0x3c5: {  	v23 =	vld [tilespmem:$0x1FFC0];
	[tilespmem:s25], [sflag:$0x3] =	stream.indirect_vreg.gather @!p0 [hbm4b:s9+s22], $0x80, v20, vm4, $0xb8;
	v19 =	vsel vm0, $0xFF800000, v19;
	v11 =	vsel vm2, v22, v11  }
0x3c6: {  	s25 =	simm.s32 @!p0 $0xD400;
	vm0 =	veq.s32 v14, s4;
	vm3 =	vgt.f32 v19, v11  }
0x3c7: {  	[tilespmem:s25], [sflag:$0x3] =	stream.indirect_vreg.gather @!p0 [hbm4b:s10+s22], $0x80, v20, vm4, $0xb8;
	v18 =	vsel vm0, $0xFF800000, v18;
	v11 =	vsel vm3, v19, v11;
	[tilespmem:$0xF680] =	vst v63  }
0x3c8: {  	s24 =	simm.s32 @!p0 $0xDC00;
	vm0 =	vgt.f32 v18, v11  }
0x3c9: {  	[tilespmem:s24], [sflag:$0x3] =	stream.indirect_vreg.gather @!p0 [hbm4b:s11+s22], $0x80, v20, vm4, $0xb8;
	v11 =	vsel vm0, v18, v11;
	[tilespmem:$0xF680] =	vst v63  }
0x3ca: {  	s24 =	simm.s32 @!p0 $0xE400;
	vm4 =	vnez.u8 v23;
	(xrf0) =	vmax.scan.msk.f32 $0xffff, v11  }
0x3cb: {  	[tilespmem:s24], [sflag:$0x3] =	stream.indirect_vreg.gather @!p0 [hbm4b:s12+s22], $0x80, v20, vm4, $0xb8;
	[tilespmem:$0xF680] =	vst v63  }
0x3cc: {  	v20 =	vld.msk [tilespmem:s14+$0x0], $0x1;
	_ =	sdelay $0x2  }
0x3cd: {  	v23 =	vsel vm1, v7, v6  }
0x3ce: {  	v23 =	vsel vm2, v8, v23;
	v62, _, _ =	vpop (xrf0)  }
0x3cf: {  	v23 =	vsel vm3, v9, v23;
	v63 =	vshrl.u32 v20, $0x3;
	v24 =	vbroadcast v62, $0xF  }
0x3d0: {  	v23 =	vsel vm0, v10, v23;
	v25 =	vmul.u32 $0x1870, v63  }
0x3d1: {  	v20 =	vand.u32 $0x7, v20;
	vm0 =	veq.f32 v11, v24;
	v11 =	vxor.u32 $0x80000000, v23  }
0x3d2: {  	v20 =	vor.u32 v20, v25;
	v23 =	vnsel vm0, $0xFFFFFFFF, v11;
	v11 =	vimm.s32 $0x0  }
0x3d3: {  	(xrf0) =	vmin.scan.msk.u32 $0xffff, v23;
	v20 =	vperm.xlane v20, v11;
	_ =	sdelay $0x1  }
0x3d4: {  	v20 =	vadd.s32 v3, v20  }
0x3d5: {  	s25 =	sshll.u32 s23, $0x9  }
0x3d6: {  	p0 =	slt.s32 s25, $0x18480  }
0x3d7: {  	s25 =	simm.s32 @!p0 $0x18480  }
0x3d8: {  	vm9 =	vmmov $0xf;
	s23 =	simm.s32 $0xEA00;
	s24 =	simm.s32 $0x0;
	s5 =	sadd.s32 s1, s25;
	v23, _, _ =	vpop (xrf0)  }
0x3d9: {  	(v2sf) =	vpush v23, $0xF;
	[tilespmem:s23], [sflag:$0x4] =	stream.indirect_vreg.gather [hbm4b:s5+s24], $0x80, v20, vm9, $0xb8;
	[tilespmem:$0xF680] =	vst v63  }
0x3da: {  	v20 =	vld.msk [tilespmem:s14+$0x0], $0x1;
	_ =	sdelay $0x4  }
0x3db: {  	v23 =	vshrl.u32 v20, $0x3  }
0x3dc: {  	v23 =	vmul.u32 $0x1870, v23  }
0x3dd: {  	v20 =	vand.u32 $0x7, v20  }
0x3de: {  	v20 =	vor.u32 v20, v23  }
0x3df: {  	v20 =	vperm.xlane v20, v11;
	_ =	sdelay $0x1  }
0x3e0: {  	v20 =	vadd.s32 v3, v20  }
0x3e1: {  	s23 =	sshll.u32 s26, $0x9  }
0x3e2: {  	p0 =	slt.s32 s23, $0x18480  }
0x3e3: {  	s23 =	simm.s32 @!p0 $0x18480;
	s26 =	spop (v2sf)  }
0x3e4: {  	s29 =	simm.s32 $0xEC00;
	s28 =	sadd.s32 s1, s23;
	s26 =	sshra.s32 s26, $0x4  }
0x3e5: {  	[tilespmem:s29], [sflag:$0x4] =	stream.indirect_vreg.gather [hbm4b:s28+s24], $0x80, v20, vm9, $0xb8;
	[tilespmem:$0xF680] =	vst v63  }
0x3e6: {  	s5 =	sxor.u32 $0xF8000000, s26;
	v20 =	vld.msk [tilespmem:s14+$0x0], $0x1  }
0x3e7: {  	vm0 =	veq.s32 v12, s5;
	vm1 =	veq.s32 v13, s5  }
0x3e8: {  	v12 =	vsel vm0, $0xFF800000, v21;
	v13 =	vsel vm1, $0xFF800000, v17  }
0x3e9: {  	vm0 =	veq.s32 v15, s5;
	vm1 =	vgt.f32 v13, v12  }
0x3ea: {  	v15 =	vsel vm0, $0xFF800000, v22;
	v12 =	vsel vm1, v13, v12  }
0x3eb: {  	vm0 =	veq.s32 v16, s5;
	vm2 =	vgt.f32 v15, v12;
	v13 =	vshrl.u32 v20, $0x3  }
0x3ec: {  	v16 =	vsel vm0, $0xFF800000, v19;
	v12 =	vsel vm2, v15, v12;
	v13 =	vmul.u32 $0x1870, v13  }
0x3ed: {  	vm0 =	veq.s32 v14, s5;
	v14 =	vand.u32 $0x7, v20;
	vm3 =	vgt.f32 v16, v12  }
0x3ee: {  	v15 =	vsel vm0, $0xFF800000, v18;
	v12 =	vsel vm3, v16, v12;
	v13 =	vor.u32 v14, v13  }
0x3ef: {  	vm0 =	vgt.f32 v15, v12;
	v13 =	vperm.xlane v13, v11  }
0x3f0: {  	v12 =	vsel vm0, v15, v12  }
0x3f1: {  	(xrf0) =	vmax.scan.msk.f32 $0xffff, v12;
	v13 =	vadd.s32 v3, v13  }
0x3f2: {  	s22 =	sshll.u32 s21, $0x9  }
0x3f3: {  	p0 =	slt.s32 s22, $0x18480  }
0x3f4: {  	s22 =	simm.s32 @!p0 $0x18480  }
0x3f5: {  	s28 =	sadd.s32 s1, s22;
	s29 =	simm.s32 $0xEE00  }
0x3f6: {  	v6 =	vsel vm1, v7, v6;
	[tilespmem:s29], [sflag:$0x4] =	stream.indirect_vreg.gather [hbm4b:s28+s24], $0x80, v13, vm9, $0xb8;
	[tilespmem:$0xF680] =	vst v63  }
0x3f7: {  	v6 =	vsel vm2, v8, v6;
	v7, _, _ =	vpop (xrf0);
	v8 =	vld.msk [tilespmem:s14+$0x0], $0x1  }
0x3f8: {  	v6 =	vsel vm3, v9, v6;
	v7 =	vbroadcast v7, $0xF  }
0x3f9: {  	v6 =	vsel vm0, v10, v6  }
0x3fa: {  	v6 =	vxor.u32 $0x80000000, v6;
	vm0 =	veq.f32 v12, v7  }
0x3fb: {  	v6 =	vnsel vm0, $0xFFFFFFFF, v6  }
0x3fc: {  	(xrf0) =	vmin.scan.msk.u32 $0xffff, v6;
	v6 =	vshrl.u32 v8, $0x3  }
0x3fd: {  	v6 =	vmul.u32 $0x1870, v6  }
0x3fe: {  	v7 =	vand.u32 $0x7, v8  }
0x3ff: {  	v6 =	vor.u32 v7, v6  }
0x400: {  	v6 =	vperm.xlane v6, v11;
	_ =	sdelay $0x1  }
0x401: {  	v7, _, _ =	vpop (xrf0);
	v6 =	vadd.s32 v3, v6  }
0x402: {  	s21 =	sshll.u32 s26, $0x9;
	(v2sf) =	vpush v7, $0xF  }
0x403: {  	p0 =	slt.s32 s21, $0x18480  }
0x404: {  	s21 =	simm.s32 @!p0 $0x18480  }
0x405: {  	s5 =	sadd.s32 s1, s21;
	s28 =	simm.s32 $0xF000  }
0x406: {  	[tilespmem:s28], [sflag:$0x4] =	stream.indirect_vreg.gather [hbm4b:s5+s24], $0x80, v6, vm9, $0xb8;
	[tilespmem:$0xF680] =	vst v63  }
0x407: {  	v6 =	vld.msk [tilespmem:s14+$0x0], $0x1;
	_ =	sdelay $0x4  }
0x408: {  	v7 =	vshrl.u32 v6, $0x3  }
0x409: {  	v7 =	vmul.u32 $0x1870, v7  }
0x40a: {  	v6 =	vand.u32 $0x7, v6  }
0x40b: {  	v6 =	vor.u32 v6, v7  }
0x40c: {  	v6 =	vperm.xlane v6, v11  }
0x40d: {  	s29 =	spop (v2sf)  }
0x40e: {  	s14 =	sshll.u32 s29, $0x5;
	v6 =	vadd.s32 v3, v6  }
0x40f: {  	s14 =	sand.u32 $0xFFFFFE00, s14  }
0x410: {  	p0 =	slt.s32 s14, $0x18480  }
0x411: {  	s14 =	simm.s32 @!p0 $0x18480  }
0x412: {  	s5 =	simm.s32 $0xF200;
	s4 =	sadd.s32 s1, s14  }
0x413: {  	[tilespmem:s5], [sflag:$0x4] =	stream.indirect_vreg.gather [hbm4b:s4+s24], $0x80, v6, vm9, $0xb8;
	[tilespmem:$0xF680] =	vst v63  }
0x414: {  	_ =	swait.ge [sflag:s20], $0x200  }
0x415: {  	[sflag:s20] =	ssyncset.done $0x0  }
0x416: {  	[sflag:s20] =	ssyncadd.s32 $0xFFFFFE00  }
0x417: {  	_ =	swait.ge [sflag:s20], $0x200  }
0x418: {  	[sflag:s20] =	ssyncset.done $0x0  }
0x419: {  	[sflag:s20] =	ssyncadd.s32 $0xFFFFFE00  }
0x41a: {  	_ =	swait.ge [sflag:s20], $0x200  }
0x41b: {  	[sflag:s20] =	ssyncset.done $0x0  }
0x41c: {  	[sflag:s20] =	ssyncadd.s32 $0xFFFFFE00  }
0x41d: {  	_ =	swait.ge [sflag:s20], $0x200  }
0x41e: {  	[sflag:s20] =	ssyncset.done $0x0  }
0x41f: {  	[sflag:s20] =	ssyncadd.s32 $0xFFFFFE00  }
0x420: {  	_ =	swait.ge [sflag:s20], $0x200  }
0x421: {  	[sflag:s20] =	ssyncset.done $0x0  }
0x422: {  	s28 =	simm.s32 $0x0;
	[sflag:s20] =	ssyncadd.s32 $0xFFFFFE00  }
0x423: {  	v7 =	vld [tilespmem:s28+$0xEA00];
	_ =	sdelay $0x2  }
0x424: {  	s29 =	simm.s32 $0x10  }
0x425: {  	v6 =	vimm.f32 $-Inf;
	v12 =	vld [tilespmem:s29+$0xEA00]  }
0x426: {  	vm0 =	vgt.f32 v7, v6  }
0x427: {  	v20 =	vimm.s32 $0x0;
	v10 =	vor.u32 s25, v0;
	s25 =	sadd.s32 $0x10, s25;
	v8 =	vsel vm0, v6, v7  }
0x428: {  	v18 =	vimm.s32 $0x0;
	v15 =	vor.u32 s25, v0;
	vm9 =	vgt.f32 v8, v6  }
0x429: {  	v14 =	vsel vm0, v7, v6;
	v9 =	vsel vm0, v10, v11;
	v13 =	vsel vm9, v6, v8  }
0x42a: {  	v19 =	vsel vm0, v11, v10;
	vm10 =	vgt.f32 v12, v14;
	vm1 =	vgt.f32 v13, v6  }
0x42b: {  	v7 =	vsel vm9, v8, v6;
	v8 =	vsel vm9, v11, v19;
	v16 =	vsel vm1, v6, v13  }
0x42c: {  	v21 =	vsel vm10, v14, v12;
	v10 =	vsel vm1, v13, v6;
	vm0 =	vgt.f32 v16, v6  }
0x42d: {  	v22 =	vsel vm1, v11, v8;
	v13 =	vsel vm1, v8, v11;
	v23 =	vsel vm0, v6, v16  }
0x42e: {  	s26 =	simm.s32 $0x80;
	v17 =	vmovc v9;
	v8 =	vsel vm0, v22, v11;
	v16 =	vsel vm0, v16, v6;
	vm1 =	vgt.f32 v23, v6  }
.LBB2_13:
0x42f: {  	s28 =	sshra.s32 s26, $0x2;
	p0 =	sne.s32 s26, $0x7C0;
	s26 =	sadd.s32 $0x40, s26;
	v11 =	vsel vm9, v19, v11;
	v19 =	vsel vm0, v20, v22;
	v6 =	vsel vm1, v23, v6;
	v20 =	vmovc v8  }
0x430: {  	v14 =	vsel vm10, v12, v14;
	vm9 =	vgt.f32 v21, v7;
	v12 =	vld [tilespmem:s28+$0xEA00];
	v18 =	vsel vm1, v19, v18  }
0x431: {  	v9 =	vsel vm10, v15, v9;
	s25 =	sadd.s32 $0x10, s25;
	v22 =	vsel vm9, v7, v21;
	v7 =	vsel vm9, v21, v7  }
.Ltmp7:
0x432: {  	v19 =	vsel vm10, v17, v15;
	v15 =	vor.u32 s25, v0;
	v17 =	vmovc v9;
	vm0 =	vgt.f32 v22, v10;
	(pc) =	sbr.rel @p0 .LBB2_13-.Ltmp7, $4  }
0x433: {  	v21 =	vsel vm9, v11, v19;
	v24 =	vsel vm0, v10, v22;
	v10 =	vsel vm0, v22, v10  }
0x434: {  	v22 =	vsel vm0, v13, v21;
	v13 =	vsel vm0, v21, v13;
	vm0 =	vgt.f32 v24, v16  }
0x435: {  	v8 =	vsel vm0, v22, v8;
	v23 =	vsel vm0, v16, v24;
	vm10 =	vgt.f32 v12, v14  }
0x436: {  	v16 =	vsel vm0, v24, v16;
	vm1 =	vgt.f32 v23, v6;
	v21 =	vsel vm10, v14, v12  }
0x437: {  	v11 =	vsel vm9, v19, v11;
	v19 =	vsel vm0, v20, v22;
	v20 =	vsel vm1, v23, v6  }
0x438: {  	v12 =	vsel vm10, v12, v14;
	vm0 =	vgt.f32 v21, v7;
	s24 =	sand.u32 $0x1F0, s24;
	v14 =	vsel vm1, v19, v18  }
0x439: {  	v19 =	vsel vm10, v15, v9;
	v9 =	vsel vm0, v7, v21;
	v18 =	vld [tilespmem:s24+$0xEC00];
	v15 =	vsel vm10, v17, v15  }
0x43a: {  	s25 =	simm.s32 $0x10;
	v21 =	vsel vm0, v21, v7;
	vm1 =	vgt.f32 v9, v10;
	v7 =	vsel vm0, v11, v15  }
0x43b: {  	s28 =	sand.u32 $0x1F0, s25;
	v23 =	vsel vm0, v15, v11;
	v6 =	vsel vm1, v9, v10;
	v9 =	vsel vm1, v10, v9  }
0x43c: {  	s29 =	sadd.s32 $0x0, s23;
	v15 =	vld [tilespmem:s28+$0xEC00];
	v10 =	vsel vm1, v7, v13;
	v13 =	vsel vm1, v13, v7;
	vm1 =	vgt.f32 v9, v16  }
0x43d: {  	v11 =	vor.u32 s29, v0;
	v7 =	vsel vm1, v13, v8;
	v17 =	vsel vm1, v16, v9  }
0x43e: {  	v22 =	vsel vm1, v9, v16;
	vm2 =	vgt.f32 v17, v20;
	vm0 =	vgt.f32 v18, v12  }
0x43f: {  	v8 =	vsel vm1, v8, v13;
	v13 =	vsel vm2, v17, v20;
	v9 =	vsel vm0, v12, v18  }
0x440: {  	v8 =	vsel vm2, v8, v14;
	v16 =	vsel vm0, v18, v12;
	vm2 =	vgt.f32 v9, v21  }
0x441: {  	v12 =	vsel vm0, v19, v11;
	vm9 =	vgt.f32 v15, v16;
	v18 =	vsel vm2, v21, v9  }
0x442: {  	v14 =	vsel vm2, v9, v21;
	v9 =	vsel vm0, v11, v19;
	vm1 =	vgt.f32 v18, v6  }
0x443: {  	v11 =	vsel vm2, v12, v23;
	v17 =	vsel vm2, v23, v12;
	v23 =	vsel vm1, v6, v18  }
0x444: {  	v19 =	vsel vm9, v16, v15;
	vm2 =	vgt.f32 v23, v22  }
0x445: {  	v12 =	vsel vm1, v17, v10;
	v20 =	vsel vm1, v10, v17;
	v21 =	vsel vm2, v22, v23  }
0x446: {  	s24 =	simm.s32 $0x20;
	v10 =	vsel vm2, v20, v7;
	v17 =	vsel vm2, v23, v22;
	vm0 =	vgt.f32 v21, v13  }
.LBB2_15:
0x447: {  	s26 =	sand.u32 $0x1F0, s24  }
0x448: {  	p0 =	sne.s32 s24, $0x1F0;
	v6 =	vsel vm1, v18, v6;
	v18 =	vsel vm2, v7, v20;
	v13 =	vsel vm0, v21, v13;
	v7 =	vmovc v10;
	s28 =	smov.u32 s24;
	s24 =	sadd.s32 $0x10, s24  }
0x449: {  	s29 =	sadd.s32 s25, s23;
	v16 =	vsel vm9, v15, v16;
	vm2 =	vgt.f32 v19, v14;
	v15 =	vld [tilespmem:s26+$0xEC00];
	v8 =	vsel vm0, v18, v8;
	s25 =	smov.u32 s28  }
0x44a: {  	v20 =	vor.u32 s29, v0;
	v18 =	vsel vm2, v14, v19;
	v14 =	vsel vm2, v19, v14  }
.Ltmp8:
0x44b: {  	v19 =	vsel vm9, v9, v20;
	v9 =	vsel vm9, v20, v9;
	vm1 =	vgt.f32 v18, v6;
	(pc) =	sbr.rel @p0 .LBB2_15-.Ltmp8, $4  }
0x44c: {  	v21 =	vsel vm2, v11, v19;
	v11 =	vsel vm2, v19, v11;
	v22 =	vsel vm1, v6, v18  }
0x44d: {  	v20 =	vsel vm1, v12, v21;
	v12 =	vsel vm1, v21, v12;
	vm2 =	vgt.f32 v22, v17  }
0x44e: {  	v10 =	vsel vm2, v20, v10;
	v21 =	vsel vm2, v17, v22;
	vm9 =	vgt.f32 v15, v16  }
0x44f: {  	v17 =	vsel vm2, v22, v17;
	vm0 =	vgt.f32 v21, v13;
	v19 =	vsel vm9, v16, v15  }
0x450: {  	v18 =	vsel vm1, v18, v6  }
0x451: {  	v7 =	vsel vm2, v7, v20;
	v13 =	vsel vm0, v21, v13;
	vm12 =	vgt.f32 v19, v14;
	s24 =	simm.s32 $0x0  }
0x452: {  	s23 =	sadd.s32 s25, s23;
	v6 =	vsel vm9, v15, v16;
	v15 =	vsel vm0, v7, v8;
	v63 =	vsel vm12, v14, v19;
	s25 =	sand.u32 $0x1F0, s24  }
0x453: {  	v7 =	vor.u32 s23, v0;
	v21 =	vsel vm12, v19, v14;
	vm13 =	vgt.f32 v63, v18;
	v27 =	vld [tilespmem:s25+$0xEE00]  }
0x454: {  	p1 =	por $0x1, $0x1;
	v25 =	vsel vm9, v7, v9;
	v7 =	vsel vm9, v9, v7;
	v14 =	vsel vm13, v18, v63  }
.Ltmp9:
0x455: {  	v9 =	vsel vm12, v7, v11;
	v7 =	vsel vm12, v11, v7;
	v26 =	vsel vm13, v63, v18;
	(pc) =	sbr.rel @!p1 .LBB2_17-.Ltmp9, $4  }
0x456: {  	vm14 =	vgt.f32 v14, v17;
	v22 =	vsel vm13, v7, v12;
	v11 =	vsel vm13, v12, v7  }
0x457: {  	v12 =	vsel vm14, v17, v14;
	v8 =	vsel vm14, v11, v10;
	v7 =	vsel vm14, v14, v17  }
0x458: {  	v10 =	vsel vm14, v10, v11;
	vm15 =	vgt.f32 v12, v13;
	vm9 =	vgt.f32 v27, v6  }
0x459: {  	p0 =	por $0x0, $0x0;
	s23 =	simm.s32 $0x10;
	v12 =	vsel vm15, v12, v13;
	v11 =	vsel vm15, v10, v15;
	v13 =	vsel vm9, v6, v27  }
0x45a: {  	s26 =	sand.u32 $0x1F0, s23;
	s29 =	sadd.s32 $0x0, s22;
	vm13 =	vgt.f32 v13, v21  }
0x45b: {  	v10 =	vld [tilespmem:s26+$0xEE00];
	v14 =	vor.u32 s29, v0;
	v16 =	vsel vm13, v13, v21;
	v13 =	vsel vm13, v21, v13  }
0x45c: {  	p3 =	por $0x1, $0x1;
	v15 =	vsel vm9, v14, v25;
	v14 =	vsel vm9, v25, v14;
	vm0 =	vgt.f32 v13, v26  }
.Ltmp10:
0x45d: {  	v17 =	vsel vm13, v9, v14;
	v20 =	vsel vm0, v26, v13;
	(pc) =	sbr.rel @!p3 .LBB2_19-.Ltmp10, $4  }
0x45e: {  	v6 =	vsel vm9, v27, v6;
	v24 =	vsel vm0, v22, v17;
	vm14 =	vgt.f32 v20, v7  }
0x45f: {  	v18 =	vsel vm0, v13, v26;
	v19 =	vsel vm0, v17, v22;
	v21 =	vsel vm14, v24, v8  }
0x460: {  	v28 =	vsel vm14, v7, v20;
	v7 =	vsel vm14, v20, v7;
	vm9 =	vgt.f32 v10, v6  }
0x461: {  	s28 =	simm.s32 $0x20;
	p2 =	por $0x1, $0x1;
	v23 =	vmovc v11;
	s26 =	simm.s32 $0x10;
	vm15 =	vgt.f32 v28, v12;
	v17 =	vmovc v9;
	v20 =	vmov v12;
	v13 =	vsel vm9, v6, v10  }
.LBB2_20:
0x462: {  	s29 =	sand.u32 $0x1F0, s28  }
0x463: {  	p3 =	sne.s32 s28, $0x1F0;
	v17 =	vsel vm13, v14, v17;
	v14 =	vsel vm14, v8, v24;
	v20 =	vsel vm15, v28, v20;
	v8 =	vmovc v21;
	s4 =	smov.u32 s28;
	s28 =	sadd.s32 $0x10, s28  }
0x464: {  	s5 =	sadd.s32 s26, s22;
	v6 =	vsel vm9, v10, v6;
	vm13 =	vgt.f32 v13, v16;
	v10 =	vld [tilespmem:s29+$0xEE00];
	v23 =	vsel vm15, v14, v23;
	s26 =	smov.u32 s4  }
0x465: {  	v22 =	vor.u32 s5, v0;
	v24 =	vsel vm13, v16, v13;
	v16 =	vsel vm13, v13, v16  }
.Ltmp11:
0x466: {  	v14 =	vsel vm9, v15, v22;
	v15 =	vsel vm9, v22, v15;
	vm0 =	vgt.f32 v24, v18;
	(pc) =	sbr.rel @p3 .LBB2_20-.Ltmp11, $4  }
0x467: {  	v13 =	vsel vm13, v17, v14;
	v22 =	vsel vm0, v18, v24;
	v18 =	vsel vm0, v24, v18  }
0x468: {  	v24 =	vsel vm0, v19, v13;
	v19 =	vsel vm0, v13, v19;
	vm14 =	vgt.f32 v22, v7  }
0x469: {  	v21 =	vsel vm14, v24, v21;
	v28 =	vsel vm14, v7, v22;
	vm9 =	vgt.f32 v10, v6  }
0x46a: {  	v7 =	vsel vm14, v22, v7;
	vm15 =	vgt.f32 v28, v20;
	v13 =	vsel vm9, v6, v10  }
0x46b: {  	v29 =	vmov v8;
	v8 =	vmov v21  }
0x46c: {  	v27 =	vmovc v10;
	v21 =	vmovc v16;
	v25 =	vmov v15;
	v26 =	vmov v18;
	v22 =	vmov v19  }
.LBB2_22:
0x46d: {  	v14 =	vsel @p2 vm13, v14, v17  }
0x46e: {  	v15 =	vsel @p2 vm14, v29, v24;
	v16 =	vsel @p2 vm15, v28, v20;
	s4 =	sadd.s32 s26, s22;
	v10 =	vsel vm9, v27, v6  }
0x46f: {  	vm0 =	vgt.f32 v13, v21;
	v15 =	vsel @p2 vm15, v15, v23;
	v6 =	vor.u32 s4, v0  }
0x470: {  	v24 =	vsel vm0, v13, v21;
	v13 =	vsel vm0, v21, v13;
	v9 =	vpsel p2, v14, v9  }
0x471: {  	v27 =	vld [tilespmem:s25+$0xF000];
	v20 =	vsel vm9, v6, v25;
	v63 =	vsel vm9, v25, v6;
	vm1 =	vgt.f32 v13, v26  }
0x472: {  	v6 =	vsel vm0, v9, v63;
	v23 =	vsel vm1, v13, v26;
	v13 =	vsel vm1, v26, v13  }
.Ltmp12:
0x473: {  	v12 =	vpsel p2, v16, v12;
	v14 =	vsel vm1, v22, v6;
	vm15 =	vgt.f32 v13, v7;
	(pc) =	sbr.rel @!p1 .LBB2_23-.Ltmp12, $4  }
0x474: {  	v21 =	vsel vm1, v6, v22;
	v6 =	vsel vm15, v14, v8;
	v18 =	vsel vm15, v7, v13  }
0x475: {  	v7 =	vsel vm15, v13, v7;
	v13 =	vpsel p2, v15, v11;
	v11 =	vsel vm0, v63, v9  }
0x476: {  	v8 =	vsel vm15, v8, v14;
	vm9 =	vgt.f32 v27, v10;
	vm2 =	vgt.f32 v18, v12  }
0x477: {  	v9 =	vsel vm2, v18, v12;
	v8 =	vsel vm2, v8, v13;
	v12 =	vsel vm9, v10, v27  }
0x478: {  	s4 =	sand.u32 $0x1F0, s23;
	s29 =	sadd.s32 $0x0, s21;
	vm13 =	vgt.f32 v12, v24  }
0x479: {  	v13 =	vld [tilespmem:s4+$0xF000];
	v16 =	vor.u32 s29, v0;
	v15 =	vsel vm13, v12, v24;
	v12 =	vsel vm13, v24, v12  }
0x47a: {  	p1 =	por $0x1, $0x1;
	v14 =	vsel vm9, v16, v20;
	v16 =	vsel vm9, v20, v16;
	vm0 =	vgt.f32 v12, v23  }
.Ltmp13:
0x47b: {  	v19 =	vsel vm13, v11, v16;
	v22 =	vsel vm0, v23, v12;
	(pc) =	sbr.rel @!p1 .LBB2_25-.Ltmp13, $4  }
0x47c: {  	v10 =	vsel vm9, v27, v10;
	v26 =	vsel vm0, v21, v19;
	vm14 =	vgt.f32 v22, v7  }
0x47d: {  	v17 =	vsel vm0, v12, v23;
	v18 =	vsel vm0, v19, v21;
	v20 =	vsel vm14, v26, v6  }
0x47e: {  	v28 =	vsel vm14, v7, v22;
	v7 =	vsel vm14, v22, v7;
	vm9 =	vgt.f32 v13, v10  }
0x47f: {  	s22 =	simm.s32 $0x20;
	p0 =	por $0x1, $0x1;
	v25 =	vmovc v8;
	vm15 =	vgt.f32 v28, v9;
	v19 =	vmovc v11;
	v22 =	vmov v9;
	v12 =	vsel vm9, v10, v13  }
.LBB2_26:
0x480: {  	s4 =	sand.u32 $0x1F0, s22  }
0x481: {  	p1 =	sne.s32 s22, $0x1F0;
	v19 =	vsel vm13, v16, v19;
	v16 =	vsel vm14, v6, v26;
	v22 =	vsel vm15, v28, v22;
	v6 =	vmovc v20;
	s5 =	smov.u32 s22;
	s22 =	sadd.s32 $0x10, s22  }
0x482: {  	s24 =	sadd.s32 s23, s21;
	v10 =	vsel vm9, v13, v10;
	vm13 =	vgt.f32 v12, v15;
	v13 =	vld [tilespmem:s4+$0xF000];
	v25 =	vsel vm15, v16, v25;
	s23 =	smov.u32 s5  }
0x483: {  	v21 =	vor.u32 s24, v0;
	v23 =	vsel vm13, v15, v12;
	v15 =	vsel vm13, v12, v15  }
.Ltmp14:
0x484: {  	v16 =	vsel vm9, v14, v21;
	v14 =	vsel vm9, v21, v14;
	vm0 =	vgt.f32 v23, v17;
	(pc) =	sbr.rel @p1 .LBB2_26-.Ltmp14, $4  }
0x485: {  	v12 =	vsel vm13, v19, v16;
	v21 =	vsel vm0, v17, v23;
	v17 =	vsel vm0, v23, v17  }
0x486: {  	v26 =	vsel vm0, v18, v12;
	v18 =	vsel vm0, v12, v18;
	vm14 =	vgt.f32 v21, v7  }
0x487: {  	v20 =	vsel vm14, v26, v20;
	v28 =	vsel vm14, v7, v21;
	vm9 =	vgt.f32 v13, v10  }
0x488: {  	v7 =	vsel vm14, v21, v7;
	vm15 =	vgt.f32 v28, v22;
	v12 =	vsel vm9, v10, v13  }
0x489: {  	v29 =	vmov v6;
	v6 =	vmov v20  }
0x48a: {  	s24 =	smov.u32 s23;
	v27 =	vmovc v13;
	v24 =	vmovc v15;
	v20 =	vmov v14;
	v23 =	vmov v17;
	v21 =	vmov v18  }
.LBB2_28:
0x48b: {  	v13 =	vsel @p0 vm13, v16, v19  }
0x48c: {  	v14 =	vsel @p0 vm14, v29, v26;
	v15 =	vsel @p0 vm15, v28, v22;
	s4 =	sadd.s32 s24, s21;
	v16 =	vsel vm9, v27, v10  }
0x48d: {  	vm0 =	vgt.f32 v12, v24;
	s5 =	simm.s32 $0x0;
	v10 =	vsel @p0 vm15, v14, v25;
	v14 =	vor.u32 s4, v0  }
0x48e: {  	v17 =	vsel vm0, v12, v24;
	v12 =	vsel vm0, v24, v12;
	s26 =	sand.u32 $0x1F0, s5;
	v11 =	vpsel p0, v13, v11  }
0x48f: {  	v15 =	vpsel p0, v15, v9;
	v18 =	vsel vm9, v20, v14;
	vm1 =	vgt.f32 v12, v23;
	v19 =	vld [tilespmem:s26+$0xF200]  }
0x490: {  	v20 =	vsel vm9, v14, v20;
	v13 =	vsel vm0, v11, v18;
	v14 =	vsel vm1, v23, v12  }
0x491: {  	v22 =	vsel vm1, v12, v23;
	vm2 =	vgt.f32 v14, v7;
	v12 =	vsel vm1, v21, v13  }
0x492: {  	s21 =	simm.s32 $0x10;
	v23 =	vsel vm1, v13, v21;
	v13 =	vsel vm2, v7, v14;
	v9 =	vsel vm2, v12, v6  }
0x493: {  	s28 =	sand.u32 $0x1F0, s21;
	v63 =	vsel vm2, v14, v7;
	v7 =	vpsel p0, v10, v8;
	v10 =	vsel vm0, v18, v11  }
0x494: {  	v6 =	vsel vm2, v6, v12;
	v14 =	vld [tilespmem:s28+$0xF200];
	vm1 =	vgt.f32 v13, v15;
	vm0 =	vgt.f32 v19, v16  }
0x495: {  	s29 =	sadd.s32 $0x0, s14;
	v13 =	vsel vm1, v13, v15;
	v11 =	vsel vm1, v6, v7;
	v8 =	vsel vm0, v16, v19  }
0x496: {  	v6 =	vor.u32 s29, v0;
	v16 =	vsel vm0, v19, v16;
	vm9 =	vgt.f32 v8, v17  }
0x497: {  	v18 =	vsel vm0, v20, v6;
	v15 =	vsel vm9, v8, v17;
	v7 =	vsel vm9, v17, v8  }
0x498: {  	v8 =	vsel vm0, v6, v20;
	v6 =	vsel vm9, v10, v18;
	vm0 =	vgt.f32 v7, v22  }
0x499: {  	vm13 =	vgt.f32 v14, v16;
	v12 =	vsel vm0, v7, v22;
	v17 =	vsel vm0, v22, v7  }
0x49a: {  	v7 =	vsel vm0, v6, v23;
	v20 =	vsel vm0, v23, v6;
	vm0 =	vgt.f32 v17, v63  }
0x49b: {  	v19 =	vsel vm13, v16, v14;
	v21 =	vsel vm0, v63, v17  }
0x49c: {  	s22 =	simm.s32 $0x20;
	v6 =	vsel vm0, v20, v9;
	v17 =	vsel vm0, v17, v63;
	vm1 =	vgt.f32 v21, v13  }
.LBB2_29:
0x49d: {  	s4 =	sand.u32 $0x1F0, s22  }
0x49e: {  	p0 =	sne.s32 s22, $0x1F0;
	v10 =	vsel vm9, v18, v10;
	v18 =	vsel vm0, v9, v20;
	v13 =	vsel vm1, v21, v13;
	v9 =	vmovc v6;
	s5 =	smov.u32 s22;
	s22 =	sadd.s32 $0x10, s22  }
0x49f: {  	s23 =	sadd.s32 s21, s14;
	v16 =	vsel vm13, v14, v16;
	vm9 =	vgt.f32 v19, v15;
	v14 =	vld [tilespmem:s4+$0xF200];
	v11 =	vsel vm1, v18, v11;
	s21 =	smov.u32 s5  }
0x4a0: {  	v20 =	vor.u32 s23, v0;
	v21 =	vsel vm9, v15, v19;
	v15 =	vsel vm9, v19, v15  }
.Ltmp15:
0x4a1: {  	v18 =	vsel vm13, v8, v20;
	v8 =	vsel vm13, v20, v8;
	vm0 =	vgt.f32 v21, v12;
	(pc) =	sbr.rel @p0 .LBB2_29-.Ltmp15, $4  }
0x4a2: {  	v19 =	vsel vm9, v10, v18;
	v22 =	vsel vm0, v12, v21;
	v12 =	vsel vm0, v21, v12  }
0x4a3: {  	v20 =	vsel vm0, v7, v19;
	v7 =	vsel vm0, v19, v7;
	vm0 =	vgt.f32 v22, v17  }
0x4a4: {  	v6 =	vsel vm0, v20, v6;
	v21 =	vsel vm0, v17, v22;
	vm13 =	vgt.f32 v14, v16  }
0x4a5: {  	v17 =	vsel vm0, v22, v17;
	vm1 =	vgt.f32 v21, v13;
	v19 =	vsel vm13, v16, v14  }
0x4a6: {  	v10 =	vsel vm9, v18, v10;
	vm9 =	vgt.f32 v19, v15;
	v9 =	vsel vm0, v9, v20  }
0x4a7: {  	v22 =	vld [tilespmem:$0xF400];
	v13 =	vsel vm1, v21, v13;
	s4 =	sadd.s32 s21, s14;
	v14 =	vsel vm13, v14, v16;
	v58 =	vimm.s32 $0x0  }
0x4a8: {  	v48 =	vsel vm9, v15, v19;
	v9 =	vsel vm1, v9, v11;
	v49 =	vor.u32 s4, v0  }
0x4a9: {  	v50 =	vsel vm9, v19, v15;
	vm4 =	vgt.f32 v48, v12;
	v54 =	vsel vm13, v8, v49  }
0x4aa: {  	v53 =	vld [tilespmem:$0xF410];
	v52 =	vsel vm13, v49, v8;
	v51 =	vsel vm4, v12, v48;
	v60 =	vsel vm9, v10, v54  }
0x4ab: {  	v57 =	vsel vm4, v48, v12;
	vm10 =	vgt.f32 v51, v17;
	v27 =	vsel vm4, v60, v7  }
0x4ac: {  	v7 =	vsel vm4, v7, v60;
	vm14 =	vgt.f32 v22, v14;
	v55 =	vsel vm10, v17, v51  }
0x4ad: {  	v16 =	vsel vm10, v51, v17;
	v56 =	vsel vm14, v14, v22;
	vm5 =	vgt.f32 v55, v13  }
0x4ae: {  	v14 =	vsel vm14, v22, v14;
	v18 =	vsel vm5, $0xFFFFFFFF, v58;
	vm8 =	vgt.f32 v56, v50  }
0x4af: {  	v11 =	vsel vm5, v55, v13;
	vm2 =	vgt.f32 v53, v14;
	v59 =	vsel vm8, v50, v56  }
0x4b0: {  	v15 =	vsel vm8, v56, v50;
	v62 =	vsel vm2, v14, v53;
	vm11 =	vgt.f32 v59, v57  }
0x4b1: {  	v14 =	vsel vm2, v53, v14;
	vm13 =	vgt.f32 v62, v15;
	v61 =	vsel vm11, v57, v59  }
0x4b2: {  	v12 =	vsel vm11, v59, v57;
	v24 =	vsel vm13, v62, v15;
	v13 =	vsel vm13, v15, v62  }
0x4b3: {  	vm15 =	vgt.f32 v61, v16;
	vm7 =	vgt.f32 v13, v12;
	vm5 =	vgt.f32 v24, v14  }
0x4b4: {  	v63 =	vsel vm15, v61, v16;
	v16 =	vsel vm15, v16, v61;
	v15 =	vsel vm7, v13, v12  }
0x4b5: {  	v12 =	vsel vm7, v12, v13;
	v25 =	vsel vm5, v24, v14;
	vm12 =	vgt.f32 v16, v11  }
0x4b6: {  	vm1 =	vgt.f32 v12, v63;
	vm6 =	vgt.f32 v15, v25;
	v11 =	vsel vm12, v16, v11  }
0x4b7: {  	v26 =	vsel vm1, v12, v63;
	v12 =	vsel vm1, v63, v12;
	v13 =	vsel vm6, v15, v25  }
0x4b8: {  	v30 =	vsel vm10, v6, v7;
	[tilespmem:$0x1FF90] =	vst v18;
	vm0 =	vgt.f32 v12, v11;
	vm3 =	vgt.f32 v26, v13  }
0x4b9: {  	v6 =	vsel vm10, v7, v6;
	v7 =	vld [tilespmem:$0x1FF90];
	v12 =	vsel vm0, v12, v11;
	v28 =	vsel vm3, v26, v13  }
0x4ba: {  	v29 =	vor.u32 $0x18680, v0;
	vm4 =	vgt.f32 v12, v28  }
0x4bb: {  	v8 =	vsel vm9, v54, v10;
	v31 =	vsel vm14, v52, v29;
	v32 =	vsel vm4, v12, v28  }
0x4bc: {  	v38 =	vor.u32 $0x18690, v0;
	v10 =	vsel vm14, v29, v52;
	v33 =	vsel vm8, v8, v31;
	(xrf0) =	vmax.scan.msk.f32 $0xffff, v32  }
0x4bd: {  	v34 =	vsel vm8, v31, v8;
	v40 =	vsel vm2, v10, v38;
	v35 =	vsel vm11, v27, v33  }
0x4be: {  	v36 =	vsel vm11, v33, v27;
	v41 =	vsel vm13, v40, v34;
	vm9 =	vnez.u8 v7  }
0x4bf: {  	v42 =	vsel vm13, v34, v40;
	v37 =	vsel vm15, v6, v35;
	v7 =	vsel vm9, v30, v9  }
0x4c0: {  	v6 =	vsel vm15, v35, v6;
	v39 =	vsel vm12, v37, v7;
	v7 =	vsel vm2, v38, v10  }
0x4c1: {  	v9 =	vsel vm7, v42, v36;
	v11 =	vsel vm7, v36, v42;
	v43 =	vsel vm5, v41, v7  }
0x4c2: {  	v10 =	vsel vm1, v11, v6;
	v6 =	vsel vm1, v6, v11;
	v13 =	vsel vm6, v9, v43;
	v44, _, _ =	vpop (xrf0)  }
0x4c3: {  	v11 =	vsel vm0, v6, v39;
	v13 =	vsel vm3, v10, v13;
	v6 =	vbroadcast v44, $0xF  }
0x4c4: {  	v13 =	vsel vm4, v11, v13  }
0x4c5: {  	v13 =	vxor.u32 $0x80000000, v13;
	vm6 =	veq.f32 v32, v6  }
0x4c6: {  	v13 =	vnsel vm6, $0xFFFFFFFF, v13  }
0x4c7: {  	(xrf0) =	vmin.scan.msk.u32 $0xffff, v13;
	_ =	sdelay $0x5  }
0x4c8: {  	v13, _, _ =	vpop (xrf0)  }
0x4c9: {  	(v2sf) =	vpush v13, $0xF;
	_ =	sdelay $0xe  }
0x4ca: {  	s14 =	spop (v2sf)  }
0x4cb: {  	s21 =	sxor.u32 $0x80000000, s14  }
0x4cc: {  	vm7 =	veq.s32 v7, s21;
	vm8 =	veq.s32 v41, s21  }
0x4cd: {  	v45 =	vsel vm7, $0xFF800000, v14;
	v46 =	vsel vm8, $0xFF800000, v24  }
0x4ce: {  	vm9 =	veq.s32 v9, s21;
	vm1 =	vgt.f32 v46, v45  }
0x4cf: {  	v15 =	vsel vm9, $0xFF800000, v15;
	v47 =	vsel vm1, v46, v45  }
0x4d0: {  	vm10 =	veq.s32 v10, s21;
	vm11 =	vgt.f32 v15, v47  }
0x4d1: {  	v16 =	vsel vm10, $0xFF800000, v26;
	v17 =	vsel vm11, v15, v47  }
0x4d2: {  	vm12 =	veq.s32 v11, s21;
	vm13 =	vgt.f32 v16, v17  }
0x4d3: {  	v12 =	vsel vm12, $0xFF800000, v12;
	v17 =	vsel vm13, v16, v17  }
0x4d4: {  	vm0 =	vgt.f32 v12, v17  }
0x4d5: {  	v17 =	vsel vm0, v12, v17  }
0x4d6: {  	(xrf0) =	vmax.scan.msk.f32 $0xffff, v17;
	_ =	sdelay $0x4  }
0x4d7: {  	v48 =	vsel vm1, v41, v7  }
0x4d8: {  	v18 =	vsel vm11, v9, v48;
	v49, _, _ =	vpop (xrf0)  }
0x4d9: {  	v18 =	vsel vm13, v10, v18;
	v19 =	vbroadcast v49, $0xF  }
0x4da: {  	v18 =	vsel vm0, v11, v18  }
0x4db: {  	v50 =	vxor.u32 $0x80000000, v18;
	vm14 =	veq.f32 v17, v19  }
0x4dc: {  	v17 =	vnsel vm14, $0xFFFFFFFF, v50  }
0x4dd: {  	(xrf0) =	vmin.scan.msk.u32 $0xffff, v17;
	_ =	sdelay $0x5  }
0x4de: {  	v17, _, _ =	vpop (xrf0)  }
0x4df: {  	(v2sf) =	vpush v17, $0xF;
	_ =	sdelay $0xe  }
0x4e0: {  	s22 =	spop (v2sf)  }
0x4e1: {  	s23 =	sxor.u32 $0x80000000, s22  }
0x4e2: {  	vm15 =	veq.s32 v7, s23;
	vm4 =	veq.s32 v41, s23  }
0x4e3: {  	v13 =	vsel vm15, $0xFF800000, v45;
	v14 =	vsel vm4, $0xFF800000, v46  }
0x4e4: {  	vm5 =	veq.s32 v9, s23;
	vm1 =	vgt.f32 v14, v13  }
0x4e5: {  	v15 =	vsel vm5, $0xFF800000, v15;
	v51 =	vsel vm1, v14, v13  }
0x4e6: {  	vm6 =	veq.s32 v10, s23;
	vm7 =	vgt.f32 v15, v51  }
0x4e7: {  	v16 =	vsel vm6, $0xFF800000, v16;
	v17 =	vsel vm7, v15, v51  }
0x4e8: {  	vm8 =	veq.s32 v11, s23;
	vm9 =	vgt.f32 v16, v17  }
0x4e9: {  	v12 =	vsel vm8, $0xFF800000, v12;
	v17 =	vsel vm9, v16, v17  }
0x4ea: {  	vm0 =	vgt.f32 v12, v17  }
0x4eb: {  	v17 =	vsel vm0, v12, v17  }
0x4ec: {  	(xrf0) =	vmax.scan.msk.f32 $0xffff, v17;
	_ =	sdelay $0x4  }
0x4ed: {  	v52 =	vsel vm1, v41, v7  }
0x4ee: {  	v18 =	vsel vm7, v9, v52;
	v53, _, _ =	vpop (xrf0)  }
0x4ef: {  	v18 =	vsel vm9, v10, v18;
	v20 =	vbroadcast v53, $0xF  }
0x4f0: {  	v18 =	vsel vm0, v11, v18  }
0x4f1: {  	v54 =	vxor.u32 $0x80000000, v18;
	vm10 =	veq.f32 v17, v20  }
0x4f2: {  	v17 =	vnsel vm10, $0xFFFFFFFF, v54  }
0x4f3: {  	(xrf0) =	vmin.scan.msk.u32 $0xffff, v17;
	_ =	sdelay $0x5  }
0x4f4: {  	v17, _, _ =	vpop (xrf0)  }
0x4f5: {  	(v2sf) =	vpush v17, $0xF;
	_ =	sdelay $0xe  }
0x4f6: {  	s24 =	spop (v2sf)  }
0x4f7: {  	s22 =	sxor.u32 $0x80000000, s24  }
0x4f8: {  	vm11 =	veq.s32 v7, s22;
	vm12 =	veq.s32 v41, s22  }
0x4f9: {  	v13 =	vsel vm11, $0xFF800000, v13;
	v14 =	vsel vm12, $0xFF800000, v14  }
0x4fa: {  	vm13 =	veq.s32 v9, s22;
	vm1 =	vgt.f32 v14, v13  }
0x4fb: {  	v15 =	vsel vm13, $0xFF800000, v15;
	v55 =	vsel vm1, v14, v13  }
0x4fc: {  	vm14 =	veq.s32 v10, s22;
	vm15 =	vgt.f32 v15, v55  }
0x4fd: {  	v16 =	vsel vm14, $0xFF800000, v16;
	v17 =	vsel vm15, v15, v55  }
0x4fe: {  	vm6 =	veq.s32 v11, s22;
	vm7 =	vgt.f32 v16, v17  }
0x4ff: {  	v12 =	vsel vm6, $0xFF800000, v12;
	v17 =	vsel vm7, v16, v17  }
0x500: {  	vm0 =	vgt.f32 v12, v17  }
0x501: {  	v17 =	vsel vm0, v12, v17  }
0x502: {  	(xrf0) =	vmax.scan.msk.f32 $0xffff, v17;
	_ =	sdelay $0x4  }
0x503: {  	v56 =	vsel vm1, v41, v7  }
0x504: {  	v18 =	vsel vm15, v9, v56;
	v57, _, _ =	vpop (xrf0)  }
0x505: {  	v18 =	vsel vm7, v10, v18;
	v21 =	vbroadcast v57, $0xF  }
0x506: {  	v18 =	vsel vm0, v11, v18  }
0x507: {  	v58 =	vxor.u32 $0x80000000, v18;
	vm8 =	veq.f32 v17, v21  }
0x508: {  	v17 =	vnsel vm8, $0xFFFFFFFF, v58  }
0x509: {  	(xrf0) =	vmin.scan.msk.u32 $0xffff, v17;
	_ =	sdelay $0x5  }
0x50a: {  	v17, _, _ =	vpop (xrf0)  }
0x50b: {  	(v2sf) =	vpush v17, $0xF;
	_ =	sdelay $0xe  }
0x50c: {  	s25 =	spop (v2sf)  }
0x50d: {  	s4 =	sxor.u32 $0x80000000, s25  }
0x50e: {  	vm9 =	veq.s32 v7, s4;
	vm10 =	veq.s32 v41, s4  }
0x50f: {  	v13 =	vsel vm9, $0xFF800000, v13;
	v14 =	vsel vm10, $0xFF800000, v14  }
0x510: {  	vm11 =	veq.s32 v9, s4;
	vm1 =	vgt.f32 v14, v13  }
0x511: {  	v15 =	vsel vm11, $0xFF800000, v15;
	v13 =	vsel vm1, v14, v13  }
0x512: {  	vm12 =	veq.s32 v10, s4;
	vm13 =	vgt.f32 v15, v13  }
0x513: {  	v59 =	vsel vm12, $0xFF800000, v16;
	v13 =	vsel vm13, v15, v13  }
0x514: {  	vm14 =	veq.s32 v11, s4;
	vm15 =	vgt.f32 v59, v13  }
0x515: {  	v12 =	vsel vm14, $0xFF800000, v12;
	v13 =	vsel vm15, v59, v13  }
0x516: {  	vm0 =	vgt.f32 v12, v13  }
0x517: {  	v12 =	vsel vm0, v12, v13  }
0x518: {  	(xrf0) =	vmax.scan.msk.f32 $0xffff, v12;
	_ =	sdelay $0x4  }
0x519: {  	v7 =	vsel vm1, v41, v7  }
0x51a: {  	v7 =	vsel vm13, v9, v7;
	v60, _, _ =	vpop (xrf0)  }
0x51b: {  	v7 =	vsel vm15, v10, v7;
	v8 =	vbroadcast v60, $0xF  }
0x51c: {  	v7 =	vsel vm0, v11, v7  }
0x51d: {  	v7 =	vxor.u32 $0x80000000, v7;
	vm6 =	veq.f32 v12, v8  }
0x51e: {  	v7 =	vnsel vm6, $0xFFFFFFFF, v7  }
0x51f: {  	(xrf0) =	vmin.scan.msk.u32 $0xffff, v7;
	v7 =	vld [tilespmem:$0x1FFD0]  }
0x520: {  	v61 =	vld [tilespmem:$0xF420];
	_ =	sdelay $0x3  }
0x521: {  	vm7 =	vnez.u8 v7  }
0x522: {  	vm8 =	vcmask $0x308;
	v7 =	vnsel vm7, $0xFF800000, v61  }
0x523: {  	(xrf0) =	vmax.scan.msk.f32 $0xffff, v7;
	v7 =	vsel vm8, $0xFF800000, v61  }
0x524: {  	(xrf0) =	vmax.scan.msk.f32 $0xffff, v7;
	_ =	sdelay $0x3  }
0x525: {  	v7, _, _ =	vpop (xrf0)  }
0x526: {  	v62, _, _ =	vpop (xrf0)  }
0x527: {  	(v2sf) =	vpush v7, $0xF;
	v7, _, _ =	vpop (xrf0)  }
0x528: {  	(v2sf) =	vpush v7, $0xF;
	_ =	sdelay $0xa  }
0x529: {  	vm9 =	vcmask $0x314  }
0x52a: {  	vm10 =	vcmask $0x714;
	vm11 =	vcmask $0x300;
	v7 =	vmov s21  }
0x52b: {  	vm13 =	vcmask $0x704;
	v6 =	vnsel vm7, $0xFF800000, v6;
	v7 =	vnsel vm11, $0x0, v7  }
0x52c: {  	vm12 =	vcmask $0xB14;
	v6 =	vsel vm9, v6, v19;
	v7 =	vsel vm13, s23, v7;
	s5 =	spop (v2sf)  }
0x52d: {  	vm14 =	vcmask $0xF14;
	v6 =	vsel vm10, v6, v20;
	v7 =	vnsel vm10, s22, v7;
	s26 =	spop (v2sf)  }
0x52e: {  	vm15 =	veq.s32 v0, $0x4;
	v6 =	vsel vm12, v6, v21;
	v7 =	vnsel vm12, s4, v7;
	s28 =	sxor.u32 $0x80000000, s5;
	p0 =	seq.f32 s26, $2.000000000e+00  }
0x52f: {  	s29 =	sshll.u32 s13, $0x4;
	s13 =	sadd.s32 $0x1, s13;
	v6 =	vsel vm14, v6, v8;
	v7 =	vsel vm15, s28, v7  }
0x530: {  	v6 =	vpsel p0, v4, v6;
	v7 =	vpsel p0, v5, v7;
	p0 =	sne.s32 s13, $0x5  }
.Ltmp16:
0x531: {  	v63 =	vbroadcast v62, $0xF;
	(pc) =	sbr.rel @p0 .LBB2_2-.Ltmp16, $4  }
.Ltmp17:
0x532: {  	_ = 	snop;
	(pc) =	sbr.rel @!p0 .LBB2_31-.Ltmp17, $4  }
0x533: {  	v6 =	vadd.f32 v6, v63  }
0x534: {  	[tilespmem:s29+$0xF580] =	vst v7  }
0x535: {  	[tilespmem:s29+$0xF500] =	vst v6  }
0x536: {  	_ = 	snop  }
.LBB2_17:
.Ltmp18:
0x537: {  	(pc) =	sbr.rel .LBB2_22-.Ltmp18, $2  }
0x538: {  	_ =	sdelay $0x2  }
0x539: {  	v17 =	vmov v9;
	v20 =	vmov v12;
	s26 =	simm.s32 $0x0;
	v23 =	vmov v11;
	p2 =	por $0x0, $0x0  }
.LBB2_23:
.Ltmp19:
0x53a: {  	(pc) =	sbr.rel .LBB2_28-.Ltmp19, $2  }
0x53b: {  	_ =	sdelay $0x2  }
0x53c: {  	v19 =	vmov v11;
	v22 =	vmov v9;
	v25 =	vmov v8  }
.LBB2_19:
.Ltmp20:
0x53d: {  	(pc) =	sbr.rel .LBB2_22-.Ltmp20, $3  }
0x53e: {  	_ =	sdelay $0x1  }
0x53f: {  	v29 =	vmovc v8;
	v17 =	vmovc v9;
	v20 =	vmov v12;
	v8 =	vmov v21;
	v27 =	vmov v10  }
0x540: {  	s26 =	simm.s32 $0x10;
	v21 =	vmovc v16;
	v23 =	vmovc v11;
	v25 =	vmov v15;
	v26 =	vmov v18;
	v22 =	vmov v19  }
.LBB2_25:
.Ltmp21:
0x541: {  	(pc) =	sbr.rel .LBB2_28-.Ltmp21, $3  }
0x542: {  	_ =	sdelay $0x1  }
0x543: {  	v29 =	vmovc v6;
	v19 =	vmovc v11;
	v22 =	vmov v9;
	v6 =	vmov v20;
	v27 =	vmov v13  }
0x544: {  	s24 =	simm.s32 $0x10;
	v24 =	vmovc v15;
	v25 =	vmovc v8;
	v20 =	vmov v14;
	v23 =	vmov v17;
	v21 =	vmov v18  }
.LBB2_32:
0x545: {  	_ =	sfence.sel $0x180000  }
0x546: {  	[bflag:$0x0] =	sbarrier.arrive $0xFFFF  }
0x547: {  	_ =	strace $0x90000047  }
0x548: {  	s0 =	stileid.u32;
	[bflag:$0x2] =	sbarrier.arrive $0xFFFF  }
0x549: {  	p0 =	sne.s32 s0, $0x0;
	s0 =	rddreg [dreg:$0x2]  }
0x54a: {  	s0 =	sadd.s32 @!p0 $0x100000, s0  }
0x54b: {  	[sflag:s0] =	ssyncadd.tile.s32 @!p0 $0x1;
	_ =	shalt  }
.Lfunc_end2:
_tile_overlayer_lowered:
.L_overlay_start_2:
0x54c: {  	(tag) =	ssettag $0x2  }
0x54d: {  	s0 =	rddreg [dreg:$0x0];
	s2 =	stileid.u32  }
0x54e: {  	s1 =	rddreg [dreg:$0x1];
	p0 =	sne.s32 s2, $0x0  }
0x54f: {  	s3 =	rddreg [dreg:$0x2];
	[bflag:$0x3] =	sbarrier.arrive $0xFFFF;
	s2 =	simm.s32 @!p0 $0x1C06  }
0x550: {  	[timem:s3], [sflag:s2] =	dma.local @!p0 [hbm:s0], s1  }
0x551: {  	s0 =	simm.s32 @!p0 $0x6  }
0x552: {  	_ =	swait.ge @!p0 [sflag:s0], s1  }
0x553: {  	s1 =	ssub.s32 @!p0 $0x0, s1;
	[sflag:s0] =	ssyncset.done @!p0 $0x0  }
0x554: {  	[sflag:s0] =	ssyncadd.s32 @!p0 s1  }
0x555: {  	[bflag:$0x3] =	sbarrier.arrive $0xFFFF  }
0x556: {  	_ =	shalt  }

</sc_bundles>
